<compile_context>
chip_gen: v7x
topology: tpu7x:2x2x1
jax: 0.10.2.dev20260603
libtpu: 0.0.44.dev20260713+nightly
codegen_flags: <defaults>
</compile_context>

<pallas_src>
import functools

import jax
import jax.numpy as jnp
from jax import lax
from jax.experimental import pallas as pl
from jax.experimental.pallas import tpu as pltpu
from jax.experimental.pallas import tpu_sc as plsc

_N = 10000
_D = 128
_H = 64
_E = 320000
_N_PAD = 10240
_ROWS_PER_TILE = _N_PAD // 16
_C = 128
_R = 160
_E_PAD = 16 * _R * _C
_NBUF = 5
_F32 = jnp.float32

_mesh = plsc.VectorSubcoreMesh(core_axis_name="c", subcore_axis_name="s")


@functools.partial(
    pl.kernel,
    out_type=jax.ShapeDtypeStruct((2, _N_PAD), _F32),
    mesh=_mesh,
    scratch_types=[
        pltpu.VMEM((_R, _C), jnp.int32),
        pltpu.VMEM((_C,), _F32),
        pltpu.VMEM_SHARED((_N_PAD,), _F32),
        tuple(pltpu.SemaphoreType.DMA for _ in range(4)),
    ],
)
def _sc_degree(dst_hbm, deg_hbm, idx_v, ones_v, deg_sh, sems):
    c = lax.axis_index("c")
    s = lax.axis_index("s")
    for k in range(_C // 16):
        ones_v[pl.ds(k * 16, 16)] = jnp.full((16,), 1.0, _F32)
    pltpu.sync_copy(dst_hbm.at[c, s], idx_v)
    for k in range(_ROWS_PER_TILE // _C):
        pltpu.sync_copy(ones_v, deg_sh.at[pl.ds(s * _ROWS_PER_TILE + k * _C, _C)])
    plsc.subcore_barrier()

    def start(j, b):
        pltpu.async_copy(ones_v, deg_sh.at[idx_v.at[j]], sems[b], add=True)

    def wait(b):
        pltpu.make_async_copy(ones_v, deg_sh.at[idx_v.at[0]], sems[b]).wait()

    for b in range(4):
        start(b, b)

    def group(g, carry):
        for i in range(4):
            wait(i)
            start(g * 4 + i, i)
        return carry

    lax.fori_loop(1, _R // 4, group, 0)
    for b in range(4):
        wait(b)
    plsc.subcore_barrier()
    pltpu.sync_copy(deg_sh.at[pl.ds(s * _ROWS_PER_TILE, _ROWS_PER_TILE)],
                    deg_hbm.at[c, pl.ds(s * _ROWS_PER_TILE, _ROWS_PER_TILE)])


@functools.partial(
    pl.kernel,
    out_type=tuple(jax.ShapeDtypeStruct((_N_PAD, _H), _F32) for _ in range(4)),
    mesh=_mesh,
    scratch_types=[
        pltpu.VMEM((_R, _C), jnp.int32),
        pltpu.VMEM((_R, _C), jnp.int32),
        tuple(pltpu.VMEM((_C, _H), _F32) for _ in range(_NBUF)),
        pltpu.VMEM_SHARED((_N_PAD, _H), _F32),
        tuple(pltpu.SemaphoreType.DMA for _ in range(_NBUF)),
        tuple(pltpu.SemaphoreType.DMA for _ in range(_NBUF)),
    ],
    compiler_params=pltpu.CompilerParams(use_tc_tiling_on_sc=False),
)
def _sc_aggregate(xs0l_hbm, xs0h_hbm, xs1l_hbm, xs1h_hbm, src_hbm, dst_hbm,
                  agg0l_hbm, agg0h_hbm, agg1l_hbm, agg1h_hbm,
                  src_v, dst_v, bufs, acc_sh, gsems, ssems):
    c = lax.axis_index("c")
    s = lax.axis_index("s")
    pltpu.sync_copy(src_hbm.at[c, s], src_v)
    pltpu.sync_copy(dst_hbm.at[c, s], dst_v)

    def gather_start(j, b):
        return pltpu.async_copy(xs_hbm.at[src_v.at[j]], bufs[b], gsems[b])

    def gather_wait(b):
        pltpu.make_async_copy(xs_hbm.at[src_v.at[0]], bufs[b], gsems[b]).wait()

    def scatter_start(j, b):
        return pltpu.async_copy(bufs[b], acc_sh.at[dst_v.at[j]], ssems[b],
                                add=True)

    def scatter_wait(b):
        pltpu.make_async_copy(bufs[b], acc_sh.at[dst_v.at[0]], ssems[b]).wait()

    def one_pass(agg_hbm):
        row0 = s * _ROWS_PER_TILE
        pltpu.sync_copy(xs_hbm.at[pl.ds(row0, _ROWS_PER_TILE)],
                        acc_sh.at[pl.ds(row0, _ROWS_PER_TILE)])
        plsc.subcore_barrier()

        gather_start(0, 0)
        gather_start(1, 1)
        gather_start(2, 2)
        gather_start(3, 3)
        for j in range(_NBUF):
            gather_wait(j)
            scatter_start(j, j)
            if j >= 1:
                scatter_wait(j - 1)
            gather_start(j + 4, (j + 4) % _NBUF)

        def body(g, carry):
            for i in range(_NBUF):
                j = g * _NBUF + i
                gather_wait(i)
                scatter_start(j, i)
                scatter_wait((i - 1) % _NBUF)
                gather_start(lax.rem(j + 4, _R), (i + 4) % _NBUF)
            return carry

        lax.fori_loop(1, _R // _NBUF, body, 0)
        scatter_wait((_R - 1) % _NBUF)
        gather_wait(_R % _NBUF)
        gather_wait((_R + 1) % _NBUF)
        gather_wait((_R + 2) % _NBUF)
        gather_wait((_R + 3) % _NBUF)
        plsc.subcore_barrier()
        pltpu.sync_copy(acc_sh.at[pl.ds(row0, _ROWS_PER_TILE)],
                        agg_hbm.at[pl.ds(row0, _ROWS_PER_TILE)])

    def run(halves):
        nonlocal xs_hbm
        for xs, agg in halves:
            xs_hbm = xs
            one_pass(agg)

    xs_hbm = xs0l_hbm

    @pl.when(c == 0)
    def _():
        run(((xs0l_hbm, agg0l_hbm), (xs0h_hbm, agg0h_hbm)))

    @pl.when(c == 1)
    def _():
        run(((xs1l_hbm, agg1l_hbm), (xs1h_hbm, agg1h_hbm)))


_BLK = 1280
_GRID = _N_PAD // _BLK


def _tc_prep(x_pad, deg0, deg1):
    def body(x_ref, d0_ref, d1_ref, xs0l_ref, xs0h_ref, xs1l_ref, xs1h_ref):
        xv = x_ref[...]
        xs0 = xv * lax.rsqrt(d0_ref[...])
        xs1 = xv * lax.rsqrt(d1_ref[...])
        xs0l_ref[...] = xs0[:, :_H]
        xs0h_ref[...] = xs0[:, _H:]
        xs1l_ref[...] = xs1[:, :_H]
        xs1h_ref[...] = xs1[:, _H:]

    full = lambda i: (i, 0)
    return pl.pallas_call(
        body,
        grid=(_GRID,),
        in_specs=[pl.BlockSpec((_BLK, _D), full),
                  pl.BlockSpec((_BLK, 1), full),
                  pl.BlockSpec((_BLK, 1), full)],
        out_specs=tuple(pl.BlockSpec((_BLK, _H), full) for _ in range(4)),
        out_shape=tuple(jax.ShapeDtypeStruct((_N_PAD, _H), _F32)
                        for _ in range(4)),
    )(x_pad, deg0, deg1)


def _tc_finish(aggs, deg0, deg1, W0, b0, W1, b1):
    def body(a0l_ref, a0h_ref, a1l_ref, a1h_ref, d0_ref, d1_ref,
             w0_ref, b0_ref, w1_ref, b1_ref, out_ref):
        a0 = jnp.concatenate([a0l_ref[...], a0h_ref[...]], axis=1)
        a1 = jnp.concatenate([a1l_ref[...], a1h_ref[...]], axis=1)
        h0 = jnp.dot(lax.rsqrt(d0_ref[...]) * a0, w0_ref[...],
                     preferred_element_type=_F32) + b0_ref[...]
        h1 = jnp.dot(lax.rsqrt(d1_ref[...]) * a1, w1_ref[...],
                     preferred_element_type=_F32) + b1_ref[...]
        out = jnp.maximum(h0, 0.0) + jnp.maximum(h1, 0.0)
        nrm = jnp.sqrt(jnp.sum(out * out, axis=1, keepdims=True))
        out_ref[...] = out / jnp.maximum(nrm, 1e-12)

    full = lambda i: (i, 0)
    whole = lambda i: (0, 0)
    return pl.pallas_call(
        body,
        grid=(_GRID,),
        in_specs=[pl.BlockSpec((_BLK, _H), full)] * 4
        + [pl.BlockSpec((_BLK, 1), full)] * 2
        + [pl.BlockSpec((_D, _D), whole), pl.BlockSpec((_D,), lambda i: (0,)),
           pl.BlockSpec((_D, _D), whole), pl.BlockSpec((_D,), lambda i: (0,))],
        out_specs=pl.BlockSpec((_BLK, _D), full),
        out_shape=jax.ShapeDtypeStruct((_N_PAD, _D), _F32),
    )(*aggs, deg0, deg1, W0, b0, W1, b1)


def kernel(x, edge_index_0, edge_index_1, W0, b0, W1, b1):
    pad = _N + (jnp.arange(_E_PAD - _E, dtype=jnp.int32) % (_N_PAD - _N))

    def prep(ei):
        src = jnp.concatenate([ei[0], pad]).reshape(16, _R, _C)
        dst = jnp.concatenate([ei[1], pad]).reshape(16, _R, _C)
        return src, dst

    s0, d0 = prep(edge_index_0)
    s1, d1 = prep(edge_index_1)
    src = jnp.stack([s0, s1])
    dst = jnp.stack([d0, d1])

    deg = _sc_degree(dst)
    deg0 = deg[0].reshape(_N_PAD, 1)
    deg1 = deg[1].reshape(_N_PAD, 1)

    x_pad = jnp.pad(x, ((0, _N_PAD - _N), (0, 0)))
    xs = _tc_prep(x_pad, deg0, deg1)
    aggs = _sc_aggregate(*xs, src, dst)
    out = _tc_finish(aggs, deg0, deg1, W0, b0, W1, b1)
    return out[:_N]

# --- scband reference (transcript-rebuilt; emitter-appended) ---
"""Pipeline reference for scband-edge-type-spec-gcnlayer-local-86801289052298 (READ-ONLY COPY).

The authoritative reference and input builder live on the scoring server;
editing this copy changes nothing except your own understanding.
"""

import jax, jax.numpy as jnp
import numpy as np

N = 10000      # n_genes (source == target node set for gene_gene)
D_IN = 128
D_OUT = 128
E = 320000     # edges per subtype
N_SUBTYPE = 2


def _gcn_conv(x, edge_index, W, b):
    # PyG GCNConv with add_self_loops=True, symmetric normalization, edge_weight=1
    loop = jnp.arange(N, dtype=edge_index.dtype)
    src = jnp.concatenate([edge_index[0], loop])
    dst = jnp.concatenate([edge_index[1], loop])
    deg = jnp.zeros((N,), dtype=x.dtype).at[dst].add(1.0)
    deg_inv_sqrt = jnp.where(deg > 0, jax.lax.rsqrt(jnp.maximum(deg, 1e-12)), 0.0)
    norm = deg_inv_sqrt[src] * deg_inv_sqrt[dst]
    h = x @ W
    msgs = h[src] * norm[:, None]
    out = jnp.zeros((N, W.shape[1]), dtype=x.dtype).at[dst].add(msgs)
    return out + b


def setup_inputs(seed: int = 0) -> dict:
    key = jax.random.key(seed)
    k1, k2, k3, k4, k5 = jax.random.split(key, 5)
    x = jax.random.normal(k1, (N, D_IN), dtype=jnp.float32)
    edge_index_0 = jax.random.randint(k2, (2, E), 0, N, dtype=jnp.int32)
    edge_index_1 = jax.random.randint(k3, (2, E), 0, N, dtype=jnp.int32)
    s = 1.0 / np.sqrt(D_IN)
    W0 = jax.random.normal(k4, (D_IN, D_OUT), dtype=jnp.float32) * s
    W1 = jax.random.normal(k5, (D_IN, D_OUT), dtype=jnp.float32) * s
    b0 = jnp.zeros((D_OUT,), dtype=jnp.float32)
    b1 = jnp.zeros((D_OUT,), dtype=jnp.float32)
    return {"x": x, "edge_index_0": edge_index_0, "edge_index_1": edge_index_1,
            "W0": W0, "b0": b0, "W1": W1, "b1": b1}


def reference(x, edge_index_0, edge_index_1, W0, b0, W1, b1):
    # dr = 0.0 -> dropout is identity, omitted for determinism
    out = jnp.zeros((N, D_OUT), dtype=x.dtype)
    out = out + jax.nn.relu(_gcn_conv(x, edge_index_0, W0, b0))
    out = out + jax.nn.relu(_gcn_conv(x, edge_index_1, W1, b1))
    # F.normalize(out, dim=1, p=2)
    nrm = jnp.linalg.norm(out, ord=2, axis=1, keepdims=True)
    out = out / jnp.maximum(nrm, 1e-12)
    return out

if __name__ == "__main__":
    import jax
    _d = setup_inputs()
    print(jax.jit(kernel)(*tuple(_d.values())))

</pallas_src>

<mosaic_0001>
#map = affine_map<(d0, d1) -> (0, 0)>
#map1 = affine_map<(d0, d1) -> (0, 0, 0, 0)>
module attributes {stable_mosaic.version = 14 : i64} {
  func.func @_sc_aggregate(%arg0: i32, %arg1: i32, %arg2: memref<10240x64xf32, #tpu.memory_space<hbm>>, %arg3: memref<10240x64xf32, #tpu.memory_space<hbm>>, %arg4: memref<10240x64xf32, #tpu.memory_space<hbm>>, %arg5: memref<10240x64xf32, #tpu.memory_space<hbm>>, %arg6: memref<2x16x160x128xi32, #tpu.memory_space<hbm>>, %arg7: memref<2x16x160x128xi32, #tpu.memory_space<hbm>>, %arg8: memref<10240x64xf32, #tpu.memory_space<hbm>>, %arg9: memref<10240x64xf32, #tpu.memory_space<hbm>>, %arg10: memref<10240x64xf32, #tpu.memory_space<hbm>>, %arg11: memref<10240x64xf32, #tpu.memory_space<hbm>>, %arg12: memref<160x128xi32, #tpu.memory_space<vmem>>, %arg13: memref<160x128xi32, #tpu.memory_space<vmem>>, %arg14: memref<128x64xf32, #tpu.memory_space<vmem>>, %arg15: memref<128x64xf32, #tpu.memory_space<vmem>>, %arg16: memref<128x64xf32, #tpu.memory_space<vmem>>, %arg17: memref<128x64xf32, #tpu.memory_space<vmem>>, %arg18: memref<128x64xf32, #tpu.memory_space<vmem>>, %arg19: memref<10240x64xf32, #tpu.memory_space<vmem_shared>>, %arg20: memref<!tpu.dma_semaphore, #tpu.memory_space<semaphore_mem>>, %arg21: memref<!tpu.dma_semaphore, #tpu.memory_space<semaphore_mem>>, %arg22: memref<!tpu.dma_semaphore, #tpu.memory_space<semaphore_mem>>, %arg23: memref<!tpu.dma_semaphore, #tpu.memory_space<semaphore_mem>>, %arg24: memref<!tpu.dma_semaphore, #tpu.memory_space<semaphore_mem>>, %arg25: memref<!tpu.dma_semaphore, #tpu.memory_space<semaphore_mem>>, %arg26: memref<!tpu.dma_semaphore, #tpu.memory_space<semaphore_mem>>, %arg27: memref<!tpu.dma_semaphore, #tpu.memory_space<semaphore_mem>>, %arg28: memref<!tpu.dma_semaphore, #tpu.memory_space<semaphore_mem>>, %arg29: memref<!tpu.dma_semaphore, #tpu.memory_space<semaphore_mem>>) attributes {dimension_semantics = [#tpu.dimension_semantics<core_parallel>, #tpu.dimension_semantics<subcore_parallel>], iteration_bounds = array<i64: 2, 16>, scalar_prefetch = 0 : i64, scratch_operands = 18 : i64, tpu.core_type = #tpu.core_type<sc_vector_subcore>, window_params = [{transform_indices = #map}, {transform_indices = #map}, {transform_indices = #map}, {transform_indices = #map}, {transform_indices = #map1}, {transform_indices = #map1}, {transform_indices = #map}, {transform_indices = #map}, {transform_indices = #map}, {transform_indices = #map}]} {
    "tpu.region"() ({
      %run_scoped3A = tpu.sem_alloc : memref<!tpu.dma_semaphore, #tpu.memory_space<semaphore_mem>>
      %dma_start3A = arith.constant 0 : i32
      %dma_start3A_7 = arith.constant 0 : i32
      %dma_start3A_8 = tpu.memref_slice %arg6[%arg0, %arg1, %dma_start3A, %dma_start3A_7] : memref<2x16x160x128xi32, #tpu.memory_space<hbm>> -> memref<1x1x160x128xi32, #tpu.memory_space<hbm>>
      %dma_start3A_9 = tpu.memref_squeeze %dma_start3A_8 : memref<1x1x160x128xi32, #tpu.memory_space<hbm>> -> memref<160x128xi32, #tpu.memory_space<hbm>>
      %dma_start3A_10 = arith.constant 0 : i32
      %dma_start3A_11 = arith.constant 0 : i32
      %dma_start3A_12 = tpu.memref_slice %arg6[%arg0, %arg1, %dma_start3A_10, %dma_start3A_11] : memref<2x16x160x128xi32, #tpu.memory_space<hbm>> -> memref<1x1x160x128xi32, #tpu.memory_space<hbm>>
      %dma_start3A_13 = tpu.memref_squeeze %dma_start3A_12 : memref<1x1x160x128xi32, #tpu.memory_space<hbm>> -> memref<160x128xi32, #tpu.memory_space<hbm>>
      tpu.enqueue_dma source(%dma_start3A_13 : memref<160x128xi32, #tpu.memory_space<hbm>>) target(%arg12 : memref<160x128xi32, #tpu.memory_space<vmem>>) target_semaphore(%run_scoped3A : memref<!tpu.dma_semaphore, #tpu.memory_space<semaphore_mem>>)
      %dma_wait3A = arith.constant 0 : i32
      %dma_wait3A_14 = arith.constant 0 : i32
      %dma_wait3A_15 = tpu.memref_slice %arg6[%arg0, %arg1, %dma_wait3A, %dma_wait3A_14] : memref<2x16x160x128xi32, #tpu.memory_space<hbm>> -> memref<1x1x160x128xi32, #tpu.memory_space<hbm>>
      %dma_wait3A_16 = tpu.memref_squeeze %dma_wait3A_15 : memref<1x1x160x128xi32, #tpu.memory_space<hbm>> -> memref<160x128xi32, #tpu.memory_space<hbm>>
      %dma_wait3A_17 = arith.constant 0 : i32
      %dma_wait3A_18 = arith.constant 0 : i32
      %dma_wait3A_19 = tpu.memref_slice %arg6[%arg0, %arg1, %dma_wait3A_17, %dma_wait3A_18] : memref<2x16x160x128xi32, #tpu.memory_space<hbm>> -> memref<1x1x160x128xi32, #tpu.memory_space<hbm>>
      %dma_wait3A_20 = tpu.memref_squeeze %dma_wait3A_19 : memref<1x1x160x128xi32, #tpu.memory_space<hbm>> -> memref<160x128xi32, #tpu.memory_space<hbm>>
      tpu.wait_dma2 semaphore(%run_scoped3A : memref<!tpu.dma_semaphore, #tpu.memory_space<semaphore_mem>>) src(%dma_wait3A_20 : memref<160x128xi32, #tpu.memory_space<hbm>>) dst(%arg12 : memref<160x128xi32, #tpu.memory_space<vmem>>)
      tpu.yield
    }) : () -> ()
    "tpu.region"() ({
      %run_scoped3A = tpu.sem_alloc : memref<!tpu.dma_semaphore, #tpu.memory_space<semaphore_mem>>
      %dma_start3A = arith.constant 0 : i32
      %dma_start3A_7 = arith.constant 0 : i32
      %dma_start3A_8 = tpu.memref_slice %arg7[%arg0, %arg1, %dma_start3A, %dma_start3A_7] : memref<2x16x160x128xi32, #tpu.memory_space<hbm>> -> memref<1x1x160x128xi32, #tpu.memory_space<hbm>>
      %dma_start3A_9 = tpu.memref_squeeze %dma_start3A_8 : memref<1x1x160x128xi32, #tpu.memory_space<hbm>> -> memref<160x128xi32, #tpu.memory_space<hbm>>
      %dma_start3A_10 = arith.constant 0 : i32
      %dma_start3A_11 = arith.constant 0 : i32
      %dma_start3A_12 = tpu.memref_slice %arg7[%arg0, %arg1, %dma_start3A_10, %dma_start3A_11] : memref<2x16x160x128xi32, #tpu.memory_space<hbm>> -> memref<1x1x160x128xi32, #tpu.memory_space<hbm>>
      %dma_start3A_13 = tpu.memref_squeeze %dma_start3A_12 : memref<1x1x160x128xi32, #tpu.memory_space<hbm>> -> memref<160x128xi32, #tpu.memory_space<hbm>>
      tpu.enqueue_dma source(%dma_start3A_13 : memref<160x128xi32, #tpu.memory_space<hbm>>) target(%arg13 : memref<160x128xi32, #tpu.memory_space<vmem>>) target_semaphore(%run_scoped3A : memref<!tpu.dma_semaphore, #tpu.memory_space<semaphore_mem>>)
      %dma_wait3A = arith.constant 0 : i32
      %dma_wait3A_14 = arith.constant 0 : i32
      %dma_wait3A_15 = tpu.memref_slice %arg7[%arg0, %arg1, %dma_wait3A, %dma_wait3A_14] : memref<2x16x160x128xi32, #tpu.memory_space<hbm>> -> memref<1x1x160x128xi32, #tpu.memory_space<hbm>>
      %dma_wait3A_16 = tpu.memref_squeeze %dma_wait3A_15 : memref<1x1x160x128xi32, #tpu.memory_space<hbm>> -> memref<160x128xi32, #tpu.memory_space<hbm>>
      %dma_wait3A_17 = arith.constant 0 : i32
      %dma_wait3A_18 = arith.constant 0 : i32
      %dma_wait3A_19 = tpu.memref_slice %arg7[%arg0, %arg1, %dma_wait3A_17, %dma_wait3A_18] : memref<2x16x160x128xi32, #tpu.memory_space<hbm>> -> memref<1x1x160x128xi32, #tpu.memory_space<hbm>>
      %dma_wait3A_20 = tpu.memref_squeeze %dma_wait3A_19 : memref<1x1x160x128xi32, #tpu.memory_space<hbm>> -> memref<160x128xi32, #tpu.memory_space<hbm>>
      tpu.wait_dma2 semaphore(%run_scoped3A : memref<!tpu.dma_semaphore, #tpu.memory_space<semaphore_mem>>) src(%dma_wait3A_20 : memref<160x128xi32, #tpu.memory_space<hbm>>) dst(%arg13 : memref<160x128xi32, #tpu.memory_space<vmem>>)
      tpu.yield
    }) : () -> ()
    %eq3A = arith.constant 0 : i32
    %eq3A_0 = arith.cmpi eq, %arg0, %eq3A : i32
    %convert_element_type3A = arith.extui %eq3A_0 : i1 to i32
    %cond3A = arith.constant 0 : i32
    %cond3A_1 = arith.cmpi ne, %convert_element_type3A, %cond3A : i32
    scf.if %cond3A_1 {
      %mul3A = arith.constant 640 : i32
      %mul3A_7 = arith.muli %arg1, %mul3A : i32
      "tpu.region"() ({
        %run_scoped3A = tpu.sem_alloc : memref<!tpu.dma_semaphore, #tpu.memory_space<semaphore_mem>>
        %dma_start3A_414 = arith.constant 0 : i32
        %dma_start3A_415 = tpu.memref_slice %arg19[%mul3A_7, %dma_start3A_414] : memref<10240x64xf32, #tpu.memory_space<vmem_shared>> -> memref<640x64xf32, #tpu.memory_space<vmem_shared>>
        %dma_start3A_416 = arith.constant 0 : i32
        %dma_start3A_417 = tpu.memref_slice %arg2[%mul3A_7, %dma_start3A_416] : memref<10240x64xf32, #tpu.memory_space<hbm>> -> memref<640x64xf32, #tpu.memory_space<hbm>>
        tpu.enqueue_dma source(%dma_start3A_417 : memref<640x64xf32, #tpu.memory_space<hbm>>) target(%dma_start3A_415 : memref<640x64xf32, #tpu.memory_space<vmem_shared>>) target_semaphore(%run_scoped3A : memref<!tpu.dma_semaphore, #tpu.memory_space<semaphore_mem>>)
        %dma_wait3A_418 = arith.constant 0 : i32
        %dma_wait3A_419 = tpu.memref_slice %arg19[%mul3A_7, %dma_wait3A_418] : memref<10240x64xf32, #tpu.memory_space<vmem_shared>> -> memref<640x64xf32, #tpu.memory_space<vmem_shared>>
        %dma_wait3A_420 = arith.constant 0 : i32
        %dma_wait3A_421 = tpu.memref_slice %arg2[%mul3A_7, %dma_wait3A_420] : memref<10240x64xf32, #tpu.memory_space<hbm>> -> memref<640x64xf32, #tpu.memory_space<hbm>>
        tpu.wait_dma2 semaphore(%run_scoped3A : memref<!tpu.dma_semaphore, #tpu.memory_space<semaphore_mem>>) src(%dma_wait3A_421 : memref<640x64xf32, #tpu.memory_space<hbm>>) dst(%dma_wait3A_419 : memref<640x64xf32, #tpu.memory_space<vmem_shared>>)
        tpu.yield
      }) : () -> ()
      %barrier3A = arith.constant 0 : index
      tpu.barrier barrier_id(%barrier3A)
      %dma_start3A = arith.constant 0 : i32
      %dma_start3A_8 = arith.constant 0 : i32
      %dma_start3A_9 = tpu.memref_slice %arg12[%dma_start3A, %dma_start3A_8] : memref<160x128xi32, #tpu.memory_space<vmem>> -> memref<1x128xi32, #tpu.memory_space<vmem>>
      %dma_start3A_10 = tpu.memref_squeeze %dma_start3A_9 : memref<1x128xi32, #tpu.memory_space<vmem>> -> memref<128xi32, #tpu.memory_space<vmem>>
      %dma_start3A_11 = arith.constant 0 : i32
      %dma_start3A_12 = arith.constant 0 : i32
      %dma_start3A_13 = tpu.memref_slice %arg2[%dma_start3A_11, %dma_start3A_12] : memref<10240x64xf32, #tpu.memory_space<hbm>> -> memref<10240x64xf32, #tpu.memory_space<hbm>>
      tpu.enqueue_indirect_dma source(%dma_start3A_13 : memref<10240x64xf32, #tpu.memory_space<hbm>>) target(%arg14 : memref<128x64xf32, #tpu.memory_space<vmem>>) offsets(%dma_start3A_10 : memref<128xi32, #tpu.memory_space<vmem>>) semaphore(%arg20 : memref<!tpu.dma_semaphore, #tpu.memory_space<semaphore_mem>>)
      %dma_start3A_14 = arith.constant 1 : i32
      %dma_start3A_15 = arith.constant 0 : i32
      %dma_start3A_16 = tpu.memref_slice %arg12[%dma_start3A_14, %dma_start3A_15] : memref<160x128xi32, #tpu.memory_space<vmem>> -> memref<1x128xi32, #tpu.memory_space<vmem>>
      %dma_start3A_17 = tpu.memref_squeeze %dma_start3A_16 : memref<1x128xi32, #tpu.memory_space<vmem>> -> memref<128xi32, #tpu.memory_space<vmem>>
      %dma_start3A_18 = arith.constant 0 : i32
      %dma_start3A_19 = arith.constant 0 : i32
      %dma_start3A_20 = tpu.memref_slice %arg2[%dma_start3A_18, %dma_start3A_19] : memref<10240x64xf32, #tpu.memory_space<hbm>> -> memref<10240x64xf32, #tpu.memory_space<hbm>>
      tpu.enqueue_indirect_dma source(%dma_start3A_20 : memref<10240x64xf32, #tpu.memory_space<hbm>>) target(%arg15 : memref<128x64xf32, #tpu.memory_space<vmem>>) offsets(%dma_start3A_17 : memref<128xi32, #tpu.memory_space<vmem>>) semaphore(%arg21 : memref<!tpu.dma_semaphore, #tpu.memory_space<semaphore_mem>>)
      %dma_start3A_21 = arith.constant 2 : i32
      %dma_start3A_22 = arith.constant 0 : i32
      %dma_start3A_23 = tpu.memref_slice %arg12[%dma_start3A_21, %dma_start3A_22] : memref<160x128xi32, #tpu.memory_space<vmem>> -> memref<1x128xi32, #tpu.memory_space<vmem>>
      %dma_start3A_24 = tpu.memref_squeeze %dma_start3A_23 : memref<1x128xi32, #tpu.memory_space<vmem>> -> memref<128xi32, #tpu.memory_space<vmem>>
      %dma_start3A_25 = arith.constant 0 : i32
      %dma_start3A_26 = arith.constant 0 : i32
      %dma_start3A_27 = tpu.memref_slice %arg2[%dma_start3A_25, %dma_start3A_26] : memref<10240x64xf32, #tpu.memory_space<hbm>> -> memref<10240x64xf32, #tpu.memory_space<hbm>>
      tpu.enqueue_indirect_dma source(%dma_start3A_27 : memref<10240x64xf32, #tpu.memory_space<hbm>>) target(%arg16 : memref<128x64xf32, #tpu.memory_space<vmem>>) offsets(%dma_start3A_24 : memref<128xi32, #tpu.memory_space<vmem>>) semaphore(%arg22 : memref<!tpu.dma_semaphore, #tpu.memory_space<semaphore_mem>>)
      %dma_start3A_28 = arith.constant 3 : i32
      %dma_start3A_29 = arith.constant 0 : i32
      %dma_start3A_30 = tpu.memref_slice %arg12[%dma_start3A_28, %dma_start3A_29] : memref<160x128xi32, #tpu.memory_space<vmem>> -> memref<1x128xi32, #tpu.memory_space<vmem>>
      %dma_start3A_31 = tpu.memref_squeeze %dma_start3A_30 : memref<1x128xi32, #tpu.memory_space<vmem>> -> memref<128xi32, #tpu.memory_space<vmem>>
      %dma_start3A_32 = arith.constant 0 : i32
      %dma_start3A_33 = arith.constant 0 : i32
      %dma_start3A_34 = tpu.memref_slice %arg2[%dma_start3A_32, %dma_start3A_33] : memref<10240x64xf32, #tpu.memory_space<hbm>> -> memref<10240x64xf32, #tpu.memory_space<hbm>>
      tpu.enqueue_indirect_dma source(%dma_start3A_34 : memref<10240x64xf32, #tpu.memory_space<hbm>>) target(%arg17 : memref<128x64xf32, #tpu.memory_space<vmem>>) offsets(%dma_start3A_31 : memref<128xi32, #tpu.memory_space<vmem>>) semaphore(%arg23 : memref<!tpu.dma_semaphore, #tpu.memory_space<semaphore_mem>>)
      %dma_wait3A = arith.constant 0 : i32
      %dma_wait3A_35 = arith.constant 0 : i32
      %dma_wait3A_36 = tpu.memref_slice %arg12[%dma_wait3A, %dma_wait3A_35] : memref<160x128xi32, #tpu.memory_space<vmem>> -> memref<1x128xi32, #tpu.memory_space<vmem>>
      %dma_wait3A_37 = tpu.memref_squeeze %dma_wait3A_36 : memref<1x128xi32, #tpu.memory_space<vmem>> -> memref<128xi32, #tpu.memory_space<vmem>>
      %dma_wait3A_38 = arith.constant 0 : i32
      %dma_wait3A_39 = arith.constant 0 : i32
      %dma_wait3A_40 = tpu.memref_slice %arg2[%dma_wait3A_38, %dma_wait3A_39] : memref<10240x64xf32, #tpu.memory_space<hbm>> -> memref<10240x64xf32, #tpu.memory_space<hbm>>
      tpu.wait_indirect_dma semaphore(%arg20 : memref<!tpu.dma_semaphore, #tpu.memory_space<semaphore_mem>>) src(%dma_wait3A_40 : memref<10240x64xf32, #tpu.memory_space<hbm>>) dst(%arg14 : memref<128x64xf32, #tpu.memory_space<vmem>>)
      %dma_start3A_41 = arith.constant 0 : i32
      %dma_start3A_42 = arith.constant 0 : i32
      %dma_start3A_43 = tpu.memref_slice %arg13[%dma_start3A_41, %dma_start3A_42] : memref<160x128xi32, #tpu.memory_space<vmem>> -> memref<1x128xi32, #tpu.memory_space<vmem>>
      %dma_start3A_44 = tpu.memref_squeeze %dma_start3A_43 : memref<1x128xi32, #tpu.memory_space<vmem>> -> memref<128xi32, #tpu.memory_space<vmem>>
      %dma_start3A_45 = arith.constant 0 : i32
      %dma_start3A_46 = arith.constant 0 : i32
      %dma_start3A_47 = tpu.memref_slice %arg19[%dma_start3A_45, %dma_start3A_46] : memref<10240x64xf32, #tpu.memory_space<vmem_shared>> -> memref<10240x64xf32, #tpu.memory_space<vmem_shared>>
      tpu.enqueue_indirect_dma source(%arg14 : memref<128x64xf32, #tpu.memory_space<vmem>>) target(%dma_start3A_47 : memref<10240x64xf32, #tpu.memory_space<vmem_shared>>) offsets(%dma_start3A_44 : memref<128xi32, #tpu.memory_space<vmem>>) semaphore(%arg25 : memref<!tpu.dma_semaphore, #tpu.memory_space<semaphore_mem>>) {add = true}
      %dma_start3A_48 = arith.constant 4 : i32
      %dma_start3A_49 = arith.constant 0 : i32
      %dma_start3A_50 = tpu.memref_slice %arg12[%dma_start3A_48, %dma_start3A_49] : memref<160x128xi32, #tpu.memory_space<vmem>> -> memref<1x128xi32, #tpu.memory_space<vmem>>
      %dma_start3A_51 = tpu.memref_squeeze %dma_start3A_50 : memref<1x128xi32, #tpu.memory_space<vmem>> -> memref<128xi32, #tpu.memory_space<vmem>>
      %dma_start3A_52 = arith.constant 0 : i32
      %dma_start3A_53 = arith.constant 0 : i32
      %dma_start3A_54 = tpu.memref_slice %arg2[%dma_start3A_52, %dma_start3A_53] : memref<10240x64xf32, #tpu.memory_space<hbm>> -> memref<10240x64xf32, #tpu.memory_space<hbm>>
      tpu.enqueue_indirect_dma source(%dma_start3A_54 : memref<10240x64xf32, #tpu.memory_space<hbm>>) target(%arg18 : memref<128x64xf32, #tpu.memory_space<vmem>>) offsets(%dma_start3A_51 : memref<128xi32, #tpu.memory_space<vmem>>) semaphore(%arg24 : memref<!tpu.dma_semaphore, #tpu.memory_space<semaphore_mem>>)
      %dma_wait3A_55 = arith.constant 0 : i32
      %dma_wait3A_56 = arith.constant 0 : i32
      %dma_wait3A_57 = tpu.memref_slice %arg12[%dma_wait3A_55, %dma_wait3A_56] : memref<160x128xi32, #tpu.memory_space<vmem>> -> memref<1x128xi32, #tpu.memory_space<vmem>>
      %dma_wait3A_58 = tpu.memref_squeeze %dma_wait3A_57 : memref<1x128xi32, #tpu.memory_space<vmem>> -> memref<128xi32, #tpu.memory_space<vmem>>
      %dma_wait3A_59 = arith.constant 0 : i32
      %dma_wait3A_60 = arith.constant 0 : i32
      %dma_wait3A_61 = tpu.memref_slice %arg2[%dma_wait3A_59, %dma_wait3A_60] : memref<10240x64xf32, #tpu.memory_space<hbm>> -> memref<10240x64xf32, #tpu.memory_space<hbm>>
      tpu.wait_indirect_dma semaphore(%arg21 : memref<!tpu.dma_semaphore, #tpu.memory_space<semaphore_mem>>) src(%dma_wait3A_61 : memref<10240x64xf32, #tpu.memory_space<hbm>>) dst(%arg15 : memref<128x64xf32, #tpu.memory_space<vmem>>)
      %dma_start3A_62 = arith.constant 1 : i32
      %dma_start3A_63 = arith.constant 0 : i32
      %dma_start3A_64 = tpu.memref_slice %arg13[%dma_start3A_62, %dma_start3A_63] : memref<160x128xi32, #tpu.memory_space<vmem>> -> memref<1x128xi32, #tpu.memory_space<vmem>>
      %dma_start3A_65 = tpu.memref_squeeze %dma_start3A_64 : memref<1x128xi32, #tpu.memory_space<vmem>> -> memref<128xi32, #tpu.memory_space<vmem>>
      %dma_start3A_66 = arith.constant 0 : i32
      %dma_start3A_67 = arith.constant 0 : i32
      %dma_start3A_68 = tpu.memref_slice %arg19[%dma_start3A_66, %dma_start3A_67] : memref<10240x64xf32, #tpu.memory_space<vmem_shared>> -> memref<10240x64xf32, #tpu.memory_space<vmem_shared>>
      tpu.enqueue_indirect_dma source(%arg15 : memref<128x64xf32, #tpu.memory_space<vmem>>) target(%dma_start3A_68 : memref<10240x64xf32, #tpu.memory_space<vmem_shared>>) offsets(%dma_start3A_65 : memref<128xi32, #tpu.memory_space<vmem>>) semaphore(%arg26 : memref<!tpu.dma_semaphore, #tpu.memory_space<semaphore_mem>>) {add = true}
      %dma_wait3A_69 = arith.constant 0 : i32
      %dma_wait3A_70 = arith.constant 0 : i32
      %dma_wait3A_71 = tpu.memref_slice %arg13[%dma_wait3A_69, %dma_wait3A_70] : memref<160x128xi32, #tpu.memory_space<vmem>> -> memref<1x128xi32, #tpu.memory_space<vmem>>
      %dma_wait3A_72 = tpu.memref_squeeze %dma_wait3A_71 : memref<1x128xi32, #tpu.memory_space<vmem>> -> memref<128xi32, #tpu.memory_space<vmem>>
      %dma_wait3A_73 = arith.constant 0 : i32
      %dma_wait3A_74 = arith.constant 0 : i32
      %dma_wait3A_75 = tpu.memref_slice %arg19[%dma_wait3A_73, %dma_wait3A_74] : memref<10240x64xf32, #tpu.memory_space<vmem_shared>> -> memref<10240x64xf32, #tpu.memory_space<vmem_shared>>
      tpu.wait_indirect_dma semaphore(%arg25 : memref<!tpu.dma_semaphore, #tpu.memory_space<semaphore_mem>>) src(%arg14 : memref<128x64xf32, #tpu.memory_space<vmem>>) dst(%dma_wait3A_75 : memref<10240x64xf32, #tpu.memory_space<vmem_shared>>)
      %dma_start3A_76 = arith.constant 5 : i32
      %dma_start3A_77 = arith.constant 0 : i32
      %dma_start3A_78 = tpu.memref_slice %arg12[%dma_start3A_76, %dma_start3A_77] : memref<160x128xi32, #tpu.memory_space<vmem>> -> memref<1x128xi32, #tpu.memory_space<vmem>>
      %dma_start3A_79 = tpu.memref_squeeze %dma_start3A_78 : memref<1x128xi32, #tpu.memory_space<vmem>> -> memref<128xi32, #tpu.memory_space<vmem>>
      %dma_start3A_80 = arith.constant 0 : i32
      %dma_start3A_81 = arith.constant 0 : i32
      %dma_start3A_82 = tpu.memref_slice %arg2[%dma_start3A_80, %dma_start3A_81] : memref<10240x64xf32, #tpu.memory_space<hbm>> -> memref<10240x64xf32, #tpu.memory_space<hbm>>
      tpu.enqueue_indirect_dma source(%dma_start3A_82 : memref<10240x64xf32, #tpu.memory_space<hbm>>) target(%arg14 : memref<128x64xf32, #tpu.memory_space<vmem>>) offsets(%dma_start3A_79 : memref<128xi32, #tpu.memory_space<vmem>>) semaphore(%arg20 : memref<!tpu.dma_semaphore, #tpu.memory_space<semaphore_mem>>)
      %dma_wait3A_83 = arith.constant 0 : i32
      %dma_wait3A_84 = arith.constant 0 : i32
      %dma_wait3A_85 = tpu.memref_slice %arg12[%dma_wait3A_83, %dma_wait3A_84] : memref<160x128xi32, #tpu.memory_space<vmem>> -> memref<1x128xi32, #tpu.memory_space<vmem>>
      %dma_wait3A_86 = tpu.memref_squeeze %dma_wait3A_85 : memref<1x128xi32, #tpu.memory_space<vmem>> -> memref<128xi32, #tpu.memory_space<vmem>>
      %dma_wait3A_87 = arith.constant 0 : i32
      %dma_wait3A_88 = arith.constant 0 : i32
      %dma_wait3A_89 = tpu.memref_slice %arg2[%dma_wait3A_87, %dma_wait3A_88] : memref<10240x64xf32, #tpu.memory_space<hbm>> -> memref<10240x64xf32, #tpu.memory_space<hbm>>
      tpu.wait_indirect_dma semaphore(%arg22 : memref<!tpu.dma_semaphore, #tpu.memory_space<semaphore_mem>>) src(%dma_wait3A_89 : memref<10240x64xf32, #tpu.memory_space<hbm>>) dst(%arg16 : memref<128x64xf32, #tpu.memory_space<vmem>>)
      %dma_start3A_90 = arith.constant 2 : i32
      %dma_start3A_91 = arith.constant 0 : i32
      %dma_start3A_92 = tpu.memref_slice %arg13[%dma_start3A_90, %dma_start3A_91] : memref<160x128xi32, #tpu.memory_space<vmem>> -> memref<1x128xi32, #tpu.memory_space<vmem>>
      %dma_start3A_93 = tpu.memref_squeeze %dma_start3A_92 : memref<1x128xi32, #tpu.memory_space<vmem>> -> memref<128xi32, #tpu.memory_space<vmem>>
      %dma_start3A_94 = arith.constant 0 : i32
      %dma_start3A_95 = arith.constant 0 : i32
      %dma_start3A_96 = tpu.memref_slice %arg19[%dma_start3A_94, %dma_start3A_95] : memref<10240x64xf32, #tpu.memory_space<vmem_shared>> -> memref<10240x64xf32, #tpu.memory_space<vmem_shared>>
      tpu.enqueue_indirect_dma source(%arg16 : memref<128x64xf32, #tpu.memory_space<vmem>>) target(%dma_start3A_96 : memref<10240x64xf32, #tpu.memory_space<vmem_shared>>) offsets(%dma_start3A_93 : memref<128xi32, #tpu.memory_space<vmem>>) semaphore(%arg27 : memref<!tpu.dma_semaphore, #tpu.memory_space<semaphore_mem>>) {add = true}
      %dma_wait3A_97 = arith.constant 0 : i32
      %dma_wait3A_98 = arith.constant 0 : i32
      %dma_wait3A_99 = tpu.memref_slice %arg13[%dma_wait3A_97, %dma_wait3A_98] : memref<160x128xi32, #tpu.memory_space<vmem>> -> memref<1x128xi32, #tpu.memory_space<vmem>>
      %dma_wait3A_100 = tpu.memref_squeeze %dma_wait3A_99 : memref<1x128xi32, #tpu.memory_space<vmem>> -> memref<128xi32, #tpu.memory_space<vmem>>
      %dma_wait3A_101 = arith.constant 0 : i32
      %dma_wait3A_102 = arith.constant 0 : i32
      %dma_wait3A_103 = tpu.memref_slice %arg19[%dma_wait3A_101, %dma_wait3A_102] : memref<10240x64xf32, #tpu.memory_space<vmem_shared>> -> memref<10240x64xf32, #tpu.memory_space<vmem_shared>>
      tpu.wait_indirect_dma semaphore(%arg26 : memref<!tpu.dma_semaphore, #tpu.memory_space<semaphore_mem>>) src(%arg15 : memref<128x64xf32, #tpu.memory_space<vmem>>) dst(%dma_wait3A_103 : memref<10240x64xf32, #tpu.memory_space<vmem_shared>>)
      %dma_start3A_104 = arith.constant 6 : i32
      %dma_start3A_105 = arith.constant 0 : i32
      %dma_start3A_106 = tpu.memref_slice %arg12[%dma_start3A_104, %dma_start3A_105] : memref<160x128xi32, #tpu.memory_space<vmem>> -> memref<1x128xi32, #tpu.memory_space<vmem>>
      %dma_start3A_107 = tpu.memref_squeeze %dma_start3A_106 : memref<1x128xi32, #tpu.memory_space<vmem>> -> memref<128xi32, #tpu.memory_space<vmem>>
      %dma_start3A_108 = arith.constant 0 : i32
      %dma_start3A_109 = arith.constant 0 : i32
      %dma_start3A_110 = tpu.memref_slice %arg2[%dma_start3A_108, %dma_start3A_109] : memref<10240x64xf32, #tpu.memory_space<hbm>> -> memref<10240x64xf32, #tpu.memory_space<hbm>>
      tpu.enqueue_indirect_dma source(%dma_start3A_110 : memref<10240x64xf32, #tpu.memory_space<hbm>>) target(%arg15 : memref<128x64xf32, #tpu.memory_space<vmem>>) offsets(%dma_start3A_107 : memref<128xi32, #tpu.memory_space<vmem>>) semaphore(%arg21 : memref<!tpu.dma_semaphore, #tpu.memory_space<semaphore_mem>>)
      %dma_wait3A_111 = arith.constant 0 : i32
      %dma_wait3A_112 = arith.constant 0 : i32
      %dma_wait3A_113 = tpu.memref_slice %arg12[%dma_wait3A_111, %dma_wait3A_112] : memref<160x128xi32, #tpu.memory_space<vmem>> -> memref<1x128xi32, #tpu.memory_space<vmem>>
      %dma_wait3A_114 = tpu.memref_squeeze %dma_wait3A_113 : memref<1x128xi32, #tpu.memory_space<vmem>> -> memref<128xi32, #tpu.memory_space<vmem>>
      %dma_wait3A_115 = arith.constant 0 : i32
      %dma_wait3A_116 = arith.constant 0 : i32
      %dma_wait3A_117 = tpu.memref_slice %arg2[%dma_wait3A_115, %dma_wait3A_116] : memref<10240x64xf32, #tpu.memory_space<hbm>> -> memref<10240x64xf32, #tpu.memory_space<hbm>>
      tpu.wait_indirect_dma semaphore(%arg23 : memref<!tpu.dma_semaphore, #tpu.memory_space<semaphore_mem>>) src(%dma_wait3A_117 : memref<10240x64xf32, #tpu.memory_space<hbm>>) dst(%arg17 : memref<128x64xf32, #tpu.memory_space<vmem>>)
      %dma_start3A_118 = arith.constant 3 : i32
      %dma_start3A_119 = arith.constant 0 : i32
      %dma_start3A_120 = tpu.memref_slice %arg13[%dma_start3A_118, %dma_start3A_119] : memref<160x128xi32, #tpu.memory_space<vmem>> -> memref<1x128xi32, #tpu.memory_space<vmem>>
      %dma_start3A_121 = tpu.memref_squeeze %dma_start3A_120 : memref<1x128xi32, #tpu.memory_space<vmem>> -> memref<128xi32, #tpu.memory_space<vmem>>
      %dma_start3A_122 = arith.constant 0 : i32
      %dma_start3A_123 = arith.constant 0 : i32
      %dma_start3A_124 = tpu.memref_slice %arg19[%dma_start3A_122, %dma_start3A_123] : memref<10240x64xf32, #tpu.memory_space<vmem_shared>> -> memref<10240x64xf32, #tpu.memory_space<vmem_shared>>
      tpu.enqueue_indirect_dma source(%arg17 : memref<128x64xf32, #tpu.memory_space<vmem>>) target(%dma_start3A_124 : memref<10240x64xf32, #tpu.memory_space<vmem_shared>>) offsets(%dma_start3A_121 : memref<128xi32, #tpu.memory_space<vmem>>) semaphore(%arg28 : memref<!tpu.dma_semaphore, #tpu.memory_space<semaphore_mem>>) {add = true}
      %dma_wait3A_125 = arith.constant 0 : i32
      %dma_wait3A_126 = arith.constant 0 : i32
      %dma_wait3A_127 = tpu.memref_slice %arg13[%dma_wait3A_125, %dma_wait3A_126] : memref<160x128xi32, #tpu.memory_space<vmem>> -> memref<1x128xi32, #tpu.memory_space<vmem>>
      %dma_wait3A_128 = tpu.memref_squeeze %dma_wait3A_127 : memref<1x128xi32, #tpu.memory_space<vmem>> -> memref<128xi32, #tpu.memory_space<vmem>>
      %dma_wait3A_129 = arith.constant 0 : i32
      %dma_wait3A_130 = arith.constant 0 : i32
      %dma_wait3A_131 = tpu.memref_slice %arg19[%dma_wait3A_129, %dma_wait3A_130] : memref<10240x64xf32, #tpu.memory_space<vmem_shared>> -> memref<10240x64xf32, #tpu.memory_space<vmem_shared>>
      tpu.wait_indirect_dma semaphore(%arg27 : memref<!tpu.dma_semaphore, #tpu.memory_space<semaphore_mem>>) src(%arg16 : memref<128x64xf32, #tpu.memory_space<vmem>>) dst(%dma_wait3A_131 : memref<10240x64xf32, #tpu.memory_space<vmem_shared>>)
      %dma_start3A_132 = arith.constant 7 : i32
      %dma_start3A_133 = arith.constant 0 : i32
      %dma_start3A_134 = tpu.memref_slice %arg12[%dma_start3A_132, %dma_start3A_133] : memref<160x128xi32, #tpu.memory_space<vmem>> -> memref<1x128xi32, #tpu.memory_space<vmem>>
      %dma_start3A_135 = tpu.memref_squeeze %dma_start3A_134 : memref<1x128xi32, #tpu.memory_space<vmem>> -> memref<128xi32, #tpu.memory_space<vmem>>
      %dma_start3A_136 = arith.constant 0 : i32
      %dma_start3A_137 = arith.constant 0 : i32
      %dma_start3A_138 = tpu.memref_slice %arg2[%dma_start3A_136, %dma_start3A_137] : memref<10240x64xf32, #tpu.memory_space<hbm>> -> memref<10240x64xf32, #tpu.memory_space<hbm>>
      tpu.enqueue_indirect_dma source(%dma_start3A_138 : memref<10240x64xf32, #tpu.memory_space<hbm>>) target(%arg16 : memref<128x64xf32, #tpu.memory_space<vmem>>) offsets(%dma_start3A_135 : memref<128xi32, #tpu.memory_space<vmem>>) semaphore(%arg22 : memref<!tpu.dma_semaphore, #tpu.memory_space<semaphore_mem>>)
      %dma_wait3A_139 = arith.constant 0 : i32
      %dma_wait3A_140 = arith.constant 0 : i32
      %dma_wait3A_141 = tpu.memref_slice %arg12[%dma_wait3A_139, %dma_wait3A_140] : memref<160x128xi32, #tpu.memory_space<vmem>> -> memref<1x128xi32, #tpu.memory_space<vmem>>
      %dma_wait3A_142 = tpu.memref_squeeze %dma_wait3A_141 : memref<1x128xi32, #tpu.memory_space<vmem>> -> memref<128xi32, #tpu.memory_space<vmem>>
      %dma_wait3A_143 = arith.constant 0 : i32
      %dma_wait3A_144 = arith.constant 0 : i32
      %dma_wait3A_145 = tpu.memref_slice %arg2[%dma_wait3A_143, %dma_wait3A_144] : memref<10240x64xf32, #tpu.memory_space<hbm>> -> memref<10240x64xf32, #tpu.memory_space<hbm>>
      tpu.wait_indirect_dma semaphore(%arg24 : memref<!tpu.dma_semaphore, #tpu.memory_space<semaphore_mem>>) src(%dma_wait3A_145 : memref<10240x64xf32, #tpu.memory_space<hbm>>) dst(%arg18 : memref<128x64xf32, #tpu.memory_space<vmem>>)
      %dma_start3A_146 = arith.constant 4 : i32
      %dma_start3A_147 = arith.constant 0 : i32
      %dma_start3A_148 = tpu.memref_slice %arg13[%dma_start3A_146, %dma_start3A_147] : memref<160x128xi32, #tpu.memory_space<vmem>> -> memref<1x128xi32, #tpu.memory_space<vmem>>
      %dma_start3A_149 = tpu.memref_squeeze %dma_start3A_148 : memref<1x128xi32, #tpu.memory_space<vmem>> -> memref<128xi32, #tpu.memory_space<vmem>>
      %dma_start3A_150 = arith.constant 0 : i32
      %dma_start3A_151 = arith.constant 0 : i32
      %dma_start3A_152 = tpu.memref_slice %arg19[%dma_start3A_150, %dma_start3A_151] : memref<10240x64xf32, #tpu.memory_space<vmem_shared>> -> memref<10240x64xf32, #tpu.memory_space<vmem_shared>>
      tpu.enqueue_indirect_dma source(%arg18 : memref<128x64xf32, #tpu.memory_space<vmem>>) target(%dma_start3A_152 : memref<10240x64xf32, #tpu.memory_space<vmem_shared>>) offsets(%dma_start3A_149 : memref<128xi32, #tpu.memory_space<vmem>>) semaphore(%arg29 : memref<!tpu.dma_semaphore, #tpu.memory_space<semaphore_mem>>) {add = true}
      %dma_wait3A_153 = arith.constant 0 : i32
      %dma_wait3A_154 = arith.constant 0 : i32
      %dma_wait3A_155 = tpu.memref_slice %arg13[%dma_wait3A_153, %dma_wait3A_154] : memref<160x128xi32, #tpu.memory_space<vmem>> -> memref<1x128xi32, #tpu.memory_space<vmem>>
      %dma_wait3A_156 = tpu.memref_squeeze %dma_wait3A_155 : memref<1x128xi32, #tpu.memory_space<vmem>> -> memref<128xi32, #tpu.memory_space<vmem>>
      %dma_wait3A_157 = arith.constant 0 : i32
      %dma_wait3A_158 = arith.constant 0 : i32
      %dma_wait3A_159 = tpu.memref_slice %arg19[%dma_wait3A_157, %dma_wait3A_158] : memref<10240x64xf32, #tpu.memory_space<vmem_shared>> -> memref<10240x64xf32, #tpu.memory_space<vmem_shared>>
      tpu.wait_indirect_dma semaphore(%arg28 : memref<!tpu.dma_semaphore, #tpu.memory_space<semaphore_mem>>) src(%arg17 : memref<128x64xf32, #tpu.memory_space<vmem>>) dst(%dma_wait3A_159 : memref<10240x64xf32, #tpu.memory_space<vmem_shared>>)
      %dma_start3A_160 = arith.constant 8 : i32
      %dma_start3A_161 = arith.constant 0 : i32
      %dma_start3A_162 = tpu.memref_slice %arg12[%dma_start3A_160, %dma_start3A_161] : memref<160x128xi32, #tpu.memory_space<vmem>> -> memref<1x128xi32, #tpu.memory_space<vmem>>
      %dma_start3A_163 = tpu.memref_squeeze %dma_start3A_162 : memref<1x128xi32, #tpu.memory_space<vmem>> -> memref<128xi32, #tpu.memory_space<vmem>>
      %dma_start3A_164 = arith.constant 0 : i32
      %dma_start3A_165 = arith.constant 0 : i32
      %dma_start3A_166 = tpu.memref_slice %arg2[%dma_start3A_164, %dma_start3A_165] : memref<10240x64xf32, #tpu.memory_space<hbm>> -> memref<10240x64xf32, #tpu.memory_space<hbm>>
      tpu.enqueue_indirect_dma source(%dma_start3A_166 : memref<10240x64xf32, #tpu.memory_space<hbm>>) target(%arg17 : memref<128x64xf32, #tpu.memory_space<vmem>>) offsets(%dma_start3A_163 : memref<128xi32, #tpu.memory_space<vmem>>) semaphore(%arg23 : memref<!tpu.dma_semaphore, #tpu.memory_space<semaphore_mem>>)
      %scan3A = arith.constant 0 : i32
      %scan3A_167 = arith.constant 1 : i32
      %scan3A_168 = arith.constant 31 : i32
      %scan3A_169 = arith.addi %scan3A_167, %scan3A_168 : i32
      %scan3A_170 = arith.constant 1 : i32
      scf.for %scan3A_414 = %scan3A_167 to %scan3A_169 step %scan3A_170  : i32 {
        %mul3A_415 = arith.constant 5 : i32
        %mul3A_416 = arith.muli %scan3A_414, %mul3A_415 : i32
        %add3A = arith.constant 0 : i32
        %add3A_417 = arith.addi %mul3A_416, %add3A : i32
        %dma_wait3A_418 = arith.constant 0 : i32
        %dma_wait3A_419 = arith.constant 0 : i32
        %dma_wait3A_420 = tpu.memref_slice %arg12[%dma_wait3A_418, %dma_wait3A_419] : memref<160x128xi32, #tpu.memory_space<vmem>> -> memref<1x128xi32, #tpu.memory_space<vmem>>
        %dma_wait3A_421 = tpu.memref_squeeze %dma_wait3A_420 : memref<1x128xi32, #tpu.memory_space<vmem>> -> memref<128xi32, #tpu.memory_space<vmem>>
        %dma_wait3A_422 = arith.constant 0 : i32
        %dma_wait3A_423 = arith.constant 0 : i32
        %dma_wait3A_424 = tpu.memref_slice %arg2[%dma_wait3A_422, %dma_wait3A_423] : memref<10240x64xf32, #tpu.memory_space<hbm>> -> memref<10240x64xf32, #tpu.memory_space<hbm>>
        tpu.wait_indirect_dma semaphore(%arg20 : memref<!tpu.dma_semaphore, #tpu.memory_space<semaphore_mem>>) src(%dma_wait3A_424 : memref<10240x64xf32, #tpu.memory_space<hbm>>) dst(%arg14 : memref<128x64xf32, #tpu.memory_space<vmem>>)
        %dma_start3A_425 = arith.constant 0 : i32
        %dma_start3A_426 = tpu.memref_slice %arg13[%add3A_417, %dma_start3A_425] : memref<160x128xi32, #tpu.memory_space<vmem>> -> memref<1x128xi32, #tpu.memory_space<vmem>>
        %dma_start3A_427 = tpu.memref_squeeze %dma_start3A_426 : memref<1x128xi32, #tpu.memory_space<vmem>> -> memref<128xi32, #tpu.memory_space<vmem>>
        %dma_start3A_428 = arith.constant 0 : i32
        %dma_start3A_429 = arith.constant 0 : i32
        %dma_start3A_430 = tpu.memref_slice %arg19[%dma_start3A_428, %dma_start3A_429] : memref<10240x64xf32, #tpu.memory_space<vmem_shared>> -> memref<10240x64xf32, #tpu.memory_space<vmem_shared>>
        tpu.enqueue_indirect_dma source(%arg14 : memref<128x64xf32, #tpu.memory_space<vmem>>) target(%dma_start3A_430 : memref<10240x64xf32, #tpu.memory_space<vmem_shared>>) offsets(%dma_start3A_427 : memref<128xi32, #tpu.memory_space<vmem>>) semaphore(%arg25 : memref<!tpu.dma_semaphore, #tpu.memory_space<semaphore_mem>>) {add = true}
        %dma_wait3A_431 = arith.constant 0 : i32
        %dma_wait3A_432 = arith.constant 0 : i32
        %dma_wait3A_433 = tpu.memref_slice %arg13[%dma_wait3A_431, %dma_wait3A_432] : memref<160x128xi32, #tpu.memory_space<vmem>> -> memref<1x128xi32, #tpu.memory_space<vmem>>
        %dma_wait3A_434 = tpu.memref_squeeze %dma_wait3A_433 : memref<1x128xi32, #tpu.memory_space<vmem>> -> memref<128xi32, #tpu.memory_space<vmem>>
        %dma_wait3A_435 = arith.constant 0 : i32
        %dma_wait3A_436 = arith.constant 0 : i32
        %dma_wait3A_437 = tpu.memref_slice %arg19[%dma_wait3A_435, %dma_wait3A_436] : memref<10240x64xf32, #tpu.memory_space<vmem_shared>> -> memref<10240x64xf32, #tpu.memory_space<vmem_shared>>
        tpu.wait_indirect_dma semaphore(%arg29 : memref<!tpu.dma_semaphore, #tpu.memory_space<semaphore_mem>>) src(%arg18 : memref<128x64xf32, #tpu.memory_space<vmem>>) dst(%dma_wait3A_437 : memref<10240x64xf32, #tpu.memory_space<vmem_shared>>)
        %add3A_438 = arith.constant 4 : i32
        %add3A_439 = arith.addi %add3A_417, %add3A_438 : i32
        %rem3A = arith.constant 160 : i32
        %rem3A_440 = arith.remsi %add3A_439, %rem3A : i32
        %dma_start3A_441 = arith.constant 0 : i32
        %dma_start3A_442 = tpu.memref_slice %arg12[%rem3A_440, %dma_start3A_441] : memref<160x128xi32, #tpu.memory_space<vmem>> -> memref<1x128xi32, #tpu.memory_space<vmem>>
        %dma_start3A_443 = tpu.memref_squeeze %dma_start3A_442 : memref<1x128xi32, #tpu.memory_space<vmem>> -> memref<128xi32, #tpu.memory_space<vmem>>
        %dma_start3A_444 = arith.constant 0 : i32
        %dma_start3A_445 = arith.constant 0 : i32
        %dma_start3A_446 = tpu.memref_slice %arg2[%dma_start3A_444, %dma_start3A_445] : memref<10240x64xf32, #tpu.memory_space<hbm>> -> memref<10240x64xf32, #tpu.memory_space<hbm>>
        tpu.enqueue_indirect_dma source(%dma_start3A_446 : memref<10240x64xf32, #tpu.memory_space<hbm>>) target(%arg18 : memref<128x64xf32, #tpu.memory_space<vmem>>) offsets(%dma_start3A_443 : memref<128xi32, #tpu.memory_space<vmem>>) semaphore(%arg24 : memref<!tpu.dma_semaphore, #tpu.memory_space<semaphore_mem>>)
        %mul3A_447 = arith.constant 5 : i32
        %mul3A_448 = arith.muli %scan3A_414, %mul3A_447 : i32
        %add3A_449 = arith.constant 1 : i32
        %add3A_450 = arith.addi %mul3A_448, %add3A_449 : i32
        %dma_wait3A_451 = arith.constant 0 : i32
        %dma_wait3A_452 = arith.constant 0 : i32
        %dma_wait3A_453 = tpu.memref_slice %arg12[%dma_wait3A_451, %dma_wait3A_452] : memref<160x128xi32, #tpu.memory_space<vmem>> -> memref<1x128xi32, #tpu.memory_space<vmem>>
        %dma_wait3A_454 = tpu.memref_squeeze %dma_wait3A_453 : memref<1x128xi32, #tpu.memory_space<vmem>> -> memref<128xi32, #tpu.memory_space<vmem>>
        %dma_wait3A_455 = arith.constant 0 : i32
        %dma_wait3A_456 = arith.constant 0 : i32
        %dma_wait3A_457 = tpu.memref_slice %arg2[%dma_wait3A_455, %dma_wait3A_456] : memref<10240x64xf32, #tpu.memory_space<hbm>> -> memref<10240x64xf32, #tpu.memory_space<hbm>>
        tpu.wait_indirect_dma semaphore(%arg21 : memref<!tpu.dma_semaphore, #tpu.memory_space<semaphore_mem>>) src(%dma_wait3A_457 : memref<10240x64xf32, #tpu.memory_space<hbm>>) dst(%arg15 : memref<128x64xf32, #tpu.memory_space<vmem>>)
        %dma_start3A_458 = arith.constant 0 : i32
        %dma_start3A_459 = tpu.memref_slice %arg13[%add3A_450, %dma_start3A_458] : memref<160x128xi32, #tpu.memory_space<vmem>> -> memref<1x128xi32, #tpu.memory_space<vmem>>
        %dma_start3A_460 = tpu.memref_squeeze %dma_start3A_459 : memref<1x128xi32, #tpu.memory_space<vmem>> -> memref<128xi32, #tpu.memory_space<vmem>>
        %dma_start3A_461 = arith.constant 0 : i32
        %dma_start3A_462 = arith.constant 0 : i32
        %dma_start3A_463 = tpu.memref_slice %arg19[%dma_start3A_461, %dma_start3A_462] : memref<10240x64xf32, #tpu.memory_space<vmem_shared>> -> memref<10240x64xf32, #tpu.memory_space<vmem_shared>>
        tpu.enqueue_indirect_dma source(%arg15 : memref<128x64xf32, #tpu.memory_space<vmem>>) target(%dma_start3A_463 : memref<10240x64xf32, #tpu.memory_space<vmem_shared>>) offsets(%dma_start3A_460 : memref<128xi32, #tpu.memory_space<vmem>>) semaphore(%arg26 : memref<!tpu.dma_semaphore, #tpu.memory_space<semaphore_mem>>) {add = true}
        %dma_wait3A_464 = arith.constant 0 : i32
        %dma_wait3A_465 = arith.constant 0 : i32
        %dma_wait3A_466 = tpu.memref_slice %arg13[%dma_wait3A_464, %dma_wait3A_465] : memref<160x128xi32, #tpu.memory_space<vmem>> -> memref<1x128xi32, #tpu.memory_space<vmem>>
        %dma_wait3A_467 = tpu.memref_squeeze %dma_wait3A_466 : memref<1x128xi32, #tpu.memory_space<vmem>> -> memref<128xi32, #tpu.memory_space<vmem>>
        %dma_wait3A_468 = arith.constant 0 : i32
        %dma_wait3A_469 = arith.constant 0 : i32
        %dma_wait3A_470 = tpu.memref_slice %arg19[%dma_wait3A_468, %dma_wait3A_469] : memref<10240x64xf32, #tpu.memory_space<vmem_shared>> -> memref<10240x64xf32, #tpu.memory_space<vmem_shared>>
        tpu.wait_indirect_dma semaphore(%arg25 : memref<!tpu.dma_semaphore, #tpu.memory_space<semaphore_mem>>) src(%arg14 : memref<128x64xf32, #tpu.memory_space<vmem>>) dst(%dma_wait3A_470 : memref<10240x64xf32, #tpu.memory_space<vmem_shared>>)
        %add3A_471 = arith.constant 4 : i32
        %add3A_472 = arith.addi %add3A_450, %add3A_471 : i32
        %rem3A_473 = arith.constant 160 : i32
        %rem3A_474 = arith.remsi %add3A_472, %rem3A_473 : i32
        %dma_start3A_475 = arith.constant 0 : i32
        %dma_start3A_476 = tpu.memref_slice %arg12[%rem3A_474, %dma_start3A_475] : memref<160x128xi32, #tpu.memory_space<vmem>> -> memref<1x128xi32, #tpu.memory_space<vmem>>
        %dma_start3A_477 = tpu.memref_squeeze %dma_start3A_476 : memref<1x128xi32, #tpu.memory_space<vmem>> -> memref<128xi32, #tpu.memory_space<vmem>>
        %dma_start3A_478 = arith.constant 0 : i32
        %dma_start3A_479 = arith.constant 0 : i32
        %dma_start3A_480 = tpu.memref_slice %arg2[%dma_start3A_478, %dma_start3A_479] : memref<10240x64xf32, #tpu.memory_space<hbm>> -> memref<10240x64xf32, #tpu.memory_space<hbm>>
        tpu.enqueue_indirect_dma source(%dma_start3A_480 : memref<10240x64xf32, #tpu.memory_space<hbm>>) target(%arg14 : memref<128x64xf32, #tpu.memory_space<vmem>>) offsets(%dma_start3A_477 : memref<128xi32, #tpu.memory_space<vmem>>) semaphore(%arg20 : memref<!tpu.dma_semaphore, #tpu.memory_space<semaphore_mem>>)
        %mul3A_481 = arith.constant 5 : i32
        %mul3A_482 = arith.muli %scan3A_414, %mul3A_481 : i32
        %add3A_483 = arith.constant 2 : i32
        %add3A_484 = arith.addi %mul3A_482, %add3A_483 : i32
        %dma_wait3A_485 = arith.constant 0 : i32
        %dma_wait3A_486 = arith.constant 0 : i32
        %dma_wait3A_487 = tpu.memref_slice %arg12[%dma_wait3A_485, %dma_wait3A_486] : memref<160x128xi32, #tpu.memory_space<vmem>> -> memref<1x128xi32, #tpu.memory_space<vmem>>
        %dma_wait3A_488 = tpu.memref_squeeze %dma_wait3A_487 : memref<1x128xi32, #tpu.memory_space<vmem>> -> memref<128xi32, #tpu.memory_space<vmem>>
        %dma_wait3A_489 = arith.constant 0 : i32
        %dma_wait3A_490 = arith.constant 0 : i32
        %dma_wait3A_491 = tpu.memref_slice %arg2[%dma_wait3A_489, %dma_wait3A_490] : memref<10240x64xf32, #tpu.memory_space<hbm>> -> memref<10240x64xf32, #tpu.memory_space<hbm>>
        tpu.wait_indirect_dma semaphore(%arg22 : memref<!tpu.dma_semaphore, #tpu.memory_space<semaphore_mem>>) src(%dma_wait3A_491 : memref<10240x64xf32, #tpu.memory_space<hbm>>) dst(%arg16 : memref<128x64xf32, #tpu.memory_space<vmem>>)
        %dma_start3A_492 = arith.constant 0 : i32
        %dma_start3A_493 = tpu.memref_slice %arg13[%add3A_484, %dma_start3A_492] : memref<160x128xi32, #tpu.memory_space<vmem>> -> memref<1x128xi32, #tpu.memory_space<vmem>>
        %dma_start3A_494 = tpu.memref_squeeze %dma_start3A_493 : memref<1x128xi32, #tpu.memory_space<vmem>> -> memref<128xi32, #tpu.memory_space<vmem>>
        %dma_start3A_495 = arith.constant 0 : i32
        %dma_start3A_496 = arith.constant 0 : i32
        %dma_start3A_497 = tpu.memref_slice %arg19[%dma_start3A_495, %dma_start3A_496] : memref<10240x64xf32, #tpu.memory_space<vmem_shared>> -> memref<10240x64xf32, #tpu.memory_space<vmem_shared>>
        tpu.enqueue_indirect_dma source(%arg16 : memref<128x64xf32, #tpu.memory_space<vmem>>) target(%dma_start3A_497 : memref<10240x64xf32, #tpu.memory_space<vmem_shared>>) offsets(%dma_start3A_494 : memref<128xi32, #tpu.memory_space<vmem>>) semaphore(%arg27 : memref<!tpu.dma_semaphore, #tpu.memory_space<semaphore_mem>>) {add = true}
        %dma_wait3A_498 = arith.constant 0 : i32
        %dma_wait3A_499 = arith.constant 0 : i32
        %dma_wait3A_500 = tpu.memref_slice %arg13[%dma_wait3A_498, %dma_wait3A_499] : memref<160x128xi32, #tpu.memory_space<vmem>> -> memref<1x128xi32, #tpu.memory_space<vmem>>
        %dma_wait3A_501 = tpu.memref_squeeze %dma_wait3A_500 : memref<1x128xi32, #tpu.memory_space<vmem>> -> memref<128xi32, #tpu.memory_space<vmem>>
        %dma_wait3A_502 = arith.constant 0 : i32
        %dma_wait3A_503 = arith.constant 0 : i32
        %dma_wait3A_504 = tpu.memref_slice %arg19[%dma_wait3A_502, %dma_wait3A_503] : memref<10240x64xf32, #tpu.memory_space<vmem_shared>> -> memref<10240x64xf32, #tpu.memory_space<vmem_shared>>
        tpu.wait_indirect_dma semaphore(%arg26 : memref<!tpu.dma_semaphore, #tpu.memory_space<semaphore_mem>>) src(%arg15 : memref<128x64xf32, #tpu.memory_space<vmem>>) dst(%dma_wait3A_504 : memref<10240x64xf32, #tpu.memory_space<vmem_shared>>)
        %add3A_505 = arith.constant 4 : i32
        %add3A_506 = arith.addi %add3A_484, %add3A_505 : i32
        %rem3A_507 = arith.constant 160 : i32
        %rem3A_508 = arith.remsi %add3A_506, %rem3A_507 : i32
        %dma_start3A_509 = arith.constant 0 : i32
        %dma_start3A_510 = tpu.memref_slice %arg12[%rem3A_508, %dma_start3A_509] : memref<160x128xi32, #tpu.memory_space<vmem>> -> memref<1x128xi32, #tpu.memory_space<vmem>>
        %dma_start3A_511 = tpu.memref_squeeze %dma_start3A_510 : memref<1x128xi32, #tpu.memory_space<vmem>> -> memref<128xi32, #tpu.memory_space<vmem>>
        %dma_start3A_512 = arith.constant 0 : i32
        %dma_start3A_513 = arith.constant 0 : i32
        %dma_start3A_514 = tpu.memref_slice %arg2[%dma_start3A_512, %dma_start3A_513] : memref<10240x64xf32, #tpu.memory_space<hbm>> -> memref<10240x64xf32, #tpu.memory_space<hbm>>
        tpu.enqueue_indirect_dma source(%dma_start3A_514 : memref<10240x64xf32, #tpu.memory_space<hbm>>) target(%arg15 : memref<128x64xf32, #tpu.memory_space<vmem>>) offsets(%dma_start3A_511 : memref<128xi32, #tpu.memory_space<vmem>>) semaphore(%arg21 : memref<!tpu.dma_semaphore, #tpu.memory_space<semaphore_mem>>)
        %mul3A_515 = arith.constant 5 : i32
        %mul3A_516 = arith.muli %scan3A_414, %mul3A_515 : i32
        %add3A_517 = arith.constant 3 : i32
        %add3A_518 = arith.addi %mul3A_516, %add3A_517 : i32
        %dma_wait3A_519 = arith.constant 0 : i32
        %dma_wait3A_520 = arith.constant 0 : i32
        %dma_wait3A_521 = tpu.memref_slice %arg12[%dma_wait3A_519, %dma_wait3A_520] : memref<160x128xi32, #tpu.memory_space<vmem>> -> memref<1x128xi32, #tpu.memory_space<vmem>>
        %dma_wait3A_522 = tpu.memref_squeeze %dma_wait3A_521 : memref<1x128xi32, #tpu.memory_space<vmem>> -> memref<128xi32, #tpu.memory_space<vmem>>
        %dma_wait3A_523 = arith.constant 0 : i32
        %dma_wait3A_524 = arith.constant 0 : i32
        %dma_wait3A_525 = tpu.memref_slice %arg2[%dma_wait3A_523, %dma_wait3A_524] : memref<10240x64xf32, #tpu.memory_space<hbm>> -> memref<10240x64xf32, #tpu.memory_space<hbm>>
        tpu.wait_indirect_dma semaphore(%arg23 : memref<!tpu.dma_semaphore, #tpu.memory_space<semaphore_mem>>) src(%dma_wait3A_525 : memref<10240x64xf32, #tpu.memory_space<hbm>>) dst(%arg17 : memref<128x64xf32, #tpu.memory_space<vmem>>)
        %dma_start3A_526 = arith.constant 0 : i32
        %dma_start3A_527 = tpu.memref_slice %arg13[%add3A_518, %dma_start3A_526] : memref<160x128xi32, #tpu.memory_space<vmem>> -> memref<1x128xi32, #tpu.memory_space<vmem>>
        %dma_start3A_528 = tpu.memref_squeeze %dma_start3A_527 : memref<1x128xi32, #tpu.memory_space<vmem>> -> memref<128xi32, #tpu.memory_space<vmem>>
        %dma_start3A_529 = arith.constant 0 : i32
        %dma_start3A_530 = arith.constant 0 : i32
        %dma_start3A_531 = tpu.memref_slice %arg19[%dma_start3A_529, %dma_start3A_530] : memref<10240x64xf32, #tpu.memory_space<vmem_shared>> -> memref<10240x64xf32, #tpu.memory_space<vmem_shared>>
        tpu.enqueue_indirect_dma source(%arg17 : memref<128x64xf32, #tpu.memory_space<vmem>>) target(%dma_start3A_531 : memref<10240x64xf32, #tpu.memory_space<vmem_shared>>) offsets(%dma_start3A_528 : memref<128xi32, #tpu.memory_space<vmem>>) semaphore(%arg28 : memref<!tpu.dma_semaphore, #tpu.memory_space<semaphore_mem>>) {add = true}
        %dma_wait3A_532 = arith.constant 0 : i32
        %dma_wait3A_533 = arith.constant 0 : i32
        %dma_wait3A_534 = tpu.memref_slice %arg13[%dma_wait3A_532, %dma_wait3A_533] : memref<160x128xi32, #tpu.memory_space<vmem>> -> memref<1x128xi32, #tpu.memory_space<vmem>>
        %dma_wait3A_535 = tpu.memref_squeeze %dma_wait3A_534 : memref<1x128xi32, #tpu.memory_space<vmem>> -> memref<128xi32, #tpu.memory_space<vmem>>
        %dma_wait3A_536 = arith.constant 0 : i32
        %dma_wait3A_537 = arith.constant 0 : i32
        %dma_wait3A_538 = tpu.memref_slice %arg19[%dma_wait3A_536, %dma_wait3A_537] : memref<10240x64xf32, #tpu.memory_space<vmem_shared>> -> memref<10240x64xf32, #tpu.memory_space<vmem_shared>>
        tpu.wait_indirect_dma semaphore(%arg27 : memref<!tpu.dma_semaphore, #tpu.memory_space<semaphore_mem>>) src(%arg16 : memref<128x64xf32, #tpu.memory_space<vmem>>) dst(%dma_wait3A_538 : memref<10240x64xf32, #tpu.memory_space<vmem_shared>>)
        %add3A_539 = arith.constant 4 : i32
        %add3A_540 = arith.addi %add3A_518, %add3A_539 : i32
        %rem3A_541 = arith.constant 160 : i32
        %rem3A_542 = arith.remsi %add3A_540, %rem3A_541 : i32
        %dma_start3A_543 = arith.constant 0 : i32
        %dma_start3A_544 = tpu.memref_slice %arg12[%rem3A_542, %dma_start3A_543] : memref<160x128xi32, #tpu.memory_space<vmem>> -> memref<1x128xi32, #tpu.memory_space<vmem>>
        %dma_start3A_545 = tpu.memref_squeeze %dma_start3A_544 : memref<1x128xi32, #tpu.memory_space<vmem>> -> memref<128xi32, #tpu.memory_space<vmem>>
        %dma_start3A_546 = arith.constant 0 : i32
        %dma_start3A_547 = arith.constant 0 : i32
        %dma_start3A_548 = tpu.memref_slice %arg2[%dma_start3A_546, %dma_start3A_547] : memref<10240x64xf32, #tpu.memory_space<hbm>> -> memref<10240x64xf32, #tpu.memory_space<hbm>>
        tpu.enqueue_indirect_dma source(%dma_start3A_548 : memref<10240x64xf32, #tpu.memory_space<hbm>>) target(%arg16 : memref<128x64xf32, #tpu.memory_space<vmem>>) offsets(%dma_start3A_545 : memref<128xi32, #tpu.memory_space<vmem>>) semaphore(%arg22 : memref<!tpu.dma_semaphore, #tpu.memory_space<semaphore_mem>>)
        %mul3A_549 = arith.constant 5 : i32
        %mul3A_550 = arith.muli %scan3A_414, %mul3A_549 : i32
        %add3A_551 = arith.constant 4 : i32
        %add3A_552 = arith.addi %mul3A_550, %add3A_551 : i32
        %dma_wait3A_553 = arith.constant 0 : i32
        %dma_wait3A_554 = arith.constant 0 : i32
        %dma_wait3A_555 = tpu.memref_slice %arg12[%dma_wait3A_553, %dma_wait3A_554] : memref<160x128xi32, #tpu.memory_space<vmem>> -> memref<1x128xi32, #tpu.memory_space<vmem>>
        %dma_wait3A_556 = tpu.memref_squeeze %dma_wait3A_555 : memref<1x128xi32, #tpu.memory_space<vmem>> -> memref<128xi32, #tpu.memory_space<vmem>>
        %dma_wait3A_557 = arith.constant 0 : i32
        %dma_wait3A_558 = arith.constant 0 : i32
        %dma_wait3A_559 = tpu.memref_slice %arg2[%dma_wait3A_557, %dma_wait3A_558] : memref<10240x64xf32, #tpu.memory_space<hbm>> -> memref<10240x64xf32, #tpu.memory_space<hbm>>
        tpu.wait_indirect_dma semaphore(%arg24 : memref<!tpu.dma_semaphore, #tpu.memory_space<semaphore_mem>>) src(%dma_wait3A_559 : memref<10240x64xf32, #tpu.memory_space<hbm>>) dst(%arg18 : memref<128x64xf32, #tpu.memory_space<vmem>>)
        %dma_start3A_560 = arith.constant 0 : i32
        %dma_start3A_561 = tpu.memref_slice %arg13[%add3A_552, %dma_start3A_560] : memref<160x128xi32, #tpu.memory_space<vmem>> -> memref<1x128xi32, #tpu.memory_space<vmem>>
        %dma_start3A_562 = tpu.memref_squeeze %dma_start3A_561 : memref<1x128xi32, #tpu.memory_space<vmem>> -> memref<128xi32, #tpu.memory_space<vmem>>
        %dma_start3A_563 = arith.constant 0 : i32
        %dma_start3A_564 = arith.constant 0 : i32
        %dma_start3A_565 = tpu.memref_slice %arg19[%dma_start3A_563, %dma_start3A_564] : memref<10240x64xf32, #tpu.memory_space<vmem_shared>> -> memref<10240x64xf32, #tpu.memory_space<vmem_shared>>
        tpu.enqueue_indirect_dma source(%arg18 : memref<128x64xf32, #tpu.memory_space<vmem>>) target(%dma_start3A_565 : memref<10240x64xf32, #tpu.memory_space<vmem_shared>>) offsets(%dma_start3A_562 : memref<128xi32, #tpu.memory_space<vmem>>) semaphore(%arg29 : memref<!tpu.dma_semaphore, #tpu.memory_space<semaphore_mem>>) {add = true}
        %dma_wait3A_566 = arith.constant 0 : i32
        %dma_wait3A_567 = arith.constant 0 : i32
        %dma_wait3A_568 = tpu.memref_slice %arg13[%dma_wait3A_566, %dma_wait3A_567] : memref<160x128xi32, #tpu.memory_space<vmem>> -> memref<1x128xi32, #tpu.memory_space<vmem>>
        %dma_wait3A_569 = tpu.memref_squeeze %dma_wait3A_568 : memref<1x128xi32, #tpu.memory_space<vmem>> -> memref<128xi32, #tpu.memory_space<vmem>>
        %dma_wait3A_570 = arith.constant 0 : i32
        %dma_wait3A_571 = arith.constant 0 : i32
        %dma_wait3A_572 = tpu.memref_slice %arg19[%dma_wait3A_570, %dma_wait3A_571] : memref<10240x64xf32, #tpu.memory_space<vmem_shared>> -> memref<10240x64xf32, #tpu.memory_space<vmem_shared>>
        tpu.wait_indirect_dma semaphore(%arg28 : memref<!tpu.dma_semaphore, #tpu.memory_space<semaphore_mem>>) src(%arg17 : memref<128x64xf32, #tpu.memory_space<vmem>>) dst(%dma_wait3A_572 : memref<10240x64xf32, #tpu.memory_space<vmem_shared>>)
        %add3A_573 = arith.constant 4 : i32
        %add3A_574 = arith.addi %add3A_552, %add3A_573 : i32
        %rem3A_575 = arith.constant 160 : i32
        %rem3A_576 = arith.remsi %add3A_574, %rem3A_575 : i32
        %dma_start3A_577 = arith.constant 0 : i32
        %dma_start3A_578 = tpu.memref_slice %arg12[%rem3A_576, %dma_start3A_577] : memref<160x128xi32, #tpu.memory_space<vmem>> -> memref<1x128xi32, #tpu.memory_space<vmem>>
        %dma_start3A_579 = tpu.memref_squeeze %dma_start3A_578 : memref<1x128xi32, #tpu.memory_space<vmem>> -> memref<128xi32, #tpu.memory_space<vmem>>
        %dma_start3A_580 = arith.constant 0 : i32
        %dma_start3A_581 = arith.constant 0 : i32
        %dma_start3A_582 = tpu.memref_slice %arg2[%dma_start3A_580, %dma_start3A_581] : memref<10240x64xf32, #tpu.memory_space<hbm>> -> memref<10240x64xf32, #tpu.memory_space<hbm>>
        tpu.enqueue_indirect_dma source(%dma_start3A_582 : memref<10240x64xf32, #tpu.memory_space<hbm>>) target(%arg17 : memref<128x64xf32, #tpu.memory_space<vmem>>) offsets(%dma_start3A_579 : memref<128xi32, #tpu.memory_space<vmem>>) semaphore(%arg23 : memref<!tpu.dma_semaphore, #tpu.memory_space<semaphore_mem>>)
      }
      %scan3A_171 = arith.constant 31 : i32
      %dma_wait3A_172 = arith.constant 0 : i32
      %dma_wait3A_173 = arith.constant 0 : i32
      %dma_wait3A_174 = tpu.memref_slice %arg13[%dma_wait3A_172, %dma_wait3A_173] : memref<160x128xi32, #tpu.memory_space<vmem>> -> memref<1x128xi32, #tpu.memory_space<vmem>>
      %dma_wait3A_175 = tpu.memref_squeeze %dma_wait3A_174 : memref<1x128xi32, #tpu.memory_space<vmem>> -> memref<128xi32, #tpu.memory_space<vmem>>
      %dma_wait3A_176 = arith.constant 0 : i32
      %dma_wait3A_177 = arith.constant 0 : i32
      %dma_wait3A_178 = tpu.memref_slice %arg19[%dma_wait3A_176, %dma_wait3A_177] : memref<10240x64xf32, #tpu.memory_space<vmem_shared>> -> memref<10240x64xf32, #tpu.memory_space<vmem_shared>>
      tpu.wait_indirect_dma semaphore(%arg29 : memref<!tpu.dma_semaphore, #tpu.memory_space<semaphore_mem>>) src(%arg18 : memref<128x64xf32, #tpu.memory_space<vmem>>) dst(%dma_wait3A_178 : memref<10240x64xf32, #tpu.memory_space<vmem_shared>>)
      %dma_wait3A_179 = arith.constant 0 : i32
      %dma_wait3A_180 = arith.constant 0 : i32
      %dma_wait3A_181 = tpu.memref_slice %arg12[%dma_wait3A_179, %dma_wait3A_180] : memref<160x128xi32, #tpu.memory_space<vmem>> -> memref<1x128xi32, #tpu.memory_space<vmem>>
      %dma_wait3A_182 = tpu.memref_squeeze %dma_wait3A_181 : memref<1x128xi32, #tpu.memory_space<vmem>> -> memref<128xi32, #tpu.memory_space<vmem>>
      %dma_wait3A_183 = arith.constant 0 : i32
      %dma_wait3A_184 = arith.constant 0 : i32
      %dma_wait3A_185 = tpu.memref_slice %arg2[%dma_wait3A_183, %dma_wait3A_184] : memref<10240x64xf32, #tpu.memory_space<hbm>> -> memref<10240x64xf32, #tpu.memory_space<hbm>>
      tpu.wait_indirect_dma semaphore(%arg20 : memref<!tpu.dma_semaphore, #tpu.memory_space<semaphore_mem>>) src(%dma_wait3A_185 : memref<10240x64xf32, #tpu.memory_space<hbm>>) dst(%arg14 : memref<128x64xf32, #tpu.memory_space<vmem>>)
      %dma_wait3A_186 = arith.constant 0 : i32
      %dma_wait3A_187 = arith.constant 0 : i32
      %dma_wait3A_188 = tpu.memref_slice %arg12[%dma_wait3A_186, %dma_wait3A_187] : memref<160x128xi32, #tpu.memory_space<vmem>> -> memref<1x128xi32, #tpu.memory_space<vmem>>
      %dma_wait3A_189 = tpu.memref_squeeze %dma_wait3A_188 : memref<1x128xi32, #tpu.memory_space<vmem>> -> memref<128xi32, #tpu.memory_space<vmem>>
      %dma_wait3A_190 = arith.constant 0 : i32
      %dma_wait3A_191 = arith.constant 0 : i32
      %dma_wait3A_192 = tpu.memref_slice %arg2[%dma_wait3A_190, %dma_wait3A_191] : memref<10240x64xf32, #tpu.memory_space<hbm>> -> memref<10240x64xf32, #tpu.memory_space<hbm>>
      tpu.wait_indirect_dma semaphore(%arg21 : memref<!tpu.dma_semaphore, #tpu.memory_space<semaphore_mem>>) src(%dma_wait3A_192 : memref<10240x64xf32, #tpu.memory_space<hbm>>) dst(%arg15 : memref<128x64xf32, #tpu.memory_space<vmem>>)
      %dma_wait3A_193 = arith.constant 0 : i32
      %dma_wait3A_194 = arith.constant 0 : i32
      %dma_wait3A_195 = tpu.memref_slice %arg12[%dma_wait3A_193, %dma_wait3A_194] : memref<160x128xi32, #tpu.memory_space<vmem>> -> memref<1x128xi32, #tpu.memory_space<vmem>>
      %dma_wait3A_196 = tpu.memref_squeeze %dma_wait3A_195 : memref<1x128xi32, #tpu.memory_space<vmem>> -> memref<128xi32, #tpu.memory_space<vmem>>
      %dma_wait3A_197 = arith.constant 0 : i32
      %dma_wait3A_198 = arith.constant 0 : i32
      %dma_wait3A_199 = tpu.memref_slice %arg2[%dma_wait3A_197, %dma_wait3A_198] : memref<10240x64xf32, #tpu.memory_space<hbm>> -> memref<10240x64xf32, #tpu.memory_space<hbm>>
      tpu.wait_indirect_dma semaphore(%arg22 : memref<!tpu.dma_semaphore, #tpu.memory_space<semaphore_mem>>) src(%dma_wait3A_199 : memref<10240x64xf32, #tpu.memory_space<hbm>>) dst(%arg16 : memref<128x64xf32, #tpu.memory_space<vmem>>)
      %dma_wait3A_200 = arith.constant 0 : i32
      %dma_wait3A_201 = arith.constant 0 : i32
      %dma_wait3A_202 = tpu.memref_slice %arg12[%dma_wait3A_200, %dma_wait3A_201] : memref<160x128xi32, #tpu.memory_space<vmem>> -> memref<1x128xi32, #tpu.memory_space<vmem>>
      %dma_wait3A_203 = tpu.memref_squeeze %dma_wait3A_202 : memref<1x128xi32, #tpu.memory_space<vmem>> -> memref<128xi32, #tpu.memory_space<vmem>>
      %dma_wait3A_204 = arith.constant 0 : i32
      %dma_wait3A_205 = arith.constant 0 : i32
      %dma_wait3A_206 = tpu.memref_slice %arg2[%dma_wait3A_204, %dma_wait3A_205] : memref<10240x64xf32, #tpu.memory_space<hbm>> -> memref<10240x64xf32, #tpu.memory_space<hbm>>
      tpu.wait_indirect_dma semaphore(%arg23 : memref<!tpu.dma_semaphore, #tpu.memory_space<semaphore_mem>>) src(%dma_wait3A_206 : memref<10240x64xf32, #tpu.memory_space<hbm>>) dst(%arg17 : memref<128x64xf32, #tpu.memory_space<vmem>>)
      %barrier3A_207 = arith.constant 0 : index
      tpu.barrier barrier_id(%barrier3A_207)
      "tpu.region"() ({
        %run_scoped3A = tpu.sem_alloc : memref<!tpu.dma_semaphore, #tpu.memory_space<semaphore_mem>>
        %dma_start3A_414 = arith.constant 0 : i32
        %dma_start3A_415 = tpu.memref_slice %arg8[%mul3A_7, %dma_start3A_414] : memref<10240x64xf32, #tpu.memory_space<hbm>> -> memref<640x64xf32, #tpu.memory_space<hbm>>
        %dma_start3A_416 = arith.constant 0 : i32
        %dma_start3A_417 = tpu.memref_slice %arg19[%mul3A_7, %dma_start3A_416] : memref<10240x64xf32, #tpu.memory_space<vmem_shared>> -> memref<640x64xf32, #tpu.memory_space<vmem_shared>>
        tpu.enqueue_dma source(%dma_start3A_417 : memref<640x64xf32, #tpu.memory_space<vmem_shared>>) target(%dma_start3A_415 : memref<640x64xf32, #tpu.memory_space<hbm>>) target_semaphore(%run_scoped3A : memref<!tpu.dma_semaphore, #tpu.memory_space<semaphore_mem>>)
        %dma_wait3A_418 = arith.constant 0 : i32
        %dma_wait3A_419 = tpu.memref_slice %arg8[%mul3A_7, %dma_wait3A_418] : memref<10240x64xf32, #tpu.memory_space<hbm>> -> memref<640x64xf32, #tpu.memory_space<hbm>>
        %dma_wait3A_420 = arith.constant 0 : i32
        %dma_wait3A_421 = tpu.memref_slice %arg19[%mul3A_7, %dma_wait3A_420] : memref<10240x64xf32, #tpu.memory_space<vmem_shared>> -> memref<640x64xf32, #tpu.memory_space<vmem_shared>>
        tpu.wait_dma2 semaphore(%run_scoped3A : memref<!tpu.dma_semaphore, #tpu.memory_space<semaphore_mem>>) src(%dma_wait3A_421 : memref<640x64xf32, #tpu.memory_space<vmem_shared>>) dst(%dma_wait3A_419 : memref<640x64xf32, #tpu.memory_space<hbm>>)
        tpu.yield
      }) : () -> ()
      %mul3A_208 = arith.constant 640 : i32
      %mul3A_209 = arith.muli %arg1, %mul3A_208 : i32
      "tpu.region"() ({
        %run_scoped3A = tpu.sem_alloc : memref<!tpu.dma_semaphore, #tpu.memory_space<semaphore_mem>>
        %dma_start3A_414 = arith.constant 0 : i32
        %dma_start3A_415 = tpu.memref_slice %arg19[%mul3A_209, %dma_start3A_414] : memref<10240x64xf32, #tpu.memory_space<vmem_shared>> -> memref<640x64xf32, #tpu.memory_space<vmem_shared>>
        %dma_start3A_416 = arith.constant 0 : i32
        %dma_start3A_417 = tpu.memref_slice %arg3[%mul3A_209, %dma_start3A_416] : memref<10240x64xf32, #tpu.memory_space<hbm>> -> memref<640x64xf32, #tpu.memory_space<hbm>>
        tpu.enqueue_dma source(%dma_start3A_417 : memref<640x64xf32, #tpu.memory_space<hbm>>) target(%dma_start3A_415 : memref<640x64xf32, #tpu.memory_space<vmem_shared>>) target_semaphore(%run_scoped3A : memref<!tpu.dma_semaphore, #tpu.memory_space<semaphore_mem>>)
        %dma_wait3A_418 = arith.constant 0 : i32
        %dma_wait3A_419 = tpu.memref_slice %arg19[%mul3A_209, %dma_wait3A_418] : memref<10240x64xf32, #tpu.memory_space<vmem_shared>> -> memref<640x64xf32, #tpu.memory_space<vmem_shared>>
        %dma_wait3A_420 = arith.constant 0 : i32
        %dma_wait3A_421 = tpu.memref_slice %arg3[%mul3A_209, %dma_wait3A_420] : memref<10240x64xf32, #tpu.memory_space<hbm>> -> memref<640x64xf32, #tpu.memory_space<hbm>>
        tpu.wait_dma2 semaphore(%run_scoped3A : memref<!tpu.dma_semaphore, #tpu.memory_space<semaphore_mem>>) src(%dma_wait3A_421 : memref<640x64xf32, #tpu.memory_space<hbm>>) dst(%dma_wait3A_419 : memref<640x64xf32, #tpu.memory_space<vmem_shared>>)
        tpu.yield
      }) : () -> ()
      %barrier3A_210 = arith.constant 0 : index
      tpu.barrier barrier_id(%barrier3A_210)
      %dma_start3A_211 = arith.constant 0 : i32
      %dma_start3A_212 = arith.constant 0 : i32
      %dma_start3A_213 = tpu.memref_slice %arg12[%dma_start3A_211, %dma_start3A_212] : memref<160x128xi32, #tpu.memory_space<vmem>> -> memref<1x128xi32, #tpu.memory_space<vmem>>
      %dma_start3A_214 = tpu.memref_squeeze %dma_start3A_213 : memref<1x128xi32, #tpu.memory_space<vmem>> -> memref<128xi32, #tpu.memory_space<vmem>>
      %dma_start3A_215 = arith.constant 0 : i32
      %dma_start3A_216 = arith.constant 0 : i32
      %dma_start3A_217 = tpu.memref_slice %arg3[%dma_start3A_215, %dma_start3A_216] : memref<10240x64xf32, #tpu.memory_space<hbm>> -> memref<10240x64xf32, #tpu.memory_space<hbm>>
      tpu.enqueue_indirect_dma source(%dma_start3A_217 : memref<10240x64xf32, #tpu.memory_space<hbm>>) target(%arg14 : memref<128x64xf32, #tpu.memory_space<vmem>>) offsets(%dma_start3A_214 : memref<128xi32, #tpu.memory_space<vmem>>) semaphore(%arg20 : memref<!tpu.dma_semaphore, #tpu.memory_space<semaphore_mem>>)
      %dma_start3A_218 = arith.constant 1 : i32
      %dma_start3A_219 = arith.constant 0 : i32
      %dma_start3A_220 = tpu.memref_slice %arg12[%dma_start3A_218, %dma_start3A_219] : memref<160x128xi32, #tpu.memory_space<vmem>> -> memref<1x128xi32, #tpu.memory_space<vmem>>
      %dma_start3A_221 = tpu.memref_squeeze %dma_start3A_220 : memref<1x128xi32, #tpu.memory_space<vmem>> -> memref<128xi32, #tpu.memory_space<vmem>>
      %dma_start3A_222 = arith.constant 0 : i32
      %dma_start3A_223 = arith.constant 0 : i32
      %dma_start3A_224 = tpu.memref_slice %arg3[%dma_start3A_222, %dma_start3A_223] : memref<10240x64xf32, #tpu.memory_space<hbm>> -> memref<10240x64xf32, #tpu.memory_space<hbm>>
      tpu.enqueue_indirect_dma source(%dma_start3A_224 : memref<10240x64xf32, #tpu.memory_space<hbm>>) target(%arg15 : memref<128x64xf32, #tpu.memory_space<vmem>>) offsets(%dma_start3A_221 : memref<128xi32, #tpu.memory_space<vmem>>) semaphore(%arg21 : memref<!tpu.dma_semaphore, #tpu.memory_space<semaphore_mem>>)
      %dma_start3A_225 = arith.constant 2 : i32
      %dma_start3A_226 = arith.constant 0 : i32
      %dma_start3A_227 = tpu.memref_slice %arg12[%dma_start3A_225, %dma_start3A_226] : memref<160x128xi32, #tpu.memory_space<vmem>> -> memref<1x128xi32, #tpu.memory_space<vmem>>
      %dma_start3A_228 = tpu.memref_squeeze %dma_start3A_227 : memref<1x128xi32, #tpu.memory_space<vmem>> -> memref<128xi32, #tpu.memory_space<vmem>>
      %dma_start3A_229 = arith.constant 0 : i32
      %dma_start3A_230 = arith.constant 0 : i32
      %dma_start3A_231 = tpu.memref_slice %arg3[%dma_start3A_229, %dma_start3A_230] : memref<10240x64xf32, #tpu.memory_space<hbm>> -> memref<10240x64xf32, #tpu.memory_space<hbm>>
      tpu.enqueue_indirect_dma source(%dma_start3A_231 : memref<10240x64xf32, #tpu.memory_space<hbm>>) target(%arg16 : memref<128x64xf32, #tpu.memory_space<vmem>>) offsets(%dma_start3A_228 : memref<128xi32, #tpu.memory_space<vmem>>) semaphore(%arg22 : memref<!tpu.dma_semaphore, #tpu.memory_space<semaphore_mem>>)
      %dma_start3A_232 = arith.constant 3 : i32
      %dma_start3A_233 = arith.constant 0 : i32
      %dma_start3A_234 = tpu.memref_slice %arg12[%dma_start3A_232, %dma_start3A_233] : memref<160x128xi32, #tpu.memory_space<vmem>> -> memref<1x128xi32, #tpu.memory_space<vmem>>
      %dma_start3A_235 = tpu.memref_squeeze %dma_start3A_234 : memref<1x128xi32, #tpu.memory_space<vmem>> -> memref<128xi32, #tpu.memory_space<vmem>>
      %dma_start3A_236 = arith.constant 0 : i32
      %dma_start3A_237 = arith.constant 0 : i32
      %dma_start3A_238 = tpu.memref_slice %arg3[%dma_start3A_236, %dma_start3A_237] : memref<10240x64xf32, #tpu.memory_space<hbm>> -> memref<10240x64xf32, #tpu.memory_space<hbm>>
      tpu.enqueue_indirect_dma source(%dma_start3A_238 : memref<10240x64xf32, #tpu.memory_space<hbm>>) target(%arg17 : memref<128x64xf32, #tpu.memory_space<vmem>>) offsets(%dma_start3A_235 : memref<128xi32, #tpu.memory_space<vmem>>) semaphore(%arg23 : memref<!tpu.dma_semaphore, #tpu.memory_space<semaphore_mem>>)
      %dma_wait3A_239 = arith.constant 0 : i32
      %dma_wait3A_240 = arith.constant 0 : i32
      %dma_wait3A_241 = tpu.memref_slice %arg12[%dma_wait3A_239, %dma_wait3A_240] : memref<160x128xi32, #tpu.memory_space<vmem>> -> memref<1x128xi32, #tpu.memory_space<vmem>>
      %dma_wait3A_242 = tpu.memref_squeeze %dma_wait3A_241 : memref<1x128xi32, #tpu.memory_space<vmem>> -> memref<128xi32, #tpu.memory_space<vmem>>
      %dma_wait3A_243 = arith.constant 0 : i32
      %dma_wait3A_244 = arith.constant 0 : i32
      %dma_wait3A_245 = tpu.memref_slice %arg3[%dma_wait3A_243, %dma_wait3A_244] : memref<10240x64xf32, #tpu.memory_space<hbm>> -> memref<10240x64xf32, #tpu.memory_space<hbm>>
      tpu.wait_indirect_dma semaphore(%arg20 : memref<!tpu.dma_semaphore, #tpu.memory_space<semaphore_mem>>) src(%dma_wait3A_245 : memref<10240x64xf32, #tpu.memory_space<hbm>>) dst(%arg14 : memref<128x64xf32, #tpu.memory_space<vmem>>)
      %dma_start3A_246 = arith.constant 0 : i32
      %dma_start3A_247 = arith.constant 0 : i32
      %dma_start3A_248 = tpu.memref_slice %arg13[%dma_start3A_246, %dma_start3A_247] : memref<160x128xi32, #tpu.memory_space<vmem>> -> memref<1x128xi32, #tpu.memory_space<vmem>>
      %dma_start3A_249 = tpu.memref_squeeze %dma_start3A_248 : memref<1x128xi32, #tpu.memory_space<vmem>> -> memref<128xi32, #tpu.memory_space<vmem>>
      %dma_start3A_250 = arith.constant 0 : i32
      %dma_start3A_251 = arith.constant 0 : i32
      %dma_start3A_252 = tpu.memref_slice %arg19[%dma_start3A_250, %dma_start3A_251] : memref<10240x64xf32, #tpu.memory_space<vmem_shared>> -> memref<10240x64xf32, #tpu.memory_space<vmem_shared>>
      tpu.enqueue_indirect_dma source(%arg14 : memref<128x64xf32, #tpu.memory_space<vmem>>) target(%dma_start3A_252 : memref<10240x64xf32, #tpu.memory_space<vmem_shared>>) offsets(%dma_start3A_249 : memref<128xi32, #tpu.memory_space<vmem>>) semaphore(%arg25 : memref<!tpu.dma_semaphore, #tpu.memory_space<semaphore_mem>>) {add = true}
      %dma_start3A_253 = arith.constant 4 : i32
      %dma_start3A_254 = arith.constant 0 : i32
      %dma_start3A_255 = tpu.memref_slice %arg12[%dma_start3A_253, %dma_start3A_254] : memref<160x128xi32, #tpu.memory_space<vmem>> -> memref<1x128xi32, #tpu.memory_space<vmem>>
      %dma_start3A_256 = tpu.memref_squeeze %dma_start3A_255 : memref<1x128xi32, #tpu.memory_space<vmem>> -> memref<128xi32, #tpu.memory_space<vmem>>
      %dma_start3A_257 = arith.constant 0 : i32
      %dma_start3A_258 = arith.constant 0 : i32
      %dma_start3A_259 = tpu.memref_slice %arg3[%dma_start3A_257, %dma_start3A_258] : memref<10240x64xf32, #tpu.memory_space<hbm>> -> memref<10240x64xf32, #tpu.memory_space<hbm>>
      tpu.enqueue_indirect_dma source(%dma_start3A_259 : memref<10240x64xf32, #tpu.memory_space<hbm>>) target(%arg18 : memref<128x64xf32, #tpu.memory_space<vmem>>) offsets(%dma_start3A_256 : memref<128xi32, #tpu.memory_space<vmem>>) semaphore(%arg24 : memref<!tpu.dma_semaphore, #tpu.memory_space<semaphore_mem>>)
      %dma_wait3A_260 = arith.constant 0 : i32
      %dma_wait3A_261 = arith.constant 0 : i32
      %dma_wait3A_262 = tpu.memref_slice %arg12[%dma_wait3A_260, %dma_wait3A_261] : memref<160x128xi32, #tpu.memory_space<vmem>> -> memref<1x128xi32, #tpu.memory_space<vmem>>
      %dma_wait3A_263 = tpu.memref_squeeze %dma_wait3A_262 : memref<1x128xi32, #tpu.memory_space<vmem>> -> memref<128xi32, #tpu.memory_space<vmem>>
      %dma_wait3A_264 = arith.constant 0 : i32
      %dma_wait3A_265 = arith.constant 0 : i32
      %dma_wait3A_266 = tpu.memref_slice %arg3[%dma_wait3A_264, %dma_wait3A_265] : memref<10240x64xf32, #tpu.memory_space<hbm>> -> memref<10240x64xf32, #tpu.memory_space<hbm>>
      tpu.wait_indirect_dma semaphore(%arg21 : memref<!tpu.dma_semaphore, #tpu.memory_space<semaphore_mem>>) src(%dma_wait3A_266 : memref<10240x64xf32, #tpu.memory_space<hbm>>) dst(%arg15 : memref<128x64xf32, #tpu.memory_space<vmem>>)
      %dma_start3A_267 = arith.constant 1 : i32
      %dma_start3A_268 = arith.constant 0 : i32
      %dma_start3A_269 = tpu.memref_slice %arg13[%dma_start3A_267, %dma_start3A_268] : memref<160x128xi32, #tpu.memory_space<vmem>> -> memref<1x128xi32, #tpu.memory_space<vmem>>
      %dma_start3A_270 = tpu.memref_squeeze %dma_start3A_269 : memref<1x128xi32, #tpu.memory_space<vmem>> -> memref<128xi32, #tpu.memory_space<vmem>>
      %dma_start3A_271 = arith.constant 0 : i32
      %dma_start3A_272 = arith.constant 0 : i32
      %dma_start3A_273 = tpu.memref_slice %arg19[%dma_start3A_271, %dma_start3A_272] : memref<10240x64xf32, #tpu.memory_space<vmem_shared>> -> memref<10240x64xf32, #tpu.memory_space<vmem_shared>>
      tpu.enqueue_indirect_dma source(%arg15 : memref<128x64xf32, #tpu.memory_space<vmem>>) target(%dma_start3A_273 : memref<10240x64xf32, #tpu.memory_space<vmem_shared>>) offsets(%dma_start3A_270 : memref<128xi32, #tpu.memory_space<vmem>>) semaphore(%arg26 : memref<!tpu.dma_semaphore, #tpu.memory_space<semaphore_mem>>) {add = true}
      %dma_wait3A_274 = arith.constant 0 : i32
      %dma_wait3A_275 = arith.constant 0 : i32
      %dma_wait3A_276 = tpu.memref_slice %arg13[%dma_wait3A_274, %dma_wait3A_275] : memref<160x128xi32, #tpu.memory_space<vmem>> -> memref<1x128xi32, #tpu.memory_space<vmem>>
      %dma_wait3A_277 = tpu.memref_squeeze %dma_wait3A_276 : memref<1x128xi32, #tpu.memory_space<vmem>> -> memref<128xi32, #tpu.memory_space<vmem>>
      %dma_wait3A_278 = arith.constant 0 : i32
      %dma_wait3A_279 = arith.constant 0 : i32
      %dma_wait3A_280 = tpu.memref_slice %arg19[%dma_wait3A_278, %dma_wait3A_279] : memref<10240x64xf32, #tpu.memory_space<vmem_shared>> -> memref<10240x64xf32, #tpu.memory_space<vmem_shared>>
      tpu.wait_indirect_dma semaphore(%arg25 : memref<!tpu.dma_semaphore, #tpu.memory_space<semaphore_mem>>) src(%arg14 : memref<128x64xf32, #tpu.memory_space<vmem>>) dst(%dma_wait3A_280 : memref<10240x64xf32, #tpu.memory_space<vmem_shared>>)
      %dma_start3A_281 = arith.constant 5 : i32
      %dma_start3A_282 = arith.constant 0 : i32
      %dma_start3A_283 = tpu.memref_slice %arg12[%dma_start3A_281, %dma_start3A_282] : memref<160x128xi32, #tpu.memory_space<vmem>> -> memref<1x128xi32, #tpu.memory_space<vmem>>
      %dma_start3A_284 = tpu.memref_squeeze %dma_start3A_283 : memref<1x128xi32, #tpu.memory_space<vmem>> -> memref<128xi32, #tpu.memory_space<vmem>>
      %dma_start3A_285 = arith.constant 0 : i32
      %dma_start3A_286 = arith.constant 0 : i32
      %dma_start3A_287 = tpu.memref_slice %arg3[%dma_start3A_285, %dma_start3A_286] : memref<10240x64xf32, #tpu.memory_space<hbm>> -> memref<10240x64xf32, #tpu.memory_space<hbm>>
      tpu.enqueue_indirect_dma source(%dma_start3A_287 : memref<10240x64xf32, #tpu.memory_space<hbm>>) target(%arg14 : memref<128x64xf32, #tpu.memory_space<vmem>>) offsets(%dma_start3A_284 : memref<128xi32, #tpu.memory_space<vmem>>) semaphore(%arg20 : memref<!tpu.dma_semaphore, #tpu.memory_space<semaphore_mem>>)
      %dma_wait3A_288 = arith.constant 0 : i32
      %dma_wait3A_289 = arith.constant 0 : i32
      %dma_wait3A_290 = tpu.memref_slice %arg12[%dma_wait3A_288, %dma_wait3A_289] : memref<160x128xi32, #tpu.memory_space<vmem>> -> memref<1x128xi32, #tpu.memory_space<vmem>>
      %dma_wait3A_291 = tpu.memref_squeeze %dma_wait3A_290 : memref<1x128xi32, #tpu.memory_space<vmem>> -> memref<128xi32, #tpu.memory_space<vmem>>
      %dma_wait3A_292 = arith.constant 0 : i32
      %dma_wait3A_293 = arith.constant 0 : i32
      %dma_wait3A_294 = tpu.memref_slice %arg3[%dma_wait3A_292, %dma_wait3A_293] : memref<10240x64xf32, #tpu.memory_space<hbm>> -> memref<10240x64xf32, #tpu.memory_space<hbm>>
      tpu.wait_indirect_dma semaphore(%arg22 : memref<!tpu.dma_semaphore, #tpu.memory_space<semaphore_mem>>) src(%dma_wait3A_294 : memref<10240x64xf32, #tpu.memory_space<hbm>>) dst(%arg16 : memref<128x64xf32, #tpu.memory_space<vmem>>)
      %dma_start3A_295 = arith.constant 2 : i32
      %dma_start3A_296 = arith.constant 0 : i32
      %dma_start3A_297 = tpu.memref_slice %arg13[%dma_start3A_295, %dma_start3A_296] : memref<160x128xi32, #tpu.memory_space<vmem>> -> memref<1x128xi32, #tpu.memory_space<vmem>>
      %dma_start3A_298 = tpu.memref_squeeze %dma_start3A_297 : memref<1x128xi32, #tpu.memory_space<vmem>> -> memref<128xi32, #tpu.memory_space<vmem>>
      %dma_start3A_299 = arith.constant 0 : i32
      %dma_start3A_300 = arith.constant 0 : i32
      %dma_start3A_301 = tpu.memref_slice %arg19[%dma_start3A_299, %dma_start3A_300] : memref<10240x64xf32, #tpu.memory_space<vmem_shared>> -> memref<10240x64xf32, #tpu.memory_space<vmem_shared>>
      tpu.enqueue_indirect_dma source(%arg16 : memref<128x64xf32, #tpu.memory_space<vmem>>) target(%dma_start3A_301 : memref<10240x64xf32, #tpu.memory_space<vmem_shared>>) offsets(%dma_start3A_298 : memref<128xi32, #tpu.memory_space<vmem>>) semaphore(%arg27 : memref<!tpu.dma_semaphore, #tpu.memory_space<semaphore_mem>>) {add = true}
      %dma_wait3A_302 = arith.constant 0 : i32
      %dma_wait3A_303 = arith.constant 0 : i32
      %dma_wait3A_304 = tpu.memref_slice %arg13[%dma_wait3A_302, %dma_wait3A_303] : memref<160x128xi32, #tpu.memory_space<vmem>> -> memref<1x128xi32, #tpu.memory_space<vmem>>
      %dma_wait3A_305 = tpu.memref_squeeze %dma_wait3A_304 : memref<1x128xi32, #tpu.memory_space<vmem>> -> memref<128xi32, #tpu.memory_space<vmem>>
      %dma_wait3A_306 = arith.constant 0 : i32
      %dma_wait3A_307 = arith.constant 0 : i32
      %dma_wait3A_308 = tpu.memref_slice %arg19[%dma_wait3A_306, %dma_wait3A_307] : memref<10240x64xf32, #tpu.memory_space<vmem_shared>> -> memref<10240x64xf32, #tpu.memory_space<vmem_shared>>
      tpu.wait_indirect_dma semaphore(%arg26 : memref<!tpu.dma_semaphore, #tpu.memory_space<semaphore_mem>>) src(%arg15 : memref<128x64xf32, #tpu.memory_space<vmem>>) dst(%dma_wait3A_308 : memref<10240x64xf32, #tpu.memory_space<vmem_shared>>)
      %dma_start3A_309 = arith.constant 6 : i32
      %dma_start3A_310 = arith.constant 0 : i32
      %dma_start3A_311 = tpu.memref_slice %arg12[%dma_start3A_309, %dma_start3A_310] : memref<160x128xi32, #tpu.memory_space<vmem>> -> memref<1x128xi32, #tpu.memory_space<vmem>>
      %dma_start3A_312 = tpu.memref_squeeze %dma_start3A_311 : memref<1x128xi32, #tpu.memory_space<vmem>> -> memref<128xi32, #tpu.memory_space<vmem>>
      %dma_start3A_313 = arith.constant 0 : i32
      %dma_start3A_314 = arith.constant 0 : i32
      %dma_start3A_315 = tpu.memref_slice %arg3[%dma_start3A_313, %dma_start3A_314] : memref<10240x64xf32, #tpu.memory_space<hbm>> -> memref<10240x64xf32, #tpu.memory_space<hbm>>
      tpu.enqueue_indirect_dma source(%dma_start3A_315 : memref<10240x64xf32, #tpu.memory_space<hbm>>) target(%arg15 : memref<128x64xf32, #tpu.memory_space<vmem>>) offsets(%dma_start3A_312 : memref<128xi32, #tpu.memory_space<vmem>>) semaphore(%arg21 : memref<!tpu.dma_semaphore, #tpu.memory_space<semaphore_mem>>)
      %dma_wait3A_316 = arith.constant 0 : i32
      %dma_wait3A_317 = arith.constant 0 : i32
      %dma_wait3A_318 = tpu.memref_slice %arg12[%dma_wait3A_316, %dma_wait3A_317] : memref<160x128xi32, #tpu.memory_space<vmem>> -> memref<1x128xi32, #tpu.memory_space<vmem>>
      %dma_wait3A_319 = tpu.memref_squeeze %dma_wait3A_318 : memref<1x128xi32, #tpu.memory_space<vmem>> -> memref<128xi32, #tpu.memory_space<vmem>>
      %dma_wait3A_320 = arith.constant 0 : i32
      %dma_wait3A_321 = arith.constant 0 : i32
      %dma_wait3A_322 = tpu.memref_slice %arg3[%dma_wait3A_320, %dma_wait3A_321] : memref<10240x64xf32, #tpu.memory_space<hbm>> -> memref<10240x64xf32, #tpu.memory_space<hbm>>
      tpu.wait_indirect_dma semaphore(%arg23 : memref<!tpu.dma_semaphore, #tpu.memory_space<semaphore_mem>>) src(%dma_wait3A_322 : memref<10240x64xf32, #tpu.memory_space<hbm>>) dst(%arg17 : memref<128x64xf32, #tpu.memory_space<vmem>>)
      %dma_start3A_323 = arith.constant 3 : i32
      %dma_start3A_324 = arith.constant 0 : i32
      %dma_start3A_325 = tpu.memref_slice %arg13[%dma_start3A_323, %dma_start3A_324] : memref<160x128xi32, #tpu.memory_space<vmem>> -> memref<1x128xi32, #tpu.memory_space<vmem>>
      %dma_start3A_326 = tpu.memref_squeeze %dma_start3A_325 : memref<1x128xi32, #tpu.memory_space<vmem>> -> memref<128xi32, #tpu.memory_space<vmem>>
      %dma_start3A_327 = arith.constant 0 : i32
      %dma_start3A_328 = arith.constant 0 : i32
      %dma_start3A_329 = tpu.memref_slice %arg19[%dma_start3A_327, %dma_start3A_328] : memref<10240x64xf32, #tpu.memory_space<vmem_shared>> -> memref<10240x64xf32, #tpu.memory_space<vmem_shared>>
      tpu.enqueue_indirect_dma source(%arg17 : memref<128x64xf32, #tpu.memory_space<vmem>>) target(%dma_start3A_329 : memref<10240x64xf32, #tpu.memory_space<vmem_shared>>) offsets(%dma_start3A_326 : memref<128xi32, #tpu.memory_space<vmem>>) semaphore(%arg28 : memref<!tpu.dma_semaphore, #tpu.memory_space<semaphore_mem>>) {add = true}
      %dma_wait3A_330 = arith.constant 0 : i32
      %dma_wait3A_331 = arith.constant 0 : i32
      %dma_wait3A_332 = tpu.memref_slice %arg13[%dma_wait3A_330, %dma_wait3A_331] : memref<160x128xi32, #tpu.memory_space<vmem>> -> memref<1x128xi32, #tpu.memory_space<vmem>>
      %dma_wait3A_333 = tpu.memref_squeeze %dma_wait3A_332 : memref<1x128xi32, #tpu.memory_space<vmem>> -> memref<128xi32, #tpu.memory_space<vmem>>
      %dma_wait3A_334 = arith.constant 0 : i32
      %dma_wait3A_335 = arith.constant 0 : i32
      %dma_wait3A_336 = tpu.memref_slice %arg19[%dma_wait3A_334, %dma_wait3A_335] : memref<10240x64xf32, #tpu.memory_space<vmem_shared>> -> memref<10240x64xf32, #tpu.memory_space<vmem_shared>>
      tpu.wait_indirect_dma semaphore(%arg27 : memref<!tpu.dma_semaphore, #tpu.memory_space<semaphore_mem>>) src(%arg16 : memref<128x64xf32, #tpu.memory_space<vmem>>) dst(%dma_wait3A_336 : memref<10240x64xf32, #tpu.memory_space<vmem_shared>>)
      %dma_start3A_337 = arith.constant 7 : i32
      %dma_start3A_338 = arith.constant 0 : i32
      %dma_start3A_339 = tpu.memref_slice %arg12[%dma_start3A_337, %dma_start3A_338] : memref<160x128xi32, #tpu.memory_space<vmem>> -> memref<1x128xi32, #tpu.memory_space<vmem>>
      %dma_start3A_340 = tpu.memref_squeeze %dma_start3A_339 : memref<1x128xi32, #tpu.memory_space<vmem>> -> memref<128xi32, #tpu.memory_space<vmem>>
      %dma_start3A_341 = arith.constant 0 : i32
      %dma_start3A_342 = arith.constant 0 : i32
      %dma_start3A_343 = tpu.memref_slice %arg3[%dma_start3A_341, %dma_start3A_342] : memref<10240x64xf32, #tpu.memory_space<hbm>> -> memref<10240x64xf32, #tpu.memory_space<hbm>>
      tpu.enqueue_indirect_dma source(%dma_start3A_343 : memref<10240x64xf32, #tpu.memory_space<hbm>>) target(%arg16 : memref<128x64xf32, #tpu.memory_space<vmem>>) offsets(%dma_start3A_340 : memref<128xi32, #tpu.memory_space<vmem>>) semaphore(%arg22 : memref<!tpu.dma_semaphore, #tpu.memory_space<semaphore_mem>>)
      %dma_wait3A_344 = arith.constant 0 : i32
      %dma_wait3A_345 = arith.constant 0 : i32
      %dma_wait3A_346 = tpu.memref_slice %arg12[%dma_wait3A_344, %dma_wait3A_345] : memref<160x128xi32, #tpu.memory_space<vmem>> -> memref<1x128xi32, #tpu.memory_space<vmem>>
      %dma_wait3A_347 = tpu.memref_squeeze %dma_wait3A_346 : memref<1x128xi32, #tpu.memory_space<vmem>> -> memref<128xi32, #tpu.memory_space<vmem>>
      %dma_wait3A_348 = arith.constant 0 : i32
      %dma_wait3A_349 = arith.constant 0 : i32
      %dma_wait3A_350 = tpu.memref_slice %arg3[%dma_wait3A_348, %dma_wait3A_349] : memref<10240x64xf32, #tpu.memory_space<hbm>> -> memref<10240x64xf32, #tpu.memory_space<hbm>>
      tpu.wait_indirect_dma semaphore(%arg24 : memref<!tpu.dma_semaphore, #tpu.memory_space<semaphore_mem>>) src(%dma_wait3A_350 : memref<10240x64xf32, #tpu.memory_space<hbm>>) dst(%arg18 : memref<128x64xf32, #tpu.memory_space<vmem>>)
      %dma_start3A_351 = arith.constant 4 : i32
      %dma_start3A_352 = arith.constant 0 : i32
      %dma_start3A_353 = tpu.memref_slice %arg13[%dma_start3A_351, %dma_start3A_352] : memref<160x128xi32, #tpu.memory_space<vmem>> -> memref<1x128xi32, #tpu.memory_space<vmem>>
      %dma_start3A_354 = tpu.memref_squeeze %dma_start3A_353 : memref<1x128xi32, #tpu.memory_space<vmem>> -> memref<128xi32, #tpu.memory_space<vmem>>
      %dma_start3A_355 = arith.constant 0 : i32
      %dma_start3A_356 = arith.constant 0 : i32
      %dma_start3A_357 = tpu.memref_slice %arg19[%dma_start3A_355, %dma_start3A_356] : memref<10240x64xf32, #tpu.memory_space<vmem_shared>> -> memref<10240x64xf32, #tpu.memory_space<vmem_shared>>
      tpu.enqueue_indirect_dma source(%arg18 : memref<128x64xf32, #tpu.memory_space<vmem>>) target(%dma_start3A_357 : memref<10240x64xf32, #tpu.memory_space<vmem_shared>>) offsets(%dma_start3A_354 : memref<128xi32, #tpu.memory_space<vmem>>) semaphore(%arg29 : memref<!tpu.dma_semaphore, #tpu.memory_space<semaphore_mem>>) {add = true}
      %dma_wait3A_358 = arith.constant 0 : i32
      %dma_wait3A_359 = arith.constant 0 : i32
      %dma_wait3A_360 = tpu.memref_slice %arg13[%dma_wait3A_358, %dma_wait3A_359] : memref<160x128xi32, #tpu.memory_space<vmem>> -> memref<1x128xi32, #tpu.memory_space<vmem>>
      %dma_wait3A_361 = tpu.memref_squeeze %dma_wait3A_360 : memref<1x128xi32, #tpu.memory_space<vmem>> -> memref<128xi32, #tpu.memory_space<vmem>>
      %dma_wait3A_362 = arith.constant 0 : i32
      %dma_wait3A_363 = arith.constant 0 : i32
      %dma_wait3A_364 = tpu.memref_slice %arg19[%dma_wait3A_362, %dma_wait3A_363] : memref<10240x64xf32, #tpu.memory_space<vmem_shared>> -> memref<10240x64xf32, #tpu.memory_space<vmem_shared>>
      tpu.wait_indirect_dma semaphore(%arg28 : memref<!tpu.dma_semaphore, #tpu.memory_space<semaphore_mem>>) src(%arg17 : memref<128x64xf32, #tpu.memory_space<vmem>>) dst(%dma_wait3A_364 : memref<10240x64xf32, #tpu.memory_space<vmem_shared>>)
      %dma_start3A_365 = arith.constant 8 : i32
      %dma_start3A_366 = arith.constant 0 : i32
      %dma_start3A_367 = tpu.memref_slice %arg12[%dma_start3A_365, %dma_start3A_366] : memref<160x128xi32, #tpu.memory_space<vmem>> -> memref<1x128xi32, #tpu.memory_space<vmem>>
      %dma_start3A_368 = tpu.memref_squeeze %dma_start3A_367 : memref<1x128xi32, #tpu.memory_space<vmem>> -> memref<128xi32, #tpu.memory_space<vmem>>
      %dma_start3A_369 = arith.constant 0 : i32
      %dma_start3A_370 = arith.constant 0 : i32
      %dma_start3A_371 = tpu.memref_slice %arg3[%dma_start3A_369, %dma_start3A_370] : memref<10240x64xf32, #tpu.memory_space<hbm>> -> memref<10240x64xf32, #tpu.memory_space<hbm>>
      tpu.enqueue_indirect_dma source(%dma_start3A_371 : memref<10240x64xf32, #tpu.memory_space<hbm>>) target(%arg17 : memref<128x64xf32, #tpu.memory_space<vmem>>) offsets(%dma_start3A_368 : memref<128xi32, #tpu.memory_space<vmem>>) semaphore(%arg23 : memref<!tpu.dma_semaphore, #tpu.memory_space<semaphore_mem>>)
      %scan3A_372 = arith.constant 0 : i32
      %scan3A_373 = arith.constant 1 : i32
      %scan3A_374 = arith.constant 31 : i32
      %scan3A_375 = arith.addi %scan3A_373, %scan3A_374 : i32
      %scan3A_376 = arith.constant 1 : i32
      scf.for %scan3A_414 = %scan3A_373 to %scan3A_375 step %scan3A_376  : i32 {
        %mul3A_415 = arith.constant 5 : i32
        %mul3A_416 = arith.muli %scan3A_414, %mul3A_415 : i32
        %add3A = arith.constant 0 : i32
        %add3A_417 = arith.addi %mul3A_416, %add3A : i32
        %dma_wait3A_418 = arith.constant 0 : i32
        %dma_wait3A_419 = arith.constant 0 : i32
        %dma_wait3A_420 = tpu.memref_slice %arg12[%dma_wait3A_418, %dma_wait3A_419] : memref<160x128xi32, #tpu.memory_space<vmem>> -> memref<1x128xi32, #tpu.memory_space<vmem>>
        %dma_wait3A_421 = tpu.memref_squeeze %dma_wait3A_420 : memref<1x128xi32, #tpu.memory_space<vmem>> -> memref<128xi32, #tpu.memory_space<vmem>>
        %dma_wait3A_422 = arith.constant 0 : i32
        %dma_wait3A_423 = arith.constant 0 : i32
        %dma_wait3A_424 = tpu.memref_slice %arg3[%dma_wait3A_422, %dma_wait3A_423] : memref<10240x64xf32, #tpu.memory_space<hbm>> -> memref<10240x64xf32, #tpu.memory_space<hbm>>
        tpu.wait_indirect_dma semaphore(%arg20 : memref<!tpu.dma_semaphore, #tpu.memory_space<semaphore_mem>>) src(%dma_wait3A_424 : memref<10240x64xf32, #tpu.memory_space<hbm>>) dst(%arg14 : memref<128x64xf32, #tpu.memory_space<vmem>>)
        %dma_start3A_425 = arith.constant 0 : i32
        %dma_start3A_426 = tpu.memref_slice %arg13[%add3A_417, %dma_start3A_425] : memref<160x128xi32, #tpu.memory_space<vmem>> -> memref<1x128xi32, #tpu.memory_space<vmem>>
        %dma_start3A_427 = tpu.memref_squeeze %dma_start3A_426 : memref<1x128xi32, #tpu.memory_space<vmem>> -> memref<128xi32, #tpu.memory_space<vmem>>
        %dma_start3A_428 = arith.constant 0 : i32
        %dma_start3A_429 = arith.constant 0 : i32
        %dma_start3A_430 = tpu.memref_slice %arg19[%dma_start3A_428, %dma_start3A_429] : memref<10240x64xf32, #tpu.memory_space<vmem_shared>> -> memref<10240x64xf32, #tpu.memory_space<vmem_shared>>
        tpu.enqueue_indirect_dma source(%arg14 : memref<128x64xf32, #tpu.memory_space<vmem>>) target(%dma_start3A_430 : memref<10240x64xf32, #tpu.memory_space<vmem_shared>>) offsets(%dma_start3A_427 : memref<128xi32, #tpu.memory_space<vmem>>) semaphore(%arg25 : memref<!tpu.dma_semaphore, #tpu.memory_space<semaphore_mem>>) {add = true}
        %dma_wait3A_431 = arith.constant 0 : i32
        %dma_wait3A_432 = arith.constant 0 : i32
        %dma_wait3A_433 = tpu.memref_slice %arg13[%dma_wait3A_431, %dma_wait3A_432] : memref<160x128xi32, #tpu.memory_space<vmem>> -> memref<1x128xi32, #tpu.memory_space<vmem>>
        %dma_wait3A_434 = tpu.memref_squeeze %dma_wait3A_433 : memref<1x128xi32, #tpu.memory_space<vmem>> -> memref<128xi32, #tpu.memory_space<vmem>>
        %dma_wait3A_435 = arith.constant 0 : i32
        %dma_wait3A_436 = arith.constant 0 : i32
        %dma_wait3A_437 = tpu.memref_slice %arg19[%dma_wait3A_435, %dma_wait3A_436] : memref<10240x64xf32, #tpu.memory_space<vmem_shared>> -> memref<10240x64xf32, #tpu.memory_space<vmem_shared>>
        tpu.wait_indirect_dma semaphore(%arg29 : memref<!tpu.dma_semaphore, #tpu.memory_space<semaphore_mem>>) src(%arg18 : memref<128x64xf32, #tpu.memory_space<vmem>>) dst(%dma_wait3A_437 : memref<10240x64xf32, #tpu.memory_space<vmem_shared>>)
        %add3A_438 = arith.constant 4 : i32
        %add3A_439 = arith.addi %add3A_417, %add3A_438 : i32
        %rem3A = arith.constant 160 : i32
        %rem3A_440 = arith.remsi %add3A_439, %rem3A : i32
        %dma_start3A_441 = arith.constant 0 : i32
        %dma_start3A_442 = tpu.memref_slice %arg12[%rem3A_440, %dma_start3A_441] : memref<160x128xi32, #tpu.memory_space<vmem>> -> memref<1x128xi32, #tpu.memory_space<vmem>>
        %dma_start3A_443 = tpu.memref_squeeze %dma_start3A_442 : memref<1x128xi32, #tpu.memory_space<vmem>> -> memref<128xi32, #tpu.memory_space<vmem>>
        %dma_start3A_444 = arith.constant 0 : i32
        %dma_start3A_445 = arith.constant 0 : i32
        %dma_start3A_446 = tpu.memref_slice %arg3[%dma_start3A_444, %dma_start3A_445] : memref<10240x64xf32, #tpu.memory_space<hbm>> -> memref<10240x64xf32, #tpu.memory_space<hbm>>
        tpu.enqueue_indirect_dma source(%dma_start3A_446 : memref<10240x64xf32, #tpu.memory_space<hbm>>) target(%arg18 : memref<128x64xf32, #tpu.memory_space<vmem>>) offsets(%dma_start3A_443 : memref<128xi32, #tpu.memory_space<vmem>>) semaphore(%arg24 : memref<!tpu.dma_semaphore, #tpu.memory_space<semaphore_mem>>)
        %mul3A_447 = arith.constant 5 : i32
        %mul3A_448 = arith.muli %scan3A_414, %mul3A_447 : i32
        %add3A_449 = arith.constant 1 : i32
        %add3A_450 = arith.addi %mul3A_448, %add3A_449 : i32
        %dma_wait3A_451 = arith.constant 0 : i32
        %dma_wait3A_452 = arith.constant 0 : i32
        %dma_wait3A_453 = tpu.memref_slice %arg12[%dma_wait3A_451, %dma_wait3A_452] : memref<160x128xi32, #tpu.memory_space<vmem>> -> memref<1x128xi32, #tpu.memory_space<vmem>>
        %dma_wait3A_454 = tpu.memref_squeeze %dma_wait3A_453 : memref<1x128xi32, #tpu.memory_space<vmem>> -> memref<128xi32, #tpu.memory_space<vmem>>
        %dma_wait3A_455 = arith.constant 0 : i32
        %dma_wait3A_456 = arith.constant 0 : i32
        %dma_wait3A_457 = tpu.memref_slice %arg3[%dma_wait3A_455, %dma_wait3A_456] : memref<10240x64xf32, #tpu.memory_space<hbm>> -> memref<10240x64xf32, #tpu.memory_space<hbm>>
        tpu.wait_indirect_dma semaphore(%arg21 : memref<!tpu.dma_semaphore, #tpu.memory_space<semaphore_mem>>) src(%dma_wait3A_457 : memref<10240x64xf32, #tpu.memory_space<hbm>>) dst(%arg15 : memref<128x64xf32, #tpu.memory_space<vmem>>)
        %dma_start3A_458 = arith.constant 0 : i32
        %dma_start3A_459 = tpu.memref_slice %arg13[%add3A_450, %dma_start3A_458] : memref<160x128xi32, #tpu.memory_space<vmem>> -> memref<1x128xi32, #tpu.memory_space<vmem>>
        %dma_start3A_460 = tpu.memref_squeeze %dma_start3A_459 : memref<1x128xi32, #tpu.memory_space<vmem>> -> memref<128xi32, #tpu.memory_space<vmem>>
        %dma_start3A_461 = arith.constant 0 : i32
        %dma_start3A_462 = arith.constant 0 : i32
        %dma_start3A_463 = tpu.memref_slice %arg19[%dma_start3A_461, %dma_start3A_462] : memref<10240x64xf32, #tpu.memory_space<vmem_shared>> -> memref<10240x64xf32, #tpu.memory_space<vmem_shared>>
        tpu.enqueue_indirect_dma source(%arg15 : memref<128x64xf32, #tpu.memory_space<vmem>>) target(%dma_start3A_463 : memref<10240x64xf32, #tpu.memory_space<vmem_shared>>) offsets(%dma_start3A_460 : memref<128xi32, #tpu.memory_space<vmem>>) semaphore(%arg26 : memref<!tpu.dma_semaphore, #tpu.memory_space<semaphore_mem>>) {add = true}
        %dma_wait3A_464 = arith.constant 0 : i32
        %dma_wait3A_465 = arith.constant 0 : i32
        %dma_wait3A_466 = tpu.memref_slice %arg13[%dma_wait3A_464, %dma_wait3A_465] : memref<160x128xi32, #tpu.memory_space<vmem>> -> memref<1x128xi32, #tpu.memory_space<vmem>>
        %dma_wait3A_467 = tpu.memref_squeeze %dma_wait3A_466 : memref<1x128xi32, #tpu.memory_space<vmem>> -> memref<128xi32, #tpu.memory_space<vmem>>
        %dma_wait3A_468 = arith.constant 0 : i32
        %dma_wait3A_469 = arith.constant 0 : i32
        %dma_wait3A_470 = tpu.memref_slice %arg19[%dma_wait3A_468, %dma_wait3A_469] : memref<10240x64xf32, #tpu.memory_space<vmem_shared>> -> memref<10240x64xf32, #tpu.memory_space<vmem_shared>>
        tpu.wait_indirect_dma semaphore(%arg25 : memref<!tpu.dma_semaphore, #tpu.memory_space<semaphore_mem>>) src(%arg14 : memref<128x64xf32, #tpu.memory_space<vmem>>) dst(%dma_wait3A_470 : memref<10240x64xf32, #tpu.memory_space<vmem_shared>>)
        %add3A_471 = arith.constant 4 : i32
        %add3A_472 = arith.addi %add3A_450, %add3A_471 : i32
        %rem3A_473 = arith.constant 160 : i32
        %rem3A_474 = arith.remsi %add3A_472, %rem3A_473 : i32
        %dma_start3A_475 = arith.constant 0 : i32
        %dma_start3A_476 = tpu.memref_slice %arg12[%rem3A_474, %dma_start3A_475] : memref<160x128xi32, #tpu.memory_space<vmem>> -> memref<1x128xi32, #tpu.memory_space<vmem>>
        %dma_start3A_477 = tpu.memref_squeeze %dma_start3A_476 : memref<1x128xi32, #tpu.memory_space<vmem>> -> memref<128xi32, #tpu.memory_space<vmem>>
        %dma_start3A_478 = arith.constant 0 : i32
        %dma_start3A_479 = arith.constant 0 : i32
        %dma_start3A_480 = tpu.memref_slice %arg3[%dma_start3A_478, %dma_start3A_479] : memref<10240x64xf32, #tpu.memory_space<hbm>> -> memref<10240x64xf32, #tpu.memory_space<hbm>>
        tpu.enqueue_indirect_dma source(%dma_start3A_480 : memref<10240x64xf32, #tpu.memory_space<hbm>>) target(%arg14 : memref<128x64xf32, #tpu.memory_space<vmem>>) offsets(%dma_start3A_477 : memref<128xi32, #tpu.memory_space<vmem>>) semaphore(%arg20 : memref<!tpu.dma_semaphore, #tpu.memory_space<semaphore_mem>>)
        %mul3A_481 = arith.constant 5 : i32
        %mul3A_482 = arith.muli %scan3A_414, %mul3A_481 : i32
        %add3A_483 = arith.constant 2 : i32
        %add3A_484 = arith.addi %mul3A_482, %add3A_483 : i32
        %dma_wait3A_485 = arith.constant 0 : i32
        %dma_wait3A_486 = arith.constant 0 : i32
        %dma_wait3A_487 = tpu.memref_slice %arg12[%dma_wait3A_485, %dma_wait3A_486] : memref<160x128xi32, #tpu.memory_space<vmem>> -> memref<1x128xi32, #tpu.memory_space<vmem>>
        %dma_wait3A_488 = tpu.memref_squeeze %dma_wait3A_487 : memref<1x128xi32, #tpu.memory_space<vmem>> -> memref<128xi32, #tpu.memory_space<vmem>>
        %dma_wait3A_489 = arith.constant 0 : i32
        %dma_wait3A_490 = arith.constant 0 : i32
        %dma_wait3A_491 = tpu.memref_slice %arg3[%dma_wait3A_489, %dma_wait3A_490] : memref<10240x64xf32, #tpu.memory_space<hbm>> -> memref<10240x64xf32, #tpu.memory_space<hbm>>
        tpu.wait_indirect_dma semaphore(%arg22 : memref<!tpu.dma_semaphore, #tpu.memory_space<semaphore_mem>>) src(%dma_wait3A_491 : memref<10240x64xf32, #tpu.memory_space<hbm>>) dst(%arg16 : memref<128x64xf32, #tpu.memory_space<vmem>>)
        %dma_start3A_492 = arith.constant 0 : i32
        %dma_start3A_493 = tpu.memref_slice %arg13[%add3A_484, %dma_start3A_492] : memref<160x128xi32, #tpu.memory_space<vmem>> -> memref<1x128xi32, #tpu.memory_space<vmem>>
        %dma_start3A_494 = tpu.memref_squeeze %dma_start3A_493 : memref<1x128xi32, #tpu.memory_space<vmem>> -> memref<128xi32, #tpu.memory_space<vmem>>
        %dma_start3A_495 = arith.constant 0 : i32
        %dma_start3A_496 = arith.constant 0 : i32
        %dma_start3A_497 = tpu.memref_slice %arg19[%dma_start3A_495, %dma_start3A_496] : memref<10240x64xf32, #tpu.memory_space<vmem_shared>> -> memref<10240x64xf32, #tpu.memory_space<vmem_shared>>
        tpu.enqueue_indirect_dma source(%arg16 : memref<128x64xf32, #tpu.memory_space<vmem>>) target(%dma_start3A_497 : memref<10240x64xf32, #tpu.memory_space<vmem_shared>>) offsets(%dma_start3A_494 : memref<128xi32, #tpu.memory_space<vmem>>) semaphore(%arg27 : memref<!tpu.dma_semaphore, #tpu.memory_space<semaphore_mem>>) {add = true}
        %dma_wait3A_498 = arith.constant 0 : i32
        %dma_wait3A_499 = arith.constant 0 : i32
        %dma_wait3A_500 = tpu.memref_slice %arg13[%dma_wait3A_498, %dma_wait3A_499] : memref<160x128xi32, #tpu.memory_space<vmem>> -> memref<1x128xi32, #tpu.memory_space<vmem>>
        %dma_wait3A_501 = tpu.memref_squeeze %dma_wait3A_500 : memref<1x128xi32, #tpu.memory_space<vmem>> -> memref<128xi32, #tpu.memory_space<vmem>>
        %dma_wait3A_502 = arith.constant 0 : i32
        %dma_wait3A_503 = arith.constant 0 : i32
        %dma_wait3A_504 = tpu.memref_slice %arg19[%dma_wait3A_502, %dma_wait3A_503] : memref<10240x64xf32, #tpu.memory_space<vmem_shared>> -> memref<10240x64xf32, #tpu.memory_space<vmem_shared>>
        tpu.wait_indirect_dma semaphore(%arg26 : memref<!tpu.dma_semaphore, #tpu.memory_space<semaphore_mem>>) src(%arg15 : memref<128x64xf32, #tpu.memory_space<vmem>>) dst(%dma_wait3A_504 : memref<10240x64xf32, #tpu.memory_space<vmem_shared>>)
        %add3A_505 = arith.constant 4 : i32
        %add3A_506 = arith.addi %add3A_484, %add3A_505 : i32
        %rem3A_507 = arith.constant 160 : i32
        %rem3A_508 = arith.remsi %add3A_506, %rem3A_507 : i32
        %dma_start3A_509 = arith.constant 0 : i32
        %dma_start3A_510 = tpu.memref_slice %arg12[%rem3A_508, %dma_start3A_509] : memref<160x128xi32, #tpu.memory_space<vmem>> -> memref<1x128xi32, #tpu.memory_space<vmem>>
        %dma_start3A_511 = tpu.memref_squeeze %dma_start3A_510 : memref<1x128xi32, #tpu.memory_space<vmem>> -> memref<128xi32, #tpu.memory_space<vmem>>
        %dma_start3A_512 = arith.constant 0 : i32
        %dma_start3A_513 = arith.constant 0 : i32
        %dma_start3A_514 = tpu.memref_slice %arg3[%dma_start3A_512, %dma_start3A_513] : memref<10240x64xf32, #tpu.memory_space<hbm>> -> memref<10240x64xf32, #tpu.memory_space<hbm>>
        tpu.enqueue_indirect_dma source(%dma_start3A_514 : memref<10240x64xf32, #tpu.memory_space<hbm>>) target(%arg15 : memref<128x64xf32, #tpu.memory_space<vmem>>) offsets(%dma_start3A_511 : memref<128xi32, #tpu.memory_space<vmem>>) semaphore(%arg21 : memref<!tpu.dma_semaphore, #tpu.memory_space<semaphore_mem>>)
        %mul3A_515 = arith.constant 5 : i32
        %mul3A_516 = arith.muli %scan3A_414, %mul3A_515 : i32
        %add3A_517 = arith.constant 3 : i32
        %add3A_518 = arith.addi %mul3A_516, %add3A_517 : i32
        %dma_wait3A_519 = arith.constant 0 : i32
        %dma_wait3A_520 = arith.constant 0 : i32
        %dma_wait3A_521 = tpu.memref_slice %arg12[%dma_wait3A_519, %dma_wait3A_520] : memref<160x128xi32, #tpu.memory_space<vmem>> -> memref<1x128xi32, #tpu.memory_space<vmem>>
        %dma_wait3A_522 = tpu.memref_squeeze %dma_wait3A_521 : memref<1x128xi32, #tpu.memory_space<vmem>> -> memref<128xi32, #tpu.memory_space<vmem>>
        %dma_wait3A_523 = arith.constant 0 : i32
        %dma_wait3A_524 = arith.constant 0 : i32
        %dma_wait3A_525 = tpu.memref_slice %arg3[%dma_wait3A_523, %dma_wait3A_524] : memref<10240x64xf32, #tpu.memory_space<hbm>> -> memref<10240x64xf32, #tpu.memory_space<hbm>>
        tpu.wait_indirect_dma semaphore(%arg23 : memref<!tpu.dma_semaphore, #tpu.memory_space<semaphore_mem>>) src(%dma_wait3A_525 : memref<10240x64xf32, #tpu.memory_space<hbm>>) dst(%arg17 : memref<128x64xf32, #tpu.memory_space<vmem>>)
        %dma_start3A_526 = arith.constant 0 : i32
        %dma_start3A_527 = tpu.memref_slice %arg13[%add3A_518, %dma_start3A_526] : memref<160x128xi32, #tpu.memory_space<vmem>> -> memref<1x128xi32, #tpu.memory_space<vmem>>
        %dma_start3A_528 = tpu.memref_squeeze %dma_start3A_527 : memref<1x128xi32, #tpu.memory_space<vmem>> -> memref<128xi32, #tpu.memory_space<vmem>>
        %dma_start3A_529 = arith.constant 0 : i32
        %dma_start3A_530 = arith.constant 0 : i32
        %dma_start3A_531 = tpu.memref_slice %arg19[%dma_start3A_529, %dma_start3A_530] : memref<10240x64xf32, #tpu.memory_space<vmem_shared>> -> memref<10240x64xf32, #tpu.memory_space<vmem_shared>>
        tpu.enqueue_indirect_dma source(%arg17 : memref<128x64xf32, #tpu.memory_space<vmem>>) target(%dma_start3A_531 : memref<10240x64xf32, #tpu.memory_space<vmem_shared>>) offsets(%dma_start3A_528 : memref<128xi32, #tpu.memory_space<vmem>>) semaphore(%arg28 : memref<!tpu.dma_semaphore, #tpu.memory_space<semaphore_mem>>) {add = true}
        %dma_wait3A_532 = arith.constant 0 : i32
        %dma_wait3A_533 = arith.constant 0 : i32
        %dma_wait3A_534 = tpu.memref_slice %arg13[%dma_wait3A_532, %dma_wait3A_533] : memref<160x128xi32, #tpu.memory_space<vmem>> -> memref<1x128xi32, #tpu.memory_space<vmem>>
        %dma_wait3A_535 = tpu.memref_squeeze %dma_wait3A_534 : memref<1x128xi32, #tpu.memory_space<vmem>> -> memref<128xi32, #tpu.memory_space<vmem>>
        %dma_wait3A_536 = arith.constant 0 : i32
        %dma_wait3A_537 = arith.constant 0 : i32
        %dma_wait3A_538 = tpu.memref_slice %arg19[%dma_wait3A_536, %dma_wait3A_537] : memref<10240x64xf32, #tpu.memory_space<vmem_shared>> -> memref<10240x64xf32, #tpu.memory_space<vmem_shared>>
        tpu.wait_indirect_dma semaphore(%arg27 : memref<!tpu.dma_semaphore, #tpu.memory_space<semaphore_mem>>) src(%arg16 : memref<128x64xf32, #tpu.memory_space<vmem>>) dst(%dma_wait3A_538 : memref<10240x64xf32, #tpu.memory_space<vmem_shared>>)
        %add3A_539 = arith.constant 4 : i32
        %add3A_540 = arith.addi %add3A_518, %add3A_539 : i32
        %rem3A_541 = arith.constant 160 : i32
        %rem3A_542 = arith.remsi %add3A_540, %rem3A_541 : i32
        %dma_start3A_543 = arith.constant 0 : i32
        %dma_start3A_544 = tpu.memref_slice %arg12[%rem3A_542, %dma_start3A_543] : memref<160x128xi32, #tpu.memory_space<vmem>> -> memref<1x128xi32, #tpu.memory_space<vmem>>
        %dma_start3A_545 = tpu.memref_squeeze %dma_start3A_544 : memref<1x128xi32, #tpu.memory_space<vmem>> -> memref<128xi32, #tpu.memory_space<vmem>>
        %dma_start3A_546 = arith.constant 0 : i32
        %dma_start3A_547 = arith.constant 0 : i32
        %dma_start3A_548 = tpu.memref_slice %arg3[%dma_start3A_546, %dma_start3A_547] : memref<10240x64xf32, #tpu.memory_space<hbm>> -> memref<10240x64xf32, #tpu.memory_space<hbm>>
        tpu.enqueue_indirect_dma source(%dma_start3A_548 : memref<10240x64xf32, #tpu.memory_space<hbm>>) target(%arg16 : memref<128x64xf32, #tpu.memory_space<vmem>>) offsets(%dma_start3A_545 : memref<128xi32, #tpu.memory_space<vmem>>) semaphore(%arg22 : memref<!tpu.dma_semaphore, #tpu.memory_space<semaphore_mem>>)
        %mul3A_549 = arith.constant 5 : i32
        %mul3A_550 = arith.muli %scan3A_414, %mul3A_549 : i32
        %add3A_551 = arith.constant 4 : i32
        %add3A_552 = arith.addi %mul3A_550, %add3A_551 : i32
        %dma_wait3A_553 = arith.constant 0 : i32
        %dma_wait3A_554 = arith.constant 0 : i32
        %dma_wait3A_555 = tpu.memref_slice %arg12[%dma_wait3A_553, %dma_wait3A_554] : memref<160x128xi32, #tpu.memory_space<vmem>> -> memref<1x128xi32, #tpu.memory_space<vmem>>
        %dma_wait3A_556 = tpu.memref_squeeze %dma_wait3A_555 : memref<1x128xi32, #tpu.memory_space<vmem>> -> memref<128xi32, #tpu.memory_space<vmem>>
        %dma_wait3A_557 = arith.constant 0 : i32
        %dma_wait3A_558 = arith.constant 0 : i32
        %dma_wait3A_559 = tpu.memref_slice %arg3[%dma_wait3A_557, %dma_wait3A_558] : memref<10240x64xf32, #tpu.memory_space<hbm>> -> memref<10240x64xf32, #tpu.memory_space<hbm>>
        tpu.wait_indirect_dma semaphore(%arg24 : memref<!tpu.dma_semaphore, #tpu.memory_space<semaphore_mem>>) src(%dma_wait3A_559 : memref<10240x64xf32, #tpu.memory_space<hbm>>) dst(%arg18 : memref<128x64xf32, #tpu.memory_space<vmem>>)
        %dma_start3A_560 = arith.constant 0 : i32
        %dma_start3A_561 = tpu.memref_slice %arg13[%add3A_552, %dma_start3A_560] : memref<160x128xi32, #tpu.memory_space<vmem>> -> memref<1x128xi32, #tpu.memory_space<vmem>>
        %dma_start3A_562 = tpu.memref_squeeze %dma_start3A_561 : memref<1x128xi32, #tpu.memory_space<vmem>> -> memref<128xi32, #tpu.memory_space<vmem>>
        %dma_start3A_563 = arith.constant 0 : i32
        %dma_start3A_564 = arith.constant 0 : i32
        %dma_start3A_565 = tpu.memref_slice %arg19[%dma_start3A_563, %dma_start3A_564] : memref<10240x64xf32, #tpu.memory_space<vmem_shared>> -> memref<10240x64xf32, #tpu.memory_space<vmem_shared>>
        tpu.enqueue_indirect_dma source(%arg18 : memref<128x64xf32, #tpu.memory_space<vmem>>) target(%dma_start3A_565 : memref<10240x64xf32, #tpu.memory_space<vmem_shared>>) offsets(%dma_start3A_562 : memref<128xi32, #tpu.memory_space<vmem>>) semaphore(%arg29 : memref<!tpu.dma_semaphore, #tpu.memory_space<semaphore_mem>>) {add = true}
        %dma_wait3A_566 = arith.constant 0 : i32
        %dma_wait3A_567 = arith.constant 0 : i32
        %dma_wait3A_568 = tpu.memref_slice %arg13[%dma_wait3A_566, %dma_wait3A_567] : memref<160x128xi32, #tpu.memory_space<vmem>> -> memref<1x128xi32, #tpu.memory_space<vmem>>
        %dma_wait3A_569 = tpu.memref_squeeze %dma_wait3A_568 : memref<1x128xi32, #tpu.memory_space<vmem>> -> memref<128xi32, #tpu.memory_space<vmem>>
        %dma_wait3A_570 = arith.constant 0 : i32
        %dma_wait3A_571 = arith.constant 0 : i32
        %dma_wait3A_572 = tpu.memref_slice %arg19[%dma_wait3A_570, %dma_wait3A_571] : memref<10240x64xf32, #tpu.memory_space<vmem_shared>> -> memref<10240x64xf32, #tpu.memory_space<vmem_shared>>
        tpu.wait_indirect_dma semaphore(%arg28 : memref<!tpu.dma_semaphore, #tpu.memory_space<semaphore_mem>>) src(%arg17 : memref<128x64xf32, #tpu.memory_space<vmem>>) dst(%dma_wait3A_572 : memref<10240x64xf32, #tpu.memory_space<vmem_shared>>)
        %add3A_573 = arith.constant 4 : i32
        %add3A_574 = arith.addi %add3A_552, %add3A_573 : i32
        %rem3A_575 = arith.constant 160 : i32
        %rem3A_576 = arith.remsi %add3A_574, %rem3A_575 : i32
        %dma_start3A_577 = arith.constant 0 : i32
        %dma_start3A_578 = tpu.memref_slice %arg12[%rem3A_576, %dma_start3A_577] : memref<160x128xi32, #tpu.memory_space<vmem>> -> memref<1x128xi32, #tpu.memory_space<vmem>>
        %dma_start3A_579 = tpu.memref_squeeze %dma_start3A_578 : memref<1x128xi32, #tpu.memory_space<vmem>> -> memref<128xi32, #tpu.memory_space<vmem>>
        %dma_start3A_580 = arith.constant 0 : i32
        %dma_start3A_581 = arith.constant 0 : i32
        %dma_start3A_582 = tpu.memref_slice %arg3[%dma_start3A_580, %dma_start3A_581] : memref<10240x64xf32, #tpu.memory_space<hbm>> -> memref<10240x64xf32, #tpu.memory_space<hbm>>
        tpu.enqueue_indirect_dma source(%dma_start3A_582 : memref<10240x64xf32, #tpu.memory_space<hbm>>) target(%arg17 : memref<128x64xf32, #tpu.memory_space<vmem>>) offsets(%dma_start3A_579 : memref<128xi32, #tpu.memory_space<vmem>>) semaphore(%arg23 : memref<!tpu.dma_semaphore, #tpu.memory_space<semaphore_mem>>)
      }
      %scan3A_377 = arith.constant 31 : i32
      %dma_wait3A_378 = arith.constant 0 : i32
      %dma_wait3A_379 = arith.constant 0 : i32
      %dma_wait3A_380 = tpu.memref_slice %arg13[%dma_wait3A_378, %dma_wait3A_379] : memref<160x128xi32, #tpu.memory_space<vmem>> -> memref<1x128xi32, #tpu.memory_space<vmem>>
      %dma_wait3A_381 = tpu.memref_squeeze %dma_wait3A_380 : memref<1x128xi32, #tpu.memory_space<vmem>> -> memref<128xi32, #tpu.memory_space<vmem>>
      %dma_wait3A_382 = arith.constant 0 : i32
      %dma_wait3A_383 = arith.constant 0 : i32
      %dma_wait3A_384 = tpu.memref_slice %arg19[%dma_wait3A_382, %dma_wait3A_383] : memref<10240x64xf32, #tpu.memory_space<vmem_shared>> -> memref<10240x64xf32, #tpu.memory_space<vmem_shared>>
      tpu.wait_indirect_dma semaphore(%arg29 : memref<!tpu.dma_semaphore, #tpu.memory_space<semaphore_mem>>) src(%arg18 : memref<128x64xf32, #tpu.memory_space<vmem>>) dst(%dma_wait3A_384 : memref<10240x64xf32, #tpu.memory_space<vmem_shared>>)
      %dma_wait3A_385 = arith.constant 0 : i32
      %dma_wait3A_386 = arith.constant 0 : i32
      %dma_wait3A_387 = tpu.memref_slice %arg12[%dma_wait3A_385, %dma_wait3A_386] : memref<160x128xi32, #tpu.memory_space<vmem>> -> memref<1x128xi32, #tpu.memory_space<vmem>>
      %dma_wait3A_388 = tpu.memref_squeeze %dma_wait3A_387 : memref<1x128xi32, #tpu.memory_space<vmem>> -> memref<128xi32, #tpu.memory_space<vmem>>
      %dma_wait3A_389 = arith.constant 0 : i32
      %dma_wait3A_390 = arith.constant 0 : i32
      %dma_wait3A_391 = tpu.memref_slice %arg3[%dma_wait3A_389, %dma_wait3A_390] : memref<10240x64xf32, #tpu.memory_space<hbm>> -> memref<10240x64xf32, #tpu.memory_space<hbm>>
      tpu.wait_indirect_dma semaphore(%arg20 : memref<!tpu.dma_semaphore, #tpu.memory_space<semaphore_mem>>) src(%dma_wait3A_391 : memref<10240x64xf32, #tpu.memory_space<hbm>>) dst(%arg14 : memref<128x64xf32, #tpu.memory_space<vmem>>)
      %dma_wait3A_392 = arith.constant 0 : i32
      %dma_wait3A_393 = arith.constant 0 : i32
      %dma_wait3A_394 = tpu.memref_slice %arg12[%dma_wait3A_392, %dma_wait3A_393] : memref<160x128xi32, #tpu.memory_space<vmem>> -> memref<1x128xi32, #tpu.memory_space<vmem>>
      %dma_wait3A_395 = tpu.memref_squeeze %dma_wait3A_394 : memref<1x128xi32, #tpu.memory_space<vmem>> -> memref<128xi32, #tpu.memory_space<vmem>>
      %dma_wait3A_396 = arith.constant 0 : i32
      %dma_wait3A_397 = arith.constant 0 : i32
      %dma_wait3A_398 = tpu.memref_slice %arg3[%dma_wait3A_396, %dma_wait3A_397] : memref<10240x64xf32, #tpu.memory_space<hbm>> -> memref<10240x64xf32, #tpu.memory_space<hbm>>
      tpu.wait_indirect_dma semaphore(%arg21 : memref<!tpu.dma_semaphore, #tpu.memory_space<semaphore_mem>>) src(%dma_wait3A_398 : memref<10240x64xf32, #tpu.memory_space<hbm>>) dst(%arg15 : memref<128x64xf32, #tpu.memory_space<vmem>>)
      %dma_wait3A_399 = arith.constant 0 : i32
      %dma_wait3A_400 = arith.constant 0 : i32
      %dma_wait3A_401 = tpu.memref_slice %arg12[%dma_wait3A_399, %dma_wait3A_400] : memref<160x128xi32, #tpu.memory_space<vmem>> -> memref<1x128xi32, #tpu.memory_space<vmem>>
      %dma_wait3A_402 = tpu.memref_squeeze %dma_wait3A_401 : memref<1x128xi32, #tpu.memory_space<vmem>> -> memref<128xi32, #tpu.memory_space<vmem>>
      %dma_wait3A_403 = arith.constant 0 : i32
      %dma_wait3A_404 = arith.constant 0 : i32
      %dma_wait3A_405 = tpu.memref_slice %arg3[%dma_wait3A_403, %dma_wait3A_404] : memref<10240x64xf32, #tpu.memory_space<hbm>> -> memref<10240x64xf32, #tpu.memory_space<hbm>>
      tpu.wait_indirect_dma semaphore(%arg22 : memref<!tpu.dma_semaphore, #tpu.memory_space<semaphore_mem>>) src(%dma_wait3A_405 : memref<10240x64xf32, #tpu.memory_space<hbm>>) dst(%arg16 : memref<128x64xf32, #tpu.memory_space<vmem>>)
      %dma_wait3A_406 = arith.constant 0 : i32
      %dma_wait3A_407 = arith.constant 0 : i32
      %dma_wait3A_408 = tpu.memref_slice %arg12[%dma_wait3A_406, %dma_wait3A_407] : memref<160x128xi32, #tpu.memory_space<vmem>> -> memref<1x128xi32, #tpu.memory_space<vmem>>
      %dma_wait3A_409 = tpu.memref_squeeze %dma_wait3A_408 : memref<1x128xi32, #tpu.memory_space<vmem>> -> memref<128xi32, #tpu.memory_space<vmem>>
      %dma_wait3A_410 = arith.constant 0 : i32
      %dma_wait3A_411 = arith.constant 0 : i32
      %dma_wait3A_412 = tpu.memref_slice %arg3[%dma_wait3A_410, %dma_wait3A_411] : memref<10240x64xf32, #tpu.memory_space<hbm>> -> memref<10240x64xf32, #tpu.memory_space<hbm>>
      tpu.wait_indirect_dma semaphore(%arg23 : memref<!tpu.dma_semaphore, #tpu.memory_space<semaphore_mem>>) src(%dma_wait3A_412 : memref<10240x64xf32, #tpu.memory_space<hbm>>) dst(%arg17 : memref<128x64xf32, #tpu.memory_space<vmem>>)
      %barrier3A_413 = arith.constant 0 : index
      tpu.barrier barrier_id(%barrier3A_413)
      "tpu.region"() ({
        %run_scoped3A = tpu.sem_alloc : memref<!tpu.dma_semaphore, #tpu.memory_space<semaphore_mem>>
        %dma_start3A_414 = arith.constant 0 : i32
        %dma_start3A_415 = tpu.memref_slice %arg9[%mul3A_209, %dma_start3A_414] : memref<10240x64xf32, #tpu.memory_space<hbm>> -> memref<640x64xf32, #tpu.memory_space<hbm>>
        %dma_start3A_416 = arith.constant 0 : i32
        %dma_start3A_417 = tpu.memref_slice %arg19[%mul3A_209, %dma_start3A_416] : memref<10240x64xf32, #tpu.memory_space<vmem_shared>> -> memref<640x64xf32, #tpu.memory_space<vmem_shared>>
        tpu.enqueue_dma source(%dma_start3A_417 : memref<640x64xf32, #tpu.memory_space<vmem_shared>>) target(%dma_start3A_415 : memref<640x64xf32, #tpu.memory_space<hbm>>) target_semaphore(%run_scoped3A : memref<!tpu.dma_semaphore, #tpu.memory_space<semaphore_mem>>)
        %dma_wait3A_418 = arith.constant 0 : i32
        %dma_wait3A_419 = tpu.memref_slice %arg9[%mul3A_209, %dma_wait3A_418] : memref<10240x64xf32, #tpu.memory_space<hbm>> -> memref<640x64xf32, #tpu.memory_space<hbm>>
        %dma_wait3A_420 = arith.constant 0 : i32
        %dma_wait3A_421 = tpu.memref_slice %arg19[%mul3A_209, %dma_wait3A_420] : memref<10240x64xf32, #tpu.memory_space<vmem_shared>> -> memref<640x64xf32, #tpu.memory_space<vmem_shared>>
        tpu.wait_dma2 semaphore(%run_scoped3A : memref<!tpu.dma_semaphore, #tpu.memory_space<semaphore_mem>>) src(%dma_wait3A_421 : memref<640x64xf32, #tpu.memory_space<vmem_shared>>) dst(%dma_wait3A_419 : memref<640x64xf32, #tpu.memory_space<hbm>>)
        tpu.yield
      }) : () -> ()
    } else {
    }
    %eq3A_2 = arith.constant 1 : i32
    %eq3A_3 = arith.cmpi eq, %arg0, %eq3A_2 : i32
    %convert_element_type3A_4 = arith.extui %eq3A_3 : i1 to i32
    %cond3A_5 = arith.constant 0 : i32
    %cond3A_6 = arith.cmpi ne, %convert_element_type3A_4, %cond3A_5 : i32
    scf.if %cond3A_6 {
      %mul3A = arith.constant 640 : i32
      %mul3A_7 = arith.muli %arg1, %mul3A : i32
      "tpu.region"() ({
        %run_scoped3A = tpu.sem_alloc : memref<!tpu.dma_semaphore, #tpu.memory_space<semaphore_mem>>
        %dma_start3A_414 = arith.constant 0 : i32
        %dma_start3A_415 = tpu.memref_slice %arg19[%mul3A_7, %dma_start3A_414] : memref<10240x64xf32, #tpu.memory_space<vmem_shared>> -> memref<640x64xf32, #tpu.memory_space<vmem_shared>>
        %dma_start3A_416 = arith.constant 0 : i32
        %dma_start3A_417 = tpu.memref_slice %arg4[%mul3A_7, %dma_start3A_416] : memref<10240x64xf32, #tpu.memory_space<hbm>> -> memref<640x64xf32, #tpu.memory_space<hbm>>
        tpu.enqueue_dma source(%dma_start3A_417 : memref<640x64xf32, #tpu.memory_space<hbm>>) target(%dma_start3A_415 : memref<640x64xf32, #tpu.memory_space<vmem_shared>>) target_semaphore(%run_scoped3A : memref<!tpu.dma_semaphore, #tpu.memory_space<semaphore_mem>>)
        %dma_wait3A_418 = arith.constant 0 : i32
        %dma_wait3A_419 = tpu.memref_slice %arg19[%mul3A_7, %dma_wait3A_418] : memref<10240x64xf32, #tpu.memory_space<vmem_shared>> -> memref<640x64xf32, #tpu.memory_space<vmem_shared>>
        %dma_wait3A_420 = arith.constant 0 : i32
        %dma_wait3A_421 = tpu.memref_slice %arg4[%mul3A_7, %dma_wait3A_420] : memref<10240x64xf32, #tpu.memory_space<hbm>> -> memref<640x64xf32, #tpu.memory_space<hbm>>
        tpu.wait_dma2 semaphore(%run_scoped3A : memref<!tpu.dma_semaphore, #tpu.memory_space<semaphore_mem>>) src(%dma_wait3A_421 : memref<640x64xf32, #tpu.memory_space<hbm>>) dst(%dma_wait3A_419 : memref<640x64xf32, #tpu.memory_space<vmem_shared>>)
        tpu.yield
      }) : () -> ()
      %barrier3A = arith.constant 0 : index
      tpu.barrier barrier_id(%barrier3A)
      %dma_start3A = arith.constant 0 : i32
      %dma_start3A_8 = arith.constant 0 : i32
      %dma_start3A_9 = tpu.memref_slice %arg12[%dma_start3A, %dma_start3A_8] : memref<160x128xi32, #tpu.memory_space<vmem>> -> memref<1x128xi32, #tpu.memory_space<vmem>>
      %dma_start3A_10 = tpu.memref_squeeze %dma_start3A_9 : memref<1x128xi32, #tpu.memory_space<vmem>> -> memref<128xi32, #tpu.memory_space<vmem>>
      %dma_start3A_11 = arith.constant 0 : i32
      %dma_start3A_12 = arith.constant 0 : i32
      %dma_start3A_13 = tpu.memref_slice %arg4[%dma_start3A_11, %dma_start3A_12] : memref<10240x64xf32, #tpu.memory_space<hbm>> -> memref<10240x64xf32, #tpu.memory_space<hbm>>
      tpu.enqueue_indirect_dma source(%dma_start3A_13 : memref<10240x64xf32, #tpu.memory_space<hbm>>) target(%arg14 : memref<128x64xf32, #tpu.memory_space<vmem>>) offsets(%dma_start3A_10 : memref<128xi32, #tpu.memory_space<vmem>>) semaphore(%arg20 : memref<!tpu.dma_semaphore, #tpu.memory_space<semaphore_mem>>)
      %dma_start3A_14 = arith.constant 1 : i32
      %dma_start3A_15 = arith.constant 0 : i32
      %dma_start3A_16 = tpu.memref_slice %arg12[%dma_start3A_14, %dma_start3A_15] : memref<160x128xi32, #tpu.memory_space<vmem>> -> memref<1x128xi32, #tpu.memory_space<vmem>>
      %dma_start3A_17 = tpu.memref_squeeze %dma_start3A_16 : memref<1x128xi32, #tpu.memory_space<vmem>> -> memref<128xi32, #tpu.memory_space<vmem>>
      %dma_start3A_18 = arith.constant 0 : i32
      %dma_start3A_19 = arith.constant 0 : i32
      %dma_start3A_20 = tpu.memref_slice %arg4[%dma_start3A_18, %dma_start3A_19] : memref<10240x64xf32, #tpu.memory_space<hbm>> -> memref<10240x64xf32, #tpu.memory_space<hbm>>
      tpu.enqueue_indirect_dma source(%dma_start3A_20 : memref<10240x64xf32, #tpu.memory_space<hbm>>) target(%arg15 : memref<128x64xf32, #tpu.memory_space<vmem>>) offsets(%dma_start3A_17 : memref<128xi32, #tpu.memory_space<vmem>>) semaphore(%arg21 : memref<!tpu.dma_semaphore, #tpu.memory_space<semaphore_mem>>)
      %dma_start3A_21 = arith.constant 2 : i32
      %dma_start3A_22 = arith.constant 0 : i32
      %dma_start3A_23 = tpu.memref_slice %arg12[%dma_start3A_21, %dma_start3A_22] : memref<160x128xi32, #tpu.memory_space<vmem>> -> memref<1x128xi32, #tpu.memory_space<vmem>>
      %dma_start3A_24 = tpu.memref_squeeze %dma_start3A_23 : memref<1x128xi32, #tpu.memory_space<vmem>> -> memref<128xi32, #tpu.memory_space<vmem>>
      %dma_start3A_25 = arith.constant 0 : i32
      %dma_start3A_26 = arith.constant 0 : i32
      %dma_start3A_27 = tpu.memref_slice %arg4[%dma_start3A_25, %dma_start3A_26] : memref<10240x64xf32, #tpu.memory_space<hbm>> -> memref<10240x64xf32, #tpu.memory_space<hbm>>
      tpu.enqueue_indirect_dma source(%dma_start3A_27 : memref<10240x64xf32, #tpu.memory_space<hbm>>) target(%arg16 : memref<128x64xf32, #tpu.memory_space<vmem>>) offsets(%dma_start3A_24 : memref<128xi32, #tpu.memory_space<vmem>>) semaphore(%arg22 : memref<!tpu.dma_semaphore, #tpu.memory_space<semaphore_mem>>)
      %dma_start3A_28 = arith.constant 3 : i32
      %dma_start3A_29 = arith.constant 0 : i32
      %dma_start3A_30 = tpu.memref_slice %arg12[%dma_start3A_28, %dma_start3A_29] : memref<160x128xi32, #tpu.memory_space<vmem>> -> memref<1x128xi32, #tpu.memory_space<vmem>>
      %dma_start3A_31 = tpu.memref_squeeze %dma_start3A_30 : memref<1x128xi32, #tpu.memory_space<vmem>> -> memref<128xi32, #tpu.memory_space<vmem>>
      %dma_start3A_32 = arith.constant 0 : i32
      %dma_start3A_33 = arith.constant 0 : i32
      %dma_start3A_34 = tpu.memref_slice %arg4[%dma_start3A_32, %dma_start3A_33] : memref<10240x64xf32, #tpu.memory_space<hbm>> -> memref<10240x64xf32, #tpu.memory_space<hbm>>
      tpu.enqueue_indirect_dma source(%dma_start3A_34 : memref<10240x64xf32, #tpu.memory_space<hbm>>) target(%arg17 : memref<128x64xf32, #tpu.memory_space<vmem>>) offsets(%dma_start3A_31 : memref<128xi32, #tpu.memory_space<vmem>>) semaphore(%arg23 : memref<!tpu.dma_semaphore, #tpu.memory_space<semaphore_mem>>)
      %dma_wait3A = arith.constant 0 : i32
      %dma_wait3A_35 = arith.constant 0 : i32
      %dma_wait3A_36 = tpu.memref_slice %arg12[%dma_wait3A, %dma_wait3A_35] : memref<160x128xi32, #tpu.memory_space<vmem>> -> memref<1x128xi32, #tpu.memory_space<vmem>>
      %dma_wait3A_37 = tpu.memref_squeeze %dma_wait3A_36 : memref<1x128xi32, #tpu.memory_space<vmem>> -> memref<128xi32, #tpu.memory_space<vmem>>
      %dma_wait3A_38 = arith.constant 0 : i32
      %dma_wait3A_39 = arith.constant 0 : i32
      %dma_wait3A_40 = tpu.memref_slice %arg4[%dma_wait3A_38, %dma_wait3A_39] : memref<10240x64xf32, #tpu.memory_space<hbm>> -> memref<10240x64xf32, #tpu.memory_space<hbm>>
      tpu.wait_indirect_dma semaphore(%arg20 : memref<!tpu.dma_semaphore, #tpu.memory_space<semaphore_mem>>) src(%dma_wait3A_40 : memref<10240x64xf32, #tpu.memory_space<hbm>>) dst(%arg14 : memref<128x64xf32, #tpu.memory_space<vmem>>)
      %dma_start3A_41 = arith.constant 0 : i32
      %dma_start3A_42 = arith.constant 0 : i32
      %dma_start3A_43 = tpu.memref_slice %arg13[%dma_start3A_41, %dma_start3A_42] : memref<160x128xi32, #tpu.memory_space<vmem>> -> memref<1x128xi32, #tpu.memory_space<vmem>>
      %dma_start3A_44 = tpu.memref_squeeze %dma_start3A_43 : memref<1x128xi32, #tpu.memory_space<vmem>> -> memref<128xi32, #tpu.memory_space<vmem>>
      %dma_start3A_45 = arith.constant 0 : i32
      %dma_start3A_46 = arith.constant 0 : i32
      %dma_start3A_47 = tpu.memref_slice %arg19[%dma_start3A_45, %dma_start3A_46] : memref<10240x64xf32, #tpu.memory_space<vmem_shared>> -> memref<10240x64xf32, #tpu.memory_space<vmem_shared>>
      tpu.enqueue_indirect_dma source(%arg14 : memref<128x64xf32, #tpu.memory_space<vmem>>) target(%dma_start3A_47 : memref<10240x64xf32, #tpu.memory_space<vmem_shared>>) offsets(%dma_start3A_44 : memref<128xi32, #tpu.memory_space<vmem>>) semaphore(%arg25 : memref<!tpu.dma_semaphore, #tpu.memory_space<semaphore_mem>>) {add = true}
      %dma_start3A_48 = arith.constant 4 : i32
      %dma_start3A_49 = arith.constant 0 : i32
      %dma_start3A_50 = tpu.memref_slice %arg12[%dma_start3A_48, %dma_start3A_49] : memref<160x128xi32, #tpu.memory_space<vmem>> -> memref<1x128xi32, #tpu.memory_space<vmem>>
      %dma_start3A_51 = tpu.memref_squeeze %dma_start3A_50 : memref<1x128xi32, #tpu.memory_space<vmem>> -> memref<128xi32, #tpu.memory_space<vmem>>
      %dma_start3A_52 = arith.constant 0 : i32
      %dma_start3A_53 = arith.constant 0 : i32
      %dma_start3A_54 = tpu.memref_slice %arg4[%dma_start3A_52, %dma_start3A_53] : memref<10240x64xf32, #tpu.memory_space<hbm>> -> memref<10240x64xf32, #tpu.memory_space<hbm>>
      tpu.enqueue_indirect_dma source(%dma_start3A_54 : memref<10240x64xf32, #tpu.memory_space<hbm>>) target(%arg18 : memref<128x64xf32, #tpu.memory_space<vmem>>) offsets(%dma_start3A_51 : memref<128xi32, #tpu.memory_space<vmem>>) semaphore(%arg24 : memref<!tpu.dma_semaphore, #tpu.memory_space<semaphore_mem>>)
      %dma_wait3A_55 = arith.constant 0 : i32
      %dma_wait3A_56 = arith.constant 0 : i32
      %dma_wait3A_57 = tpu.memref_slice %arg12[%dma_wait3A_55, %dma_wait3A_56] : memref<160x128xi32, #tpu.memory_space<vmem>> -> memref<1x128xi32, #tpu.memory_space<vmem>>
      %dma_wait3A_58 = tpu.memref_squeeze %dma_wait3A_57 : memref<1x128xi32, #tpu.memory_space<vmem>> -> memref<128xi32, #tpu.memory_space<vmem>>
      %dma_wait3A_59 = arith.constant 0 : i32
      %dma_wait3A_60 = arith.constant 0 : i32
      %dma_wait3A_61 = tpu.memref_slice %arg4[%dma_wait3A_59, %dma_wait3A_60] : memref<10240x64xf32, #tpu.memory_space<hbm>> -> memref<10240x64xf32, #tpu.memory_space<hbm>>
      tpu.wait_indirect_dma semaphore(%arg21 : memref<!tpu.dma_semaphore, #tpu.memory_space<semaphore_mem>>) src(%dma_wait3A_61 : memref<10240x64xf32, #tpu.memory_space<hbm>>) dst(%arg15 : memref<128x64xf32, #tpu.memory_space<vmem>>)
      %dma_start3A_62 = arith.constant 1 : i32
      %dma_start3A_63 = arith.constant 0 : i32
      %dma_start3A_64 = tpu.memref_slice %arg13[%dma_start3A_62, %dma_start3A_63] : memref<160x128xi32, #tpu.memory_space<vmem>> -> memref<1x128xi32, #tpu.memory_space<vmem>>
      %dma_start3A_65 = tpu.memref_squeeze %dma_start3A_64 : memref<1x128xi32, #tpu.memory_space<vmem>> -> memref<128xi32, #tpu.memory_space<vmem>>
      %dma_start3A_66 = arith.constant 0 : i32
      %dma_start3A_67 = arith.constant 0 : i32
      %dma_start3A_68 = tpu.memref_slice %arg19[%dma_start3A_66, %dma_start3A_67] : memref<10240x64xf32, #tpu.memory_space<vmem_shared>> -> memref<10240x64xf32, #tpu.memory_space<vmem_shared>>
      tpu.enqueue_indirect_dma source(%arg15 : memref<128x64xf32, #tpu.memory_space<vmem>>) target(%dma_start3A_68 : memref<10240x64xf32, #tpu.memory_space<vmem_shared>>) offsets(%dma_start3A_65 : memref<128xi32, #tpu.memory_space<vmem>>) semaphore(%arg26 : memref<!tpu.dma_semaphore, #tpu.memory_space<semaphore_mem>>) {add = true}
      %dma_wait3A_69 = arith.constant 0 : i32
      %dma_wait3A_70 = arith.constant 0 : i32
      %dma_wait3A_71 = tpu.memref_slice %arg13[%dma_wait3A_69, %dma_wait3A_70] : memref<160x128xi32, #tpu.memory_space<vmem>> -> memref<1x128xi32, #tpu.memory_space<vmem>>
      %dma_wait3A_72 = tpu.memref_squeeze %dma_wait3A_71 : memref<1x128xi32, #tpu.memory_space<vmem>> -> memref<128xi32, #tpu.memory_space<vmem>>
      %dma_wait3A_73 = arith.constant 0 : i32
      %dma_wait3A_74 = arith.constant 0 : i32
      %dma_wait3A_75 = tpu.memref_slice %arg19[%dma_wait3A_73, %dma_wait3A_74] : memref<10240x64xf32, #tpu.memory_space<vmem_shared>> -> memref<10240x64xf32, #tpu.memory_space<vmem_shared>>
      tpu.wait_indirect_dma semaphore(%arg25 : memref<!tpu.dma_semaphore, #tpu.memory_space<semaphore_mem>>) src(%arg14 : memref<128x64xf32, #tpu.memory_space<vmem>>) dst(%dma_wait3A_75 : memref<10240x64xf32, #tpu.memory_space<vmem_shared>>)
      %dma_start3A_76 = arith.constant 5 : i32
      %dma_start3A_77 = arith.constant 0 : i32
      %dma_start3A_78 = tpu.memref_slice %arg12[%dma_start3A_76, %dma_start3A_77] : memref<160x128xi32, #tpu.memory_space<vmem>> -> memref<1x128xi32, #tpu.memory_space<vmem>>
      %dma_start3A_79 = tpu.memref_squeeze %dma_start3A_78 : memref<1x128xi32, #tpu.memory_space<vmem>> -> memref<128xi32, #tpu.memory_space<vmem>>
      %dma_start3A_80 = arith.constant 0 : i32
      %dma_start3A_81 = arith.constant 0 : i32
      %dma_start3A_82 = tpu.memref_slice %arg4[%dma_start3A_80, %dma_start3A_81] : memref<10240x64xf32, #tpu.memory_space<hbm>> -> memref<10240x64xf32, #tpu.memory_space<hbm>>
      tpu.enqueue_indirect_dma source(%dma_start3A_82 : memref<10240x64xf32, #tpu.memory_space<hbm>>) target(%arg14 : memref<128x64xf32, #tpu.memory_space<vmem>>) offsets(%dma_start3A_79 : memref<128xi32, #tpu.memory_space<vmem>>) semaphore(%arg20 : memref<!tpu.dma_semaphore, #tpu.memory_space<semaphore_mem>>)
      %dma_wait3A_83 = arith.constant 0 : i32
      %dma_wait3A_84 = arith.constant 0 : i32
      %dma_wait3A_85 = tpu.memref_slice %arg12[%dma_wait3A_83, %dma_wait3A_84] : memref<160x128xi32, #tpu.memory_space<vmem>> -> memref<1x128xi32, #tpu.memory_space<vmem>>
      %dma_wait3A_86 = tpu.memref_squeeze %dma_wait3A_85 : memref<1x128xi32, #tpu.memory_space<vmem>> -> memref<128xi32, #tpu.memory_space<vmem>>
      %dma_wait3A_87 = arith.constant 0 : i32
      %dma_wait3A_88 = arith.constant 0 : i32
      %dma_wait3A_89 = tpu.memref_slice %arg4[%dma_wait3A_87, %dma_wait3A_88] : memref<10240x64xf32, #tpu.memory_space<hbm>> -> memref<10240x64xf32, #tpu.memory_space<hbm>>
      tpu.wait_indirect_dma semaphore(%arg22 : memref<!tpu.dma_semaphore, #tpu.memory_space<semaphore_mem>>) src(%dma_wait3A_89 : memref<10240x64xf32, #tpu.memory_space<hbm>>) dst(%arg16 : memref<128x64xf32, #tpu.memory_space<vmem>>)
      %dma_start3A_90 = arith.constant 2 : i32
      %dma_start3A_91 = arith.constant 0 : i32
      %dma_start3A_92 = tpu.memref_slice %arg13[%dma_start3A_90, %dma_start3A_91] : memref<160x128xi32, #tpu.memory_space<vmem>> -> memref<1x128xi32, #tpu.memory_space<vmem>>
      %dma_start3A_93 = tpu.memref_squeeze %dma_start3A_92 : memref<1x128xi32, #tpu.memory_space<vmem>> -> memref<128xi32, #tpu.memory_space<vmem>>
      %dma_start3A_94 = arith.constant 0 : i32
      %dma_start3A_95 = arith.constant 0 : i32
      %dma_start3A_96 = tpu.memref_slice %arg19[%dma_start3A_94, %dma_start3A_95] : memref<10240x64xf32, #tpu.memory_space<vmem_shared>> -> memref<10240x64xf32, #tpu.memory_space<vmem_shared>>
      tpu.enqueue_indirect_dma source(%arg16 : memref<128x64xf32, #tpu.memory_space<vmem>>) target(%dma_start3A_96 : memref<10240x64xf32, #tpu.memory_space<vmem_shared>>) offsets(%dma_start3A_93 : memref<128xi32, #tpu.memory_space<vmem>>) semaphore(%arg27 : memref<!tpu.dma_semaphore, #tpu.memory_space<semaphore_mem>>) {add = true}
      %dma_wait3A_97 = arith.constant 0 : i32
      %dma_wait3A_98 = arith.constant 0 : i32
      %dma_wait3A_99 = tpu.memref_slice %arg13[%dma_wait3A_97, %dma_wait3A_98] : memref<160x128xi32, #tpu.memory_space<vmem>> -> memref<1x128xi32, #tpu.memory_space<vmem>>
      %dma_wait3A_100 = tpu.memref_squeeze %dma_wait3A_99 : memref<1x128xi32, #tpu.memory_space<vmem>> -> memref<128xi32, #tpu.memory_space<vmem>>
      %dma_wait3A_101 = arith.constant 0 : i32
      %dma_wait3A_102 = arith.constant 0 : i32
      %dma_wait3A_103 = tpu.memref_slice %arg19[%dma_wait3A_101, %dma_wait3A_102] : memref<10240x64xf32, #tpu.memory_space<vmem_shared>> -> memref<10240x64xf32, #tpu.memory_space<vmem_shared>>
      tpu.wait_indirect_dma semaphore(%arg26 : memref<!tpu.dma_semaphore, #tpu.memory_space<semaphore_mem>>) src(%arg15 : memref<128x64xf32, #tpu.memory_space<vmem>>) dst(%dma_wait3A_103 : memref<10240x64xf32, #tpu.memory_space<vmem_shared>>)
      %dma_start3A_104 = arith.constant 6 : i32
      %dma_start3A_105 = arith.constant 0 : i32
      %dma_start3A_106 = tpu.memref_slice %arg12[%dma_start3A_104, %dma_start3A_105] : memref<160x128xi32, #tpu.memory_space<vmem>> -> memref<1x128xi32, #tpu.memory_space<vmem>>
      %dma_start3A_107 = tpu.memref_squeeze %dma_start3A_106 : memref<1x128xi32, #tpu.memory_space<vmem>> -> memref<128xi32, #tpu.memory_space<vmem>>
      %dma_start3A_108 = arith.constant 0 : i32
      %dma_start3A_109 = arith.constant 0 : i32
      %dma_start3A_110 = tpu.memref_slice %arg4[%dma_start3A_108, %dma_start3A_109] : memref<10240x64xf32, #tpu.memory_space<hbm>> -> memref<10240x64xf32, #tpu.memory_space<hbm>>
      tpu.enqueue_indirect_dma source(%dma_start3A_110 : memref<10240x64xf32, #tpu.memory_space<hbm>>) target(%arg15 : memref<128x64xf32, #tpu.memory_space<vmem>>) offsets(%dma_start3A_107 : memref<128xi32, #tpu.memory_space<vmem>>) semaphore(%arg21 : memref<!tpu.dma_semaphore, #tpu.memory_space<semaphore_mem>>)
      %dma_wait3A_111 = arith.constant 0 : i32
      %dma_wait3A_112 = arith.constant 0 : i32
      %dma_wait3A_113 = tpu.memref_slice %arg12[%dma_wait3A_111, %dma_wait3A_112] : memref<160x128xi32, #tpu.memory_space<vmem>> -> memref<1x128xi32, #tpu.memory_space<vmem>>
      %dma_wait3A_114 = tpu.memref_squeeze %dma_wait3A_113 : memref<1x128xi32, #tpu.memory_space<vmem>> -> memref<128xi32, #tpu.memory_space<vmem>>
      %dma_wait3A_115 = arith.constant 0 : i32
      %dma_wait3A_116 = arith.constant 0 : i32
      %dma_wait3A_117 = tpu.memref_slice %arg4[%dma_wait3A_115, %dma_wait3A_116] : memref<10240x64xf32, #tpu.memory_space<hbm>> -> memref<10240x64xf32, #tpu.memory_space<hbm>>
      tpu.wait_indirect_dma semaphore(%arg23 : memref<!tpu.dma_semaphore, #tpu.memory_space<semaphore_mem>>) src(%dma_wait3A_117 : memref<10240x64xf32, #tpu.memory_space<hbm>>) dst(%arg17 : memref<128x64xf32, #tpu.memory_space<vmem>>)
      %dma_start3A_118 = arith.constant 3 : i32
      %dma_start3A_119 = arith.constant 0 : i32
      %dma_start3A_120 = tpu.memref_slice %arg13[%dma_start3A_118, %dma_start3A_119] : memref<160x128xi32, #tpu.memory_space<vmem>> -> memref<1x128xi32, #tpu.memory_space<vmem>>
      %dma_start3A_121 = tpu.memref_squeeze %dma_start3A_120 : memref<1x128xi32, #tpu.memory_space<vmem>> -> memref<128xi32, #tpu.memory_space<vmem>>
      %dma_start3A_122 = arith.constant 0 : i32
      %dma_start3A_123 = arith.constant 0 : i32
      %dma_start3A_124 = tpu.memref_slice %arg19[%dma_start3A_122, %dma_start3A_123] : memref<10240x64xf32, #tpu.memory_space<vmem_shared>> -> memref<10240x64xf32, #tpu.memory_space<vmem_shared>>
      tpu.enqueue_indirect_dma source(%arg17 : memref<128x64xf32, #tpu.memory_space<vmem>>) target(%dma_start3A_124 : memref<10240x64xf32, #tpu.memory_space<vmem_shared>>) offsets(%dma_start3A_121 : memref<128xi32, #tpu.memory_space<vmem>>) semaphore(%arg28 : memref<!tpu.dma_semaphore, #tpu.memory_space<semaphore_mem>>) {add = true}
      %dma_wait3A_125 = arith.constant 0 : i32
      %dma_wait3A_126 = arith.constant 0 : i32
      %dma_wait3A_127 = tpu.memref_slice %arg13[%dma_wait3A_125, %dma_wait3A_126] : memref<160x128xi32, #tpu.memory_space<vmem>> -> memref<1x128xi32, #tpu.memory_space<vmem>>
      %dma_wait3A_128 = tpu.memref_squeeze %dma_wait3A_127 : memref<1x128xi32, #tpu.memory_space<vmem>> -> memref<128xi32, #tpu.memory_space<vmem>>
      %dma_wait3A_129 = arith.constant 0 : i32
      %dma_wait3A_130 = arith.constant 0 : i32
      %dma_wait3A_131 = tpu.memref_slice %arg19[%dma_wait3A_129, %dma_wait3A_130] : memref<10240x64xf32, #tpu.memory_space<vmem_shared>> -> memref<10240x64xf32, #tpu.memory_space<vmem_shared>>
      tpu.wait_indirect_dma semaphore(%arg27 : memref<!tpu.dma_semaphore, #tpu.memory_space<semaphore_mem>>) src(%arg16 : memref<128x64xf32, #tpu.memory_space<vmem>>) dst(%dma_wait3A_131 : memref<10240x64xf32, #tpu.memory_space<vmem_shared>>)
      %dma_start3A_132 = arith.constant 7 : i32
      %dma_start3A_133 = arith.constant 0 : i32
      %dma_start3A_134 = tpu.memref_slice %arg12[%dma_start3A_132, %dma_start3A_133] : memref<160x128xi32, #tpu.memory_space<vmem>> -> memref<1x128xi32, #tpu.memory_space<vmem>>
      %dma_start3A_135 = tpu.memref_squeeze %dma_start3A_134 : memref<1x128xi32, #tpu.memory_space<vmem>> -> memref<128xi32, #tpu.memory_space<vmem>>
      %dma_start3A_136 = arith.constant 0 : i32
      %dma_start3A_137 = arith.constant 0 : i32
      %dma_start3A_138 = tpu.memref_slice %arg4[%dma_start3A_136, %dma_start3A_137] : memref<10240x64xf32, #tpu.memory_space<hbm>> -> memref<10240x64xf32, #tpu.memory_space<hbm>>
      tpu.enqueue_indirect_dma source(%dma_start3A_138 : memref<10240x64xf32, #tpu.memory_space<hbm>>) target(%arg16 : memref<128x64xf32, #tpu.memory_space<vmem>>) offsets(%dma_start3A_135 : memref<128xi32, #tpu.memory_space<vmem>>) semaphore(%arg22 : memref<!tpu.dma_semaphore, #tpu.memory_space<semaphore_mem>>)
      %dma_wait3A_139 = arith.constant 0 : i32
      %dma_wait3A_140 = arith.constant 0 : i32
      %dma_wait3A_141 = tpu.memref_slice %arg12[%dma_wait3A_139, %dma_wait3A_140] : memref<160x128xi32, #tpu.memory_space<vmem>> -> memref<1x128xi32, #tpu.memory_space<vmem>>
      %dma_wait3A_142 = tpu.memref_squeeze %dma_wait3A_141 : memref<1x128xi32, #tpu.memory_space<vmem>> -> memref<128xi32, #tpu.memory_space<vmem>>
      %dma_wait3A_143 = arith.constant 0 : i32
      %dma_wait3A_144 = arith.constant 0 : i32
      %dma_wait3A_145 = tpu.memref_slice %arg4[%dma_wait3A_143, %dma_wait3A_144] : memref<10240x64xf32, #tpu.memory_space<hbm>> -> memref<10240x64xf32, #tpu.memory_space<hbm>>
      tpu.wait_indirect_dma semaphore(%arg24 : memref<!tpu.dma_semaphore, #tpu.memory_space<semaphore_mem>>) src(%dma_wait3A_145 : memref<10240x64xf32, #tpu.memory_space<hbm>>) dst(%arg18 : memref<128x64xf32, #tpu.memory_space<vmem>>)
      %dma_start3A_146 = arith.constant 4 : i32
      %dma_start3A_147 = arith.constant 0 : i32
      %dma_start3A_148 = tpu.memref_slice %arg13[%dma_start3A_146, %dma_start3A_147] : memref<160x128xi32, #tpu.memory_space<vmem>> -> memref<1x128xi32, #tpu.memory_space<vmem>>
      %dma_start3A_149 = tpu.memref_squeeze %dma_start3A_148 : memref<1x128xi32, #tpu.memory_space<vmem>> -> memref<128xi32, #tpu.memory_space<vmem>>
      %dma_start3A_150 = arith.constant 0 : i32
      %dma_start3A_151 = arith.constant 0 : i32
      %dma_start3A_152 = tpu.memref_slice %arg19[%dma_start3A_150, %dma_start3A_151] : memref<10240x64xf32, #tpu.memory_space<vmem_shared>> -> memref<10240x64xf32, #tpu.memory_space<vmem_shared>>
      tpu.enqueue_indirect_dma source(%arg18 : memref<128x64xf32, #tpu.memory_space<vmem>>) target(%dma_start3A_152 : memref<10240x64xf32, #tpu.memory_space<vmem_shared>>) offsets(%dma_start3A_149 : memref<128xi32, #tpu.memory_space<vmem>>) semaphore(%arg29 : memref<!tpu.dma_semaphore, #tpu.memory_space<semaphore_mem>>) {add = true}
      %dma_wait3A_153 = arith.constant 0 : i32
      %dma_wait3A_154 = arith.constant 0 : i32
      %dma_wait3A_155 = tpu.memref_slice %arg13[%dma_wait3A_153, %dma_wait3A_154] : memref<160x128xi32, #tpu.memory_space<vmem>> -> memref<1x128xi32, #tpu.memory_space<vmem>>
      %dma_wait3A_156 = tpu.memref_squeeze %dma_wait3A_155 : memref<1x128xi32, #tpu.memory_space<vmem>> -> memref<128xi32, #tpu.memory_space<vmem>>
      %dma_wait3A_157 = arith.constant 0 : i32
      %dma_wait3A_158 = arith.constant 0 : i32
      %dma_wait3A_159 = tpu.memref_slice %arg19[%dma_wait3A_157, %dma_wait3A_158] : memref<10240x64xf32, #tpu.memory_space<vmem_shared>> -> memref<10240x64xf32, #tpu.memory_space<vmem_shared>>
      tpu.wait_indirect_dma semaphore(%arg28 : memref<!tpu.dma_semaphore, #tpu.memory_space<semaphore_mem>>) src(%arg17 : memref<128x64xf32, #tpu.memory_space<vmem>>) dst(%dma_wait3A_159 : memref<10240x64xf32, #tpu.memory_space<vmem_shared>>)
      %dma_start3A_160 = arith.constant 8 : i32
      %dma_start3A_161 = arith.constant 0 : i32
      %dma_start3A_162 = tpu.memref_slice %arg12[%dma_start3A_160, %dma_start3A_161] : memref<160x128xi32, #tpu.memory_space<vmem>> -> memref<1x128xi32, #tpu.memory_space<vmem>>
      %dma_start3A_163 = tpu.memref_squeeze %dma_start3A_162 : memref<1x128xi32, #tpu.memory_space<vmem>> -> memref<128xi32, #tpu.memory_space<vmem>>
      %dma_start3A_164 = arith.constant 0 : i32
      %dma_start3A_165 = arith.constant 0 : i32
      %dma_start3A_166 = tpu.memref_slice %arg4[%dma_start3A_164, %dma_start3A_165] : memref<10240x64xf32, #tpu.memory_space<hbm>> -> memref<10240x64xf32, #tpu.memory_space<hbm>>
      tpu.enqueue_indirect_dma source(%dma_start3A_166 : memref<10240x64xf32, #tpu.memory_space<hbm>>) target(%arg17 : memref<128x64xf32, #tpu.memory_space<vmem>>) offsets(%dma_start3A_163 : memref<128xi32, #tpu.memory_space<vmem>>) semaphore(%arg23 : memref<!tpu.dma_semaphore, #tpu.memory_space<semaphore_mem>>)
      %scan3A = arith.constant 0 : i32
      %scan3A_167 = arith.constant 1 : i32
      %scan3A_168 = arith.constant 31 : i32
      %scan3A_169 = arith.addi %scan3A_167, %scan3A_168 : i32
      %scan3A_170 = arith.constant 1 : i32
      scf.for %scan3A_414 = %scan3A_167 to %scan3A_169 step %scan3A_170  : i32 {
        %mul3A_415 = arith.constant 5 : i32
        %mul3A_416 = arith.muli %scan3A_414, %mul3A_415 : i32
        %add3A = arith.constant 0 : i32
        %add3A_417 = arith.addi %mul3A_416, %add3A : i32
        %dma_wait3A_418 = arith.constant 0 : i32
        %dma_wait3A_419 = arith.constant 0 : i32
        %dma_wait3A_420 = tpu.memref_slice %arg12[%dma_wait3A_418, %dma_wait3A_419] : memref<160x128xi32, #tpu.memory_space<vmem>> -> memref<1x128xi32, #tpu.memory_space<vmem>>
        %dma_wait3A_421 = tpu.memref_squeeze %dma_wait3A_420 : memref<1x128xi32, #tpu.memory_space<vmem>> -> memref<128xi32, #tpu.memory_space<vmem>>
        %dma_wait3A_422 = arith.constant 0 : i32
        %dma_wait3A_423 = arith.constant 0 : i32
        %dma_wait3A_424 = tpu.memref_slice %arg4[%dma_wait3A_422, %dma_wait3A_423] : memref<10240x64xf32, #tpu.memory_space<hbm>> -> memref<10240x64xf32, #tpu.memory_space<hbm>>
        tpu.wait_indirect_dma semaphore(%arg20 : memref<!tpu.dma_semaphore, #tpu.memory_space<semaphore_mem>>) src(%dma_wait3A_424 : memref<10240x64xf32, #tpu.memory_space<hbm>>) dst(%arg14 : memref<128x64xf32, #tpu.memory_space<vmem>>)
        %dma_start3A_425 = arith.constant 0 : i32
        %dma_start3A_426 = tpu.memref_slice %arg13[%add3A_417, %dma_start3A_425] : memref<160x128xi32, #tpu.memory_space<vmem>> -> memref<1x128xi32, #tpu.memory_space<vmem>>
        %dma_start3A_427 = tpu.memref_squeeze %dma_start3A_426 : memref<1x128xi32, #tpu.memory_space<vmem>> -> memref<128xi32, #tpu.memory_space<vmem>>
        %dma_start3A_428 = arith.constant 0 : i32
        %dma_start3A_429 = arith.constant 0 : i32
        %dma_start3A_430 = tpu.memref_slice %arg19[%dma_start3A_428, %dma_start3A_429] : memref<10240x64xf32, #tpu.memory_space<vmem_shared>> -> memref<10240x64xf32, #tpu.memory_space<vmem_shared>>
        tpu.enqueue_indirect_dma source(%arg14 : memref<128x64xf32, #tpu.memory_space<vmem>>) target(%dma_start3A_430 : memref<10240x64xf32, #tpu.memory_space<vmem_shared>>) offsets(%dma_start3A_427 : memref<128xi32, #tpu.memory_space<vmem>>) semaphore(%arg25 : memref<!tpu.dma_semaphore, #tpu.memory_space<semaphore_mem>>) {add = true}
        %dma_wait3A_431 = arith.constant 0 : i32
        %dma_wait3A_432 = arith.constant 0 : i32
        %dma_wait3A_433 = tpu.memref_slice %arg13[%dma_wait3A_431, %dma_wait3A_432] : memref<160x128xi32, #tpu.memory_space<vmem>> -> memref<1x128xi32, #tpu.memory_space<vmem>>
        %dma_wait3A_434 = tpu.memref_squeeze %dma_wait3A_433 : memref<1x128xi32, #tpu.memory_space<vmem>> -> memref<128xi32, #tpu.memory_space<vmem>>
        %dma_wait3A_435 = arith.constant 0 : i32
        %dma_wait3A_436 = arith.constant 0 : i32
        %dma_wait3A_437 = tpu.memref_slice %arg19[%dma_wait3A_435, %dma_wait3A_436] : memref<10240x64xf32, #tpu.memory_space<vmem_shared>> -> memref<10240x64xf32, #tpu.memory_space<vmem_shared>>
        tpu.wait_indirect_dma semaphore(%arg29 : memref<!tpu.dma_semaphore, #tpu.memory_space<semaphore_mem>>) src(%arg18 : memref<128x64xf32, #tpu.memory_space<vmem>>) dst(%dma_wait3A_437 : memref<10240x64xf32, #tpu.memory_space<vmem_shared>>)
        %add3A_438 = arith.constant 4 : i32
        %add3A_439 = arith.addi %add3A_417, %add3A_438 : i32
        %rem3A = arith.constant 160 : i32
        %rem3A_440 = arith.remsi %add3A_439, %rem3A : i32
        %dma_start3A_441 = arith.constant 0 : i32
        %dma_start3A_442 = tpu.memref_slice %arg12[%rem3A_440, %dma_start3A_441] : memref<160x128xi32, #tpu.memory_space<vmem>> -> memref<1x128xi32, #tpu.memory_space<vmem>>
        %dma_start3A_443 = tpu.memref_squeeze %dma_start3A_442 : memref<1x128xi32, #tpu.memory_space<vmem>> -> memref<128xi32, #tpu.memory_space<vmem>>
        %dma_start3A_444 = arith.constant 0 : i32
        %dma_start3A_445 = arith.constant 0 : i32
        %dma_start3A_446 = tpu.memref_slice %arg4[%dma_start3A_444, %dma_start3A_445] : memref<10240x64xf32, #tpu.memory_space<hbm>> -> memref<10240x64xf32, #tpu.memory_space<hbm>>
        tpu.enqueue_indirect_dma source(%dma_start3A_446 : memref<10240x64xf32, #tpu.memory_space<hbm>>) target(%arg18 : memref<128x64xf32, #tpu.memory_space<vmem>>) offsets(%dma_start3A_443 : memref<128xi32, #tpu.memory_space<vmem>>) semaphore(%arg24 : memref<!tpu.dma_semaphore, #tpu.memory_space<semaphore_mem>>)
        %mul3A_447 = arith.constant 5 : i32
        %mul3A_448 = arith.muli %scan3A_414, %mul3A_447 : i32
        %add3A_449 = arith.constant 1 : i32
        %add3A_450 = arith.addi %mul3A_448, %add3A_449 : i32
        %dma_wait3A_451 = arith.constant 0 : i32
        %dma_wait3A_452 = arith.constant 0 : i32
        %dma_wait3A_453 = tpu.memref_slice %arg12[%dma_wait3A_451, %dma_wait3A_452] : memref<160x128xi32, #tpu.memory_space<vmem>> -> memref<1x128xi32, #tpu.memory_space<vmem>>
        %dma_wait3A_454 = tpu.memref_squeeze %dma_wait3A_453 : memref<1x128xi32, #tpu.memory_space<vmem>> -> memref<128xi32, #tpu.memory_space<vmem>>
        %dma_wait3A_455 = arith.constant 0 : i32
        %dma_wait3A_456 = arith.constant 0 : i32
        %dma_wait3A_457 = tpu.memref_slice %arg4[%dma_wait3A_455, %dma_wait3A_456] : memref<10240x64xf32, #tpu.memory_space<hbm>> -> memref<10240x64xf32, #tpu.memory_space<hbm>>
        tpu.wait_indirect_dma semaphore(%arg21 : memref<!tpu.dma_semaphore, #tpu.memory_space<semaphore_mem>>) src(%dma_wait3A_457 : memref<10240x64xf32, #tpu.memory_space<hbm>>) dst(%arg15 : memref<128x64xf32, #tpu.memory_space<vmem>>)
        %dma_start3A_458 = arith.constant 0 : i32
        %dma_start3A_459 = tpu.memref_slice %arg13[%add3A_450, %dma_start3A_458] : memref<160x128xi32, #tpu.memory_space<vmem>> -> memref<1x128xi32, #tpu.memory_space<vmem>>
        %dma_start3A_460 = tpu.memref_squeeze %dma_start3A_459 : memref<1x128xi32, #tpu.memory_space<vmem>> -> memref<128xi32, #tpu.memory_space<vmem>>
        %dma_start3A_461 = arith.constant 0 : i32
        %dma_start3A_462 = arith.constant 0 : i32
        %dma_start3A_463 = tpu.memref_slice %arg19[%dma_start3A_461, %dma_start3A_462] : memref<10240x64xf32, #tpu.memory_space<vmem_shared>> -> memref<10240x64xf32, #tpu.memory_space<vmem_shared>>
        tpu.enqueue_indirect_dma source(%arg15 : memref<128x64xf32, #tpu.memory_space<vmem>>) target(%dma_start3A_463 : memref<10240x64xf32, #tpu.memory_space<vmem_shared>>) offsets(%dma_start3A_460 : memref<128xi32, #tpu.memory_space<vmem>>) semaphore(%arg26 : memref<!tpu.dma_semaphore, #tpu.memory_space<semaphore_mem>>) {add = true}
        %dma_wait3A_464 = arith.constant 0 : i32
        %dma_wait3A_465 = arith.constant 0 : i32
        %dma_wait3A_466 = tpu.memref_slice %arg13[%dma_wait3A_464, %dma_wait3A_465] : memref<160x128xi32, #tpu.memory_space<vmem>> -> memref<1x128xi32, #tpu.memory_space<vmem>>
        %dma_wait3A_467 = tpu.memref_squeeze %dma_wait3A_466 : memref<1x128xi32, #tpu.memory_space<vmem>> -> memref<128xi32, #tpu.memory_space<vmem>>
        %dma_wait3A_468 = arith.constant 0 : i32
        %dma_wait3A_469 = arith.constant 0 : i32
        %dma_wait3A_470 = tpu.memref_slice %arg19[%dma_wait3A_468, %dma_wait3A_469] : memref<10240x64xf32, #tpu.memory_space<vmem_shared>> -> memref<10240x64xf32, #tpu.memory_space<vmem_shared>>
        tpu.wait_indirect_dma semaphore(%arg25 : memref<!tpu.dma_semaphore, #tpu.memory_space<semaphore_mem>>) src(%arg14 : memref<128x64xf32, #tpu.memory_space<vmem>>) dst(%dma_wait3A_470 : memref<10240x64xf32, #tpu.memory_space<vmem_shared>>)
        %add3A_471 = arith.constant 4 : i32
        %add3A_472 = arith.addi %add3A_450, %add3A_471 : i32
        %rem3A_473 = arith.constant 160 : i32
        %rem3A_474 = arith.remsi %add3A_472, %rem3A_473 : i32
        %dma_start3A_475 = arith.constant 0 : i32
        %dma_start3A_476 = tpu.memref_slice %arg12[%rem3A_474, %dma_start3A_475] : memref<160x128xi32, #tpu.memory_space<vmem>> -> memref<1x128xi32, #tpu.memory_space<vmem>>
        %dma_start3A_477 = tpu.memref_squeeze %dma_start3A_476 : memref<1x128xi32, #tpu.memory_space<vmem>> -> memref<128xi32, #tpu.memory_space<vmem>>
        %dma_start3A_478 = arith.constant 0 : i32
        %dma_start3A_479 = arith.constant 0 : i32
        %dma_start3A_480 = tpu.memref_slice %arg4[%dma_start3A_478, %dma_start3A_479] : memref<10240x64xf32, #tpu.memory_space<hbm>> -> memref<10240x64xf32, #tpu.memory_space<hbm>>
        tpu.enqueue_indirect_dma source(%dma_start3A_480 : memref<10240x64xf32, #tpu.memory_space<hbm>>) target(%arg14 : memref<128x64xf32, #tpu.memory_space<vmem>>) offsets(%dma_start3A_477 : memref<128xi32, #tpu.memory_space<vmem>>) semaphore(%arg20 : memref<!tpu.dma_semaphore, #tpu.memory_space<semaphore_mem>>)
        %mul3A_481 = arith.constant 5 : i32
        %mul3A_482 = arith.muli %scan3A_414, %mul3A_481 : i32
        %add3A_483 = arith.constant 2 : i32
        %add3A_484 = arith.addi %mul3A_482, %add3A_483 : i32
        %dma_wait3A_485 = arith.constant 0 : i32
        %dma_wait3A_486 = arith.constant 0 : i32
        %dma_wait3A_487 = tpu.memref_slice %arg12[%dma_wait3A_485, %dma_wait3A_486] : memref<160x128xi32, #tpu.memory_space<vmem>> -> memref<1x128xi32, #tpu.memory_space<vmem>>
        %dma_wait3A_488 = tpu.memref_squeeze %dma_wait3A_487 : memref<1x128xi32, #tpu.memory_space<vmem>> -> memref<128xi32, #tpu.memory_space<vmem>>
        %dma_wait3A_489 = arith.constant 0 : i32
        %dma_wait3A_490 = arith.constant 0 : i32
        %dma_wait3A_491 = tpu.memref_slice %arg4[%dma_wait3A_489, %dma_wait3A_490] : memref<10240x64xf32, #tpu.memory_space<hbm>> -> memref<10240x64xf32, #tpu.memory_space<hbm>>
        tpu.wait_indirect_dma semaphore(%arg22 : memref<!tpu.dma_semaphore, #tpu.memory_space<semaphore_mem>>) src(%dma_wait3A_491 : memref<10240x64xf32, #tpu.memory_space<hbm>>) dst(%arg16 : memref<128x64xf32, #tpu.memory_space<vmem>>)
        %dma_start3A_492 = arith.constant 0 : i32
        %dma_start3A_493 = tpu.memref_slice %arg13[%add3A_484, %dma_start3A_492] : memref<160x128xi32, #tpu.memory_space<vmem>> -> memref<1x128xi32, #tpu.memory_space<vmem>>
        %dma_start3A_494 = tpu.memref_squeeze %dma_start3A_493 : memref<1x128xi32, #tpu.memory_space<vmem>> -> memref<128xi32, #tpu.memory_space<vmem>>
        %dma_start3A_495 = arith.constant 0 : i32
        %dma_start3A_496 = arith.constant 0 : i32
        %dma_start3A_497 = tpu.memref_slice %arg19[%dma_start3A_495, %dma_start3A_496] : memref<10240x64xf32, #tpu.memory_space<vmem_shared>> -> memref<10240x64xf32, #tpu.memory_space<vmem_shared>>
        tpu.enqueue_indirect_dma source(%arg16 : memref<128x64xf32, #tpu.memory_space<vmem>>) target(%dma_start3A_497 : memref<10240x64xf32, #tpu.memory_space<vmem_shared>>) offsets(%dma_start3A_494 : memref<128xi32, #tpu.memory_space<vmem>>) semaphore(%arg27 : memref<!tpu.dma_semaphore, #tpu.memory_space<semaphore_mem>>) {add = true}
        %dma_wait3A_498 = arith.constant 0 : i32
        %dma_wait3A_499 = arith.constant 0 : i32
        %dma_wait3A_500 = tpu.memref_slice %arg13[%dma_wait3A_498, %dma_wait3A_499] : memref<160x128xi32, #tpu.memory_space<vmem>> -> memref<1x128xi32, #tpu.memory_space<vmem>>
        %dma_wait3A_501 = tpu.memref_squeeze %dma_wait3A_500 : memref<1x128xi32, #tpu.memory_space<vmem>> -> memref<128xi32, #tpu.memory_space<vmem>>
        %dma_wait3A_502 = arith.constant 0 : i32
        %dma_wait3A_503 = arith.constant 0 : i32
        %dma_wait3A_504 = tpu.memref_slice %arg19[%dma_wait3A_502, %dma_wait3A_503] : memref<10240x64xf32, #tpu.memory_space<vmem_shared>> -> memref<10240x64xf32, #tpu.memory_space<vmem_shared>>
        tpu.wait_indirect_dma semaphore(%arg26 : memref<!tpu.dma_semaphore, #tpu.memory_space<semaphore_mem>>) src(%arg15 : memref<128x64xf32, #tpu.memory_space<vmem>>) dst(%dma_wait3A_504 : memref<10240x64xf32, #tpu.memory_space<vmem_shared>>)
        %add3A_505 = arith.constant 4 : i32
        %add3A_506 = arith.addi %add3A_484, %add3A_505 : i32
        %rem3A_507 = arith.constant 160 : i32
        %rem3A_508 = arith.remsi %add3A_506, %rem3A_507 : i32
        %dma_start3A_509 = arith.constant 0 : i32
        %dma_start3A_510 = tpu.memref_slice %arg12[%rem3A_508, %dma_start3A_509] : memref<160x128xi32, #tpu.memory_space<vmem>> -> memref<1x128xi32, #tpu.memory_space<vmem>>
        %dma_start3A_511 = tpu.memref_squeeze %dma_start3A_510 : memref<1x128xi32, #tpu.memory_space<vmem>> -> memref<128xi32, #tpu.memory_space<vmem>>
        %dma_start3A_512 = arith.constant 0 : i32
        %dma_start3A_513 = arith.constant 0 : i32
        %dma_start3A_514 = tpu.memref_slice %arg4[%dma_start3A_512, %dma_start3A_513] : memref<10240x64xf32, #tpu.memory_space<hbm>> -> memref<10240x64xf32, #tpu.memory_space<hbm>>
        tpu.enqueue_indirect_dma source(%dma_start3A_514 : memref<10240x64xf32, #tpu.memory_space<hbm>>) target(%arg15 : memref<128x64xf32, #tpu.memory_space<vmem>>) offsets(%dma_start3A_511 : memref<128xi32, #tpu.memory_space<vmem>>) semaphore(%arg21 : memref<!tpu.dma_semaphore, #tpu.memory_space<semaphore_mem>>)
        %mul3A_515 = arith.constant 5 : i32
        %mul3A_516 = arith.muli %scan3A_414, %mul3A_515 : i32
        %add3A_517 = arith.constant 3 : i32
        %add3A_518 = arith.addi %mul3A_516, %add3A_517 : i32
        %dma_wait3A_519 = arith.constant 0 : i32
        %dma_wait3A_520 = arith.constant 0 : i32
        %dma_wait3A_521 = tpu.memref_slice %arg12[%dma_wait3A_519, %dma_wait3A_520] : memref<160x128xi32, #tpu.memory_space<vmem>> -> memref<1x128xi32, #tpu.memory_space<vmem>>
        %dma_wait3A_522 = tpu.memref_squeeze %dma_wait3A_521 : memref<1x128xi32, #tpu.memory_space<vmem>> -> memref<128xi32, #tpu.memory_space<vmem>>
        %dma_wait3A_523 = arith.constant 0 : i32
        %dma_wait3A_524 = arith.constant 0 : i32
        %dma_wait3A_525 = tpu.memref_slice %arg4[%dma_wait3A_523, %dma_wait3A_524] : memref<10240x64xf32, #tpu.memory_space<hbm>> -> memref<10240x64xf32, #tpu.memory_space<hbm>>
        tpu.wait_indirect_dma semaphore(%arg23 : memref<!tpu.dma_semaphore, #tpu.memory_space<semaphore_mem>>) src(%dma_wait3A_525 : memref<10240x64xf32, #tpu.memory_space<hbm>>) dst(%arg17 : memref<128x64xf32, #tpu.memory_space<vmem>>)
        %dma_start3A_526 = arith.constant 0 : i32
        %dma_start3A_527 = tpu.memref_slice %arg13[%add3A_518, %dma_start3A_526] : memref<160x128xi32, #tpu.memory_space<vmem>> -> memref<1x128xi32, #tpu.memory_space<vmem>>
        %dma_start3A_528 = tpu.memref_squeeze %dma_start3A_527 : memref<1x128xi32, #tpu.memory_space<vmem>> -> memref<128xi32, #tpu.memory_space<vmem>>
        %dma_start3A_529 = arith.constant 0 : i32
        %dma_start3A_530 = arith.constant 0 : i32
        %dma_start3A_531 = tpu.memref_slice %arg19[%dma_start3A_529, %dma_start3A_530] : memref<10240x64xf32, #tpu.memory_space<vmem_shared>> -> memref<10240x64xf32, #tpu.memory_space<vmem_shared>>
        tpu.enqueue_indirect_dma source(%arg17 : memref<128x64xf32, #tpu.memory_space<vmem>>) target(%dma_start3A_531 : memref<10240x64xf32, #tpu.memory_space<vmem_shared>>) offsets(%dma_start3A_528 : memref<128xi32, #tpu.memory_space<vmem>>) semaphore(%arg28 : memref<!tpu.dma_semaphore, #tpu.memory_space<semaphore_mem>>) {add = true}
        %dma_wait3A_532 = arith.constant 0 : i32
        %dma_wait3A_533 = arith.constant 0 : i32
        %dma_wait3A_534 = tpu.memref_slice %arg13[%dma_wait3A_532, %dma_wait3A_533] : memref<160x128xi32, #tpu.memory_space<vmem>> -> memref<1x128xi32, #tpu.memory_space<vmem>>
        %dma_wait3A_535 = tpu.memref_squeeze %dma_wait3A_534 : memref<1x128xi32, #tpu.memory_space<vmem>> -> memref<128xi32, #tpu.memory_space<vmem>>
        %dma_wait3A_536 = arith.constant 0 : i32
        %dma_wait3A_537 = arith.constant 0 : i32
        %dma_wait3A_538 = tpu.memref_slice %arg19[%dma_wait3A_536, %dma_wait3A_537] : memref<10240x64xf32, #tpu.memory_space<vmem_shared>> -> memref<10240x64xf32, #tpu.memory_space<vmem_shared>>
        tpu.wait_indirect_dma semaphore(%arg27 : memref<!tpu.dma_semaphore, #tpu.memory_space<semaphore_mem>>) src(%arg16 : memref<128x64xf32, #tpu.memory_space<vmem>>) dst(%dma_wait3A_538 : memref<10240x64xf32, #tpu.memory_space<vmem_shared>>)
        %add3A_539 = arith.constant 4 : i32
        %add3A_540 = arith.addi %add3A_518, %add3A_539 : i32
        %rem3A_541 = arith.constant 160 : i32
        %rem3A_542 = arith.remsi %add3A_540, %rem3A_541 : i32
        %dma_start3A_543 = arith.constant 0 : i32
        %dma_start3A_544 = tpu.memref_slice %arg12[%rem3A_542, %dma_start3A_543] : memref<160x128xi32, #tpu.memory_space<vmem>> -> memref<1x128xi32, #tpu.memory_space<vmem>>
        %dma_start3A_545 = tpu.memref_squeeze %dma_start3A_544 : memref<1x128xi32, #tpu.memory_space<vmem>> -> memref<128xi32, #tpu.memory_space<vmem>>
        %dma_start3A_546 = arith.constant 0 : i32
        %dma_start3A_547 = arith.constant 0 : i32
        %dma_start3A_548 = tpu.memref_slice %arg4[%dma_start3A_546, %dma_start3A_547] : memref<10240x64xf32, #tpu.memory_space<hbm>> -> memref<10240x64xf32, #tpu.memory_space<hbm>>
        tpu.enqueue_indirect_dma source(%dma_start3A_548 : memref<10240x64xf32, #tpu.memory_space<hbm>>) target(%arg16 : memref<128x64xf32, #tpu.memory_space<vmem>>) offsets(%dma_start3A_545 : memref<128xi32, #tpu.memory_space<vmem>>) semaphore(%arg22 : memref<!tpu.dma_semaphore, #tpu.memory_space<semaphore_mem>>)
        %mul3A_549 = arith.constant 5 : i32
        %mul3A_550 = arith.muli %scan3A_414, %mul3A_549 : i32
        %add3A_551 = arith.constant 4 : i32
        %add3A_552 = arith.addi %mul3A_550, %add3A_551 : i32
        %dma_wait3A_553 = arith.constant 0 : i32
        %dma_wait3A_554 = arith.constant 0 : i32
        %dma_wait3A_555 = tpu.memref_slice %arg12[%dma_wait3A_553, %dma_wait3A_554] : memref<160x128xi32, #tpu.memory_space<vmem>> -> memref<1x128xi32, #tpu.memory_space<vmem>>
        %dma_wait3A_556 = tpu.memref_squeeze %dma_wait3A_555 : memref<1x128xi32, #tpu.memory_space<vmem>> -> memref<128xi32, #tpu.memory_space<vmem>>
        %dma_wait3A_557 = arith.constant 0 : i32
        %dma_wait3A_558 = arith.constant 0 : i32
        %dma_wait3A_559 = tpu.memref_slice %arg4[%dma_wait3A_557, %dma_wait3A_558] : memref<10240x64xf32, #tpu.memory_space<hbm>> -> memref<10240x64xf32, #tpu.memory_space<hbm>>
        tpu.wait_indirect_dma semaphore(%arg24 : memref<!tpu.dma_semaphore, #tpu.memory_space<semaphore_mem>>) src(%dma_wait3A_559 : memref<10240x64xf32, #tpu.memory_space<hbm>>) dst(%arg18 : memref<128x64xf32, #tpu.memory_space<vmem>>)
        %dma_start3A_560 = arith.constant 0 : i32
        %dma_start3A_561 = tpu.memref_slice %arg13[%add3A_552, %dma_start3A_560] : memref<160x128xi32, #tpu.memory_space<vmem>> -> memref<1x128xi32, #tpu.memory_space<vmem>>
        %dma_start3A_562 = tpu.memref_squeeze %dma_start3A_561 : memref<1x128xi32, #tpu.memory_space<vmem>> -> memref<128xi32, #tpu.memory_space<vmem>>
        %dma_start3A_563 = arith.constant 0 : i32
        %dma_start3A_564 = arith.constant 0 : i32
        %dma_start3A_565 = tpu.memref_slice %arg19[%dma_start3A_563, %dma_start3A_564] : memref<10240x64xf32, #tpu.memory_space<vmem_shared>> -> memref<10240x64xf32, #tpu.memory_space<vmem_shared>>
        tpu.enqueue_indirect_dma source(%arg18 : memref<128x64xf32, #tpu.memory_space<vmem>>) target(%dma_start3A_565 : memref<10240x64xf32, #tpu.memory_space<vmem_shared>>) offsets(%dma_start3A_562 : memref<128xi32, #tpu.memory_space<vmem>>) semaphore(%arg29 : memref<!tpu.dma_semaphore, #tpu.memory_space<semaphore_mem>>) {add = true}
        %dma_wait3A_566 = arith.constant 0 : i32
        %dma_wait3A_567 = arith.constant 0 : i32
        %dma_wait3A_568 = tpu.memref_slice %arg13[%dma_wait3A_566, %dma_wait3A_567] : memref<160x128xi32, #tpu.memory_space<vmem>> -> memref<1x128xi32, #tpu.memory_space<vmem>>
        %dma_wait3A_569 = tpu.memref_squeeze %dma_wait3A_568 : memref<1x128xi32, #tpu.memory_space<vmem>> -> memref<128xi32, #tpu.memory_space<vmem>>
        %dma_wait3A_570 = arith.constant 0 : i32
        %dma_wait3A_571 = arith.constant 0 : i32
        %dma_wait3A_572 = tpu.memref_slice %arg19[%dma_wait3A_570, %dma_wait3A_571] : memref<10240x64xf32, #tpu.memory_space<vmem_shared>> -> memref<10240x64xf32, #tpu.memory_space<vmem_shared>>
        tpu.wait_indirect_dma semaphore(%arg28 : memref<!tpu.dma_semaphore, #tpu.memory_space<semaphore_mem>>) src(%arg17 : memref<128x64xf32, #tpu.memory_space<vmem>>) dst(%dma_wait3A_572 : memref<10240x64xf32, #tpu.memory_space<vmem_shared>>)
        %add3A_573 = arith.constant 4 : i32
        %add3A_574 = arith.addi %add3A_552, %add3A_573 : i32
        %rem3A_575 = arith.constant 160 : i32
        %rem3A_576 = arith.remsi %add3A_574, %rem3A_575 : i32
        %dma_start3A_577 = arith.constant 0 : i32
        %dma_start3A_578 = tpu.memref_slice %arg12[%rem3A_576, %dma_start3A_577] : memref<160x128xi32, #tpu.memory_space<vmem>> -> memref<1x128xi32, #tpu.memory_space<vmem>>
        %dma_start3A_579 = tpu.memref_squeeze %dma_start3A_578 : memref<1x128xi32, #tpu.memory_space<vmem>> -> memref<128xi32, #tpu.memory_space<vmem>>
        %dma_start3A_580 = arith.constant 0 : i32
        %dma_start3A_581 = arith.constant 0 : i32
        %dma_start3A_582 = tpu.memref_slice %arg4[%dma_start3A_580, %dma_start3A_581] : memref<10240x64xf32, #tpu.memory_space<hbm>> -> memref<10240x64xf32, #tpu.memory_space<hbm>>
        tpu.enqueue_indirect_dma source(%dma_start3A_582 : memref<10240x64xf32, #tpu.memory_space<hbm>>) target(%arg17 : memref<128x64xf32, #tpu.memory_space<vmem>>) offsets(%dma_start3A_579 : memref<128xi32, #tpu.memory_space<vmem>>) semaphore(%arg23 : memref<!tpu.dma_semaphore, #tpu.memory_space<semaphore_mem>>)
      }
      %scan3A_171 = arith.constant 31 : i32
      %dma_wait3A_172 = arith.constant 0 : i32
      %dma_wait3A_173 = arith.constant 0 : i32
      %dma_wait3A_174 = tpu.memref_slice %arg13[%dma_wait3A_172, %dma_wait3A_173] : memref<160x128xi32, #tpu.memory_space<vmem>> -> memref<1x128xi32, #tpu.memory_space<vmem>>
      %dma_wait3A_175 = tpu.memref_squeeze %dma_wait3A_174 : memref<1x128xi32, #tpu.memory_space<vmem>> -> memref<128xi32, #tpu.memory_space<vmem>>
      %dma_wait3A_176 = arith.constant 0 : i32
      %dma_wait3A_177 = arith.constant 0 : i32
      %dma_wait3A_178 = tpu.memref_slice %arg19[%dma_wait3A_176, %dma_wait3A_177] : memref<10240x64xf32, #tpu.memory_space<vmem_shared>> -> memref<10240x64xf32, #tpu.memory_space<vmem_shared>>
      tpu.wait_indirect_dma semaphore(%arg29 : memref<!tpu.dma_semaphore, #tpu.memory_space<semaphore_mem>>) src(%arg18 : memref<128x64xf32, #tpu.memory_space<vmem>>) dst(%dma_wait3A_178 : memref<10240x64xf32, #tpu.memory_space<vmem_shared>>)
      %dma_wait3A_179 = arith.constant 0 : i32
      %dma_wait3A_180 = arith.constant 0 : i32
      %dma_wait3A_181 = tpu.memref_slice %arg12[%dma_wait3A_179, %dma_wait3A_180] : memref<160x128xi32, #tpu.memory_space<vmem>> -> memref<1x128xi32, #tpu.memory_space<vmem>>
      %dma_wait3A_182 = tpu.memref_squeeze %dma_wait3A_181 : memref<1x128xi32, #tpu.memory_space<vmem>> -> memref<128xi32, #tpu.memory_space<vmem>>
      %dma_wait3A_183 = arith.constant 0 : i32
      %dma_wait3A_184 = arith.constant 0 : i32
      %dma_wait3A_185 = tpu.memref_slice %arg4[%dma_wait3A_183, %dma_wait3A_184] : memref<10240x64xf32, #tpu.memory_space<hbm>> -> memref<10240x64xf32, #tpu.memory_space<hbm>>
      tpu.wait_indirect_dma semaphore(%arg20 : memref<!tpu.dma_semaphore, #tpu.memory_space<semaphore_mem>>) src(%dma_wait3A_185 : memref<10240x64xf32, #tpu.memory_space<hbm>>) dst(%arg14 : memref<128x64xf32, #tpu.memory_space<vmem>>)
      %dma_wait3A_186 = arith.constant 0 : i32
      %dma_wait3A_187 = arith.constant 0 : i32
      %dma_wait3A_188 = tpu.memref_slice %arg12[%dma_wait3A_186, %dma_wait3A_187] : memref<160x128xi32, #tpu.memory_space<vmem>> -> memref<1x128xi32, #tpu.memory_space<vmem>>
      %dma_wait3A_189 = tpu.memref_squeeze %dma_wait3A_188 : memref<1x128xi32, #tpu.memory_space<vmem>> -> memref<128xi32, #tpu.memory_space<vmem>>
      %dma_wait3A_190 = arith.constant 0 : i32
      %dma_wait3A_191 = arith.constant 0 : i32
      %dma_wait3A_192 = tpu.memref_slice %arg4[%dma_wait3A_190, %dma_wait3A_191] : memref<10240x64xf32, #tpu.memory_space<hbm>> -> memref<10240x64xf32, #tpu.memory_space<hbm>>
      tpu.wait_indirect_dma semaphore(%arg21 : memref<!tpu.dma_semaphore, #tpu.memory_space<semaphore_mem>>) src(%dma_wait3A_192 : memref<10240x64xf32, #tpu.memory_space<hbm>>) dst(%arg15 : memref<128x64xf32, #tpu.memory_space<vmem>>)
      %dma_wait3A_193 = arith.constant 0 : i32
      %dma_wait3A_194 = arith.constant 0 : i32
      %dma_wait3A_195 = tpu.memref_slice %arg12[%dma_wait3A_193, %dma_wait3A_194] : memref<160x128xi32, #tpu.memory_space<vmem>> -> memref<1x128xi32, #tpu.memory_space<vmem>>
      %dma_wait3A_196 = tpu.memref_squeeze %dma_wait3A_195 : memref<1x128xi32, #tpu.memory_space<vmem>> -> memref<128xi32, #tpu.memory_space<vmem>>
      %dma_wait3A_197 = arith.constant 0 : i32
      %dma_wait3A_198 = arith.constant 0 : i32
      %dma_wait3A_199 = tpu.memref_slice %arg4[%dma_wait3A_197, %dma_wait3A_198] : memref<10240x64xf32, #tpu.memory_space<hbm>> -> memref<10240x64xf32, #tpu.memory_space<hbm>>
      tpu.wait_indirect_dma semaphore(%arg22 : memref<!tpu.dma_semaphore, #tpu.memory_space<semaphore_mem>>) src(%dma_wait3A_199 : memref<10240x64xf32, #tpu.memory_space<hbm>>) dst(%arg16 : memref<128x64xf32, #tpu.memory_space<vmem>>)
      %dma_wait3A_200 = arith.constant 0 : i32
      %dma_wait3A_201 = arith.constant 0 : i32
      %dma_wait3A_202 = tpu.memref_slice %arg12[%dma_wait3A_200, %dma_wait3A_201] : memref<160x128xi32, #tpu.memory_space<vmem>> -> memref<1x128xi32, #tpu.memory_space<vmem>>
      %dma_wait3A_203 = tpu.memref_squeeze %dma_wait3A_202 : memref<1x128xi32, #tpu.memory_space<vmem>> -> memref<128xi32, #tpu.memory_space<vmem>>
      %dma_wait3A_204 = arith.constant 0 : i32
      %dma_wait3A_205 = arith.constant 0 : i32
      %dma_wait3A_206 = tpu.memref_slice %arg4[%dma_wait3A_204, %dma_wait3A_205] : memref<10240x64xf32, #tpu.memory_space<hbm>> -> memref<10240x64xf32, #tpu.memory_space<hbm>>
      tpu.wait_indirect_dma semaphore(%arg23 : memref<!tpu.dma_semaphore, #tpu.memory_space<semaphore_mem>>) src(%dma_wait3A_206 : memref<10240x64xf32, #tpu.memory_space<hbm>>) dst(%arg17 : memref<128x64xf32, #tpu.memory_space<vmem>>)
      %barrier3A_207 = arith.constant 0 : index
      tpu.barrier barrier_id(%barrier3A_207)
      "tpu.region"() ({
        %run_scoped3A = tpu.sem_alloc : memref<!tpu.dma_semaphore, #tpu.memory_space<semaphore_mem>>
        %dma_start3A_414 = arith.constant 0 : i32
        %dma_start3A_415 = tpu.memref_slice %arg10[%mul3A_7, %dma_start3A_414] : memref<10240x64xf32, #tpu.memory_space<hbm>> -> memref<640x64xf32, #tpu.memory_space<hbm>>
        %dma_start3A_416 = arith.constant 0 : i32
        %dma_start3A_417 = tpu.memref_slice %arg19[%mul3A_7, %dma_start3A_416] : memref<10240x64xf32, #tpu.memory_space<vmem_shared>> -> memref<640x64xf32, #tpu.memory_space<vmem_shared>>
        tpu.enqueue_dma source(%dma_start3A_417 : memref<640x64xf32, #tpu.memory_space<vmem_shared>>) target(%dma_start3A_415 : memref<640x64xf32, #tpu.memory_space<hbm>>) target_semaphore(%run_scoped3A : memref<!tpu.dma_semaphore, #tpu.memory_space<semaphore_mem>>)
        %dma_wait3A_418 = arith.constant 0 : i32
        %dma_wait3A_419 = tpu.memref_slice %arg10[%mul3A_7, %dma_wait3A_418] : memref<10240x64xf32, #tpu.memory_space<hbm>> -> memref<640x64xf32, #tpu.memory_space<hbm>>
        %dma_wait3A_420 = arith.constant 0 : i32
        %dma_wait3A_421 = tpu.memref_slice %arg19[%mul3A_7, %dma_wait3A_420] : memref<10240x64xf32, #tpu.memory_space<vmem_shared>> -> memref<640x64xf32, #tpu.memory_space<vmem_shared>>
        tpu.wait_dma2 semaphore(%run_scoped3A : memref<!tpu.dma_semaphore, #tpu.memory_space<semaphore_mem>>) src(%dma_wait3A_421 : memref<640x64xf32, #tpu.memory_space<vmem_shared>>) dst(%dma_wait3A_419 : memref<640x64xf32, #tpu.memory_space<hbm>>)
        tpu.yield
      }) : () -> ()
      %mul3A_208 = arith.constant 640 : i32
      %mul3A_209 = arith.muli %arg1, %mul3A_208 : i32
      "tpu.region"() ({
        %run_scoped3A = tpu.sem_alloc : memref<!tpu.dma_semaphore, #tpu.memory_space<semaphore_mem>>
        %dma_start3A_414 = arith.constant 0 : i32
        %dma_start3A_415 = tpu.memref_slice %arg19[%mul3A_209, %dma_start3A_414] : memref<10240x64xf32, #tpu.memory_space<vmem_shared>> -> memref<640x64xf32, #tpu.memory_space<vmem_shared>>
        %dma_start3A_416 = arith.constant 0 : i32
        %dma_start3A_417 = tpu.memref_slice %arg5[%mul3A_209, %dma_start3A_416] : memref<10240x64xf32, #tpu.memory_space<hbm>> -> memref<640x64xf32, #tpu.memory_space<hbm>>
        tpu.enqueue_dma source(%dma_start3A_417 : memref<640x64xf32, #tpu.memory_space<hbm>>) target(%dma_start3A_415 : memref<640x64xf32, #tpu.memory_space<vmem_shared>>) target_semaphore(%run_scoped3A : memref<!tpu.dma_semaphore, #tpu.memory_space<semaphore_mem>>)
        %dma_wait3A_418 = arith.constant 0 : i32
        %dma_wait3A_419 = tpu.memref_slice %arg19[%mul3A_209, %dma_wait3A_418] : memref<10240x64xf32, #tpu.memory_space<vmem_shared>> -> memref<640x64xf32, #tpu.memory_space<vmem_shared>>
        %dma_wait3A_420 = arith.constant 0 : i32
        %dma_wait3A_421 = tpu.memref_slice %arg5[%mul3A_209, %dma_wait3A_420] : memref<10240x64xf32, #tpu.memory_space<hbm>> -> memref<640x64xf32, #tpu.memory_space<hbm>>
        tpu.wait_dma2 semaphore(%run_scoped3A : memref<!tpu.dma_semaphore, #tpu.memory_space<semaphore_mem>>) src(%dma_wait3A_421 : memref<640x64xf32, #tpu.memory_space<hbm>>) dst(%dma_wait3A_419 : memref<640x64xf32, #tpu.memory_space<vmem_shared>>)
        tpu.yield
      }) : () -> ()
      %barrier3A_210 = arith.constant 0 : index
      tpu.barrier barrier_id(%barrier3A_210)
      %dma_start3A_211 = arith.constant 0 : i32
      %dma_start3A_212 = arith.constant 0 : i32
      %dma_start3A_213 = tpu.memref_slice %arg12[%dma_start3A_211, %dma_start3A_212] : memref<160x128xi32, #tpu.memory_space<vmem>> -> memref<1x128xi32, #tpu.memory_space<vmem>>
      %dma_start3A_214 = tpu.memref_squeeze %dma_start3A_213 : memref<1x128xi32, #tpu.memory_space<vmem>> -> memref<128xi32, #tpu.memory_space<vmem>>
      %dma_start3A_215 = arith.constant 0 : i32
      %dma_start3A_216 = arith.constant 0 : i32
      %dma_start3A_217 = tpu.memref_slice %arg5[%dma_start3A_215, %dma_start3A_216] : memref<10240x64xf32, #tpu.memory_space<hbm>> -> memref<10240x64xf32, #tpu.memory_space<hbm>>
      tpu.enqueue_indirect_dma source(%dma_start3A_217 : memref<10240x64xf32, #tpu.memory_space<hbm>>) target(%arg14 : memref<128x64xf32, #tpu.memory_space<vmem>>) offsets(%dma_start3A_214 : memref<128xi32, #tpu.memory_space<vmem>>) semaphore(%arg20 : memref<!tpu.dma_semaphore, #tpu.memory_space<semaphore_mem>>)
      %dma_start3A_218 = arith.constant 1 : i32
      %dma_start3A_219 = arith.constant 0 : i32
      %dma_start3A_220 = tpu.memref_slice %arg12[%dma_start3A_218, %dma_start3A_219] : memref<160x128xi32, #tpu.memory_space<vmem>> -> memref<1x128xi32, #tpu.memory_space<vmem>>
      %dma_start3A_221 = tpu.memref_squeeze %dma_start3A_220 : memref<1x128xi32, #tpu.memory_space<vmem>> -> memref<128xi32, #tpu.memory_space<vmem>>
      %dma_start3A_222 = arith.constant 0 : i32
      %dma_start3A_223 = arith.constant 0 : i32
      %dma_start3A_224 = tpu.memref_slice %arg5[%dma_start3A_222, %dma_start3A_223] : memref<10240x64xf32, #tpu.memory_space<hbm>> -> memref<10240x64xf32, #tpu.memory_space<hbm>>
      tpu.enqueue_indirect_dma source(%dma_start3A_224 : memref<10240x64xf32, #tpu.memory_space<hbm>>) target(%arg15 : memref<128x64xf32, #tpu.memory_space<vmem>>) offsets(%dma_start3A_221 : memref<128xi32, #tpu.memory_space<vmem>>) semaphore(%arg21 : memref<!tpu.dma_semaphore, #tpu.memory_space<semaphore_mem>>)
      %dma_start3A_225 = arith.constant 2 : i32
      %dma_start3A_226 = arith.constant 0 : i32
      %dma_start3A_227 = tpu.memref_slice %arg12[%dma_start3A_225, %dma_start3A_226] : memref<160x128xi32, #tpu.memory_space<vmem>> -> memref<1x128xi32, #tpu.memory_space<vmem>>
      %dma_start3A_228 = tpu.memref_squeeze %dma_start3A_227 : memref<1x128xi32, #tpu.memory_space<vmem>> -> memref<128xi32, #tpu.memory_space<vmem>>
      %dma_start3A_229 = arith.constant 0 : i32
      %dma_start3A_230 = arith.constant 0 : i32
      %dma_start3A_231 = tpu.memref_slice %arg5[%dma_start3A_229, %dma_start3A_230] : memref<10240x64xf32, #tpu.memory_space<hbm>> -> memref<10240x64xf32, #tpu.memory_space<hbm>>
      tpu.enqueue_indirect_dma source(%dma_start3A_231 : memref<10240x64xf32, #tpu.memory_space<hbm>>) target(%arg16 : memref<128x64xf32, #tpu.memory_space<vmem>>) offsets(%dma_start3A_228 : memref<128xi32, #tpu.memory_space<vmem>>) semaphore(%arg22 : memref<!tpu.dma_semaphore, #tpu.memory_space<semaphore_mem>>)
      %dma_start3A_232 = arith.constant 3 : i32
      %dma_start3A_233 = arith.constant 0 : i32
      %dma_start3A_234 = tpu.memref_slice %arg12[%dma_start3A_232, %dma_start3A_233] : memref<160x128xi32, #tpu.memory_space<vmem>> -> memref<1x128xi32, #tpu.memory_space<vmem>>
      %dma_start3A_235 = tpu.memref_squeeze %dma_start3A_234 : memref<1x128xi32, #tpu.memory_space<vmem>> -> memref<128xi32, #tpu.memory_space<vmem>>
      %dma_start3A_236 = arith.constant 0 : i32
      %dma_start3A_237 = arith.constant 0 : i32
      %dma_start3A_238 = tpu.memref_slice %arg5[%dma_start3A_236, %dma_start3A_237] : memref<10240x64xf32, #tpu.memory_space<hbm>> -> memref<10240x64xf32, #tpu.memory_space<hbm>>
      tpu.enqueue_indirect_dma source(%dma_start3A_238 : memref<10240x64xf32, #tpu.memory_space<hbm>>) target(%arg17 : memref<128x64xf32, #tpu.memory_space<vmem>>) offsets(%dma_start3A_235 : memref<128xi32, #tpu.memory_space<vmem>>) semaphore(%arg23 : memref<!tpu.dma_semaphore, #tpu.memory_space<semaphore_mem>>)
      %dma_wait3A_239 = arith.constant 0 : i32
      %dma_wait3A_240 = arith.constant 0 : i32
      %dma_wait3A_241 = tpu.memref_slice %arg12[%dma_wait3A_239, %dma_wait3A_240] : memref<160x128xi32, #tpu.memory_space<vmem>> -> memref<1x128xi32, #tpu.memory_space<vmem>>
      %dma_wait3A_242 = tpu.memref_squeeze %dma_wait3A_241 : memref<1x128xi32, #tpu.memory_space<vmem>> -> memref<128xi32, #tpu.memory_space<vmem>>
      %dma_wait3A_243 = arith.constant 0 : i32
      %dma_wait3A_244 = arith.constant 0 : i32
      %dma_wait3A_245 = tpu.memref_slice %arg5[%dma_wait3A_243, %dma_wait3A_244] : memref<10240x64xf32, #tpu.memory_space<hbm>> -> memref<10240x64xf32, #tpu.memory_space<hbm>>
      tpu.wait_indirect_dma semaphore(%arg20 : memref<!tpu.dma_semaphore, #tpu.memory_space<semaphore_mem>>) src(%dma_wait3A_245 : memref<10240x64xf32, #tpu.memory_space<hbm>>) dst(%arg14 : memref<128x64xf32, #tpu.memory_space<vmem>>)
      %dma_start3A_246 = arith.constant 0 : i32
      %dma_start3A_247 = arith.constant 0 : i32
      %dma_start3A_248 = tpu.memref_slice %arg13[%dma_start3A_246, %dma_start3A_247] : memref<160x128xi32, #tpu.memory_space<vmem>> -> memref<1x128xi32, #tpu.memory_space<vmem>>
      %dma_start3A_249 = tpu.memref_squeeze %dma_start3A_248 : memref<1x128xi32, #tpu.memory_space<vmem>> -> memref<128xi32, #tpu.memory_space<vmem>>
      %dma_start3A_250 = arith.constant 0 : i32
      %dma_start3A_251 = arith.constant 0 : i32
      %dma_start3A_252 = tpu.memref_slice %arg19[%dma_start3A_250, %dma_start3A_251] : memref<10240x64xf32, #tpu.memory_space<vmem_shared>> -> memref<10240x64xf32, #tpu.memory_space<vmem_shared>>
      tpu.enqueue_indirect_dma source(%arg14 : memref<128x64xf32, #tpu.memory_space<vmem>>) target(%dma_start3A_252 : memref<10240x64xf32, #tpu.memory_space<vmem_shared>>) offsets(%dma_start3A_249 : memref<128xi32, #tpu.memory_space<vmem>>) semaphore(%arg25 : memref<!tpu.dma_semaphore, #tpu.memory_space<semaphore_mem>>) {add = true}
      %dma_start3A_253 = arith.constant 4 : i32
      %dma_start3A_254 = arith.constant 0 : i32
      %dma_start3A_255 = tpu.memref_slice %arg12[%dma_start3A_253, %dma_start3A_254] : memref<160x128xi32, #tpu.memory_space<vmem>> -> memref<1x128xi32, #tpu.memory_space<vmem>>
      %dma_start3A_256 = tpu.memref_squeeze %dma_start3A_255 : memref<1x128xi32, #tpu.memory_space<vmem>> -> memref<128xi32, #tpu.memory_space<vmem>>
      %dma_start3A_257 = arith.constant 0 : i32
      %dma_start3A_258 = arith.constant 0 : i32
      %dma_start3A_259 = tpu.memref_slice %arg5[%dma_start3A_257, %dma_start3A_258] : memref<10240x64xf32, #tpu.memory_space<hbm>> -> memref<10240x64xf32, #tpu.memory_space<hbm>>
      tpu.enqueue_indirect_dma source(%dma_start3A_259 : memref<10240x64xf32, #tpu.memory_space<hbm>>) target(%arg18 : memref<128x64xf32, #tpu.memory_space<vmem>>) offsets(%dma_start3A_256 : memref<128xi32, #tpu.memory_space<vmem>>) semaphore(%arg24 : memref<!tpu.dma_semaphore, #tpu.memory_space<semaphore_mem>>)
      %dma_wait3A_260 = arith.constant 0 : i32
      %dma_wait3A_261 = arith.constant 0 : i32
      %dma_wait3A_262 = tpu.memref_slice %arg12[%dma_wait3A_260, %dma_wait3A_261] : memref<160x128xi32, #tpu.memory_space<vmem>> -> memref<1x128xi32, #tpu.memory_space<vmem>>
      %dma_wait3A_263 = tpu.memref_squeeze %dma_wait3A_262 : memref<1x128xi32, #tpu.memory_space<vmem>> -> memref<128xi32, #tpu.memory_space<vmem>>
      %dma_wait3A_264 = arith.constant 0 : i32
      %dma_wait3A_265 = arith.constant 0 : i32
      %dma_wait3A_266 = tpu.memref_slice %arg5[%dma_wait3A_264, %dma_wait3A_265] : memref<10240x64xf32, #tpu.memory_space<hbm>> -> memref<10240x64xf32, #tpu.memory_space<hbm>>
      tpu.wait_indirect_dma semaphore(%arg21 : memref<!tpu.dma_semaphore, #tpu.memory_space<semaphore_mem>>) src(%dma_wait3A_266 : memref<10240x64xf32, #tpu.memory_space<hbm>>) dst(%arg15 : memref<128x64xf32, #tpu.memory_space<vmem>>)
      %dma_start3A_267 = arith.constant 1 : i32
      %dma_start3A_268 = arith.constant 0 : i32
      %dma_start3A_269 = tpu.memref_slice %arg13[%dma_start3A_267, %dma_start3A_268] : memref<160x128xi32, #tpu.memory_space<vmem>> -> memref<1x128xi32, #tpu.memory_space<vmem>>
      %dma_start3A_270 = tpu.memref_squeeze %dma_start3A_269 : memref<1x128xi32, #tpu.memory_space<vmem>> -> memref<128xi32, #tpu.memory_space<vmem>>
      %dma_start3A_271 = arith.constant 0 : i32
      %dma_start3A_272 = arith.constant 0 : i32
      %dma_start3A_273 = tpu.memref_slice %arg19[%dma_start3A_271, %dma_start3A_272] : memref<10240x64xf32, #tpu.memory_space<vmem_shared>> -> memref<10240x64xf32, #tpu.memory_space<vmem_shared>>
      tpu.enqueue_indirect_dma source(%arg15 : memref<128x64xf32, #tpu.memory_space<vmem>>) target(%dma_start3A_273 : memref<10240x64xf32, #tpu.memory_space<vmem_shared>>) offsets(%dma_start3A_270 : memref<128xi32, #tpu.memory_space<vmem>>) semaphore(%arg26 : memref<!tpu.dma_semaphore, #tpu.memory_space<semaphore_mem>>) {add = true}
      %dma_wait3A_274 = arith.constant 0 : i32
      %dma_wait3A_275 = arith.constant 0 : i32
      %dma_wait3A_276 = tpu.memref_slice %arg13[%dma_wait3A_274, %dma_wait3A_275] : memref<160x128xi32, #tpu.memory_space<vmem>> -> memref<1x128xi32, #tpu.memory_space<vmem>>
      %dma_wait3A_277 = tpu.memref_squeeze %dma_wait3A_276 : memref<1x128xi32, #tpu.memory_space<vmem>> -> memref<128xi32, #tpu.memory_space<vmem>>
      %dma_wait3A_278 = arith.constant 0 : i32
      %dma_wait3A_279 = arith.constant 0 : i32
      %dma_wait3A_280 = tpu.memref_slice %arg19[%dma_wait3A_278, %dma_wait3A_279] : memref<10240x64xf32, #tpu.memory_space<vmem_shared>> -> memref<10240x64xf32, #tpu.memory_space<vmem_shared>>
      tpu.wait_indirect_dma semaphore(%arg25 : memref<!tpu.dma_semaphore, #tpu.memory_space<semaphore_mem>>) src(%arg14 : memref<128x64xf32, #tpu.memory_space<vmem>>) dst(%dma_wait3A_280 : memref<10240x64xf32, #tpu.memory_space<vmem_shared>>)
      %dma_start3A_281 = arith.constant 5 : i32
      %dma_start3A_282 = arith.constant 0 : i32
      %dma_start3A_283 = tpu.memref_slice %arg12[%dma_start3A_281, %dma_start3A_282] : memref<160x128xi32, #tpu.memory_space<vmem>> -> memref<1x128xi32, #tpu.memory_space<vmem>>
      %dma_start3A_284 = tpu.memref_squeeze %dma_start3A_283 : memref<1x128xi32, #tpu.memory_space<vmem>> -> memref<128xi32, #tpu.memory_space<vmem>>
      %dma_start3A_285 = arith.constant 0 : i32
      %dma_start3A_286 = arith.constant 0 : i32
      %dma_start3A_287 = tpu.memref_slice %arg5[%dma_start3A_285, %dma_start3A_286] : memref<10240x64xf32, #tpu.memory_space<hbm>> -> memref<10240x64xf32, #tpu.memory_space<hbm>>
      tpu.enqueue_indirect_dma source(%dma_start3A_287 : memref<10240x64xf32, #tpu.memory_space<hbm>>) target(%arg14 : memref<128x64xf32, #tpu.memory_space<vmem>>) offsets(%dma_start3A_284 : memref<128xi32, #tpu.memory_space<vmem>>) semaphore(%arg20 : memref<!tpu.dma_semaphore, #tpu.memory_space<semaphore_mem>>)
      %dma_wait3A_288 = arith.constant 0 : i32
      %dma_wait3A_289 = arith.constant 0 : i32
      %dma_wait3A_290 = tpu.memref_slice %arg12[%dma_wait3A_288, %dma_wait3A_289] : memref<160x128xi32, #tpu.memory_space<vmem>> -> memref<1x128xi32, #tpu.memory_space<vmem>>
      %dma_wait3A_291 = tpu.memref_squeeze %dma_wait3A_290 : memref<1x128xi32, #tpu.memory_space<vmem>> -> memref<128xi32, #tpu.memory_space<vmem>>
      %dma_wait3A_292 = arith.constant 0 : i32
      %dma_wait3A_293 = arith.constant 0 : i32
      %dma_wait3A_294 = tpu.memref_slice %arg5[%dma_wait3A_292, %dma_wait3A_293] : memref<10240x64xf32, #tpu.memory_space<hbm>> -> memref<10240x64xf32, #tpu.memory_space<hbm>>
      tpu.wait_indirect_dma semaphore(%arg22 : memref<!tpu.dma_semaphore, #tpu.memory_space<semaphore_mem>>) src(%dma_wait3A_294 : memref<10240x64xf32, #tpu.memory_space<hbm>>) dst(%arg16 : memref<128x64xf32, #tpu.memory_space<vmem>>)
      %dma_start3A_295 = arith.constant 2 : i32
      %dma_start3A_296 = arith.constant 0 : i32
      %dma_start3A_297 = tpu.memref_slice %arg13[%dma_start3A_295, %dma_start3A_296] : memref<160x128xi32, #tpu.memory_space<vmem>> -> memref<1x128xi32, #tpu.memory_space<vmem>>
      %dma_start3A_298 = tpu.memref_squeeze %dma_start3A_297 : memref<1x128xi32, #tpu.memory_space<vmem>> -> memref<128xi32, #tpu.memory_space<vmem>>
      %dma_start3A_299 = arith.constant 0 : i32
      %dma_start3A_300 = arith.constant 0 : i32
      %dma_start3A_301 = tpu.memref_slice %arg19[%dma_start3A_299, %dma_start3A_300] : memref<10240x64xf32, #tpu.memory_space<vmem_shared>> -> memref<10240x64xf32, #tpu.memory_space<vmem_shared>>
      tpu.enqueue_indirect_dma source(%arg16 : memref<128x64xf32, #tpu.memory_space<vmem>>) target(%dma_start3A_301 : memref<10240x64xf32, #tpu.memory_space<vmem_shared>>) offsets(%dma_start3A_298 : memref<128xi32, #tpu.memory_space<vmem>>) semaphore(%arg27 : memref<!tpu.dma_semaphore, #tpu.memory_space<semaphore_mem>>) {add = true}
      %dma_wait3A_302 = arith.constant 0 : i32
      %dma_wait3A_303 = arith.constant 0 : i32
      %dma_wait3A_304 = tpu.memref_slice %arg13[%dma_wait3A_302, %dma_wait3A_303] : memref<160x128xi32, #tpu.memory_space<vmem>> -> memref<1x128xi32, #tpu.memory_space<vmem>>
      %dma_wait3A_305 = tpu.memref_squeeze %dma_wait3A_304 : memref<1x128xi32, #tpu.memory_space<vmem>> -> memref<128xi32, #tpu.memory_space<vmem>>
      %dma_wait3A_306 = arith.constant 0 : i32
      %dma_wait3A_307 = arith.constant 0 : i32
      %dma_wait3A_308 = tpu.memref_slice %arg19[%dma_wait3A_306, %dma_wait3A_307] : memref<10240x64xf32, #tpu.memory_space<vmem_shared>> -> memref<10240x64xf32, #tpu.memory_space<vmem_shared>>
      tpu.wait_indirect_dma semaphore(%arg26 : memref<!tpu.dma_semaphore, #tpu.memory_space<semaphore_mem>>) src(%arg15 : memref<128x64xf32, #tpu.memory_space<vmem>>) dst(%dma_wait3A_308 : memref<10240x64xf32, #tpu.memory_space<vmem_shared>>)
      %dma_start3A_309 = arith.constant 6 : i32
      %dma_start3A_310 = arith.constant 0 : i32
      %dma_start3A_311 = tpu.memref_slice %arg12[%dma_start3A_309, %dma_start3A_310] : memref<160x128xi32, #tpu.memory_space<vmem>> -> memref<1x128xi32, #tpu.memory_space<vmem>>
      %dma_start3A_312 = tpu.memref_squeeze %dma_start3A_311 : memref<1x128xi32, #tpu.memory_space<vmem>> -> memref<128xi32, #tpu.memory_space<vmem>>
      %dma_start3A_313 = arith.constant 0 : i32
      %dma_start3A_314 = arith.constant 0 : i32
      %dma_start3A_315 = tpu.memref_slice %arg5[%dma_start3A_313, %dma_start3A_314] : memref<10240x64xf32, #tpu.memory_space<hbm>> -> memref<10240x64xf32, #tpu.memory_space<hbm>>
      tpu.enqueue_indirect_dma source(%dma_start3A_315 : memref<10240x64xf32, #tpu.memory_space<hbm>>) target(%arg15 : memref<128x64xf32, #tpu.memory_space<vmem>>) offsets(%dma_start3A_312 : memref<128xi32, #tpu.memory_space<vmem>>) semaphore(%arg21 : memref<!tpu.dma_semaphore, #tpu.memory_space<semaphore_mem>>)
      %dma_wait3A_316 = arith.constant 0 : i32
      %dma_wait3A_317 = arith.constant 0 : i32
      %dma_wait3A_318 = tpu.memref_slice %arg12[%dma_wait3A_316, %dma_wait3A_317] : memref<160x128xi32, #tpu.memory_space<vmem>> -> memref<1x128xi32, #tpu.memory_space<vmem>>
      %dma_wait3A_319 = tpu.memref_squeeze %dma_wait3A_318 : memref<1x128xi32, #tpu.memory_space<vmem>> -> memref<128xi32, #tpu.memory_space<vmem>>
      %dma_wait3A_320 = arith.constant 0 : i32
      %dma_wait3A_321 = arith.constant 0 : i32
      %dma_wait3A_322 = tpu.memref_slice %arg5[%dma_wait3A_320, %dma_wait3A_321] : memref<10240x64xf32, #tpu.memory_space<hbm>> -> memref<10240x64xf32, #tpu.memory_space<hbm>>
      tpu.wait_indirect_dma semaphore(%arg23 : memref<!tpu.dma_semaphore, #tpu.memory_space<semaphore_mem>>) src(%dma_wait3A_322 : memref<10240x64xf32, #tpu.memory_space<hbm>>) dst(%arg17 : memref<128x64xf32, #tpu.memory_space<vmem>>)
      %dma_start3A_323 = arith.constant 3 : i32
      %dma_start3A_324 = arith.constant 0 : i32
      %dma_start3A_325 = tpu.memref_slice %arg13[%dma_start3A_323, %dma_start3A_324] : memref<160x128xi32, #tpu.memory_space<vmem>> -> memref<1x128xi32, #tpu.memory_space<vmem>>
      %dma_start3A_326 = tpu.memref_squeeze %dma_start3A_325 : memref<1x128xi32, #tpu.memory_space<vmem>> -> memref<128xi32, #tpu.memory_space<vmem>>
      %dma_start3A_327 = arith.constant 0 : i32
      %dma_start3A_328 = arith.constant 0 : i32
      %dma_start3A_329 = tpu.memref_slice %arg19[%dma_start3A_327, %dma_start3A_328] : memref<10240x64xf32, #tpu.memory_space<vmem_shared>> -> memref<10240x64xf32, #tpu.memory_space<vmem_shared>>
      tpu.enqueue_indirect_dma source(%arg17 : memref<128x64xf32, #tpu.memory_space<vmem>>) target(%dma_start3A_329 : memref<10240x64xf32, #tpu.memory_space<vmem_shared>>) offsets(%dma_start3A_326 : memref<128xi32, #tpu.memory_space<vmem>>) semaphore(%arg28 : memref<!tpu.dma_semaphore, #tpu.memory_space<semaphore_mem>>) {add = true}
      %dma_wait3A_330 = arith.constant 0 : i32
      %dma_wait3A_331 = arith.constant 0 : i32
      %dma_wait3A_332 = tpu.memref_slice %arg13[%dma_wait3A_330, %dma_wait3A_331] : memref<160x128xi32, #tpu.memory_space<vmem>> -> memref<1x128xi32, #tpu.memory_space<vmem>>
      %dma_wait3A_333 = tpu.memref_squeeze %dma_wait3A_332 : memref<1x128xi32, #tpu.memory_space<vmem>> -> memref<128xi32, #tpu.memory_space<vmem>>
      %dma_wait3A_334 = arith.constant 0 : i32
      %dma_wait3A_335 = arith.constant 0 : i32
      %dma_wait3A_336 = tpu.memref_slice %arg19[%dma_wait3A_334, %dma_wait3A_335] : memref<10240x64xf32, #tpu.memory_space<vmem_shared>> -> memref<10240x64xf32, #tpu.memory_space<vmem_shared>>
      tpu.wait_indirect_dma semaphore(%arg27 : memref<!tpu.dma_semaphore, #tpu.memory_space<semaphore_mem>>) src(%arg16 : memref<128x64xf32, #tpu.memory_space<vmem>>) dst(%dma_wait3A_336 : memref<10240x64xf32, #tpu.memory_space<vmem_shared>>)
      %dma_start3A_337 = arith.constant 7 : i32
      %dma_start3A_338 = arith.constant 0 : i32
      %dma_start3A_339 = tpu.memref_slice %arg12[%dma_start3A_337, %dma_start3A_338] : memref<160x128xi32, #tpu.memory_space<vmem>> -> memref<1x128xi32, #tpu.memory_space<vmem>>
      %dma_start3A_340 = tpu.memref_squeeze %dma_start3A_339 : memref<1x128xi32, #tpu.memory_space<vmem>> -> memref<128xi32, #tpu.memory_space<vmem>>
      %dma_start3A_341 = arith.constant 0 : i32
      %dma_start3A_342 = arith.constant 0 : i32
      %dma_start3A_343 = tpu.memref_slice %arg5[%dma_start3A_341, %dma_start3A_342] : memref<10240x64xf32, #tpu.memory_space<hbm>> -> memref<10240x64xf32, #tpu.memory_space<hbm>>
      tpu.enqueue_indirect_dma source(%dma_start3A_343 : memref<10240x64xf32, #tpu.memory_space<hbm>>) target(%arg16 : memref<128x64xf32, #tpu.memory_space<vmem>>) offsets(%dma_start3A_340 : memref<128xi32, #tpu.memory_space<vmem>>) semaphore(%arg22 : memref<!tpu.dma_semaphore, #tpu.memory_space<semaphore_mem>>)
      %dma_wait3A_344 = arith.constant 0 : i32
      %dma_wait3A_345 = arith.constant 0 : i32
      %dma_wait3A_346 = tpu.memref_slice %arg12[%dma_wait3A_344, %dma_wait3A_345] : memref<160x128xi32, #tpu.memory_space<vmem>> -> memref<1x128xi32, #tpu.memory_space<vmem>>
      %dma_wait3A_347 = tpu.memref_squeeze %dma_wait3A_346 : memref<1x128xi32, #tpu.memory_space<vmem>> -> memref<128xi32, #tpu.memory_space<vmem>>
      %dma_wait3A_348 = arith.constant 0 : i32
      %dma_wait3A_349 = arith.constant 0 : i32
      %dma_wait3A_350 = tpu.memref_slice %arg5[%dma_wait3A_348, %dma_wait3A_349] : memref<10240x64xf32, #tpu.memory_space<hbm>> -> memref<10240x64xf32, #tpu.memory_space<hbm>>
      tpu.wait_indirect_dma semaphore(%arg24 : memref<!tpu.dma_semaphore, #tpu.memory_space<semaphore_mem>>) src(%dma_wait3A_350 : memref<10240x64xf32, #tpu.memory_space<hbm>>) dst(%arg18 : memref<128x64xf32, #tpu.memory_space<vmem>>)
      %dma_start3A_351 = arith.constant 4 : i32
      %dma_start3A_352 = arith.constant 0 : i32
      %dma_start3A_353 = tpu.memref_slice %arg13[%dma_start3A_351, %dma_start3A_352] : memref<160x128xi32, #tpu.memory_space<vmem>> -> memref<1x128xi32, #tpu.memory_space<vmem>>
      %dma_start3A_354 = tpu.memref_squeeze %dma_start3A_353 : memref<1x128xi32, #tpu.memory_space<vmem>> -> memref<128xi32, #tpu.memory_space<vmem>>
      %dma_start3A_355 = arith.constant 0 : i32
      %dma_start3A_356 = arith.constant 0 : i32
      %dma_start3A_357 = tpu.memref_slice %arg19[%dma_start3A_355, %dma_start3A_356] : memref<10240x64xf32, #tpu.memory_space<vmem_shared>> -> memref<10240x64xf32, #tpu.memory_space<vmem_shared>>
      tpu.enqueue_indirect_dma source(%arg18 : memref<128x64xf32, #tpu.memory_space<vmem>>) target(%dma_start3A_357 : memref<10240x64xf32, #tpu.memory_space<vmem_shared>>) offsets(%dma_start3A_354 : memref<128xi32, #tpu.memory_space<vmem>>) semaphore(%arg29 : memref<!tpu.dma_semaphore, #tpu.memory_space<semaphore_mem>>) {add = true}
      %dma_wait3A_358 = arith.constant 0 : i32
      %dma_wait3A_359 = arith.constant 0 : i32
      %dma_wait3A_360 = tpu.memref_slice %arg13[%dma_wait3A_358, %dma_wait3A_359] : memref<160x128xi32, #tpu.memory_space<vmem>> -> memref<1x128xi32, #tpu.memory_space<vmem>>
      %dma_wait3A_361 = tpu.memref_squeeze %dma_wait3A_360 : memref<1x128xi32, #tpu.memory_space<vmem>> -> memref<128xi32, #tpu.memory_space<vmem>>
      %dma_wait3A_362 = arith.constant 0 : i32
      %dma_wait3A_363 = arith.constant 0 : i32
      %dma_wait3A_364 = tpu.memref_slice %arg19[%dma_wait3A_362, %dma_wait3A_363] : memref<10240x64xf32, #tpu.memory_space<vmem_shared>> -> memref<10240x64xf32, #tpu.memory_space<vmem_shared>>
      tpu.wait_indirect_dma semaphore(%arg28 : memref<!tpu.dma_semaphore, #tpu.memory_space<semaphore_mem>>) src(%arg17 : memref<128x64xf32, #tpu.memory_space<vmem>>) dst(%dma_wait3A_364 : memref<10240x64xf32, #tpu.memory_space<vmem_shared>>)
      %dma_start3A_365 = arith.constant 8 : i32
      %dma_start3A_366 = arith.constant 0 : i32
      %dma_start3A_367 = tpu.memref_slice %arg12[%dma_start3A_365, %dma_start3A_366] : memref<160x128xi32, #tpu.memory_space<vmem>> -> memref<1x128xi32, #tpu.memory_space<vmem>>
      %dma_start3A_368 = tpu.memref_squeeze %dma_start3A_367 : memref<1x128xi32, #tpu.memory_space<vmem>> -> memref<128xi32, #tpu.memory_space<vmem>>
      %dma_start3A_369 = arith.constant 0 : i32
      %dma_start3A_370 = arith.constant 0 : i32
      %dma_start3A_371 = tpu.memref_slice %arg5[%dma_start3A_369, %dma_start3A_370] : memref<10240x64xf32, #tpu.memory_space<hbm>> -> memref<10240x64xf32, #tpu.memory_space<hbm>>
      tpu.enqueue_indirect_dma source(%dma_start3A_371 : memref<10240x64xf32, #tpu.memory_space<hbm>>) target(%arg17 : memref<128x64xf32, #tpu.memory_space<vmem>>) offsets(%dma_start3A_368 : memref<128xi32, #tpu.memory_space<vmem>>) semaphore(%arg23 : memref<!tpu.dma_semaphore, #tpu.memory_space<semaphore_mem>>)
      %scan3A_372 = arith.constant 0 : i32
      %scan3A_373 = arith.constant 1 : i32
      %scan3A_374 = arith.constant 31 : i32
      %scan3A_375 = arith.addi %scan3A_373, %scan3A_374 : i32
      %scan3A_376 = arith.constant 1 : i32
      scf.for %scan3A_414 = %scan3A_373 to %scan3A_375 step %scan3A_376  : i32 {
        %mul3A_415 = arith.constant 5 : i32
        %mul3A_416 = arith.muli %scan3A_414, %mul3A_415 : i32
        %add3A = arith.constant 0 : i32
        %add3A_417 = arith.addi %mul3A_416, %add3A : i32
        %dma_wait3A_418 = arith.constant 0 : i32
        %dma_wait3A_419 = arith.constant 0 : i32
        %dma_wait3A_420 = tpu.memref_slice %arg12[%dma_wait3A_418, %dma_wait3A_419] : memref<160x128xi32, #tpu.memory_space<vmem>> -> memref<1x128xi32, #tpu.memory_space<vmem>>
        %dma_wait3A_421 = tpu.memref_squeeze %dma_wait3A_420 : memref<1x128xi32, #tpu.memory_space<vmem>> -> memref<128xi32, #tpu.memory_space<vmem>>
        %dma_wait3A_422 = arith.constant 0 : i32
        %dma_wait3A_423 = arith.constant 0 : i32
        %dma_wait3A_424 = tpu.memref_slice %arg5[%dma_wait3A_422, %dma_wait3A_423] : memref<10240x64xf32, #tpu.memory_space<hbm>> -> memref<10240x64xf32, #tpu.memory_space<hbm>>
        tpu.wait_indirect_dma semaphore(%arg20 : memref<!tpu.dma_semaphore, #tpu.memory_space<semaphore_mem>>) src(%dma_wait3A_424 : memref<10240x64xf32, #tpu.memory_space<hbm>>) dst(%arg14 : memref<128x64xf32, #tpu.memory_space<vmem>>)
        %dma_start3A_425 = arith.constant 0 : i32
        %dma_start3A_426 = tpu.memref_slice %arg13[%add3A_417, %dma_start3A_425] : memref<160x128xi32, #tpu.memory_space<vmem>> -> memref<1x128xi32, #tpu.memory_space<vmem>>
        %dma_start3A_427 = tpu.memref_squeeze %dma_start3A_426 : memref<1x128xi32, #tpu.memory_space<vmem>> -> memref<128xi32, #tpu.memory_space<vmem>>
        %dma_start3A_428 = arith.constant 0 : i32
        %dma_start3A_429 = arith.constant 0 : i32
        %dma_start3A_430 = tpu.memref_slice %arg19[%dma_start3A_428, %dma_start3A_429] : memref<10240x64xf32, #tpu.memory_space<vmem_shared>> -> memref<10240x64xf32, #tpu.memory_space<vmem_shared>>
        tpu.enqueue_indirect_dma source(%arg14 : memref<128x64xf32, #tpu.memory_space<vmem>>) target(%dma_start3A_430 : memref<10240x64xf32, #tpu.memory_space<vmem_shared>>) offsets(%dma_start3A_427 : memref<128xi32, #tpu.memory_space<vmem>>) semaphore(%arg25 : memref<!tpu.dma_semaphore, #tpu.memory_space<semaphore_mem>>) {add = true}
        %dma_wait3A_431 = arith.constant 0 : i32
        %dma_wait3A_432 = arith.constant 0 : i32
        %dma_wait3A_433 = tpu.memref_slice %arg13[%dma_wait3A_431, %dma_wait3A_432] : memref<160x128xi32, #tpu.memory_space<vmem>> -> memref<1x128xi32, #tpu.memory_space<vmem>>
        %dma_wait3A_434 = tpu.memref_squeeze %dma_wait3A_433 : memref<1x128xi32, #tpu.memory_space<vmem>> -> memref<128xi32, #tpu.memory_space<vmem>>
        %dma_wait3A_435 = arith.constant 0 : i32
        %dma_wait3A_436 = arith.constant 0 : i32
        %dma_wait3A_437 = tpu.memref_slice %arg19[%dma_wait3A_435, %dma_wait3A_436] : memref<10240x64xf32, #tpu.memory_space<vmem_shared>> -> memref<10240x64xf32, #tpu.memory_space<vmem_shared>>
        tpu.wait_indirect_dma semaphore(%arg29 : memref<!tpu.dma_semaphore, #tpu.memory_space<semaphore_mem>>) src(%arg18 : memref<128x64xf32, #tpu.memory_space<vmem>>) dst(%dma_wait3A_437 : memref<10240x64xf32, #tpu.memory_space<vmem_shared>>)
        %add3A_438 = arith.constant 4 : i32
        %add3A_439 = arith.addi %add3A_417, %add3A_438 : i32
        %rem3A = arith.constant 160 : i32
        %rem3A_440 = arith.remsi %add3A_439, %rem3A : i32
        %dma_start3A_441 = arith.constant 0 : i32
        %dma_start3A_442 = tpu.memref_slice %arg12[%rem3A_440, %dma_start3A_441] : memref<160x128xi32, #tpu.memory_space<vmem>> -> memref<1x128xi32, #tpu.memory_space<vmem>>
        %dma_start3A_443 = tpu.memref_squeeze %dma_start3A_442 : memref<1x128xi32, #tpu.memory_space<vmem>> -> memref<128xi32, #tpu.memory_space<vmem>>
        %dma_start3A_444 = arith.constant 0 : i32
        %dma_start3A_445 = arith.constant 0 : i32
        %dma_start3A_446 = tpu.memref_slice %arg5[%dma_start3A_444, %dma_start3A_445] : memref<10240x64xf32, #tpu.memory_space<hbm>> -> memref<10240x64xf32, #tpu.memory_space<hbm>>
        tpu.enqueue_indirect_dma source(%dma_start3A_446 : memref<10240x64xf32, #tpu.memory_space<hbm>>) target(%arg18 : memref<128x64xf32, #tpu.memory_space<vmem>>) offsets(%dma_start3A_443 : memref<128xi32, #tpu.memory_space<vmem>>) semaphore(%arg24 : memref<!tpu.dma_semaphore, #tpu.memory_space<semaphore_mem>>)
        %mul3A_447 = arith.constant 5 : i32
        %mul3A_448 = arith.muli %scan3A_414, %mul3A_447 : i32
        %add3A_449 = arith.constant 1 : i32
        %add3A_450 = arith.addi %mul3A_448, %add3A_449 : i32
        %dma_wait3A_451 = arith.constant 0 : i32
        %dma_wait3A_452 = arith.constant 0 : i32
        %dma_wait3A_453 = tpu.memref_slice %arg12[%dma_wait3A_451, %dma_wait3A_452] : memref<160x128xi32, #tpu.memory_space<vmem>> -> memref<1x128xi32, #tpu.memory_space<vmem>>
        %dma_wait3A_454 = tpu.memref_squeeze %dma_wait3A_453 : memref<1x128xi32, #tpu.memory_space<vmem>> -> memref<128xi32, #tpu.memory_space<vmem>>
        %dma_wait3A_455 = arith.constant 0 : i32
        %dma_wait3A_456 = arith.constant 0 : i32
        %dma_wait3A_457 = tpu.memref_slice %arg5[%dma_wait3A_455, %dma_wait3A_456] : memref<10240x64xf32, #tpu.memory_space<hbm>> -> memref<10240x64xf32, #tpu.memory_space<hbm>>
        tpu.wait_indirect_dma semaphore(%arg21 : memref<!tpu.dma_semaphore, #tpu.memory_space<semaphore_mem>>) src(%dma_wait3A_457 : memref<10240x64xf32, #tpu.memory_space<hbm>>) dst(%arg15 : memref<128x64xf32, #tpu.memory_space<vmem>>)
        %dma_start3A_458 = arith.constant 0 : i32
        %dma_start3A_459 = tpu.memref_slice %arg13[%add3A_450, %dma_start3A_458] : memref<160x128xi32, #tpu.memory_space<vmem>> -> memref<1x128xi32, #tpu.memory_space<vmem>>
        %dma_start3A_460 = tpu.memref_squeeze %dma_start3A_459 : memref<1x128xi32, #tpu.memory_space<vmem>> -> memref<128xi32, #tpu.memory_space<vmem>>
        %dma_start3A_461 = arith.constant 0 : i32
        %dma_start3A_462 = arith.constant 0 : i32
        %dma_start3A_463 = tpu.memref_slice %arg19[%dma_start3A_461, %dma_start3A_462] : memref<10240x64xf32, #tpu.memory_space<vmem_shared>> -> memref<10240x64xf32, #tpu.memory_space<vmem_shared>>
        tpu.enqueue_indirect_dma source(%arg15 : memref<128x64xf32, #tpu.memory_space<vmem>>) target(%dma_start3A_463 : memref<10240x64xf32, #tpu.memory_space<vmem_shared>>) offsets(%dma_start3A_460 : memref<128xi32, #tpu.memory_space<vmem>>) semaphore(%arg26 : memref<!tpu.dma_semaphore, #tpu.memory_space<semaphore_mem>>) {add = true}
        %dma_wait3A_464 = arith.constant 0 : i32
        %dma_wait3A_465 = arith.constant 0 : i32
        %dma_wait3A_466 = tpu.memref_slice %arg13[%dma_wait3A_464, %dma_wait3A_465] : memref<160x128xi32, #tpu.memory_space<vmem>> -> memref<1x128xi32, #tpu.memory_space<vmem>>
        %dma_wait3A_467 = tpu.memref_squeeze %dma_wait3A_466 : memref<1x128xi32, #tpu.memory_space<vmem>> -> memref<128xi32, #tpu.memory_space<vmem>>
        %dma_wait3A_468 = arith.constant 0 : i32
        %dma_wait3A_469 = arith.constant 0 : i32
        %dma_wait3A_470 = tpu.memref_slice %arg19[%dma_wait3A_468, %dma_wait3A_469] : memref<10240x64xf32, #tpu.memory_space<vmem_shared>> -> memref<10240x64xf32, #tpu.memory_space<vmem_shared>>
        tpu.wait_indirect_dma semaphore(%arg25 : memref<!tpu.dma_semaphore, #tpu.memory_space<semaphore_mem>>) src(%arg14 : memref<128x64xf32, #tpu.memory_space<vmem>>) dst(%dma_wait3A_470 : memref<10240x64xf32, #tpu.memory_space<vmem_shared>>)
        %add3A_471 = arith.constant 4 : i32
        %add3A_472 = arith.addi %add3A_450, %add3A_471 : i32
        %rem3A_473 = arith.constant 160 : i32
        %rem3A_474 = arith.remsi %add3A_472, %rem3A_473 : i32
        %dma_start3A_475 = arith.constant 0 : i32
        %dma_start3A_476 = tpu.memref_slice %arg12[%rem3A_474, %dma_start3A_475] : memref<160x128xi32, #tpu.memory_space<vmem>> -> memref<1x128xi32, #tpu.memory_space<vmem>>
        %dma_start3A_477 = tpu.memref_squeeze %dma_start3A_476 : memref<1x128xi32, #tpu.memory_space<vmem>> -> memref<128xi32, #tpu.memory_space<vmem>>
        %dma_start3A_478 = arith.constant 0 : i32
        %dma_start3A_479 = arith.constant 0 : i32
        %dma_start3A_480 = tpu.memref_slice %arg5[%dma_start3A_478, %dma_start3A_479] : memref<10240x64xf32, #tpu.memory_space<hbm>> -> memref<10240x64xf32, #tpu.memory_space<hbm>>
        tpu.enqueue_indirect_dma source(%dma_start3A_480 : memref<10240x64xf32, #tpu.memory_space<hbm>>) target(%arg14 : memref<128x64xf32, #tpu.memory_space<vmem>>) offsets(%dma_start3A_477 : memref<128xi32, #tpu.memory_space<vmem>>) semaphore(%arg20 : memref<!tpu.dma_semaphore, #tpu.memory_space<semaphore_mem>>)
        %mul3A_481 = arith.constant 5 : i32
        %mul3A_482 = arith.muli %scan3A_414, %mul3A_481 : i32
        %add3A_483 = arith.constant 2 : i32
        %add3A_484 = arith.addi %mul3A_482, %add3A_483 : i32
        %dma_wait3A_485 = arith.constant 0 : i32
        %dma_wait3A_486 = arith.constant 0 : i32
        %dma_wait3A_487 = tpu.memref_slice %arg12[%dma_wait3A_485, %dma_wait3A_486] : memref<160x128xi32, #tpu.memory_space<vmem>> -> memref<1x128xi32, #tpu.memory_space<vmem>>
        %dma_wait3A_488 = tpu.memref_squeeze %dma_wait3A_487 : memref<1x128xi32, #tpu.memory_space<vmem>> -> memref<128xi32, #tpu.memory_space<vmem>>
        %dma_wait3A_489 = arith.constant 0 : i32
        %dma_wait3A_490 = arith.constant 0 : i32
        %dma_wait3A_491 = tpu.memref_slice %arg5[%dma_wait3A_489, %dma_wait3A_490] : memref<10240x64xf32, #tpu.memory_space<hbm>> -> memref<10240x64xf32, #tpu.memory_space<hbm>>
        tpu.wait_indirect_dma semaphore(%arg22 : memref<!tpu.dma_semaphore, #tpu.memory_space<semaphore_mem>>) src(%dma_wait3A_491 : memref<10240x64xf32, #tpu.memory_space<hbm>>) dst(%arg16 : memref<128x64xf32, #tpu.memory_space<vmem>>)
        %dma_start3A_492 = arith.constant 0 : i32
        %dma_start3A_493 = tpu.memref_slice %arg13[%add3A_484, %dma_start3A_492] : memref<160x128xi32, #tpu.memory_space<vmem>> -> memref<1x128xi32, #tpu.memory_space<vmem>>
        %dma_start3A_494 = tpu.memref_squeeze %dma_start3A_493 : memref<1x128xi32, #tpu.memory_space<vmem>> -> memref<128xi32, #tpu.memory_space<vmem>>
        %dma_start3A_495 = arith.constant 0 : i32
        %dma_start3A_496 = arith.constant 0 : i32
        %dma_start3A_497 = tpu.memref_slice %arg19[%dma_start3A_495, %dma_start3A_496] : memref<10240x64xf32, #tpu.memory_space<vmem_shared>> -> memref<10240x64xf32, #tpu.memory_space<vmem_shared>>
        tpu.enqueue_indirect_dma source(%arg16 : memref<128x64xf32, #tpu.memory_space<vmem>>) target(%dma_start3A_497 : memref<10240x64xf32, #tpu.memory_space<vmem_shared>>) offsets(%dma_start3A_494 : memref<128xi32, #tpu.memory_space<vmem>>) semaphore(%arg27 : memref<!tpu.dma_semaphore, #tpu.memory_space<semaphore_mem>>) {add = true}
        %dma_wait3A_498 = arith.constant 0 : i32
        %dma_wait3A_499 = arith.constant 0 : i32
        %dma_wait3A_500 = tpu.memref_slice %arg13[%dma_wait3A_498, %dma_wait3A_499] : memref<160x128xi32, #tpu.memory_space<vmem>> -> memref<1x128xi32, #tpu.memory_space<vmem>>
        %dma_wait3A_501 = tpu.memref_squeeze %dma_wait3A_500 : memref<1x128xi32, #tpu.memory_space<vmem>> -> memref<128xi32, #tpu.memory_space<vmem>>
        %dma_wait3A_502 = arith.constant 0 : i32
        %dma_wait3A_503 = arith.constant 0 : i32
        %dma_wait3A_504 = tpu.memref_slice %arg19[%dma_wait3A_502, %dma_wait3A_503] : memref<10240x64xf32, #tpu.memory_space<vmem_shared>> -> memref<10240x64xf32, #tpu.memory_space<vmem_shared>>
        tpu.wait_indirect_dma semaphore(%arg26 : memref<!tpu.dma_semaphore, #tpu.memory_space<semaphore_mem>>) src(%arg15 : memref<128x64xf32, #tpu.memory_space<vmem>>) dst(%dma_wait3A_504 : memref<10240x64xf32, #tpu.memory_space<vmem_shared>>)
        %add3A_505 = arith.constant 4 : i32
        %add3A_506 = arith.addi %add3A_484, %add3A_505 : i32
        %rem3A_507 = arith.constant 160 : i32
        %rem3A_508 = arith.remsi %add3A_506, %rem3A_507 : i32
        %dma_start3A_509 = arith.constant 0 : i32
        %dma_start3A_510 = tpu.memref_slice %arg12[%rem3A_508, %dma_start3A_509] : memref<160x128xi32, #tpu.memory_space<vmem>> -> memref<1x128xi32, #tpu.memory_space<vmem>>
        %dma_start3A_511 = tpu.memref_squeeze %dma_start3A_510 : memref<1x128xi32, #tpu.memory_space<vmem>> -> memref<128xi32, #tpu.memory_space<vmem>>
        %dma_start3A_512 = arith.constant 0 : i32
        %dma_start3A_513 = arith.constant 0 : i32
        %dma_start3A_514 = tpu.memref_slice %arg5[%dma_start3A_512, %dma_start3A_513] : memref<10240x64xf32, #tpu.memory_space<hbm>> -> memref<10240x64xf32, #tpu.memory_space<hbm>>
        tpu.enqueue_indirect_dma source(%dma_start3A_514 : memref<10240x64xf32, #tpu.memory_space<hbm>>) target(%arg15 : memref<128x64xf32, #tpu.memory_space<vmem>>) offsets(%dma_start3A_511 : memref<128xi32, #tpu.memory_space<vmem>>) semaphore(%arg21 : memref<!tpu.dma_semaphore, #tpu.memory_space<semaphore_mem>>)
        %mul3A_515 = arith.constant 5 : i32
        %mul3A_516 = arith.muli %scan3A_414, %mul3A_515 : i32
        %add3A_517 = arith.constant 3 : i32
        %add3A_518 = arith.addi %mul3A_516, %add3A_517 : i32
        %dma_wait3A_519 = arith.constant 0 : i32
        %dma_wait3A_520 = arith.constant 0 : i32
        %dma_wait3A_521 = tpu.memref_slice %arg12[%dma_wait3A_519, %dma_wait3A_520] : memref<160x128xi32, #tpu.memory_space<vmem>> -> memref<1x128xi32, #tpu.memory_space<vmem>>
        %dma_wait3A_522 = tpu.memref_squeeze %dma_wait3A_521 : memref<1x128xi32, #tpu.memory_space<vmem>> -> memref<128xi32, #tpu.memory_space<vmem>>
        %dma_wait3A_523 = arith.constant 0 : i32
        %dma_wait3A_524 = arith.constant 0 : i32
        %dma_wait3A_525 = tpu.memref_slice %arg5[%dma_wait3A_523, %dma_wait3A_524] : memref<10240x64xf32, #tpu.memory_space<hbm>> -> memref<10240x64xf32, #tpu.memory_space<hbm>>
        tpu.wait_indirect_dma semaphore(%arg23 : memref<!tpu.dma_semaphore, #tpu.memory_space<semaphore_mem>>) src(%dma_wait3A_525 : memref<10240x64xf32, #tpu.memory_space<hbm>>) dst(%arg17 : memref<128x64xf32, #tpu.memory_space<vmem>>)
        %dma_start3A_526 = arith.constant 0 : i32
        %dma_start3A_527 = tpu.memref_slice %arg13[%add3A_518, %dma_start3A_526] : memref<160x128xi32, #tpu.memory_space<vmem>> -> memref<1x128xi32, #tpu.memory_space<vmem>>
        %dma_start3A_528 = tpu.memref_squeeze %dma_start3A_527 : memref<1x128xi32, #tpu.memory_space<vmem>> -> memref<128xi32, #tpu.memory_space<vmem>>
        %dma_start3A_529 = arith.constant 0 : i32
        %dma_start3A_530 = arith.constant 0 : i32
        %dma_start3A_531 = tpu.memref_slice %arg19[%dma_start3A_529, %dma_start3A_530] : memref<10240x64xf32, #tpu.memory_space<vmem_shared>> -> memref<10240x64xf32, #tpu.memory_space<vmem_shared>>
        tpu.enqueue_indirect_dma source(%arg17 : memref<128x64xf32, #tpu.memory_space<vmem>>) target(%dma_start3A_531 : memref<10240x64xf32, #tpu.memory_space<vmem_shared>>) offsets(%dma_start3A_528 : memref<128xi32, #tpu.memory_space<vmem>>) semaphore(%arg28 : memref<!tpu.dma_semaphore, #tpu.memory_space<semaphore_mem>>) {add = true}
        %dma_wait3A_532 = arith.constant 0 : i32
        %dma_wait3A_533 = arith.constant 0 : i32
        %dma_wait3A_534 = tpu.memref_slice %arg13[%dma_wait3A_532, %dma_wait3A_533] : memref<160x128xi32, #tpu.memory_space<vmem>> -> memref<1x128xi32, #tpu.memory_space<vmem>>
        %dma_wait3A_535 = tpu.memref_squeeze %dma_wait3A_534 : memref<1x128xi32, #tpu.memory_space<vmem>> -> memref<128xi32, #tpu.memory_space<vmem>>
        %dma_wait3A_536 = arith.constant 0 : i32
        %dma_wait3A_537 = arith.constant 0 : i32
        %dma_wait3A_538 = tpu.memref_slice %arg19[%dma_wait3A_536, %dma_wait3A_537] : memref<10240x64xf32, #tpu.memory_space<vmem_shared>> -> memref<10240x64xf32, #tpu.memory_space<vmem_shared>>
        tpu.wait_indirect_dma semaphore(%arg27 : memref<!tpu.dma_semaphore, #tpu.memory_space<semaphore_mem>>) src(%arg16 : memref<128x64xf32, #tpu.memory_space<vmem>>) dst(%dma_wait3A_538 : memref<10240x64xf32, #tpu.memory_space<vmem_shared>>)
        %add3A_539 = arith.constant 4 : i32
        %add3A_540 = arith.addi %add3A_518, %add3A_539 : i32
        %rem3A_541 = arith.constant 160 : i32
        %rem3A_542 = arith.remsi %add3A_540, %rem3A_541 : i32
        %dma_start3A_543 = arith.constant 0 : i32
        %dma_start3A_544 = tpu.memref_slice %arg12[%rem3A_542, %dma_start3A_543] : memref<160x128xi32, #tpu.memory_space<vmem>> -> memref<1x128xi32, #tpu.memory_space<vmem>>
        %dma_start3A_545 = tpu.memref_squeeze %dma_start3A_544 : memref<1x128xi32, #tpu.memory_space<vmem>> -> memref<128xi32, #tpu.memory_space<vmem>>
        %dma_start3A_546 = arith.constant 0 : i32
        %dma_start3A_547 = arith.constant 0 : i32
        %dma_start3A_548 = tpu.memref_slice %arg5[%dma_start3A_546, %dma_start3A_547] : memref<10240x64xf32, #tpu.memory_space<hbm>> -> memref<10240x64xf32, #tpu.memory_space<hbm>>
        tpu.enqueue_indirect_dma source(%dma_start3A_548 : memref<10240x64xf32, #tpu.memory_space<hbm>>) target(%arg16 : memref<128x64xf32, #tpu.memory_space<vmem>>) offsets(%dma_start3A_545 : memref<128xi32, #tpu.memory_space<vmem>>) semaphore(%arg22 : memref<!tpu.dma_semaphore, #tpu.memory_space<semaphore_mem>>)
        %mul3A_549 = arith.constant 5 : i32
        %mul3A_550 = arith.muli %scan3A_414, %mul3A_549 : i32
        %add3A_551 = arith.constant 4 : i32
        %add3A_552 = arith.addi %mul3A_550, %add3A_551 : i32
        %dma_wait3A_553 = arith.constant 0 : i32
        %dma_wait3A_554 = arith.constant 0 : i32
        %dma_wait3A_555 = tpu.memref_slice %arg12[%dma_wait3A_553, %dma_wait3A_554] : memref<160x128xi32, #tpu.memory_space<vmem>> -> memref<1x128xi32, #tpu.memory_space<vmem>>
        %dma_wait3A_556 = tpu.memref_squeeze %dma_wait3A_555 : memref<1x128xi32, #tpu.memory_space<vmem>> -> memref<128xi32, #tpu.memory_space<vmem>>
        %dma_wait3A_557 = arith.constant 0 : i32
        %dma_wait3A_558 = arith.constant 0 : i32
        %dma_wait3A_559 = tpu.memref_slice %arg5[%dma_wait3A_557, %dma_wait3A_558] : memref<10240x64xf32, #tpu.memory_space<hbm>> -> memref<10240x64xf32, #tpu.memory_space<hbm>>
        tpu.wait_indirect_dma semaphore(%arg24 : memref<!tpu.dma_semaphore, #tpu.memory_space<semaphore_mem>>) src(%dma_wait3A_559 : memref<10240x64xf32, #tpu.memory_space<hbm>>) dst(%arg18 : memref<128x64xf32, #tpu.memory_space<vmem>>)
        %dma_start3A_560 = arith.constant 0 : i32
        %dma_start3A_561 = tpu.memref_slice %arg13[%add3A_552, %dma_start3A_560] : memref<160x128xi32, #tpu.memory_space<vmem>> -> memref<1x128xi32, #tpu.memory_space<vmem>>
        %dma_start3A_562 = tpu.memref_squeeze %dma_start3A_561 : memref<1x128xi32, #tpu.memory_space<vmem>> -> memref<128xi32, #tpu.memory_space<vmem>>
        %dma_start3A_563 = arith.constant 0 : i32
        %dma_start3A_564 = arith.constant 0 : i32
        %dma_start3A_565 = tpu.memref_slice %arg19[%dma_start3A_563, %dma_start3A_564] : memref<10240x64xf32, #tpu.memory_space<vmem_shared>> -> memref<10240x64xf32, #tpu.memory_space<vmem_shared>>
        tpu.enqueue_indirect_dma source(%arg18 : memref<128x64xf32, #tpu.memory_space<vmem>>) target(%dma_start3A_565 : memref<10240x64xf32, #tpu.memory_space<vmem_shared>>) offsets(%dma_start3A_562 : memref<128xi32, #tpu.memory_space<vmem>>) semaphore(%arg29 : memref<!tpu.dma_semaphore, #tpu.memory_space<semaphore_mem>>) {add = true}
        %dma_wait3A_566 = arith.constant 0 : i32
        %dma_wait3A_567 = arith.constant 0 : i32
        %dma_wait3A_568 = tpu.memref_slice %arg13[%dma_wait3A_566, %dma_wait3A_567] : memref<160x128xi32, #tpu.memory_space<vmem>> -> memref<1x128xi32, #tpu.memory_space<vmem>>
        %dma_wait3A_569 = tpu.memref_squeeze %dma_wait3A_568 : memref<1x128xi32, #tpu.memory_space<vmem>> -> memref<128xi32, #tpu.memory_space<vmem>>
        %dma_wait3A_570 = arith.constant 0 : i32
        %dma_wait3A_571 = arith.constant 0 : i32
        %dma_wait3A_572 = tpu.memref_slice %arg19[%dma_wait3A_570, %dma_wait3A_571] : memref<10240x64xf32, #tpu.memory_space<vmem_shared>> -> memref<10240x64xf32, #tpu.memory_space<vmem_shared>>
        tpu.wait_indirect_dma semaphore(%arg28 : memref<!tpu.dma_semaphore, #tpu.memory_space<semaphore_mem>>) src(%arg17 : memref<128x64xf32, #tpu.memory_space<vmem>>) dst(%dma_wait3A_572 : memref<10240x64xf32, #tpu.memory_space<vmem_shared>>)
        %add3A_573 = arith.constant 4 : i32
        %add3A_574 = arith.addi %add3A_552, %add3A_573 : i32
        %rem3A_575 = arith.constant 160 : i32
        %rem3A_576 = arith.remsi %add3A_574, %rem3A_575 : i32
        %dma_start3A_577 = arith.constant 0 : i32
        %dma_start3A_578 = tpu.memref_slice %arg12[%rem3A_576, %dma_start3A_577] : memref<160x128xi32, #tpu.memory_space<vmem>> -> memref<1x128xi32, #tpu.memory_space<vmem>>
        %dma_start3A_579 = tpu.memref_squeeze %dma_start3A_578 : memref<1x128xi32, #tpu.memory_space<vmem>> -> memref<128xi32, #tpu.memory_space<vmem>>
        %dma_start3A_580 = arith.constant 0 : i32
        %dma_start3A_581 = arith.constant 0 : i32
        %dma_start3A_582 = tpu.memref_slice %arg5[%dma_start3A_580, %dma_start3A_581] : memref<10240x64xf32, #tpu.memory_space<hbm>> -> memref<10240x64xf32, #tpu.memory_space<hbm>>
        tpu.enqueue_indirect_dma source(%dma_start3A_582 : memref<10240x64xf32, #tpu.memory_space<hbm>>) target(%arg17 : memref<128x64xf32, #tpu.memory_space<vmem>>) offsets(%dma_start3A_579 : memref<128xi32, #tpu.memory_space<vmem>>) semaphore(%arg23 : memref<!tpu.dma_semaphore, #tpu.memory_space<semaphore_mem>>)
      }
      %scan3A_377 = arith.constant 31 : i32
      %dma_wait3A_378 = arith.constant 0 : i32
      %dma_wait3A_379 = arith.constant 0 : i32
      %dma_wait3A_380 = tpu.memref_slice %arg13[%dma_wait3A_378, %dma_wait3A_379] : memref<160x128xi32, #tpu.memory_space<vmem>> -> memref<1x128xi32, #tpu.memory_space<vmem>>
      %dma_wait3A_381 = tpu.memref_squeeze %dma_wait3A_380 : memref<1x128xi32, #tpu.memory_space<vmem>> -> memref<128xi32, #tpu.memory_space<vmem>>
      %dma_wait3A_382 = arith.constant 0 : i32
      %dma_wait3A_383 = arith.constant 0 : i32
      %dma_wait3A_384 = tpu.memref_slice %arg19[%dma_wait3A_382, %dma_wait3A_383] : memref<10240x64xf32, #tpu.memory_space<vmem_shared>> -> memref<10240x64xf32, #tpu.memory_space<vmem_shared>>
      tpu.wait_indirect_dma semaphore(%arg29 : memref<!tpu.dma_semaphore, #tpu.memory_space<semaphore_mem>>) src(%arg18 : memref<128x64xf32, #tpu.memory_space<vmem>>) dst(%dma_wait3A_384 : memref<10240x64xf32, #tpu.memory_space<vmem_shared>>)
      %dma_wait3A_385 = arith.constant 0 : i32
      %dma_wait3A_386 = arith.constant 0 : i32
      %dma_wait3A_387 = tpu.memref_slice %arg12[%dma_wait3A_385, %dma_wait3A_386] : memref<160x128xi32, #tpu.memory_space<vmem>> -> memref<1x128xi32, #tpu.memory_space<vmem>>
      %dma_wait3A_388 = tpu.memref_squeeze %dma_wait3A_387 : memref<1x128xi32, #tpu.memory_space<vmem>> -> memref<128xi32, #tpu.memory_space<vmem>>
      %dma_wait3A_389 = arith.constant 0 : i32
      %dma_wait3A_390 = arith.constant 0 : i32
      %dma_wait3A_391 = tpu.memref_slice %arg5[%dma_wait3A_389, %dma_wait3A_390] : memref<10240x64xf32, #tpu.memory_space<hbm>> -> memref<10240x64xf32, #tpu.memory_space<hbm>>
      tpu.wait_indirect_dma semaphore(%arg20 : memref<!tpu.dma_semaphore, #tpu.memory_space<semaphore_mem>>) src(%dma_wait3A_391 : memref<10240x64xf32, #tpu.memory_space<hbm>>) dst(%arg14 : memref<128x64xf32, #tpu.memory_space<vmem>>)
      %dma_wait3A_392 = arith.constant 0 : i32
      %dma_wait3A_393 = arith.constant 0 : i32
      %dma_wait3A_394 = tpu.memref_slice %arg12[%dma_wait3A_392, %dma_wait3A_393] : memref<160x128xi32, #tpu.memory_space<vmem>> -> memref<1x128xi32, #tpu.memory_space<vmem>>
      %dma_wait3A_395 = tpu.memref_squeeze %dma_wait3A_394 : memref<1x128xi32, #tpu.memory_space<vmem>> -> memref<128xi32, #tpu.memory_space<vmem>>
      %dma_wait3A_396 = arith.constant 0 : i32
      %dma_wait3A_397 = arith.constant 0 : i32
      %dma_wait3A_398 = tpu.memref_slice %arg5[%dma_wait3A_396, %dma_wait3A_397] : memref<10240x64xf32, #tpu.memory_space<hbm>> -> memref<10240x64xf32, #tpu.memory_space<hbm>>
      tpu.wait_indirect_dma semaphore(%arg21 : memref<!tpu.dma_semaphore, #tpu.memory_space<semaphore_mem>>) src(%dma_wait3A_398 : memref<10240x64xf32, #tpu.memory_space<hbm>>) dst(%arg15 : memref<128x64xf32, #tpu.memory_space<vmem>>)
      %dma_wait3A_399 = arith.constant 0 : i32
      %dma_wait3A_400 = arith.constant 0 : i32
      %dma_wait3A_401 = tpu.memref_slice %arg12[%dma_wait3A_399, %dma_wait3A_400] : memref<160x128xi32, #tpu.memory_space<vmem>> -> memref<1x128xi32, #tpu.memory_space<vmem>>
      %dma_wait3A_402 = tpu.memref_squeeze %dma_wait3A_401 : memref<1x128xi32, #tpu.memory_space<vmem>> -> memref<128xi32, #tpu.memory_space<vmem>>
      %dma_wait3A_403 = arith.constant 0 : i32
      %dma_wait3A_404 = arith.constant 0 : i32
      %dma_wait3A_405 = tpu.memref_slice %arg5[%dma_wait3A_403, %dma_wait3A_404] : memref<10240x64xf32, #tpu.memory_space<hbm>> -> memref<10240x64xf32, #tpu.memory_space<hbm>>
      tpu.wait_indirect_dma semaphore(%arg22 : memref<!tpu.dma_semaphore, #tpu.memory_space<semaphore_mem>>) src(%dma_wait3A_405 : memref<10240x64xf32, #tpu.memory_space<hbm>>) dst(%arg16 : memref<128x64xf32, #tpu.memory_space<vmem>>)
      %dma_wait3A_406 = arith.constant 0 : i32
      %dma_wait3A_407 = arith.constant 0 : i32
      %dma_wait3A_408 = tpu.memref_slice %arg12[%dma_wait3A_406, %dma_wait3A_407] : memref<160x128xi32, #tpu.memory_space<vmem>> -> memref<1x128xi32, #tpu.memory_space<vmem>>
      %dma_wait3A_409 = tpu.memref_squeeze %dma_wait3A_408 : memref<1x128xi32, #tpu.memory_space<vmem>> -> memref<128xi32, #tpu.memory_space<vmem>>
      %dma_wait3A_410 = arith.constant 0 : i32
      %dma_wait3A_411 = arith.constant 0 : i32
      %dma_wait3A_412 = tpu.memref_slice %arg5[%dma_wait3A_410, %dma_wait3A_411] : memref<10240x64xf32, #tpu.memory_space<hbm>> -> memref<10240x64xf32, #tpu.memory_space<hbm>>
      tpu.wait_indirect_dma semaphore(%arg23 : memref<!tpu.dma_semaphore, #tpu.memory_space<semaphore_mem>>) src(%dma_wait3A_412 : memref<10240x64xf32, #tpu.memory_space<hbm>>) dst(%arg17 : memref<128x64xf32, #tpu.memory_space<vmem>>)
      %barrier3A_413 = arith.constant 0 : index
      tpu.barrier barrier_id(%barrier3A_413)
      "tpu.region"() ({
        %run_scoped3A = tpu.sem_alloc : memref<!tpu.dma_semaphore, #tpu.memory_space<semaphore_mem>>
        %dma_start3A_414 = arith.constant 0 : i32
        %dma_start3A_415 = tpu.memref_slice %arg11[%mul3A_209, %dma_start3A_414] : memref<10240x64xf32, #tpu.memory_space<hbm>> -> memref<640x64xf32, #tpu.memory_space<hbm>>
        %dma_start3A_416 = arith.constant 0 : i32
        %dma_start3A_417 = tpu.memref_slice %arg19[%mul3A_209, %dma_start3A_416] : memref<10240x64xf32, #tpu.memory_space<vmem_shared>> -> memref<640x64xf32, #tpu.memory_space<vmem_shared>>
        tpu.enqueue_dma source(%dma_start3A_417 : memref<640x64xf32, #tpu.memory_space<vmem_shared>>) target(%dma_start3A_415 : memref<640x64xf32, #tpu.memory_space<hbm>>) target_semaphore(%run_scoped3A : memref<!tpu.dma_semaphore, #tpu.memory_space<semaphore_mem>>)
        %dma_wait3A_418 = arith.constant 0 : i32
        %dma_wait3A_419 = tpu.memref_slice %arg11[%mul3A_209, %dma_wait3A_418] : memref<10240x64xf32, #tpu.memory_space<hbm>> -> memref<640x64xf32, #tpu.memory_space<hbm>>
        %dma_wait3A_420 = arith.constant 0 : i32
        %dma_wait3A_421 = tpu.memref_slice %arg19[%mul3A_209, %dma_wait3A_420] : memref<10240x64xf32, #tpu.memory_space<vmem_shared>> -> memref<640x64xf32, #tpu.memory_space<vmem_shared>>
        tpu.wait_dma2 semaphore(%run_scoped3A : memref<!tpu.dma_semaphore, #tpu.memory_space<semaphore_mem>>) src(%dma_wait3A_421 : memref<640x64xf32, #tpu.memory_space<vmem_shared>>) dst(%dma_wait3A_419 : memref<640x64xf32, #tpu.memory_space<hbm>>)
        tpu.yield
      }) : () -> ()
    } else {
    }
    return
  }
}

#map = affine_map<(d0, d1) -> (0, 0, 0, 0)>
#map1 = affine_map<(d0, d1) -> (0, 0)>
module attributes {stable_mosaic.version = 14 : i64} {
  func.func @_sc_degree(%arg0: i32, %arg1: i32, %arg2: memref<2x16x160x128xi32, #tpu.memory_space<hbm>>, %arg3: memref<2x10240xf32, #tpu.memory_space<hbm>>, %arg4: memref<160x128xi32, #tpu.memory_space<vmem>>, %arg5: memref<128xf32, #tpu.memory_space<vmem>>, %arg6: memref<10240xf32, #tpu.memory_space<vmem_shared>>, %arg7: memref<!tpu.dma_semaphore, #tpu.memory_space<semaphore_mem>>, %arg8: memref<!tpu.dma_semaphore, #tpu.memory_space<semaphore_mem>>, %arg9: memref<!tpu.dma_semaphore, #tpu.memory_space<semaphore_mem>>, %arg10: memref<!tpu.dma_semaphore, #tpu.memory_space<semaphore_mem>>) attributes {dimension_semantics = [#tpu.dimension_semantics<core_parallel>, #tpu.dimension_semantics<subcore_parallel>], iteration_bounds = array<i64: 2, 16>, scalar_prefetch = 0 : i64, scratch_operands = 7 : i64, tpu.core_type = #tpu.core_type<sc_vector_subcore>, window_params = [{transform_indices = #map}, {transform_indices = #map1}]} {
    %broadcast_in_dim3A = arith.constant 1.000000e+00 : f32
    %broadcast_in_dim3A_0 = vector.broadcast %broadcast_in_dim3A : f32 to vector<16xf32>
    %swap3A = arith.constant 0 : index
    %swap3A_1 = tpu.vector_load %arg5[%swap3A] {strides = array<i32>} : memref<128xf32, #tpu.memory_space<vmem>>, vector<16xf32>,
    %swap3A_2 = vector.shape_cast %swap3A_1 : vector<16xf32> to vector<16xf32>
    %swap3A_3 = vector.shape_cast %broadcast_in_dim3A_0 : vector<16xf32> to vector<16xf32>
    tpu.vector_store %arg5[%swap3A], %swap3A_3 {strides = array<i32>} : memref<128xf32, #tpu.memory_space<vmem>>, vector<16xf32>,
    %broadcast_in_dim3A_4 = arith.constant 1.000000e+00 : f32
    %broadcast_in_dim3A_5 = vector.broadcast %broadcast_in_dim3A_4 : f32 to vector<16xf32>
    %swap3A_6 = arith.constant 16 : index
    %swap3A_7 = tpu.vector_load %arg5[%swap3A_6] {strides = array<i32>} : memref<128xf32, #tpu.memory_space<vmem>>, vector<16xf32>,
    %swap3A_8 = vector.shape_cast %swap3A_7 : vector<16xf32> to vector<16xf32>
    %swap3A_9 = vector.shape_cast %broadcast_in_dim3A_5 : vector<16xf32> to vector<16xf32>
    tpu.vector_store %arg5[%swap3A_6], %swap3A_9 {strides = array<i32>} : memref<128xf32, #tpu.memory_space<vmem>>, vector<16xf32>,
    %broadcast_in_dim3A_10 = arith.constant 1.000000e+00 : f32
    %broadcast_in_dim3A_11 = vector.broadcast %broadcast_in_dim3A_10 : f32 to vector<16xf32>
    %swap3A_12 = arith.constant 32 : index
    %swap3A_13 = tpu.vector_load %arg5[%swap3A_12] {strides = array<i32>} : memref<128xf32, #tpu.memory_space<vmem>>, vector<16xf32>,
    %swap3A_14 = vector.shape_cast %swap3A_13 : vector<16xf32> to vector<16xf32>
    %swap3A_15 = vector.shape_cast %broadcast_in_dim3A_11 : vector<16xf32> to vector<16xf32>
    tpu.vector_store %arg5[%swap3A_12], %swap3A_15 {strides = array<i32>} : memref<128xf32, #tpu.memory_space<vmem>>, vector<16xf32>,
    %broadcast_in_dim3A_16 = arith.constant 1.000000e+00 : f32
    %broadcast_in_dim3A_17 = vector.broadcast %broadcast_in_dim3A_16 : f32 to vector<16xf32>
    %swap3A_18 = arith.constant 48 : index
    %swap3A_19 = tpu.vector_load %arg5[%swap3A_18] {strides = array<i32>} : memref<128xf32, #tpu.memory_space<vmem>>, vector<16xf32>,
    %swap3A_20 = vector.shape_cast %swap3A_19 : vector<16xf32> to vector<16xf32>
    %swap3A_21 = vector.shape_cast %broadcast_in_dim3A_17 : vector<16xf32> to vector<16xf32>
    tpu.vector_store %arg5[%swap3A_18], %swap3A_21 {strides = array<i32>} : memref<128xf32, #tpu.memory_space<vmem>>, vector<16xf32>,
    %broadcast_in_dim3A_22 = arith.constant 1.000000e+00 : f32
    %broadcast_in_dim3A_23 = vector.broadcast %broadcast_in_dim3A_22 : f32 to vector<16xf32>
    %swap3A_24 = arith.constant 64 : index
    %swap3A_25 = tpu.vector_load %arg5[%swap3A_24] {strides = array<i32>} : memref<128xf32, #tpu.memory_space<vmem>>, vector<16xf32>,
    %swap3A_26 = vector.shape_cast %swap3A_25 : vector<16xf32> to vector<16xf32>
    %swap3A_27 = vector.shape_cast %broadcast_in_dim3A_23 : vector<16xf32> to vector<16xf32>
    tpu.vector_store %arg5[%swap3A_24], %swap3A_27 {strides = array<i32>} : memref<128xf32, #tpu.memory_space<vmem>>, vector<16xf32>,
    %broadcast_in_dim3A_28 = arith.constant 1.000000e+00 : f32
    %broadcast_in_dim3A_29 = vector.broadcast %broadcast_in_dim3A_28 : f32 to vector<16xf32>
    %swap3A_30 = arith.constant 80 : index
    %swap3A_31 = tpu.vector_load %arg5[%swap3A_30] {strides = array<i32>} : memref<128xf32, #tpu.memory_space<vmem>>, vector<16xf32>,
    %swap3A_32 = vector.shape_cast %swap3A_31 : vector<16xf32> to vector<16xf32>
    %swap3A_33 = vector.shape_cast %broadcast_in_dim3A_29 : vector<16xf32> to vector<16xf32>
    tpu.vector_store %arg5[%swap3A_30], %swap3A_33 {strides = array<i32>} : memref<128xf32, #tpu.memory_space<vmem>>, vector<16xf32>,
    %broadcast_in_dim3A_34 = arith.constant 1.000000e+00 : f32
    %broadcast_in_dim3A_35 = vector.broadcast %broadcast_in_dim3A_34 : f32 to vector<16xf32>
    %swap3A_36 = arith.constant 96 : index
    %swap3A_37 = tpu.vector_load %arg5[%swap3A_36] {strides = array<i32>} : memref<128xf32, #tpu.memory_space<vmem>>, vector<16xf32>,
    %swap3A_38 = vector.shape_cast %swap3A_37 : vector<16xf32> to vector<16xf32>
    %swap3A_39 = vector.shape_cast %broadcast_in_dim3A_35 : vector<16xf32> to vector<16xf32>
    tpu.vector_store %arg5[%swap3A_36], %swap3A_39 {strides = array<i32>} : memref<128xf32, #tpu.memory_space<vmem>>, vector<16xf32>,
    %broadcast_in_dim3A_40 = arith.constant 1.000000e+00 : f32
    %broadcast_in_dim3A_41 = vector.broadcast %broadcast_in_dim3A_40 : f32 to vector<16xf32>
    %swap3A_42 = arith.constant 112 : index
    %swap3A_43 = tpu.vector_load %arg5[%swap3A_42] {strides = array<i32>} : memref<128xf32, #tpu.memory_space<vmem>>, vector<16xf32>,
    %swap3A_44 = vector.shape_cast %swap3A_43 : vector<16xf32> to vector<16xf32>
    %swap3A_45 = vector.shape_cast %broadcast_in_dim3A_41 : vector<16xf32> to vector<16xf32>
    tpu.vector_store %arg5[%swap3A_42], %swap3A_45 {strides = array<i32>} : memref<128xf32, #tpu.memory_space<vmem>>, vector<16xf32>,
    "tpu.region"() ({
      %run_scoped3A = tpu.sem_alloc : memref<!tpu.dma_semaphore, #tpu.memory_space<semaphore_mem>>
      %dma_start3A_120 = arith.constant 0 : i32
      %dma_start3A_121 = arith.constant 0 : i32
      %dma_start3A_122 = tpu.memref_slice %arg2[%arg0, %arg1, %dma_start3A_120, %dma_start3A_121] : memref<2x16x160x128xi32, #tpu.memory_space<hbm>> -> memref<1x1x160x128xi32, #tpu.memory_space<hbm>>
      %dma_start3A_123 = tpu.memref_squeeze %dma_start3A_122 : memref<1x1x160x128xi32, #tpu.memory_space<hbm>> -> memref<160x128xi32, #tpu.memory_space<hbm>>
      %dma_start3A_124 = arith.constant 0 : i32
      %dma_start3A_125 = arith.constant 0 : i32
      %dma_start3A_126 = tpu.memref_slice %arg2[%arg0, %arg1, %dma_start3A_124, %dma_start3A_125] : memref<2x16x160x128xi32, #tpu.memory_space<hbm>> -> memref<1x1x160x128xi32, #tpu.memory_space<hbm>>
      %dma_start3A_127 = tpu.memref_squeeze %dma_start3A_126 : memref<1x1x160x128xi32, #tpu.memory_space<hbm>> -> memref<160x128xi32, #tpu.memory_space<hbm>>
      tpu.enqueue_dma source(%dma_start3A_127 : memref<160x128xi32, #tpu.memory_space<hbm>>) target(%arg4 : memref<160x128xi32, #tpu.memory_space<vmem>>) target_semaphore(%run_scoped3A : memref<!tpu.dma_semaphore, #tpu.memory_space<semaphore_mem>>)
      %dma_wait3A_128 = arith.constant 0 : i32
      %dma_wait3A_129 = arith.constant 0 : i32
      %dma_wait3A_130 = tpu.memref_slice %arg2[%arg0, %arg1, %dma_wait3A_128, %dma_wait3A_129] : memref<2x16x160x128xi32, #tpu.memory_space<hbm>> -> memref<1x1x160x128xi32, #tpu.memory_space<hbm>>
      %dma_wait3A_131 = tpu.memref_squeeze %dma_wait3A_130 : memref<1x1x160x128xi32, #tpu.memory_space<hbm>> -> memref<160x128xi32, #tpu.memory_space<hbm>>
      %dma_wait3A_132 = arith.constant 0 : i32
      %dma_wait3A_133 = arith.constant 0 : i32
      %dma_wait3A_134 = tpu.memref_slice %arg2[%arg0, %arg1, %dma_wait3A_132, %dma_wait3A_133] : memref<2x16x160x128xi32, #tpu.memory_space<hbm>> -> memref<1x1x160x128xi32, #tpu.memory_space<hbm>>
      %dma_wait3A_135 = tpu.memref_squeeze %dma_wait3A_134 : memref<1x1x160x128xi32, #tpu.memory_space<hbm>> -> memref<160x128xi32, #tpu.memory_space<hbm>>
      tpu.wait_dma2 semaphore(%run_scoped3A : memref<!tpu.dma_semaphore, #tpu.memory_space<semaphore_mem>>) src(%dma_wait3A_135 : memref<160x128xi32, #tpu.memory_space<hbm>>) dst(%arg4 : memref<160x128xi32, #tpu.memory_space<vmem>>)
      tpu.yield
    }) : () -> ()
    %mul3A = arith.constant 640 : i32
    %mul3A_46 = arith.muli %arg1, %mul3A : i32
    %add3A = arith.constant 0 : i32
    %add3A_47 = arith.addi %mul3A_46, %add3A : i32
    "tpu.region"() ({
      %run_scoped3A = tpu.sem_alloc : memref<!tpu.dma_semaphore, #tpu.memory_space<semaphore_mem>>
      %dma_start3A_120 = tpu.memref_slice %arg6[%add3A_47] : memref<10240xf32, #tpu.memory_space<vmem_shared>> -> memref<128xf32, #tpu.memory_space<vmem_shared>>
      %dma_start3A_121 = tpu.memref_slice %arg6[%add3A_47] : memref<10240xf32, #tpu.memory_space<vmem_shared>> -> memref<128xf32, #tpu.memory_space<vmem_shared>>
      tpu.enqueue_dma source(%arg5 : memref<128xf32, #tpu.memory_space<vmem>>) target(%dma_start3A_121 : memref<128xf32, #tpu.memory_space<vmem_shared>>) target_semaphore(%run_scoped3A : memref<!tpu.dma_semaphore, #tpu.memory_space<semaphore_mem>>)
      %dma_wait3A_122 = tpu.memref_slice %arg6[%add3A_47] : memref<10240xf32, #tpu.memory_space<vmem_shared>> -> memref<128xf32, #tpu.memory_space<vmem_shared>>
      %dma_wait3A_123 = tpu.memref_slice %arg6[%add3A_47] : memref<10240xf32, #tpu.memory_space<vmem_shared>> -> memref<128xf32, #tpu.memory_space<vmem_shared>>
      tpu.wait_dma2 semaphore(%run_scoped3A : memref<!tpu.dma_semaphore, #tpu.memory_space<semaphore_mem>>) src(%arg5 : memref<128xf32, #tpu.memory_space<vmem>>) dst(%dma_wait3A_123 : memref<128xf32, #tpu.memory_space<vmem_shared>>)
      tpu.yield
    }) : () -> ()
    %mul3A_48 = arith.constant 640 : i32
    %mul3A_49 = arith.muli %arg1, %mul3A_48 : i32
    %add3A_50 = arith.constant 128 : i32
    %add3A_51 = arith.addi %mul3A_49, %add3A_50 : i32
    "tpu.region"() ({
      %run_scoped3A = tpu.sem_alloc : memref<!tpu.dma_semaphore, #tpu.memory_space<semaphore_mem>>
      %dma_start3A_120 = tpu.memref_slice %arg6[%add3A_51] : memref<10240xf32, #tpu.memory_space<vmem_shared>> -> memref<128xf32, #tpu.memory_space<vmem_shared>>
      %dma_start3A_121 = tpu.memref_slice %arg6[%add3A_51] : memref<10240xf32, #tpu.memory_space<vmem_shared>> -> memref<128xf32, #tpu.memory_space<vmem_shared>>
      tpu.enqueue_dma source(%arg5 : memref<128xf32, #tpu.memory_space<vmem>>) target(%dma_start3A_121 : memref<128xf32, #tpu.memory_space<vmem_shared>>) target_semaphore(%run_scoped3A : memref<!tpu.dma_semaphore, #tpu.memory_space<semaphore_mem>>)
      %dma_wait3A_122 = tpu.memref_slice %arg6[%add3A_51] : memref<10240xf32, #tpu.memory_space<vmem_shared>> -> memref<128xf32, #tpu.memory_space<vmem_shared>>
      %dma_wait3A_123 = tpu.memref_slice %arg6[%add3A_51] : memref<10240xf32, #tpu.memory_space<vmem_shared>> -> memref<128xf32, #tpu.memory_space<vmem_shared>>
      tpu.wait_dma2 semaphore(%run_scoped3A : memref<!tpu.dma_semaphore, #tpu.memory_space<semaphore_mem>>) src(%arg5 : memref<128xf32, #tpu.memory_space<vmem>>) dst(%dma_wait3A_123 : memref<128xf32, #tpu.memory_space<vmem_shared>>)
      tpu.yield
    }) : () -> ()
    %mul3A_52 = arith.constant 640 : i32
    %mul3A_53 = arith.muli %arg1, %mul3A_52 : i32
    %add3A_54 = arith.constant 256 : i32
    %add3A_55 = arith.addi %mul3A_53, %add3A_54 : i32
    "tpu.region"() ({
      %run_scoped3A = tpu.sem_alloc : memref<!tpu.dma_semaphore, #tpu.memory_space<semaphore_mem>>
      %dma_start3A_120 = tpu.memref_slice %arg6[%add3A_55] : memref<10240xf32, #tpu.memory_space<vmem_shared>> -> memref<128xf32, #tpu.memory_space<vmem_shared>>
      %dma_start3A_121 = tpu.memref_slice %arg6[%add3A_55] : memref<10240xf32, #tpu.memory_space<vmem_shared>> -> memref<128xf32, #tpu.memory_space<vmem_shared>>
      tpu.enqueue_dma source(%arg5 : memref<128xf32, #tpu.memory_space<vmem>>) target(%dma_start3A_121 : memref<128xf32, #tpu.memory_space<vmem_shared>>) target_semaphore(%run_scoped3A : memref<!tpu.dma_semaphore, #tpu.memory_space<semaphore_mem>>)
      %dma_wait3A_122 = tpu.memref_slice %arg6[%add3A_55] : memref<10240xf32, #tpu.memory_space<vmem_shared>> -> memref<128xf32, #tpu.memory_space<vmem_shared>>
      %dma_wait3A_123 = tpu.memref_slice %arg6[%add3A_55] : memref<10240xf32, #tpu.memory_space<vmem_shared>> -> memref<128xf32, #tpu.memory_space<vmem_shared>>
      tpu.wait_dma2 semaphore(%run_scoped3A : memref<!tpu.dma_semaphore, #tpu.memory_space<semaphore_mem>>) src(%arg5 : memref<128xf32, #tpu.memory_space<vmem>>) dst(%dma_wait3A_123 : memref<128xf32, #tpu.memory_space<vmem_shared>>)
      tpu.yield
    }) : () -> ()
    %mul3A_56 = arith.constant 640 : i32
    %mul3A_57 = arith.muli %arg1, %mul3A_56 : i32
    %add3A_58 = arith.constant 384 : i32
    %add3A_59 = arith.addi %mul3A_57, %add3A_58 : i32
    "tpu.region"() ({
      %run_scoped3A = tpu.sem_alloc : memref<!tpu.dma_semaphore, #tpu.memory_space<semaphore_mem>>
      %dma_start3A_120 = tpu.memref_slice %arg6[%add3A_59] : memref<10240xf32, #tpu.memory_space<vmem_shared>> -> memref<128xf32, #tpu.memory_space<vmem_shared>>
      %dma_start3A_121 = tpu.memref_slice %arg6[%add3A_59] : memref<10240xf32, #tpu.memory_space<vmem_shared>> -> memref<128xf32, #tpu.memory_space<vmem_shared>>
      tpu.enqueue_dma source(%arg5 : memref<128xf32, #tpu.memory_space<vmem>>) target(%dma_start3A_121 : memref<128xf32, #tpu.memory_space<vmem_shared>>) target_semaphore(%run_scoped3A : memref<!tpu.dma_semaphore, #tpu.memory_space<semaphore_mem>>)
      %dma_wait3A_122 = tpu.memref_slice %arg6[%add3A_59] : memref<10240xf32, #tpu.memory_space<vmem_shared>> -> memref<128xf32, #tpu.memory_space<vmem_shared>>
      %dma_wait3A_123 = tpu.memref_slice %arg6[%add3A_59] : memref<10240xf32, #tpu.memory_space<vmem_shared>> -> memref<128xf32, #tpu.memory_space<vmem_shared>>
      tpu.wait_dma2 semaphore(%run_scoped3A : memref<!tpu.dma_semaphore, #tpu.memory_space<semaphore_mem>>) src(%arg5 : memref<128xf32, #tpu.memory_space<vmem>>) dst(%dma_wait3A_123 : memref<128xf32, #tpu.memory_space<vmem_shared>>)
      tpu.yield
    }) : () -> ()
    %mul3A_60 = arith.constant 640 : i32
    %mul3A_61 = arith.muli %arg1, %mul3A_60 : i32
    %add3A_62 = arith.constant 512 : i32
    %add3A_63 = arith.addi %mul3A_61, %add3A_62 : i32
    "tpu.region"() ({
      %run_scoped3A = tpu.sem_alloc : memref<!tpu.dma_semaphore, #tpu.memory_space<semaphore_mem>>
      %dma_start3A_120 = tpu.memref_slice %arg6[%add3A_63] : memref<10240xf32, #tpu.memory_space<vmem_shared>> -> memref<128xf32, #tpu.memory_space<vmem_shared>>
      %dma_start3A_121 = tpu.memref_slice %arg6[%add3A_63] : memref<10240xf32, #tpu.memory_space<vmem_shared>> -> memref<128xf32, #tpu.memory_space<vmem_shared>>
      tpu.enqueue_dma source(%arg5 : memref<128xf32, #tpu.memory_space<vmem>>) target(%dma_start3A_121 : memref<128xf32, #tpu.memory_space<vmem_shared>>) target_semaphore(%run_scoped3A : memref<!tpu.dma_semaphore, #tpu.memory_space<semaphore_mem>>)
      %dma_wait3A_122 = tpu.memref_slice %arg6[%add3A_63] : memref<10240xf32, #tpu.memory_space<vmem_shared>> -> memref<128xf32, #tpu.memory_space<vmem_shared>>
      %dma_wait3A_123 = tpu.memref_slice %arg6[%add3A_63] : memref<10240xf32, #tpu.memory_space<vmem_shared>> -> memref<128xf32, #tpu.memory_space<vmem_shared>>
      tpu.wait_dma2 semaphore(%run_scoped3A : memref<!tpu.dma_semaphore, #tpu.memory_space<semaphore_mem>>) src(%arg5 : memref<128xf32, #tpu.memory_space<vmem>>) dst(%dma_wait3A_123 : memref<128xf32, #tpu.memory_space<vmem_shared>>)
      tpu.yield
    }) : () -> ()
    %barrier3A = arith.constant 0 : index
    tpu.barrier barrier_id(%barrier3A)
    %dma_start3A = arith.constant 0 : i32
    %dma_start3A_64 = arith.constant 0 : i32
    %dma_start3A_65 = tpu.memref_slice %arg4[%dma_start3A, %dma_start3A_64] : memref<160x128xi32, #tpu.memory_space<vmem>> -> memref<1x128xi32, #tpu.memory_space<vmem>>
    %dma_start3A_66 = tpu.memref_squeeze %dma_start3A_65 : memref<1x128xi32, #tpu.memory_space<vmem>> -> memref<128xi32, #tpu.memory_space<vmem>>
    %dma_start3A_67 = arith.constant 0 : i32
    %dma_start3A_68 = tpu.memref_slice %arg6[%dma_start3A_67] : memref<10240xf32, #tpu.memory_space<vmem_shared>> -> memref<10240xf32, #tpu.memory_space<vmem_shared>>
    tpu.enqueue_indirect_dma source(%arg5 : memref<128xf32, #tpu.memory_space<vmem>>) target(%dma_start3A_68 : memref<10240xf32, #tpu.memory_space<vmem_shared>>) offsets(%dma_start3A_66 : memref<128xi32, #tpu.memory_space<vmem>>) semaphore(%arg7 : memref<!tpu.dma_semaphore, #tpu.memory_space<semaphore_mem>>) {add = true}
    %dma_start3A_69 = arith.constant 1 : i32
    %dma_start3A_70 = arith.constant 0 : i32
    %dma_start3A_71 = tpu.memref_slice %arg4[%dma_start3A_69, %dma_start3A_70] : memref<160x128xi32, #tpu.memory_space<vmem>> -> memref<1x128xi32, #tpu.memory_space<vmem>>
    %dma_start3A_72 = tpu.memref_squeeze %dma_start3A_71 : memref<1x128xi32, #tpu.memory_space<vmem>> -> memref<128xi32, #tpu.memory_space<vmem>>
    %dma_start3A_73 = arith.constant 0 : i32
    %dma_start3A_74 = tpu.memref_slice %arg6[%dma_start3A_73] : memref<10240xf32, #tpu.memory_space<vmem_shared>> -> memref<10240xf32, #tpu.memory_space<vmem_shared>>
    tpu.enqueue_indirect_dma source(%arg5 : memref<128xf32, #tpu.memory_space<vmem>>) target(%dma_start3A_74 : memref<10240xf32, #tpu.memory_space<vmem_shared>>) offsets(%dma_start3A_72 : memref<128xi32, #tpu.memory_space<vmem>>) semaphore(%arg8 : memref<!tpu.dma_semaphore, #tpu.memory_space<semaphore_mem>>) {add = true}
    %dma_start3A_75 = arith.constant 2 : i32
    %dma_start3A_76 = arith.constant 0 : i32
    %dma_start3A_77 = tpu.memref_slice %arg4[%dma_start3A_75, %dma_start3A_76] : memref<160x128xi32, #tpu.memory_space<vmem>> -> memref<1x128xi32, #tpu.memory_space<vmem>>
    %dma_start3A_78 = tpu.memref_squeeze %dma_start3A_77 : memref<1x128xi32, #tpu.memory_space<vmem>> -> memref<128xi32, #tpu.memory_space<vmem>>
    %dma_start3A_79 = arith.constant 0 : i32
    %dma_start3A_80 = tpu.memref_slice %arg6[%dma_start3A_79] : memref<10240xf32, #tpu.memory_space<vmem_shared>> -> memref<10240xf32, #tpu.memory_space<vmem_shared>>
    tpu.enqueue_indirect_dma source(%arg5 : memref<128xf32, #tpu.memory_space<vmem>>) target(%dma_start3A_80 : memref<10240xf32, #tpu.memory_space<vmem_shared>>) offsets(%dma_start3A_78 : memref<128xi32, #tpu.memory_space<vmem>>) semaphore(%arg9 : memref<!tpu.dma_semaphore, #tpu.memory_space<semaphore_mem>>) {add = true}
    %dma_start3A_81 = arith.constant 3 : i32
    %dma_start3A_82 = arith.constant 0 : i32
    %dma_start3A_83 = tpu.memref_slice %arg4[%dma_start3A_81, %dma_start3A_82] : memref<160x128xi32, #tpu.memory_space<vmem>> -> memref<1x128xi32, #tpu.memory_space<vmem>>
    %dma_start3A_84 = tpu.memref_squeeze %dma_start3A_83 : memref<1x128xi32, #tpu.memory_space<vmem>> -> memref<128xi32, #tpu.memory_space<vmem>>
    %dma_start3A_85 = arith.constant 0 : i32
    %dma_start3A_86 = tpu.memref_slice %arg6[%dma_start3A_85] : memref<10240xf32, #tpu.memory_space<vmem_shared>> -> memref<10240xf32, #tpu.memory_space<vmem_shared>>
    tpu.enqueue_indirect_dma source(%arg5 : memref<128xf32, #tpu.memory_space<vmem>>) target(%dma_start3A_86 : memref<10240xf32, #tpu.memory_space<vmem_shared>>) offsets(%dma_start3A_84 : memref<128xi32, #tpu.memory_space<vmem>>) semaphore(%arg10 : memref<!tpu.dma_semaphore, #tpu.memory_space<semaphore_mem>>) {add = true}
    %scan3A = arith.constant 0 : i32
    %scan3A_87 = arith.constant 1 : i32
    %scan3A_88 = arith.constant 39 : i32
    %scan3A_89 = arith.addi %scan3A_87, %scan3A_88 : i32
    %scan3A_90 = arith.constant 1 : i32
    scf.for %scan3A_120 = %scan3A_87 to %scan3A_89 step %scan3A_90  : i32 {
      %dma_wait3A_121 = arith.constant 0 : i32
      %dma_wait3A_122 = arith.constant 0 : i32
      %dma_wait3A_123 = tpu.memref_slice %arg4[%dma_wait3A_121, %dma_wait3A_122] : memref<160x128xi32, #tpu.memory_space<vmem>> -> memref<1x128xi32, #tpu.memory_space<vmem>>
      %dma_wait3A_124 = tpu.memref_squeeze %dma_wait3A_123 : memref<1x128xi32, #tpu.memory_space<vmem>> -> memref<128xi32, #tpu.memory_space<vmem>>
      %dma_wait3A_125 = arith.constant 0 : i32
      %dma_wait3A_126 = tpu.memref_slice %arg6[%dma_wait3A_125] : memref<10240xf32, #tpu.memory_space<vmem_shared>> -> memref<10240xf32, #tpu.memory_space<vmem_shared>>
      tpu.wait_indirect_dma semaphore(%arg7 : memref<!tpu.dma_semaphore, #tpu.memory_space<semaphore_mem>>) src(%arg5 : memref<128xf32, #tpu.memory_space<vmem>>) dst(%dma_wait3A_126 : memref<10240xf32, #tpu.memory_space<vmem_shared>>)
      %mul3A_127 = arith.constant 4 : i32
      %mul3A_128 = arith.muli %scan3A_120, %mul3A_127 : i32
      %add3A_129 = arith.constant 0 : i32
      %add3A_130 = arith.addi %mul3A_128, %add3A_129 : i32
      %dma_start3A_131 = arith.constant 0 : i32
      %dma_start3A_132 = tpu.memref_slice %arg4[%add3A_130, %dma_start3A_131] : memref<160x128xi32, #tpu.memory_space<vmem>> -> memref<1x128xi32, #tpu.memory_space<vmem>>
      %dma_start3A_133 = tpu.memref_squeeze %dma_start3A_132 : memref<1x128xi32, #tpu.memory_space<vmem>> -> memref<128xi32, #tpu.memory_space<vmem>>
      %dma_start3A_134 = arith.constant 0 : i32
      %dma_start3A_135 = tpu.memref_slice %arg6[%dma_start3A_134] : memref<10240xf32, #tpu.memory_space<vmem_shared>> -> memref<10240xf32, #tpu.memory_space<vmem_shared>>
      tpu.enqueue_indirect_dma source(%arg5 : memref<128xf32, #tpu.memory_space<vmem>>) target(%dma_start3A_135 : memref<10240xf32, #tpu.memory_space<vmem_shared>>) offsets(%dma_start3A_133 : memref<128xi32, #tpu.memory_space<vmem>>) semaphore(%arg7 : memref<!tpu.dma_semaphore, #tpu.memory_space<semaphore_mem>>) {add = true}
      %dma_wait3A_136 = arith.constant 0 : i32
      %dma_wait3A_137 = arith.constant 0 : i32
      %dma_wait3A_138 = tpu.memref_slice %arg4[%dma_wait3A_136, %dma_wait3A_137] : memref<160x128xi32, #tpu.memory_space<vmem>> -> memref<1x128xi32, #tpu.memory_space<vmem>>
      %dma_wait3A_139 = tpu.memref_squeeze %dma_wait3A_138 : memref<1x128xi32, #tpu.memory_space<vmem>> -> memref<128xi32, #tpu.memory_space<vmem>>
      %dma_wait3A_140 = arith.constant 0 : i32
      %dma_wait3A_141 = tpu.memref_slice %arg6[%dma_wait3A_140] : memref<10240xf32, #tpu.memory_space<vmem_shared>> -> memref<10240xf32, #tpu.memory_space<vmem_shared>>
      tpu.wait_indirect_dma semaphore(%arg8 : memref<!tpu.dma_semaphore, #tpu.memory_space<semaphore_mem>>) src(%arg5 : memref<128xf32, #tpu.memory_space<vmem>>) dst(%dma_wait3A_141 : memref<10240xf32, #tpu.memory_space<vmem_shared>>)
      %mul3A_142 = arith.constant 4 : i32
      %mul3A_143 = arith.muli %scan3A_120, %mul3A_142 : i32
      %add3A_144 = arith.constant 1 : i32
      %add3A_145 = arith.addi %mul3A_143, %add3A_144 : i32
      %dma_start3A_146 = arith.constant 0 : i32
      %dma_start3A_147 = tpu.memref_slice %arg4[%add3A_145, %dma_start3A_146] : memref<160x128xi32, #tpu.memory_space<vmem>> -> memref<1x128xi32, #tpu.memory_space<vmem>>
      %dma_start3A_148 = tpu.memref_squeeze %dma_start3A_147 : memref<1x128xi32, #tpu.memory_space<vmem>> -> memref<128xi32, #tpu.memory_space<vmem>>
      %dma_start3A_149 = arith.constant 0 : i32
      %dma_start3A_150 = tpu.memref_slice %arg6[%dma_start3A_149] : memref<10240xf32, #tpu.memory_space<vmem_shared>> -> memref<10240xf32, #tpu.memory_space<vmem_shared>>
      tpu.enqueue_indirect_dma source(%arg5 : memref<128xf32, #tpu.memory_space<vmem>>) target(%dma_start3A_150 : memref<10240xf32, #tpu.memory_space<vmem_shared>>) offsets(%dma_start3A_148 : memref<128xi32, #tpu.memory_space<vmem>>) semaphore(%arg8 : memref<!tpu.dma_semaphore, #tpu.memory_space<semaphore_mem>>) {add = true}
      %dma_wait3A_151 = arith.constant 0 : i32
      %dma_wait3A_152 = arith.constant 0 : i32
      %dma_wait3A_153 = tpu.memref_slice %arg4[%dma_wait3A_151, %dma_wait3A_152] : memref<160x128xi32, #tpu.memory_space<vmem>> -> memref<1x128xi32, #tpu.memory_space<vmem>>
      %dma_wait3A_154 = tpu.memref_squeeze %dma_wait3A_153 : memref<1x128xi32, #tpu.memory_space<vmem>> -> memref<128xi32, #tpu.memory_space<vmem>>
      %dma_wait3A_155 = arith.constant 0 : i32
      %dma_wait3A_156 = tpu.memref_slice %arg6[%dma_wait3A_155] : memref<10240xf32, #tpu.memory_space<vmem_shared>> -> memref<10240xf32, #tpu.memory_space<vmem_shared>>
      tpu.wait_indirect_dma semaphore(%arg9 : memref<!tpu.dma_semaphore, #tpu.memory_space<semaphore_mem>>) src(%arg5 : memref<128xf32, #tpu.memory_space<vmem>>) dst(%dma_wait3A_156 : memref<10240xf32, #tpu.memory_space<vmem_shared>>)
      %mul3A_157 = arith.constant 4 : i32
      %mul3A_158 = arith.muli %scan3A_120, %mul3A_157 : i32
      %add3A_159 = arith.constant 2 : i32
      %add3A_160 = arith.addi %mul3A_158, %add3A_159 : i32
      %dma_start3A_161 = arith.constant 0 : i32
      %dma_start3A_162 = tpu.memref_slice %arg4[%add3A_160, %dma_start3A_161] : memref<160x128xi32, #tpu.memory_space<vmem>> -> memref<1x128xi32, #tpu.memory_space<vmem>>
      %dma_start3A_163 = tpu.memref_squeeze %dma_start3A_162 : memref<1x128xi32, #tpu.memory_space<vmem>> -> memref<128xi32, #tpu.memory_space<vmem>>
      %dma_start3A_164 = arith.constant 0 : i32
      %dma_start3A_165 = tpu.memref_slice %arg6[%dma_start3A_164] : memref<10240xf32, #tpu.memory_space<vmem_shared>> -> memref<10240xf32, #tpu.memory_space<vmem_shared>>
      tpu.enqueue_indirect_dma source(%arg5 : memref<128xf32, #tpu.memory_space<vmem>>) target(%dma_start3A_165 : memref<10240xf32, #tpu.memory_space<vmem_shared>>) offsets(%dma_start3A_163 : memref<128xi32, #tpu.memory_space<vmem>>) semaphore(%arg9 : memref<!tpu.dma_semaphore, #tpu.memory_space<semaphore_mem>>) {add = true}
      %dma_wait3A_166 = arith.constant 0 : i32
      %dma_wait3A_167 = arith.constant 0 : i32
      %dma_wait3A_168 = tpu.memref_slice %arg4[%dma_wait3A_166, %dma_wait3A_167] : memref<160x128xi32, #tpu.memory_space<vmem>> -> memref<1x128xi32, #tpu.memory_space<vmem>>
      %dma_wait3A_169 = tpu.memref_squeeze %dma_wait3A_168 : memref<1x128xi32, #tpu.memory_space<vmem>> -> memref<128xi32, #tpu.memory_space<vmem>>
      %dma_wait3A_170 = arith.constant 0 : i32
      %dma_wait3A_171 = tpu.memref_slice %arg6[%dma_wait3A_170] : memref<10240xf32, #tpu.memory_space<vmem_shared>> -> memref<10240xf32, #tpu.memory_space<vmem_shared>>
      tpu.wait_indirect_dma semaphore(%arg10 : memref<!tpu.dma_semaphore, #tpu.memory_space<semaphore_mem>>) src(%arg5 : memref<128xf32, #tpu.memory_space<vmem>>) dst(%dma_wait3A_171 : memref<10240xf32, #tpu.memory_space<vmem_shared>>)
      %mul3A_172 = arith.constant 4 : i32
      %mul3A_173 = arith.muli %scan3A_120, %mul3A_172 : i32
      %add3A_174 = arith.constant 3 : i32
      %add3A_175 = arith.addi %mul3A_173, %add3A_174 : i32
      %dma_start3A_176 = arith.constant 0 : i32
      %dma_start3A_177 = tpu.memref_slice %arg4[%add3A_175, %dma_start3A_176] : memref<160x128xi32, #tpu.memory_space<vmem>> -> memref<1x128xi32, #tpu.memory_space<vmem>>
      %dma_start3A_178 = tpu.memref_squeeze %dma_start3A_177 : memref<1x128xi32, #tpu.memory_space<vmem>> -> memref<128xi32, #tpu.memory_space<vmem>>
      %dma_start3A_179 = arith.constant 0 : i32
      %dma_start3A_180 = tpu.memref_slice %arg6[%dma_start3A_179] : memref<10240xf32, #tpu.memory_space<vmem_shared>> -> memref<10240xf32, #tpu.memory_space<vmem_shared>>
      tpu.enqueue_indirect_dma source(%arg5 : memref<128xf32, #tpu.memory_space<vmem>>) target(%dma_start3A_180 : memref<10240xf32, #tpu.memory_space<vmem_shared>>) offsets(%dma_start3A_178 : memref<128xi32, #tpu.memory_space<vmem>>) semaphore(%arg10 : memref<!tpu.dma_semaphore, #tpu.memory_space<semaphore_mem>>) {add = true}
    }
    %scan3A_91 = arith.constant 39 : i32
    %dma_wait3A = arith.constant 0 : i32
    %dma_wait3A_92 = arith.constant 0 : i32
    %dma_wait3A_93 = tpu.memref_slice %arg4[%dma_wait3A, %dma_wait3A_92] : memref<160x128xi32, #tpu.memory_space<vmem>> -> memref<1x128xi32, #tpu.memory_space<vmem>>
    %dma_wait3A_94 = tpu.memref_squeeze %dma_wait3A_93 : memref<1x128xi32, #tpu.memory_space<vmem>> -> memref<128xi32, #tpu.memory_space<vmem>>
    %dma_wait3A_95 = arith.constant 0 : i32
    %dma_wait3A_96 = tpu.memref_slice %arg6[%dma_wait3A_95] : memref<10240xf32, #tpu.memory_space<vmem_shared>> -> memref<10240xf32, #tpu.memory_space<vmem_shared>>
    tpu.wait_indirect_dma semaphore(%arg7 : memref<!tpu.dma_semaphore, #tpu.memory_space<semaphore_mem>>) src(%arg5 : memref<128xf32, #tpu.memory_space<vmem>>) dst(%dma_wait3A_96 : memref<10240xf32, #tpu.memory_space<vmem_shared>>)
    %dma_wait3A_97 = arith.constant 0 : i32
    %dma_wait3A_98 = arith.constant 0 : i32
    %dma_wait3A_99 = tpu.memref_slice %arg4[%dma_wait3A_97, %dma_wait3A_98] : memref<160x128xi32, #tpu.memory_space<vmem>> -> memref<1x128xi32, #tpu.memory_space<vmem>>
    %dma_wait3A_100 = tpu.memref_squeeze %dma_wait3A_99 : memref<1x128xi32, #tpu.memory_space<vmem>> -> memref<128xi32, #tpu.memory_space<vmem>>
    %dma_wait3A_101 = arith.constant 0 : i32
    %dma_wait3A_102 = tpu.memref_slice %arg6[%dma_wait3A_101] : memref<10240xf32, #tpu.memory_space<vmem_shared>> -> memref<10240xf32, #tpu.memory_space<vmem_shared>>
    tpu.wait_indirect_dma semaphore(%arg8 : memref<!tpu.dma_semaphore, #tpu.memory_space<semaphore_mem>>) src(%arg5 : memref<128xf32, #tpu.memory_space<vmem>>) dst(%dma_wait3A_102 : memref<10240xf32, #tpu.memory_space<vmem_shared>>)
    %dma_wait3A_103 = arith.constant 0 : i32
    %dma_wait3A_104 = arith.constant 0 : i32
    %dma_wait3A_105 = tpu.memref_slice %arg4[%dma_wait3A_103, %dma_wait3A_104] : memref<160x128xi32, #tpu.memory_space<vmem>> -> memref<1x128xi32, #tpu.memory_space<vmem>>
    %dma_wait3A_106 = tpu.memref_squeeze %dma_wait3A_105 : memref<1x128xi32, #tpu.memory_space<vmem>> -> memref<128xi32, #tpu.memory_space<vmem>>
    %dma_wait3A_107 = arith.constant 0 : i32
    %dma_wait3A_108 = tpu.memref_slice %arg6[%dma_wait3A_107] : memref<10240xf32, #tpu.memory_space<vmem_shared>> -> memref<10240xf32, #tpu.memory_space<vmem_shared>>
    tpu.wait_indirect_dma semaphore(%arg9 : memref<!tpu.dma_semaphore, #tpu.memory_space<semaphore_mem>>) src(%arg5 : memref<128xf32, #tpu.memory_space<vmem>>) dst(%dma_wait3A_108 : memref<10240xf32, #tpu.memory_space<vmem_shared>>)
    %dma_wait3A_109 = arith.constant 0 : i32
    %dma_wait3A_110 = arith.constant 0 : i32
    %dma_wait3A_111 = tpu.memref_slice %arg4[%dma_wait3A_109, %dma_wait3A_110] : memref<160x128xi32, #tpu.memory_space<vmem>> -> memref<1x128xi32, #tpu.memory_space<vmem>>
    %dma_wait3A_112 = tpu.memref_squeeze %dma_wait3A_111 : memref<1x128xi32, #tpu.memory_space<vmem>> -> memref<128xi32, #tpu.memory_space<vmem>>
    %dma_wait3A_113 = arith.constant 0 : i32
    %dma_wait3A_114 = tpu.memref_slice %arg6[%dma_wait3A_113] : memref<10240xf32, #tpu.memory_space<vmem_shared>> -> memref<10240xf32, #tpu.memory_space<vmem_shared>>
    tpu.wait_indirect_dma semaphore(%arg10 : memref<!tpu.dma_semaphore, #tpu.memory_space<semaphore_mem>>) src(%arg5 : memref<128xf32, #tpu.memory_space<vmem>>) dst(%dma_wait3A_114 : memref<10240xf32, #tpu.memory_space<vmem_shared>>)
    %barrier3A_115 = arith.constant 0 : index
    tpu.barrier barrier_id(%barrier3A_115)
    %mul3A_116 = arith.constant 640 : i32
    %mul3A_117 = arith.muli %arg1, %mul3A_116 : i32
    %mul3A_118 = arith.constant 640 : i32
    %mul3A_119 = arith.muli %arg1, %mul3A_118 : i32
    "tpu.region"() ({
      %run_scoped3A = tpu.sem_alloc : memref<!tpu.dma_semaphore, #tpu.memory_space<semaphore_mem>>
      %dma_start3A_120 = tpu.memref_slice %arg3[%arg0, %mul3A_119] : memref<2x10240xf32, #tpu.memory_space<hbm>> -> memref<1x640xf32, #tpu.memory_space<hbm>>
      %dma_start3A_121 = tpu.memref_squeeze %dma_start3A_120 : memref<1x640xf32, #tpu.memory_space<hbm>> -> memref<640xf32, #tpu.memory_space<hbm>>
      %dma_start3A_122 = tpu.memref_slice %arg6[%mul3A_117] : memref<10240xf32, #tpu.memory_space<vmem_shared>> -> memref<640xf32, #tpu.memory_space<vmem_shared>>
      tpu.enqueue_dma source(%dma_start3A_122 : memref<640xf32, #tpu.memory_space<vmem_shared>>) target(%dma_start3A_121 : memref<640xf32, #tpu.memory_space<hbm>>) target_semaphore(%run_scoped3A : memref<!tpu.dma_semaphore, #tpu.memory_space<semaphore_mem>>)
      %dma_wait3A_123 = tpu.memref_slice %arg3[%arg0, %mul3A_119] : memref<2x10240xf32, #tpu.memory_space<hbm>> -> memref<1x640xf32, #tpu.memory_space<hbm>>
      %dma_wait3A_124 = tpu.memref_squeeze %dma_wait3A_123 : memref<1x640xf32, #tpu.memory_space<hbm>> -> memref<640xf32, #tpu.memory_space<hbm>>
      %dma_wait3A_125 = tpu.memref_slice %arg6[%mul3A_117] : memref<10240xf32, #tpu.memory_space<vmem_shared>> -> memref<640xf32, #tpu.memory_space<vmem_shared>>
      tpu.wait_dma2 semaphore(%run_scoped3A : memref<!tpu.dma_semaphore, #tpu.memory_space<semaphore_mem>>) src(%dma_wait3A_125 : memref<640xf32, #tpu.memory_space<vmem_shared>>) dst(%dma_wait3A_124 : memref<640xf32, #tpu.memory_space<hbm>>)
      tpu.yield
    }) : () -> ()
    return
  }
}

module attributes {stable_mosaic.version = 14 : i64} {
  func.func @body(%arg0: i32, %arg1: memref<1280x128xf32, #tpu.memory_space<vmem>>, %arg2: memref<1280x1xf32, #tpu.memory_space<vmem>>, %arg3: memref<1280x1xf32, #tpu.memory_space<vmem>>, %arg4: memref<1280x64xf32, #tpu.memory_space<vmem>>, %arg5: memref<1280x64xf32, #tpu.memory_space<vmem>>, %arg6: memref<1280x64xf32, #tpu.memory_space<vmem>>, %arg7: memref<1280x64xf32, #tpu.memory_space<vmem>>) attributes {dimension_semantics = [#tpu.dimension_semantics<arbitrary>], iteration_bounds = array<i64: 8>, scalar_prefetch = 0 : i64, scratch_operands = 0 : i64, tpu.core_type = #tpu.core_type<tc>, window_params = [{transform_indices = @transform_0, window_bounds = array<i64: 1280, 128>}, {transform_indices = @transform_1, window_bounds = array<i64: 1280, 1>}, {transform_indices = @transform_2, window_bounds = array<i64: 1280, 1>}, {transform_indices = @transform_3, window_bounds = array<i64: 1280, 64>}, {transform_indices = @transform_4, window_bounds = array<i64: 1280, 64>}, {transform_indices = @transform_5, window_bounds = array<i64: 1280, 64>}, {transform_indices = @transform_6, window_bounds = array<i64: 1280, 64>}]} {
    %get3A = arith.constant 0 : index
    %get3A_0 = arith.constant 0 : index
    %get3A_1 = vector.load %arg1[%get3A, %get3A_0] : memref<1280x128xf32, #tpu.memory_space<vmem>>, vector<1280x128xf32>
    %get3A_2 = arith.constant 0 : index
    %get3A_3 = arith.constant 0 : index
    %get3A_4 = vector.load %arg2[%get3A_2, %get3A_3] : memref<1280x1xf32, #tpu.memory_space<vmem>>, vector<1280x1xf32>
    %rsqrt3A = math.rsqrt %get3A_4 : vector<1280x1xf32>
    %mul3A = vector.broadcast %rsqrt3A : vector<1280x1xf32> to vector<1280x128xf32>
    %mul3A_5 = arith.mulf %get3A_1, %mul3A : vector<1280x128xf32>
    %get3A_6 = arith.constant 0 : index
    %get3A_7 = arith.constant 0 : index
    %get3A_8 = vector.load %arg3[%get3A_6, %get3A_7] : memref<1280x1xf32, #tpu.memory_space<vmem>>, vector<1280x1xf32>
    %rsqrt3A_9 = math.rsqrt %get3A_8 : vector<1280x1xf32>
    %mul3A_10 = vector.broadcast %rsqrt3A_9 : vector<1280x1xf32> to vector<1280x128xf32>
    %mul3A_11 = arith.mulf %get3A_1, %mul3A_10 : vector<1280x128xf32>
    %slice3A = vector.extract_strided_slice %mul3A_5 {offsets = [0, 0], sizes = [1280, 64], strides = [1, 1]} : vector<1280x128xf32> to vector<1280x64xf32>
    %swap3A = arith.constant 0 : index
    %swap3A_12 = arith.constant 0 : index
    %swap3A_13 = vector.load %arg4[%swap3A, %swap3A_12] : memref<1280x64xf32, #tpu.memory_space<vmem>>, vector<1280x64xf32>
    tpu.vector_store %arg4[%swap3A, %swap3A_12], %slice3A {strides = array<i32>} : memref<1280x64xf32, #tpu.memory_space<vmem>>, vector<1280x64xf32>,
    %slice3A_14 = vector.extract_strided_slice %mul3A_5 {offsets = [0, 64], sizes = [1280, 64], strides = [1, 1]} : vector<1280x128xf32> to vector<1280x64xf32>
    %swap3A_15 = arith.constant 0 : index
    %swap3A_16 = arith.constant 0 : index
    %swap3A_17 = vector.load %arg5[%swap3A_15, %swap3A_16] : memref<1280x64xf32, #tpu.memory_space<vmem>>, vector<1280x64xf32>
    tpu.vector_store %arg5[%swap3A_15, %swap3A_16], %slice3A_14 {strides = array<i32>} : memref<1280x64xf32, #tpu.memory_space<vmem>>, vector<1280x64xf32>,
    %slice3A_18 = vector.extract_strided_slice %mul3A_11 {offsets = [0, 0], sizes = [1280, 64], strides = [1, 1]} : vector<1280x128xf32> to vector<1280x64xf32>
    %swap3A_19 = arith.constant 0 : index
    %swap3A_20 = arith.constant 0 : index
    %swap3A_21 = vector.load %arg6[%swap3A_19, %swap3A_20] : memref<1280x64xf32, #tpu.memory_space<vmem>>, vector<1280x64xf32>
    tpu.vector_store %arg6[%swap3A_19, %swap3A_20], %slice3A_18 {strides = array<i32>} : memref<1280x64xf32, #tpu.memory_space<vmem>>, vector<1280x64xf32>,
    %slice3A_22 = vector.extract_strided_slice %mul3A_11 {offsets = [0, 64], sizes = [1280, 64], strides = [1, 1]} : vector<1280x128xf32> to vector<1280x64xf32>
    %swap3A_23 = arith.constant 0 : index
    %swap3A_24 = arith.constant 0 : index
    %swap3A_25 = vector.load %arg7[%swap3A_23, %swap3A_24] : memref<1280x64xf32, #tpu.memory_space<vmem>>, vector<1280x64xf32>
    tpu.vector_store %arg7[%swap3A_23, %swap3A_24], %slice3A_22 {strides = array<i32>} : memref<1280x64xf32, #tpu.memory_space<vmem>>, vector<1280x64xf32>,
    return
  }
  func.func @transform_0(%arg0: i32) -> (i32, i32) {
    %c0_i32 = arith.constant 0 : i32
    %c0_i32_0 = arith.constant 0 : i32
    return %arg0, %c0_i32 : i32, i32
  }
  func.func @transform_1(%arg0: i32) -> (i32, i32) {
    %c0_i32 = arith.constant 0 : i32
    %c0_i32_0 = arith.constant 0 : i32
    return %arg0, %c0_i32 : i32, i32
  }
  func.func @transform_2(%arg0: i32) -> (i32, i32) {
    %c0_i32 = arith.constant 0 : i32
    %c0_i32_0 = arith.constant 0 : i32
    return %arg0, %c0_i32 : i32, i32
  }
  func.func @transform_3(%arg0: i32) -> (i32, i32) {
    %c0_i32 = arith.constant 0 : i32
    %c0_i32_0 = arith.constant 0 : i32
    return %arg0, %c0_i32 : i32, i32
  }
  func.func @transform_4(%arg0: i32) -> (i32, i32) {
    %c0_i32 = arith.constant 0 : i32
    %c0_i32_0 = arith.constant 0 : i32
    return %arg0, %c0_i32 : i32, i32
  }
  func.func @transform_5(%arg0: i32) -> (i32, i32) {
    %c0_i32 = arith.constant 0 : i32
    %c0_i32_0 = arith.constant 0 : i32
    return %arg0, %c0_i32 : i32, i32
  }
  func.func @transform_6(%arg0: i32) -> (i32, i32) {
    %c0_i32 = arith.constant 0 : i32
    %c0_i32_0 = arith.constant 0 : i32
    return %arg0, %c0_i32 : i32, i32
  }
}

module attributes {stable_mosaic.version = 14 : i64} {
  func.func @body(%arg0: i32, %arg1: memref<1280x64xf32, #tpu.memory_space<vmem>>, %arg2: memref<1280x64xf32, #tpu.memory_space<vmem>>, %arg3: memref<1280x64xf32, #tpu.memory_space<vmem>>, %arg4: memref<1280x64xf32, #tpu.memory_space<vmem>>, %arg5: memref<1280x1xf32, #tpu.memory_space<vmem>>, %arg6: memref<1280x1xf32, #tpu.memory_space<vmem>>, %arg7: memref<128x128xf32, #tpu.memory_space<vmem>>, %arg8: memref<128xf32, #tpu.memory_space<vmem>>, %arg9: memref<128x128xf32, #tpu.memory_space<vmem>>, %arg10: memref<128xf32, #tpu.memory_space<vmem>>, %arg11: memref<1280x128xf32, #tpu.memory_space<vmem>>) attributes {dimension_semantics = [#tpu.dimension_semantics<arbitrary>], iteration_bounds = array<i64: 8>, scalar_prefetch = 0 : i64, scratch_operands = 0 : i64, tpu.core_type = #tpu.core_type<tc>, window_params = [{transform_indices = @transform_0, window_bounds = array<i64: 1280, 64>}, {transform_indices = @transform_1, window_bounds = array<i64: 1280, 64>}, {transform_indices = @transform_2, window_bounds = array<i64: 1280, 64>}, {transform_indices = @transform_3, window_bounds = array<i64: 1280, 64>}, {transform_indices = @transform_4, window_bounds = array<i64: 1280, 1>}, {transform_indices = @transform_5, window_bounds = array<i64: 1280, 1>}, {pipeline_mode = #tpu.pipeline_mode<synchronous>, transform_indices = @transform_6, window_bounds = array<i64: 128, 128>}, {pipeline_mode = #tpu.pipeline_mode<synchronous>, transform_indices = @transform_7, window_bounds = array<i64: 128>}, {pipeline_mode = #tpu.pipeline_mode<synchronous>, transform_indices = @transform_8, window_bounds = array<i64: 128, 128>}, {pipeline_mode = #tpu.pipeline_mode<synchronous>, transform_indices = @transform_9, window_bounds = array<i64: 128>}, {transform_indices = @transform_10, window_bounds = array<i64: 1280, 128>}]} {
    %get3A = arith.constant 0 : index
    %get3A_0 = arith.constant 0 : index
    %get3A_1 = vector.load %arg1[%get3A, %get3A_0] : memref<1280x64xf32, #tpu.memory_space<vmem>>, vector<1280x64xf32>
    %get3A_2 = arith.constant 0 : index
    %get3A_3 = arith.constant 0 : index
    %get3A_4 = vector.load %arg2[%get3A_2, %get3A_3] : memref<1280x64xf32, #tpu.memory_space<vmem>>, vector<1280x64xf32>
    %concatenate3A = tpu.concatenate %get3A_1, %get3A_4 in 1 : vector<1280x64xf32>, vector<1280x64xf32> -> vector<1280x128xf32>
    %get3A_5 = arith.constant 0 : index
    %get3A_6 = arith.constant 0 : index
    %get3A_7 = vector.load %arg3[%get3A_5, %get3A_6] : memref<1280x64xf32, #tpu.memory_space<vmem>>, vector<1280x64xf32>
    %get3A_8 = arith.constant 0 : index
    %get3A_9 = arith.constant 0 : index
    %get3A_10 = vector.load %arg4[%get3A_8, %get3A_9] : memref<1280x64xf32, #tpu.memory_space<vmem>>, vector<1280x64xf32>
    %concatenate3A_11 = tpu.concatenate %get3A_7, %get3A_10 in 1 : vector<1280x64xf32>, vector<1280x64xf32> -> vector<1280x128xf32>
    %get3A_12 = arith.constant 0 : index
    %get3A_13 = arith.constant 0 : index
    %get3A_14 = vector.load %arg5[%get3A_12, %get3A_13] : memref<1280x1xf32, #tpu.memory_space<vmem>>, vector<1280x1xf32>
    %rsqrt3A = math.rsqrt %get3A_14 : vector<1280x1xf32>
    %mul3A = vector.broadcast %rsqrt3A : vector<1280x1xf32> to vector<1280x128xf32>
    %mul3A_15 = arith.mulf %mul3A, %concatenate3A : vector<1280x128xf32>
    %get3A_16 = arith.constant 0 : index
    %get3A_17 = arith.constant 0 : index
    %get3A_18 = vector.load %arg7[%get3A_16, %get3A_17] : memref<128x128xf32, #tpu.memory_space<vmem>>, vector<128x128xf32>
    %dot_general3A = arith.constant dense<0.000000e+00> : vector<1280x128xf32>
    %dot_general3A_19 = tpu.matmul %mul3A_15, %get3A_18, %dot_general3A {dimension_numbers = #tpu.dot_dimension_numbers<[1], [0], [0], [1], [0, 0, 1, 1], [], []>, transpose_lhs_hint = false} : vector<1280x128xf32>, vector<128x128xf32>, vector<1280x128xf32> -> vector<1280x128xf32>
    %get3A_20 = arith.constant 0 : index
    %get3A_21 = vector.load %arg8[%get3A_20] : memref<128xf32, #tpu.memory_space<vmem>>, vector<128xf32>
    %broadcast_in_dim3A = vector.shape_cast %get3A_21 : vector<128xf32> to vector<1x128xf32>
    %add3A = vector.broadcast %broadcast_in_dim3A : vector<1x128xf32> to vector<1280x128xf32>
    %add3A_22 = arith.addf %dot_general3A_19, %add3A : vector<1280x128xf32>
    %get3A_23 = arith.constant 0 : index
    %get3A_24 = arith.constant 0 : index
    %get3A_25 = vector.load %arg6[%get3A_23, %get3A_24] : memref<1280x1xf32, #tpu.memory_space<vmem>>, vector<1280x1xf32>
    %rsqrt3A_26 = math.rsqrt %get3A_25 : vector<1280x1xf32>
    %mul3A_27 = vector.broadcast %rsqrt3A_26 : vector<1280x1xf32> to vector<1280x128xf32>
    %mul3A_28 = arith.mulf %mul3A_27, %concatenate3A_11 : vector<1280x128xf32>
    %get3A_29 = arith.constant 0 : index
    %get3A_30 = arith.constant 0 : index
    %get3A_31 = vector.load %arg9[%get3A_29, %get3A_30] : memref<128x128xf32, #tpu.memory_space<vmem>>, vector<128x128xf32>
    %dot_general3A_32 = arith.constant dense<0.000000e+00> : vector<1280x128xf32>
    %dot_general3A_33 = tpu.matmul %mul3A_28, %get3A_31, %dot_general3A_32 {dimension_numbers = #tpu.dot_dimension_numbers<[1], [0], [0], [1], [0, 0, 1, 1], [], []>, transpose_lhs_hint = false} : vector<1280x128xf32>, vector<128x128xf32>, vector<1280x128xf32> -> vector<1280x128xf32>
    %get3A_34 = arith.constant 0 : index
    %get3A_35 = vector.load %arg10[%get3A_34] : memref<128xf32, #tpu.memory_space<vmem>>, vector<128xf32>
    %broadcast_in_dim3A_36 = vector.shape_cast %get3A_35 : vector<128xf32> to vector<1x128xf32>
    %add3A_37 = vector.broadcast %broadcast_in_dim3A_36 : vector<1x128xf32> to vector<1280x128xf32>
    %add3A_38 = arith.addf %dot_general3A_33, %add3A_37 : vector<1280x128xf32>
    %max3A = arith.constant 0.000000e+00 : f32
    %max3A_39 = vector.broadcast %max3A : f32 to vector<1280x128xf32>
    %max3A_40 = arith.maximumf %add3A_22, %max3A_39 : vector<1280x128xf32>
    %max3A_41 = arith.constant 0.000000e+00 : f32
    %max3A_42 = vector.broadcast %max3A_41 : f32 to vector<1280x128xf32>
    %max3A_43 = arith.maximumf %add3A_38, %max3A_42 : vector<1280x128xf32>
    %add3A_44 = arith.addf %max3A_40, %max3A_43 : vector<1280x128xf32>
    %mul3A_45 = arith.mulf %add3A_44, %add3A_44 : vector<1280x128xf32>
    %reduce_sum3A = arith.constant dense<0.000000e+00> : vector<1280xf32>
    %reduce_sum3A_46 = vector.multi_reduction <add>, %mul3A_45, %reduce_sum3A [1] : vector<1280x128xf32> to vector<1280xf32>
    %broadcast_in_dim3A_47 = vector.shape_cast %reduce_sum3A_46 : vector<1280xf32> to vector<1280x1xf32>
    %sqrt3A = math.sqrt %broadcast_in_dim3A_47 : vector<1280x1xf32>
    %max3A_48 = arith.constant 9.99999996E-13 : f32
    %max3A_49 = vector.broadcast %max3A_48 : f32 to vector<1280x1xf32>
    %max3A_50 = arith.maximumf %sqrt3A, %max3A_49 : vector<1280x1xf32>
    %div3A = vector.broadcast %max3A_50 : vector<1280x1xf32> to vector<1280x128xf32>
    %div3A_51 = arith.divf %add3A_44, %div3A : vector<1280x128xf32>
    %swap3A = arith.constant 0 : index
    %swap3A_52 = arith.constant 0 : index
    %swap3A_53 = vector.load %arg11[%swap3A, %swap3A_52] : memref<1280x128xf32, #tpu.memory_space<vmem>>, vector<1280x128xf32>
    tpu.vector_store %arg11[%swap3A, %swap3A_52], %div3A_51 {strides = array<i32>} : memref<1280x128xf32, #tpu.memory_space<vmem>>, vector<1280x128xf32>,
    return
  }
  func.func @transform_0(%arg0: i32) -> (i32, i32) {
    %c0_i32 = arith.constant 0 : i32
    %c0_i32_0 = arith.constant 0 : i32
    return %arg0, %c0_i32 : i32, i32
  }
  func.func @transform_1(%arg0: i32) -> (i32, i32) {
    %c0_i32 = arith.constant 0 : i32
    %c0_i32_0 = arith.constant 0 : i32
    return %arg0, %c0_i32 : i32, i32
  }
  func.func @transform_2(%arg0: i32) -> (i32, i32) {
    %c0_i32 = arith.constant 0 : i32
    %c0_i32_0 = arith.constant 0 : i32
    return %arg0, %c0_i32 : i32, i32
  }
  func.func @transform_3(%arg0: i32) -> (i32, i32) {
    %c0_i32 = arith.constant 0 : i32
    %c0_i32_0 = arith.constant 0 : i32
    return %arg0, %c0_i32 : i32, i32
  }
  func.func @transform_4(%arg0: i32) -> (i32, i32) {
    %c0_i32 = arith.constant 0 : i32
    %c0_i32_0 = arith.constant 0 : i32
    return %arg0, %c0_i32 : i32, i32
  }
  func.func @transform_5(%arg0: i32) -> (i32, i32) {
    %c0_i32 = arith.constant 0 : i32
    %c0_i32_0 = arith.constant 0 : i32
    return %arg0, %c0_i32 : i32, i32
  }
  func.func @transform_6(%arg0: i32) -> (i32, i32) {
    %c0_i32 = arith.constant 0 : i32
    %c0_i32_0 = arith.constant 0 : i32
    %c0_i32_1 = arith.constant 0 : i32
    return %c0_i32, %c0_i32_0 : i32, i32
  }
  func.func @transform_7(%arg0: i32) -> i32 {
    %c0_i32 = arith.constant 0 : i32
    %c0_i32_0 = arith.constant 0 : i32
    return %c0_i32 : i32
  }
  func.func @transform_8(%arg0: i32) -> (i32, i32) {
    %c0_i32 = arith.constant 0 : i32
    %c0_i32_0 = arith.constant 0 : i32
    %c0_i32_1 = arith.constant 0 : i32
    return %c0_i32, %c0_i32_0 : i32, i32
  }
  func.func @transform_9(%arg0: i32) -> i32 {
    %c0_i32 = arith.constant 0 : i32
    %c0_i32_0 = arith.constant 0 : i32
    return %c0_i32 : i32
  }
  func.func @transform_10(%arg0: i32) -> (i32, i32) {
    %c0_i32 = arith.constant 0 : i32
    %c0_i32_0 = arith.constant 0 : i32
    return %arg0, %c0_i32 : i32, i32
  }
}

</mosaic_0001>

<sc_bundles>
// kernel: kernel.6.cloned.1.call-start
scs
__scs_entry_jumppad:
0x0: {  	(pc) =	sbr.rel $0x88, $3  }
0x1: {  	(tag) =	ssettag $0x0;
	lr =	simm.s32 $0x1  }
0x2: {  	[smem:$0x3F9A] =	sst lr;
	_ =	strace $0xD0000000  }
0x3: {  	_ = 	snop  }
0x4: {  	_ = 	snop  }
0x5: {  	_ = 	snop  }
0x6: {  	_ = 	snop  }
0x7: {  	_ = 	snop  }
__scs_overlays_trampoline_lowered:
0x8: {  	[smem:$0x3FA9] =	sst s0  }
0x9: {  	[smem:$0x3FAA] =	sst s1  }
0xa: {  	[smem:$0x3FAB] =	sst s2  }
0xb: {  	[smem:$0x3FAC] =	sst s3  }
0xc: {  	[smem:$0x3FAD] =	sst s4  }
0xd: {  	[smem:$0x3FAE] =	sst s5  }
0xe: {  	[smem:$0x3FAF] =	sst s6  }
0xf: {  	[smem:$0x3FB0] =	sst s7  }
0x10: {  	[smem:$0x3FB1] =	sst s8  }
0x11: {  	[smem:$0x3FB2] =	sst s9;
	s0 =	simm.s32 @!p0 $0x0  }
0x12: {  	s1 =	sld [smem:$0x3F98];
	s0 =	simm.s32 @p0 $0x1  }
0x13: {  	[smem:$0x3FB3] =	sst s0;
	s0 =	simm.s32 @!p1 $0x0  }
0x14: {  	s2 =	sld [smem:$0x3F97];
	s0 =	simm.s32 @p1 $0x1  }
0x15: {  	[smem:$0x3FB4] =	sst s0;
	s0 =	simm.s32 @!p2 $0x0  }
0x16: {  	s3 =	sld [smem:$0x3FDB];
	s0 =	simm.s32 @p2 $0x1  }
0x17: {  	s4 =	simm.s32 $0x1BF5;
	[smem:$0x3FB6] =	sst s0  }
0x18: {  	s0 =	sld [smem:$0x3F99];
	_ =	swait.ge [sflag:s4], $0x0  }
0x19: {  	s7 =	sld [smem:$0x3F9A]  }
0x1a: {  	s8 =	sadd.s32 $0xFFFFE003, lr  }
0x1b: {  	s9 =	sadd.s32 $0xFFFFFEF7, lr;
	s5 =	simm.s32 $0xFFFFFFFF;
	p2 =	slt.u32 s8, $0xFFFFF086  }
0x1c: {  	p1 =	slt.u32 s9, $0xF7A;
	s5 =	simm.s32 @!p2 $0x0  }
0x1d: {  	s5 =	simm.s32 @p1 $0x1;
	p0 =	seq.s32 s7, s2  }
0x1e: {  	s7 =	smul.u32 @!p0 $0xF7A, s2;
	p2 =	seq.s32 @!p0 s5, $0x0  }
0x1f: {  	s9 =	smul.u32 $0xF7A, s1;
	s8 =	simm.s32 @!p0 $0x1BF5;
	p2 =	por !p2, p0  }
0x20: {  	[sflag:s8] =	ssyncset.s32 @!p0 $0xFFFFF086;
	s6 =	sadd.s32 @!p0 s3, s7;
	s7 =	simm.s32 @!p0 $0x108  }
0x21: {  	s3 =	sadd.s32 s3, s9;
	s6 =	sadd.s32 @!p0 $0x88, s6;
	s7 =	simm.s32 @p2 $0x1082  }
0x22: {  	[simem:s7], [sflag:s8] =	dma.local @!p0 [hbm:s6], $0xF7A  }
0x23: {  	s9 =	sor.u32 $0xD0000000, s2;
	s6 =	simm.s32 $0x108;
	_ =	swait.ge @!p0 [sflag:s8], $0x0  }
0x24: {  	s3 =	sadd.s32 $0x88, s3;
	s6 =	simm.s32 @!p1 $0x1082;
	[sflag:s4] =	ssyncset.s32 $0xFFFFF086  }
0x25: {  	[simem:s6], [sflag:s4] =	dma.local [hbm:s3], $0xF7A  }
0x26: {  	[smem:$0x3F9A] =	sst s1;
	(tag) =	ssettag s2;
	_ =	strace s9  }
0x27: {  	s1 =	sld [smem:$0x3FAA]  }
0x28: {  	s2 =	sld [smem:$0x3FAB]  }
0x29: {  	s4 =	sld [smem:$0x3FAD]  }
0x2a: {  	p0 =	seq.s32 s5, $0x0;
	s5 =	sld [smem:$0x3FAE]  }
0x2b: {  	s6 =	sld [smem:$0x3FAF]  }
0x2c: {  	s7 =	sld [smem:$0x3FB0]  }
0x2d: {  	s3 =	simm.s32 $0x108;
	s8 =	sld [smem:$0x3FB1]  }
0x2e: {  	s3 =	simm.s32 @!p0 $0x1082;
	s9 =	sld [smem:$0x3FB2]  }
0x2f: {  	lr =	sadd.s32 s0, s3;
	s0 =	sld [smem:$0x3FA9]  }
0x30: {  	s3 =	sld [smem:$0x3FAC]  }
0x31: {  	[smem:$0x3FB5] =	sst s10  }
0x32: {  	s10 =	sld [smem:$0x3FB3];
	_ =	sdelay $0x3  }
0x33: {  	p0 =	seq.s32 s10, $0x1;
	s10 =	sld [smem:$0x3FB5];
	_ =	sdelay $0x3  }
0x34: {  	[smem:$0x3FB5] =	sst s10  }
0x35: {  	s10 =	sld [smem:$0x3FB4];
	_ =	sdelay $0x3  }
0x36: {  	p1 =	seq.s32 s10, $0x1;
	s10 =	sld [smem:$0x3FB5];
	_ =	sdelay $0x3  }
0x37: {  	[smem:$0x3FB5] =	sst s10  }
0x38: {  	s10 =	sld [smem:$0x3FB6]  }
0x39: {  	_ = 	snop;
	(pc) =	sbr.ind lr, $3  }
0x3a: {  	_ = 	snop  }
0x3b: {  	_ = 	snop  }
0x3c: {  	p2 =	seq.s32 s10, $0x1;
	s10 =	sld [smem:$0x3FB5]  }
0x3d: {  	_ =	shalt  }
0x3e: {  	_ =	shalt  }
0x3f: {  	_ =	shalt  }
0x40: {  	_ =	shalt  }
0x41: {  	_ =	shalt  }
0x42: {  	_ =	shalt  }
0x43: {  	_ =	shalt  }
0x44: {  	_ =	shalt  }
0x45: {  	_ =	shalt  }
0x46: {  	_ =	shalt  }
0x47: {  	_ =	shalt  }
0x48: {  	_ =	shalt  }
0x49: {  	_ =	shalt  }
0x4a: {  	_ =	shalt  }
0x4b: {  	_ =	shalt  }
0x4c: {  	_ =	shalt  }
0x4d: {  	_ =	shalt  }
0x4e: {  	_ =	shalt  }
0x4f: {  	_ =	shalt  }
0x50: {  	_ =	shalt  }
0x51: {  	_ =	shalt  }
0x52: {  	_ =	shalt  }
0x53: {  	_ =	shalt  }
0x54: {  	_ =	shalt  }
0x55: {  	_ =	shalt  }
0x56: {  	_ =	shalt  }
0x57: {  	_ =	shalt  }
0x58: {  	_ =	shalt  }
0x59: {  	_ =	shalt  }
0x5a: {  	_ =	shalt  }
0x5b: {  	_ =	shalt  }
0x5c: {  	_ =	shalt  }
0x5d: {  	_ =	shalt  }
0x5e: {  	_ =	shalt  }
0x5f: {  	_ =	shalt  }
0x60: {  	_ =	shalt  }
0x61: {  	_ =	shalt  }
0x62: {  	_ =	shalt  }
0x63: {  	_ =	shalt  }
0x64: {  	_ =	shalt  }
0x65: {  	_ =	shalt  }
0x66: {  	_ =	shalt  }
0x67: {  	_ =	shalt  }
0x68: {  	_ =	shalt  }
0x69: {  	_ =	shalt  }
0x6a: {  	_ =	shalt  }
0x6b: {  	_ =	shalt  }
0x6c: {  	_ =	shalt  }
0x6d: {  	_ =	shalt  }
0x6e: {  	_ =	shalt  }
0x6f: {  	_ =	shalt  }
0x70: {  	_ =	shalt  }
0x71: {  	_ =	shalt  }
0x72: {  	_ =	shalt  }
0x73: {  	_ =	shalt  }
0x74: {  	_ =	shalt  }
0x75: {  	_ =	shalt  }
0x76: {  	_ =	shalt  }
0x77: {  	_ =	shalt  }
0x78: {  	_ =	shalt  }
0x79: {  	_ =	shalt  }
0x7a: {  	_ =	shalt  }
0x7b: {  	_ =	shalt  }
0x7c: {  	_ =	shalt  }
0x7d: {  	_ =	shalt  }
0x7e: {  	_ =	shalt  }
0x7f: {  	_ =	shalt  }
0x80: {  	_ =	shalt  }
0x81: {  	_ =	shalt  }
0x82: {  	_ =	shalt  }
0x83: {  	_ =	shalt  }
0x84: {  	_ =	shalt  }
0x85: {  	_ =	shalt  }
0x86: {  	_ =	shalt  }
0x87: {  	_ =	shalt  }
.Lfunc_end0:
.L_simem_size_0:
called_computation_lowered:
.L_overlay_start_0:
0x88: {  	s2 =	sld [smem:$0x3FD9]  }
0x89: {  	s3 =	sld [smem:$0x3FFE];
	_ =	sdelay $0x1  }
0x8a: {  	s1 =	srdreg.scid  }
0x8b: {  	s0 =	sand.u32 $0x1, s1  }
0x8c: {  	s17 =	sshll.u32 s0, $0xA;
	s2 =	sadd.s32 s3, s2  }
0x8d: {  	s2 =	sadd.s32 s2, s17  }
0x8e: {  	[smem:$0x3FC1] =	sst s2  }
0x8f: {  	_ = 	snop  }
0x90: {  	s2 =	sld [smem:$0x3FD0];
	(tm) =	ssettm $0x1  }
0x91: {  	s18 =	sld [smem:$0x3FFB];
	_ =	sdelay $0x3  }
0x92: {  	_ =	strace s18  }
0x93: {  	s3 =	sld [smem:$0x3FFC];
	_ =	sdelay $0x3  }
0x94: {  	_ =	strace s3  }
0x95: {  	s3 =	sld [smem:$0x3FFD];
	_ =	sdelay $0x3  }
0x96: {  	_ =	strace s3  }
0x97: {  	_ =	strace $0x8FFFFFFF  }
0x98: {  	s19 =	sld [smem:$0x3FDB];
	_ =	sdelay $0x1  }
0x99: {  	s4 =	simm.s32 $_scs_section_size  }
0x9a: {  	s5 =	simm.s32 $_size__tile_overlayer_lowered;
	s6 =	simm.s32 $_tile_overlayer_lowered  }
0x9b: {  	s22 =	simm.s32 $0x1BFF;
	s21 =	sshll.u32 s6, $0x1;
	s3 =	sadd.s32 s4, s19  }
0x9c: {  	s7 =	simm.s32 $0x0;
	s20 =	sshll.u32 s5, $0x1;
	s5 =	sadd.s32 s21, s3  }
0x9d: {  	[timem:s7], [sflag:s22] =	dma.local [hbm:s5], s20  }
0x9e: {  	_ =	swait.ge [sflag:s22], s20  }
0x9f: {  	s4 =	ssub.s32 $0x0, s20;
	[sflag:s22] =	ssyncset.done $0x0  }
0xa0: {  	[sflag:s22] =	ssyncadd.s32 s4;
	_ =	sdelay $0x1  }
0xa1: {  	s23 =	simm.s32 $0x1B8B  }
0xa2: {  	_ =	swait.ge [sflag:s23], $0x1  }
0xa3: {  	[sflag:s23] =	ssyncset.done $0x0  }
0xa4: {  	s25 =	simm.s32 $0x1B8E;
	s24 =	sld [smem:$0x3FFE];
	[sflag:s23] =	ssyncadd.s32 $0xFFFFFFFF  }
0xa5: {  	s26 =	simm.s32 $execute0_lowered;
	[smem:$0x3FD2] =	sst s25  }
0xa6: {  	s5 =	sshll.u32 s26, $0x1;
	_ =	strace $0x80000046;
	[dreg:$0x1] =	wrdreg $0xFFFFFFFF  }
0xa7: {  	s28 =	simm.s32 $_size_execute0_lowered;
	s3 =	sadd.s32 s3, s5;
	[dreg:$0x0] =	wrdreg $0x0  }
0xa8: {  	s5 =	sshll.u32 s28, $0x1;
	[dreg:$0x2] =	wrdreg s3  }
0xa9: {  	[dreg:$0x3] =	wrdreg s5  }
0xaa: {  	[dreg:$0x4] =	wrdreg $0xC0  }
0xab: {  	_ =	task [dreg:s7], $0x5FFFF  }
0xac: {  	[dreg:$0x1] =	wrdreg $0xFFFFFFFF  }
0xad: {  	[dreg:$0x0] =	wrdreg $0x60  }
0xae: {  	[dreg:$0x2] =	wrdreg s2  }
0xaf: {  	[dreg:$0x3] =	wrdreg s24  }
0xb0: {  	[dreg:$0x4] =	wrdreg $0x50800  }
0xb1: {  	[dreg:$0x5] =	wrdreg $0x9  }
0xb2: {  	_ =	task.clear_ibuf [dreg:s7], $0x6FFFF;
	_ =	strace $0x90000046  }
0xb3: {  	s29 =	simm.s32 $0x9;
	_ =	strace $0x80000048  }
0xb4: {  	_ =	swait.ge [sflag:s29], $0x1  }
0xb5: {  	[sflag:s29] =	ssyncadd.s32 $0xFFFFFFFF  }
0xb6: {  	_ =	strace $0x90000048  }
0xb7: {  	_ =	sfence  }
0xb8: {  	s30 =	sld [smem:$0x0];
	_ =	sdelay $0x2  }
0xb9: {  	s31 =	sshll.u32 s1, $0xD;
	s1 =	sshrl.u32 s1, $0x2  }
0xba: {  	s3 =	sand.u32 $0x4000, s31;
	s1 =	sadd.s32 s1, s30  }
0xbb: {  	s0 =	sor.u32 s3, s0;
	s1 =	sshll.u32 s1, $0x11  }
0xbc: {  	s0 =	sor.u32 s1, s0  }
0xbd: {  	s0 =	sadd.s32 $0x8F2B, s0  }
0xbe: {  	[sflag:s0] =	ssyncadd.remote.s32 $0x1  }
0xbf: {  	_ =	sfence.sel $0xFFFF  }
0xc0: {  	[dreg:$0x0] =	wrdreg $0xFFFFFFFF;
	(pc) =	sbr.abs _section_cstart, $3  }
0xc1: {  	[dreg:$0x1] =	wrdreg $0xFFFFFFFF  }
0xc2: {  	_ =	task.clear_ibuf [dreg:s7], $0x2FFFF;
	_ =	strace $0x9FFFFFFF  }
0xc3: {  	(tm) =	ssettm $0x7FFFFFFF  }
tec
execute0_lowered:
.L_overlay_start_1:
0x0: {  	(tag) =	ssettag $0x1  }
0x1: {  	s4 =	rddreg [dreg:$0x0]  }
0x2: {  	s5 =	rddreg [dreg:$0x1]  }
0x3: {  	s2 =	rddreg [dreg:$0x2]  }
0x4: {  	s3 =	srdreg.scid;
	s1 =	stileid.u32  }
0x5: {  	s0 =	rddreg [dreg:$0x3];
	s13 =	simm.s32 $0x5000;
	s14 =	simm.s32 $0x80  }
0x6: {  	s15 =	simm.s32 $0x100;
	s16 =	simm.s32 $0x180;
	s17 =	simm.s32 $0x1  }
0x7: {  	s18 =	simm.s32 $0x2;
	s19 =	simm.s32 $0x3;
	s20 =	simm.s32 $0x4  }
0x8: {  	s23 =	simm.s32 $0x20;
	s24 =	simm.s32 $0x10;
	s7 =	smul.u32 $0x500, s1  }
0x9: {  	s25 =	simm.s32 $0x0;
	s6 =	sand.u32 $0x1, s3;
	s26 =	smul.u32 $0x5000, s1  }
0xa: {  	s3 =	simm.s32 $0x0;
	s10 =	smul.u32 $0xA00, s1;
	s21 =	sshll.u32 s1, $0x6  }
0xb: {  	s8 =	sshll.u32 s6, $0x7;
	s9 =	smul.u32 $0x50000, s6;
	[smem:$0x7FF] =	sst s3  }
0xc: {  	s28 =	ssub.s32 $0x2, s6;
	s21 =	sor.u32 $0x1C05, s21;
	s7 =	sor.u32 s8, s7  }
0xd: {  	_ =	strace $0x80000047;
	s30 =	sshrl.u32 s28, $0x1;
	s31 =	sshrl.u32 s10, $0x2  }
0xe: {  	s7 =	sshrl.u32 s7, $0x3;
	s29 =	sadd.s32 s26, s9;
	s12 =	ssub.s32 s28, s30  }
0xf: {  	s11 =	sadd.s32 s7, s5;
	s6 =	sshrl.u32 s29, $0x3;
	s5 =	sadd.s32 s31, s2  }
0x10: {  	s4 =	sadd.s32 s4, s6;
	s6 =	sadd.s32 $0x80, s5;
	s7 =	sadd.s32 $0x100, s5  }
0x11: {  	s8 =	sadd.s32 $0x180, s5;
	s9 =	sadd.s32 $0x200, s5;
	s10 =	sadd.s32 $0x1400, s11  }
0x12: {  	v0 =	vimm.f32 $1.000000000e+00;
	s11 =	smax.u32 s12, $0x1;
	s12 =	simm.s32 $0x5;
	s22 =	sshrl.u32 s5, $0x3  }
.LBB2_1:
0x13: {  	[tilespmem:$0x5000] =	vst v0  }
0x14: {  	[tilespmem:$0x5010] =	vst v0  }
0x15: {  	[tilespmem:$0x5020] =	vst v0  }
0x16: {  	[tilespmem:$0x5030] =	vst v0  }
0x17: {  	[tilespmem:$0x5040] =	vst v0  }
0x18: {  	[tilespmem:$0x5050] =	vst v0  }
0x19: {  	[tilespmem:$0x5060] =	vst v0  }
0x1a: {  	[tilespmem:$0x5070] =	vst v0  }
0x1b: {  	[tilespmem:s3], [sflag:$0x5] =	stream.linear.gather [hbm4b:s4+s3], $0x5000, $0x38;
	[tilespmem:$0x5300] =	vst v63  }
0x1c: {  	_ =	swait.ge [sflag:s12], $0x5000  }
0x1d: {  	[sflag:s12] =	ssyncset.done $0x0  }
0x1e: {  	[sflag:s12] =	ssyncadd.s32 $0xFFFFB000  }
0x1f: {  	[spmem:s5] =	stream.linear.scatter [tilespmem:s13], [sflag:$0x5], $0x80, $0x38;
	[tilespmem:$0x5300] =	vst v63  }
0x20: {  	_ =	swait.ge [sflag:s12], $0x80  }
0x21: {  	[sflag:s12] =	ssyncset.done $0x0  }
0x22: {  	[sflag:s12] =	ssyncadd.s32 $0xFFFFFF80  }
0x23: {  	[spmem:s6] =	stream.linear.scatter [tilespmem:s13], [sflag:$0x5], $0x80, $0x38;
	[tilespmem:$0x5300] =	vst v63  }
0x24: {  	_ =	swait.ge [sflag:s12], $0x80  }
0x25: {  	[sflag:s12] =	ssyncset.done $0x0  }
0x26: {  	[sflag:s12] =	ssyncadd.s32 $0xFFFFFF80  }
0x27: {  	[spmem:s7] =	stream.linear.scatter [tilespmem:s13], [sflag:$0x5], $0x80, $0x38;
	[tilespmem:$0x5300] =	vst v63  }
0x28: {  	_ =	swait.ge [sflag:s12], $0x80  }
0x29: {  	[sflag:s12] =	ssyncset.done $0x0  }
0x2a: {  	[sflag:s12] =	ssyncadd.s32 $0xFFFFFF80  }
0x2b: {  	[spmem:s8] =	stream.linear.scatter [tilespmem:s13], [sflag:$0x5], $0x80, $0x38;
	[tilespmem:$0x5300] =	vst v63  }
0x2c: {  	_ =	swait.ge [sflag:s12], $0x80  }
0x2d: {  	[sflag:s12] =	ssyncset.done $0x0  }
0x2e: {  	[sflag:s12] =	ssyncadd.s32 $0xFFFFFF80  }
0x2f: {  	[spmem:s9] =	stream.linear.scatter [tilespmem:s13], [sflag:$0x5], $0x80, $0x38;
	[tilespmem:$0x5300] =	vst v63  }
0x30: {  	_ =	swait.ge [sflag:s12], $0x80  }
0x31: {  	[sflag:s12] =	ssyncset.done $0x0  }
0x32: {  	[sflag:s12] =	ssyncadd.s32 $0xFFFFFF80  }
0x33: {  	[bflag:$0x0] =	sbarrier.arrive $0xFFFF  }
0x34: {  	[spmem:s2] =	stream.indirect.scatter.add.f32 [tilespmem:s13], [sflag:$0x1], $0x1, s3, s14, $0xb8;
	[tilespmem:$0x5300] =	vst v63  }
0x35: {  	_ = 	snop  }
0x36: {  	[spmem:s2] =	stream.indirect.scatter.add.f32 [tilespmem:s13], [sflag:$0x2], $0x1, s14, s14, $0xb8;
	[tilespmem:$0x5300] =	vst v63  }
0x37: {  	_ = 	snop  }
0x38: {  	[spmem:s2] =	stream.indirect.scatter.add.f32 [tilespmem:s13], [sflag:$0x3], $0x1, s15, s14, $0xb8;
	[tilespmem:$0x5300] =	vst v63  }
0x39: {  	_ = 	snop  }
0x3a: {  	[spmem:s2] =	stream.indirect.scatter.add.f32 [tilespmem:s13], [sflag:$0x4], $0x1, s16, s14, $0xb8;
	[tilespmem:$0x5300] =	vst v63  }
0x3b: {  	_ =	swait.ge [sflag:s17], $0x80  }
0x3c: {  	[sflag:s17] =	ssyncset.done $0x0  }
0x3d: {  	s26 =	simm.s32 $0x200;
	[sflag:s17] =	ssyncadd.s32 $0xFFFFFF80  }
0x3e: {  	[spmem:s2] =	stream.indirect.scatter.add.f32 [tilespmem:s13], [sflag:$0x1], $0x1, s26, s14, $0xb8;
	[tilespmem:$0x5300] =	vst v63  }
0x3f: {  	_ =	swait.ge [sflag:s18], $0x80  }
0x40: {  	[sflag:s18] =	ssyncset.done $0x0  }
0x41: {  	s30 =	simm.s32 $0x280;
	[sflag:s18] =	ssyncadd.s32 $0xFFFFFF80  }
0x42: {  	[spmem:s2] =	stream.indirect.scatter.add.f32 [tilespmem:s13], [sflag:$0x2], $0x1, s30, s14, $0xb8;
	[tilespmem:$0x5300] =	vst v63  }
0x43: {  	_ =	swait.ge [sflag:s19], $0x80  }
0x44: {  	[sflag:s19] =	ssyncset.done $0x0  }
0x45: {  	s31 =	simm.s32 $0x300;
	[sflag:s19] =	ssyncadd.s32 $0xFFFFFF80  }
0x46: {  	[spmem:s2] =	stream.indirect.scatter.add.f32 [tilespmem:s13], [sflag:$0x3], $0x1, s31, s14, $0xb8;
	[tilespmem:$0x5300] =	vst v63  }
0x47: {  	_ =	swait.ge [sflag:s20], $0x80  }
0x48: {  	[sflag:s20] =	ssyncset.done $0x0  }
0x49: {  	s28 =	simm.s32 $0x380;
	s26 =	simm.s32 $0xFFFED000;
	[sflag:s20] =	ssyncadd.s32 $0xFFFFFF80  }
.LBB2_2:
0x4a: {  	[spmem:s2] =	stream.indirect.scatter.add.f32 [tilespmem:s13], [sflag:$0x4], $0x1, s28, s14, $0xb8;
	[tilespmem:$0x5300] =	vst v63  }
0x4b: {  	s28 =	smov.u32 s26  }
0x4c: {  	p0 =	sne.s32 s26, $0xFFFFF800;
	s26 =	sadd.s32 $0x800, s26;
	_ =	swait.ge [sflag:s17], $0x80  }
0x4d: {  	s28 =	sshra.s32 s28, $0x2;
	[sflag:s17] =	ssyncset.done $0x0  }
0x4e: {  	s29 =	sadd.s32 $0x5000, s28;
	[sflag:s17] =	ssyncadd.s32 $0xFFFFFF80  }
0x4f: {  	[spmem:s2] =	stream.indirect.scatter.add.f32 [tilespmem:s13], [sflag:$0x1], $0x1, s29, s14, $0xb8;
	[tilespmem:$0x5300] =	vst v63  }
0x50: {  	_ =	swait.ge [sflag:s18], $0x80  }
0x51: {  	[sflag:s18] =	ssyncset.done $0x0  }
0x52: {  	s29 =	sadd.s32 $0x5080, s28;
	[sflag:s18] =	ssyncadd.s32 $0xFFFFFF80  }
0x53: {  	[spmem:s2] =	stream.indirect.scatter.add.f32 [tilespmem:s13], [sflag:$0x2], $0x1, s29, s14, $0xb8;
	[tilespmem:$0x5300] =	vst v63  }
0x54: {  	_ =	swait.ge [sflag:s19], $0x80  }
0x55: {  	[sflag:s19] =	ssyncset.done $0x0  }
.Ltmp0:
0x56: {  	s29 =	sadd.s32 $0x5100, s28;
	[sflag:s19] =	ssyncadd.s32 $0xFFFFFF80;
	(pc) =	sbr.rel @p0 .LBB2_2-.Ltmp0, $4  }
0x57: {  	[spmem:s2] =	stream.indirect.scatter.add.f32 [tilespmem:s13], [sflag:$0x3], $0x1, s29, s14, $0xb8;
	[tilespmem:$0x5300] =	vst v63  }
0x58: {  	_ =	swait.ge [sflag:s20], $0x80  }
0x59: {  	[sflag:s20] =	ssyncset.done $0x0  }
0x5a: {  	s28 =	sadd.s32 $0x5180, s28;
	[sflag:s20] =	ssyncadd.s32 $0xFFFFFF80  }
0x5b: {  	[spmem:s2] =	stream.indirect.scatter.add.f32 [tilespmem:s13], [sflag:$0x4], $0x1, s28, s14, $0xb8;
	[tilespmem:$0x5300] =	vst v63  }
0x5c: {  	_ =	swait.ge [sflag:s17], $0x80  }
0x5d: {  	[sflag:s17] =	ssyncset.done $0x0  }
0x5e: {  	[sflag:s17] =	ssyncadd.s32 $0xFFFFFF80  }
0x5f: {  	_ =	swait.ge [sflag:s18], $0x80  }
0x60: {  	[sflag:s18] =	ssyncset.done $0x0  }
0x61: {  	[sflag:s18] =	ssyncadd.s32 $0xFFFFFF80  }
0x62: {  	_ =	swait.ge [sflag:s19], $0x80  }
0x63: {  	[sflag:s19] =	ssyncset.done $0x0  }
0x64: {  	[sflag:s19] =	ssyncadd.s32 $0xFFFFFF80  }
0x65: {  	_ =	swait.ge [sflag:s20], $0x80  }
0x66: {  	s25 =	sadd.s32 $0x1, s25;
	[sflag:s20] =	ssyncset.done $0x0  }
0x67: {  	p0 =	sne.s32 s25, s11;
	[sflag:s20] =	ssyncadd.s32 $0xFFFFFF80  }
.Ltmp1:
0x68: {  	[bflag:$0x0] =	sbarrier.arrive $0xFFFF;
	(pc) =	sbr.rel @p0 .LBB2_1-.Ltmp1, $4  }
0x69: {  	[hbm:s10@s23], [sflag:s21] =	dma.strided [spmem:s22@s24], $0x50, s17, $0x10   }
0x6a: {  	_ =	swait.ge [sflag:s12], $0x50  }
0x6b: {  	[sflag:s12] =	ssyncset.done $0x0  }
0x6c: {  	[sflag:s12] =	ssyncadd.s32 $0xFFFFFFB0  }
0x6d: {  	_ =	sfence.sel $0x180000  }
0x6e: {  	[bflag:$0x0] =	sbarrier.arrive $0xFFFF  }
0x6f: {  	p0 =	sne.s32 s1, $0x0;
	_ =	strace $0x90000047  }
0x70: {  	s0 =	sadd.s32 @!p0 $0x100000, s0;
	[bflag:$0x2] =	sbarrier.arrive $0xFFFF  }
0x71: {  	[sflag:s0] =	ssyncadd.tile.s32 @!p0 $0x1;
	_ =	shalt  }
.Lfunc_end2:
_tile_overlayer_lowered:
.L_overlay_start_2:
0x72: {  	(tag) =	ssettag $0x2  }
0x73: {  	s0 =	rddreg [dreg:$0x0];
	s2 =	stileid.u32  }
0x74: {  	s1 =	rddreg [dreg:$0x1];
	p0 =	sne.s32 s2, $0x0  }
0x75: {  	s3 =	rddreg [dreg:$0x2];
	[bflag:$0x3] =	sbarrier.arrive $0xFFFF;
	s2 =	simm.s32 @!p0 $0x1C05  }
0x76: {  	[timem:s3], [sflag:s2] =	dma.local @!p0 [hbm:s0], s1  }
0x77: {  	s0 =	simm.s32 @!p0 $0x5  }
0x78: {  	_ =	swait.ge @!p0 [sflag:s0], s1  }
0x79: {  	s1 =	ssub.s32 @!p0 $0x0, s1;
	[sflag:s0] =	ssyncset.done @!p0 $0x0  }
0x7a: {  	[sflag:s0] =	ssyncadd.s32 @!p0 s1  }
0x7b: {  	[bflag:$0x3] =	sbarrier.arrive $0xFFFF  }
0x7c: {  	_ =	shalt  }

// kernel: kernel.9.cloned.1.call-start
scs
__scs_entry_jumppad:
0x0: {  	(pc) =	sbr.rel $0x88, $3  }
0x1: {  	(tag) =	ssettag $0x0;
	lr =	simm.s32 $0x1  }
0x2: {  	[smem:$0x3F9A] =	sst lr;
	_ =	strace $0xD0000000  }
0x3: {  	_ = 	snop  }
0x4: {  	_ = 	snop  }
0x5: {  	_ = 	snop  }
0x6: {  	_ = 	snop  }
0x7: {  	_ = 	snop  }
__scs_overlays_trampoline_lowered:
0x8: {  	[smem:$0x3FA9] =	sst s0  }
0x9: {  	[smem:$0x3FAA] =	sst s1  }
0xa: {  	[smem:$0x3FAB] =	sst s2  }
0xb: {  	[smem:$0x3FAC] =	sst s3  }
0xc: {  	[smem:$0x3FAD] =	sst s4  }
0xd: {  	[smem:$0x3FAE] =	sst s5  }
0xe: {  	[smem:$0x3FAF] =	sst s6  }
0xf: {  	[smem:$0x3FB0] =	sst s7  }
0x10: {  	[smem:$0x3FB1] =	sst s8  }
0x11: {  	[smem:$0x3FB2] =	sst s9;
	s0 =	simm.s32 @!p0 $0x0  }
0x12: {  	s1 =	sld [smem:$0x3F98];
	s0 =	simm.s32 @p0 $0x1  }
0x13: {  	[smem:$0x3FB3] =	sst s0;
	s0 =	simm.s32 @!p1 $0x0  }
0x14: {  	s2 =	sld [smem:$0x3F97];
	s0 =	simm.s32 @p1 $0x1  }
0x15: {  	[smem:$0x3FB4] =	sst s0;
	s0 =	simm.s32 @!p2 $0x0  }
0x16: {  	s3 =	sld [smem:$0x3FDB];
	s0 =	simm.s32 @p2 $0x1  }
0x17: {  	s4 =	simm.s32 $0x1BF5;
	[smem:$0x3FB6] =	sst s0  }
0x18: {  	s0 =	sld [smem:$0x3F99];
	_ =	swait.ge [sflag:s4], $0x0  }
0x19: {  	s7 =	sld [smem:$0x3F9A]  }
0x1a: {  	s8 =	sadd.s32 $0xFFFFE003, lr  }
0x1b: {  	s9 =	sadd.s32 $0xFFFFFEF7, lr;
	s5 =	simm.s32 $0xFFFFFFFF;
	p2 =	slt.u32 s8, $0xFFFFF086  }
0x1c: {  	p1 =	slt.u32 s9, $0xF7A;
	s5 =	simm.s32 @!p2 $0x0  }
0x1d: {  	s5 =	simm.s32 @p1 $0x1;
	p0 =	seq.s32 s7, s2  }
0x1e: {  	s7 =	smul.u32 @!p0 $0xF7A, s2;
	p2 =	seq.s32 @!p0 s5, $0x0  }
0x1f: {  	s9 =	smul.u32 $0xF7A, s1;
	s8 =	simm.s32 @!p0 $0x1BF5;
	p2 =	por !p2, p0  }
0x20: {  	[sflag:s8] =	ssyncset.s32 @!p0 $0xFFFFF086;
	s6 =	sadd.s32 @!p0 s3, s7;
	s7 =	simm.s32 @!p0 $0x108  }
0x21: {  	s3 =	sadd.s32 s3, s9;
	s6 =	sadd.s32 @!p0 $0x88, s6;
	s7 =	simm.s32 @p2 $0x1082  }
0x22: {  	[simem:s7], [sflag:s8] =	dma.local @!p0 [hbm:s6], $0xF7A  }
0x23: {  	s9 =	sor.u32 $0xD0000000, s2;
	s6 =	simm.s32 $0x108;
	_ =	swait.ge @!p0 [sflag:s8], $0x0  }
0x24: {  	s3 =	sadd.s32 $0x88, s3;
	s6 =	simm.s32 @!p1 $0x1082;
	[sflag:s4] =	ssyncset.s32 $0xFFFFF086  }
0x25: {  	[simem:s6], [sflag:s4] =	dma.local [hbm:s3], $0xF7A  }
0x26: {  	[smem:$0x3F9A] =	sst s1;
	(tag) =	ssettag s2;
	_ =	strace s9  }
0x27: {  	s1 =	sld [smem:$0x3FAA]  }
0x28: {  	s2 =	sld [smem:$0x3FAB]  }
0x29: {  	s4 =	sld [smem:$0x3FAD]  }
0x2a: {  	p0 =	seq.s32 s5, $0x0;
	s5 =	sld [smem:$0x3FAE]  }
0x2b: {  	s6 =	sld [smem:$0x3FAF]  }
0x2c: {  	s7 =	sld [smem:$0x3FB0]  }
0x2d: {  	s3 =	simm.s32 $0x108;
	s8 =	sld [smem:$0x3FB1]  }
0x2e: {  	s3 =	simm.s32 @!p0 $0x1082;
	s9 =	sld [smem:$0x3FB2]  }
0x2f: {  	lr =	sadd.s32 s0, s3;
	s0 =	sld [smem:$0x3FA9]  }
0x30: {  	s3 =	sld [smem:$0x3FAC]  }
0x31: {  	[smem:$0x3FB5] =	sst s10  }
0x32: {  	s10 =	sld [smem:$0x3FB3];
	_ =	sdelay $0x3  }
0x33: {  	p0 =	seq.s32 s10, $0x1;
	s10 =	sld [smem:$0x3FB5];
	_ =	sdelay $0x3  }
0x34: {  	[smem:$0x3FB5] =	sst s10  }
0x35: {  	s10 =	sld [smem:$0x3FB4];
	_ =	sdelay $0x3  }
0x36: {  	p1 =	seq.s32 s10, $0x1;
	s10 =	sld [smem:$0x3FB5];
	_ =	sdelay $0x3  }
0x37: {  	[smem:$0x3FB5] =	sst s10  }
0x38: {  	s10 =	sld [smem:$0x3FB6]  }
0x39: {  	_ = 	snop;
	(pc) =	sbr.ind lr, $3  }
0x3a: {  	_ = 	snop  }
0x3b: {  	_ = 	snop  }
0x3c: {  	p2 =	seq.s32 s10, $0x1;
	s10 =	sld [smem:$0x3FB5]  }
0x3d: {  	_ =	shalt  }
0x3e: {  	_ =	shalt  }
0x3f: {  	_ =	shalt  }
0x40: {  	_ =	shalt  }
0x41: {  	_ =	shalt  }
0x42: {  	_ =	shalt  }
0x43: {  	_ =	shalt  }
0x44: {  	_ =	shalt  }
0x45: {  	_ =	shalt  }
0x46: {  	_ =	shalt  }
0x47: {  	_ =	shalt  }
0x48: {  	_ =	shalt  }
0x49: {  	_ =	shalt  }
0x4a: {  	_ =	shalt  }
0x4b: {  	_ =	shalt  }
0x4c: {  	_ =	shalt  }
0x4d: {  	_ =	shalt  }
0x4e: {  	_ =	shalt  }
0x4f: {  	_ =	shalt  }
0x50: {  	_ =	shalt  }
0x51: {  	_ =	shalt  }
0x52: {  	_ =	shalt  }
0x53: {  	_ =	shalt  }
0x54: {  	_ =	shalt  }
0x55: {  	_ =	shalt  }
0x56: {  	_ =	shalt  }
0x57: {  	_ =	shalt  }
0x58: {  	_ =	shalt  }
0x59: {  	_ =	shalt  }
0x5a: {  	_ =	shalt  }
0x5b: {  	_ =	shalt  }
0x5c: {  	_ =	shalt  }
0x5d: {  	_ =	shalt  }
0x5e: {  	_ =	shalt  }
0x5f: {  	_ =	shalt  }
0x60: {  	_ =	shalt  }
0x61: {  	_ =	shalt  }
0x62: {  	_ =	shalt  }
0x63: {  	_ =	shalt  }
0x64: {  	_ =	shalt  }
0x65: {  	_ =	shalt  }
0x66: {  	_ =	shalt  }
0x67: {  	_ =	shalt  }
0x68: {  	_ =	shalt  }
0x69: {  	_ =	shalt  }
0x6a: {  	_ =	shalt  }
0x6b: {  	_ =	shalt  }
0x6c: {  	_ =	shalt  }
0x6d: {  	_ =	shalt  }
0x6e: {  	_ =	shalt  }
0x6f: {  	_ =	shalt  }
0x70: {  	_ =	shalt  }
0x71: {  	_ =	shalt  }
0x72: {  	_ =	shalt  }
0x73: {  	_ =	shalt  }
0x74: {  	_ =	shalt  }
0x75: {  	_ =	shalt  }
0x76: {  	_ =	shalt  }
0x77: {  	_ =	shalt  }
0x78: {  	_ =	shalt  }
0x79: {  	_ =	shalt  }
0x7a: {  	_ =	shalt  }
0x7b: {  	_ =	shalt  }
0x7c: {  	_ =	shalt  }
0x7d: {  	_ =	shalt  }
0x7e: {  	_ =	shalt  }
0x7f: {  	_ =	shalt  }
0x80: {  	_ =	shalt  }
0x81: {  	_ =	shalt  }
0x82: {  	_ =	shalt  }
0x83: {  	_ =	shalt  }
0x84: {  	_ =	shalt  }
0x85: {  	_ =	shalt  }
0x86: {  	_ =	shalt  }
0x87: {  	_ =	shalt  }
.Lfunc_end0:
.L_simem_size_0:
called_computation.1_lowered:
.L_overlay_start_0:
0x88: {  	s2 =	sld [smem:$0x3FD9]  }
0x89: {  	s3 =	sld [smem:$0x3FFE];
	_ =	sdelay $0x1  }
0x8a: {  	s1 =	srdreg.scid  }
0x8b: {  	s0 =	sand.u32 $0x1, s1  }
0x8c: {  	s17 =	sshll.u32 s0, $0xA;
	s2 =	sadd.s32 s3, s2  }
0x8d: {  	s2 =	sadd.s32 s2, s17  }
0x8e: {  	[smem:$0x3FC1] =	sst s2  }
0x8f: {  	_ = 	snop  }
0x90: {  	s2 =	sld [smem:$0x3FD0];
	(tm) =	ssettm $0x1  }
0x91: {  	s18 =	sld [smem:$0x3FFB];
	_ =	sdelay $0x3  }
0x92: {  	_ =	strace s18  }
0x93: {  	s3 =	sld [smem:$0x3FFC];
	_ =	sdelay $0x3  }
0x94: {  	_ =	strace s3  }
0x95: {  	s3 =	sld [smem:$0x3FFD];
	_ =	sdelay $0x3  }
0x96: {  	_ =	strace s3  }
0x97: {  	_ =	strace $0x8FFFFFFF  }
0x98: {  	s19 =	sld [smem:$0x3FDB];
	_ =	sdelay $0x1  }
0x99: {  	s4 =	simm.s32 $_scs_section_size  }
0x9a: {  	s5 =	simm.s32 $_size__tile_overlayer_lowered;
	s6 =	simm.s32 $_tile_overlayer_lowered  }
0x9b: {  	s22 =	simm.s32 $0x1BFF;
	s21 =	sshll.u32 s6, $0x1;
	s3 =	sadd.s32 s4, s19  }
0x9c: {  	s7 =	simm.s32 $0x0;
	s20 =	sshll.u32 s5, $0x1;
	s5 =	sadd.s32 s21, s3  }
0x9d: {  	[timem:s7], [sflag:s22] =	dma.local [hbm:s5], s20  }
0x9e: {  	_ =	swait.ge [sflag:s22], s20  }
0x9f: {  	s4 =	ssub.s32 $0x0, s20;
	[sflag:s22] =	ssyncset.done $0x0  }
0xa0: {  	[sflag:s22] =	ssyncadd.s32 s4;
	_ =	sdelay $0x1  }
0xa1: {  	s23 =	simm.s32 $0x1B8B  }
0xa2: {  	_ =	swait.ge [sflag:s23], $0x1  }
0xa3: {  	[sflag:s23] =	ssyncset.done $0x0  }
0xa4: {  	s25 =	simm.s32 $0x1B8E;
	s24 =	sld [smem:$0x3FFE];
	[sflag:s23] =	ssyncadd.s32 $0xFFFFFFFF  }
0xa5: {  	s26 =	simm.s32 $execute0_lowered;
	[smem:$0x3FD2] =	sst s25  }
0xa6: {  	s5 =	sshll.u32 s26, $0x1;
	_ =	strace $0x80000049;
	[dreg:$0x1] =	wrdreg $0xFFFFFFFF  }
0xa7: {  	s28 =	simm.s32 $_size_execute0_lowered;
	s3 =	sadd.s32 s3, s5;
	[dreg:$0x0] =	wrdreg $0x0  }
0xa8: {  	s5 =	sshll.u32 s28, $0x1;
	[dreg:$0x2] =	wrdreg s3  }
0xa9: {  	[dreg:$0x3] =	wrdreg s5  }
0xaa: {  	[dreg:$0x4] =	wrdreg $0xC0  }
0xab: {  	_ =	task [dreg:s7], $0x5FFFF  }
0xac: {  	[dreg:$0x1] =	wrdreg $0xFFFFFFFF  }
0xad: {  	[dreg:$0x0] =	wrdreg $0x60  }
0xae: {  	[dreg:$0x2] =	wrdreg s24  }
0xaf: {  	[dreg:$0x3] =	wrdreg s2  }
0xb0: {  	[dreg:$0x4] =	wrdreg $0x140000  }
0xb1: {  	[dreg:$0x5] =	wrdreg $0x9  }
0xb2: {  	_ =	task.clear_ibuf [dreg:s7], $0x6FFFF;
	_ =	strace $0x90000049  }
0xb3: {  	s29 =	simm.s32 $0x9;
	_ =	strace $0x8000004B  }
0xb4: {  	_ =	swait.ge [sflag:s29], $0x1  }
0xb5: {  	[sflag:s29] =	ssyncadd.s32 $0xFFFFFFFF  }
0xb6: {  	_ =	strace $0x9000004B  }
0xb7: {  	_ =	sfence  }
0xb8: {  	s30 =	sld [smem:$0x0];
	_ =	sdelay $0x2  }
0xb9: {  	s31 =	sshll.u32 s1, $0xD;
	s1 =	sshrl.u32 s1, $0x2  }
0xba: {  	s3 =	sand.u32 $0x4000, s31;
	s1 =	sadd.s32 s1, s30  }
0xbb: {  	s0 =	sor.u32 s3, s0;
	s1 =	sshll.u32 s1, $0x11  }
0xbc: {  	s0 =	sor.u32 s1, s0  }
0xbd: {  	s0 =	sadd.s32 $0x8F2B, s0  }
0xbe: {  	[sflag:s0] =	ssyncadd.remote.s32 $0x1  }
0xbf: {  	_ =	sfence.sel $0xFFFF  }
0xc0: {  	[dreg:$0x0] =	wrdreg $0xFFFFFFFF;
	(pc) =	sbr.abs _section_cstart, $3  }
0xc1: {  	[dreg:$0x1] =	wrdreg $0xFFFFFFFF  }
0xc2: {  	_ =	task.clear_ibuf [dreg:s7], $0x2FFFF;
	_ =	strace $0x9FFFFFFF  }
0xc3: {  	(tm) =	ssettm $0x7FFFFFFF  }
tec
execute0_lowered:
.L_overlay_start_1:
0x0: {  	(tag) =	ssettag $0x1  }
0x1: {  	s0 =	rddreg [dreg:$0x0]  }
0x2: {  	s2 =	rddreg [dreg:$0x1]  }
0x3: {  	s1 =	rddreg [dreg:$0x2]  }
0x4: {  	s3 =	srdreg.scid;
	s23 =	simm.s32 $0x0;
	s14 =	stileid.u32  }
0x5: {  	s28 =	simm.s32 $0xC000;
	s29 =	simm.s32 $0x100;
	s30 =	simm.s32 $0xE000  }
0x6: {  	s31 =	simm.s32 $0x180;
	s3 =	sand.u32 $0x1, s3;
	[smem:$0x7FF] =	sst s23  }
0x7: {  	s7 =	smul.u32 $0x5000, s14;
	s4 =	sadd.s32 $0x1400, s0;
	s5 =	sadd.s32 $0x15400, s0  }
0x8: {  	s9 =	smul.u32 $0xA000, s14;
	s12 =	sadd.s32 $0xB5E00, s0;
	s26 =	sshll.u32 s14, $0x6  }
0x9: {  	s14 =	simm.s32 $0x8;
	s6 =	smul.u32 $0x50000, s3;
	_ =	strace $0x8000004A  }
0xa: {  	s11 =	ssub.s32 $0x2, s3;
	[dreg:$0x5] =	wrdreg s12;
	p0 =	seq.s32 s3, $0x1  }
0xb: {  	[dreg:$0x11] =	wrdreg s26;
	s12 =	simm.s32 $0x4;
	s15 =	sshrl.u32 s9, $0x3  }
0xc: {  	s13 =	sshrl.u32 s11, $0x1;
	s18 =	sadd.s32 s9, s1;
	s9 =	simm.s32 $0x2  }
0xd: {  	s8 =	sadd.s32 s7, s6;
	s6 =	sadd.s32 $0x8DE00, s0;
	s7 =	sadd.s32 $0xA1E00, s0  }
0xe: {  	s16 =	sadd.s32 s15, s0;
	s17 =	ssub.s32 s11, s13;
	[dreg:$0x9] =	wrdreg s18  }
0xf: {  	s19 =	sadd.s32 s4, s15;
	s21 =	sadd.s32 s5, s15;
	[dreg:$0x4] =	wrdreg s15  }
0x10: {  	s11 =	sor.u32 $0x1C0B, s26;
	s26 =	simm.s32 $0xA000;
	s13 =	simm.s32 $0xA  }
0x11: {  	s8 =	sshrl.u32 s8, $0x3;
	[dreg:$0xa] =	wrdreg s19;
	s20 =	sadd.s32 $0xC9E00, s16  }
0x12: {  	[dreg:$0xc] =	wrdreg s21;
	s22 =	sadd.s32 s6, s15;
	s24 =	sadd.s32 $0xDDE00, s16  }
0x13: {  	s25 =	sadd.s32 s7, s15;
	s21 =	simm.s32 $0xB;
	[dreg:$0xb] =	wrdreg s20  }
0x14: {  	s15 =	simm.s32 $0x12000;
	s19 =	simm.s32 $0x9;
	[dreg:$0xd] =	wrdreg s22  }
0x15: {  	s16 =	simm.s32 $0x0;
	s10 =	sadd.s32 s8, s0;
	[dreg:$0xe] =	wrdreg s24  }
0x16: {  	s0 =	sadd.s32 $0xF1E00, s0;
	s2 =	sadd.s32 s2, s8;
	[dreg:$0xf] =	wrdreg s25  }
.Ltmp0:
0x17: {  	s8 =	simm.s32 $0x5000;
	s25 =	simm.s32 $0x80;
	(pc) =	sbr.rel .LBB2_1-.Ltmp0, $4  }
0x18: {  	s22 =	simm.s32 $0x7;
	s20 =	simm.s32 $0x5;
	[dreg:$0x6] =	wrdreg s0  }
0x19: {  	s10 =	sadd.s32 $0x29E00, s10;
	[dreg:$0x8] =	wrdreg s2;
	s0 =	smax.u32 s17, $0x1  }
0x1a: {  	s2 =	simm.s32 $0x1;
	s17 =	simm.s32 $0x6;
	[dreg:$0x7] =	wrdreg s10  }
0x1b: {  	[dreg:$0x10] =	wrdreg s0;
	s0 =	simm.s32 $0x10000;
	s10 =	simm.s32 $0x3  }
.LBB2_11:
0x1c: {  	[tilespmem:s0], [sflag:$0x4] =	stream.indirect.gather [hbm4b:s7+s25], $0x40, s3, s25, $0xb8;
	[tilespmem:$0x1E000] =	vst v63  }
0x1d: {  	_ =	swait.ge [sflag:s2], $0x2000  }
0x1e: {  	[sflag:s2] =	ssyncset.done $0x0  }
0x1f: {  	s29 =	simm.s32 $0x9D80;
	[sflag:s2] =	ssyncadd.s32 $0xFFFFE000  }
0x20: {  	[spmem:s1] =	stream.indirect.scatter.add.f32 [tilespmem:s26], [sflag:$0x6], $0x40, s29, s25, $0xb8;
	[tilespmem:$0x1E000] =	vst v63  }
0x21: {  	_ =	swait.ge [sflag:s13], $0x2000  }
0x22: {  	s31 =	simm.s32 $0x4F80;
	s8 =	smov.u32 s7;
	[sflag:s13] =	ssyncset.done $0x0  }
0x23: {  	s24 =	smov.u32 s11;
	s3 =	rddreg [dreg:$0x6];
	[sflag:s13] =	ssyncadd.s32 $0xFFFFE000  }
0x24: {  	[tilespmem:s15], [sflag:$0x5] =	stream.indirect.gather [hbm4b:s7+s25], $0x40, s31, s25, $0xb8;
	[tilespmem:$0x1E000] =	vst v63  }
.LBB2_12:
0x25: {  	_ =	swait.ge [sflag:s9], $0x2000  }
0x26: {  	[sflag:s9] =	ssyncset.done $0x0  }
0x27: {  	s23 =	simm.s32 $0x9E00;
	[sflag:s9] =	ssyncadd.s32 $0xFFFFE000  }
0x28: {  	[spmem:s1] =	stream.indirect.scatter.add.f32 [tilespmem:s28], [sflag:$0x7], $0x40, s23, s25, $0xb8;
	[tilespmem:$0x1E000] =	vst v63  }
0x29: {  	_ =	swait.ge [sflag:s17], $0x2000  }
0x2a: {  	[sflag:s17] =	ssyncset.done $0x0  }
0x2b: {  	s23 =	simm.s32 $0x0;
	[sflag:s17] =	ssyncadd.s32 $0xFFFFE000  }
0x2c: {  	[tilespmem:s26], [sflag:$0x1] =	stream.indirect.gather [hbm4b:s8+s25], $0x40, s23, s25, $0xb8;
	[tilespmem:$0x1E000] =	vst v63  }
0x2d: {  	_ =	swait.ge [sflag:s10], $0x2000  }
0x2e: {  	[sflag:s10] =	ssyncset.done $0x0  }
0x2f: {  	s29 =	simm.s32 $0x9E80;
	[sflag:s10] =	ssyncadd.s32 $0xFFFFE000  }
0x30: {  	[spmem:s1] =	stream.indirect.scatter.add.f32 [tilespmem:s30], [sflag:$0x8], $0x40, s29, s25, $0xb8;
	[tilespmem:$0x1E000] =	vst v63  }
0x31: {  	_ =	swait.ge [sflag:s22], $0x2000  }
0x32: {  	[sflag:s22] =	ssyncset.done $0x0  }
0x33: {  	[sflag:s22] =	ssyncadd.s32 $0xFFFFE000  }
0x34: {  	[tilespmem:s28], [sflag:$0x2] =	stream.indirect.gather [hbm4b:s8+s25], $0x40, s25, s25, $0xb8;
	[tilespmem:$0x1E000] =	vst v63  }
0x35: {  	_ =	swait.ge [sflag:s12], $0x2000  }
0x36: {  	[sflag:s12] =	ssyncset.done $0x0  }
0x37: {  	s29 =	simm.s32 $0x9F00;
	[sflag:s12] =	ssyncadd.s32 $0xFFFFE000  }
0x38: {  	[spmem:s1] =	stream.indirect.scatter.add.f32 [tilespmem:s0], [sflag:$0x9], $0x40, s29, s25, $0xb8;
	[tilespmem:$0x1E000] =	vst v63  }
0x39: {  	_ =	swait.ge [sflag:s14], $0x2000  }
0x3a: {  	[sflag:s14] =	ssyncset.done $0x0  }
0x3b: {  	s29 =	simm.s32 $0x100;
	[sflag:s14] =	ssyncadd.s32 $0xFFFFE000  }
0x3c: {  	[tilespmem:s30], [sflag:$0x3] =	stream.indirect.gather [hbm4b:s8+s25], $0x40, s29, s25, $0xb8;
	[tilespmem:$0x1E000] =	vst v63  }
0x3d: {  	_ =	swait.ge [sflag:s20], $0x2000  }
0x3e: {  	[sflag:s20] =	ssyncset.done $0x0  }
0x3f: {  	s31 =	simm.s32 $0x9F80;
	[sflag:s20] =	ssyncadd.s32 $0xFFFFE000  }
0x40: {  	[spmem:s1] =	stream.indirect.scatter.add.f32 [tilespmem:s15], [sflag:$0xA], $0x40, s31, s25, $0xb8;
	[tilespmem:$0x1E000] =	vst v63  }
0x41: {  	_ =	swait.ge [sflag:s19], $0x2000  }
0x42: {  	[sflag:s19] =	ssyncset.done $0x0  }
0x43: {  	s31 =	simm.s32 $0x180;
	[sflag:s19] =	ssyncadd.s32 $0xFFFFE000  }
0x44: {  	[tilespmem:s0], [sflag:$0x4] =	stream.indirect.gather [hbm4b:s8+s25], $0x40, s31, s25, $0xb8;
	[tilespmem:$0x1E000] =	vst v63  }
0x45: {  	_ =	swait.ge [sflag:s13], $0x2000  }
0x46: {  	[sflag:s13] =	ssyncset.done $0x0  }
0x47: {  	[sflag:s13] =	ssyncadd.s32 $0xFFFFE000  }
0x48: {  	_ =	swait.ge [sflag:s2], $0x2000  }
0x49: {  	[sflag:s2] =	ssyncset.done $0x0  }
0x4a: {  	[sflag:s2] =	ssyncadd.s32 $0xFFFFE000  }
0x4b: {  	_ =	swait.ge [sflag:s9], $0x2000  }
0x4c: {  	[sflag:s9] =	ssyncset.done $0x0  }
0x4d: {  	[sflag:s9] =	ssyncadd.s32 $0xFFFFE000  }
0x4e: {  	_ =	swait.ge [sflag:s10], $0x2000  }
0x4f: {  	[sflag:s10] =	ssyncset.done $0x0  }
0x50: {  	[sflag:s10] =	ssyncadd.s32 $0xFFFFE000  }
0x51: {  	_ =	swait.ge [sflag:s12], $0x2000  }
0x52: {  	[sflag:s12] =	ssyncset.done $0x0  }
0x53: {  	s8 =	rddreg [dreg:$0x4];
	[sflag:s12] =	ssyncadd.s32 $0xFFFFE000  }
0x54: {  	s3 =	sadd.s32 s3, s8;
	[bflag:$0x0] =	sbarrier.arrive $0xFFFF  }
0x55: {  	[hbm:s3], [sflag:s24] =	dma.local [spmem:s18], $0x1400  }
0x56: {  	_ =	swait.ge [sflag:s21], $0x1400  }
0x57: {  	s16 =	sadd.s32 $0x1, s16;
	s24 =	rddreg [dreg:$0x10]  }
0x58: {  	p1 =	sne.s32 s16, s24  }
.Ltmp1:
0x59: {  	_ = 	snop;
	(pc) =	sbr.rel @!p1 .LBB2_13-.Ltmp1, $3  }
0x5a: {  	_ =	sdelay $0x1  }
0x5b: {  	[sflag:s21] =	ssyncset.done $0x0  }
0x5c: {  	s8 =	simm.s32 $0x5000;
	[sflag:s21] =	ssyncadd.s32 $0xFFFFEC00  }
.LBB2_1:
0x5d: {  	s3 =	rddreg [dreg:$0x7]  }
0x5e: {  	[tilespmem:s23], [sflag:$0xB] =	stream.linear.gather [hbm4b:s3+s23], $0x5000, $0x38;
	[tilespmem:$0x1E000] =	vst v63  }
0x5f: {  	_ =	swait.ge [sflag:s21], $0x5000  }
0x60: {  	[sflag:s21] =	ssyncset.done $0x0  }
.Ltmp2:
0x61: {  	s18 =	rddreg [dreg:$0x8];
	[sflag:s21] =	ssyncadd.s32 $0xFFFFB000;
	(pc) =	sbr.rel @!p0 .LBB2_2-.Ltmp2, $4  }
0x62: {  	[tilespmem:s8], [sflag:$0xB] =	stream.linear.gather [hbm4b:s18+s23], $0x5000, $0x38;
	[tilespmem:$0x1E000] =	vst v63  }
0x63: {  	_ =	swait.ge [sflag:s21], $0x5000  }
0x64: {  	[sflag:s21] =	ssyncset.done $0x0;
	s24 =	rddreg [dreg:$0x9]  }
0x65: {  	[sflag:s21] =	ssyncadd.s32 $0xFFFFB000;
	s18 =	sshrl.u32 s24, $0x3  }
0x66: {  	s3 =	rddreg [dreg:$0xd]  }
0x67: {  	[spmem:s18], [sflag:s11] =	dma.local [hbm:s3], $0x1400  }
0x68: {  	_ =	swait.ge [sflag:s21], $0x1400  }
0x69: {  	[sflag:s21] =	ssyncset.done $0x0  }
0x6a: {  	[sflag:s21] =	ssyncadd.s32 $0xFFFFEC00  }
0x6b: {  	s24 =	simm.s32 $0x0;
	[bflag:$0x0] =	sbarrier.arrive $0xFFFF  }
0x6c: {  	[tilespmem:s26], [sflag:$0x1] =	stream.indirect.gather [hbm4b:s6+s25], $0x40, s24, s25, $0xb8;
	[tilespmem:$0x1E000] =	vst v63  }
0x6d: {  	_ = 	snop  }
0x6e: {  	[tilespmem:s28], [sflag:$0x2] =	stream.indirect.gather [hbm4b:s6+s25], $0x40, s25, s25, $0xb8;
	[tilespmem:$0x1E000] =	vst v63  }
0x6f: {  	_ = 	snop  }
0x70: {  	[tilespmem:s30], [sflag:$0x3] =	stream.indirect.gather [hbm4b:s6+s25], $0x40, s29, s25, $0xb8;
	[tilespmem:$0x1E000] =	vst v63  }
0x71: {  	_ = 	snop  }
0x72: {  	[tilespmem:s0], [sflag:$0x4] =	stream.indirect.gather [hbm4b:s6+s25], $0x40, s31, s25, $0xb8;
	[tilespmem:$0x1E000] =	vst v63  }
0x73: {  	_ =	swait.ge [sflag:s2], $0x2000  }
0x74: {  	[sflag:s2] =	ssyncset.done $0x0  }
0x75: {  	[sflag:s2] =	ssyncadd.s32 $0xFFFFE000  }
0x76: {  	[spmem:s1] =	stream.indirect.scatter.add.f32 [tilespmem:s26], [sflag:$0x6], $0x40, s8, s25, $0xb8;
	[tilespmem:$0x1E000] =	vst v63  }
0x77: {  	s8 =	simm.s32 $0x200  }
0x78: {  	[tilespmem:s15], [sflag:$0x5] =	stream.indirect.gather [hbm4b:s6+s25], $0x40, s8, s25, $0xb8;
	[tilespmem:$0x1E000] =	vst v63  }
0x79: {  	_ =	swait.ge [sflag:s9], $0x2000  }
0x7a: {  	[sflag:s9] =	ssyncset.done $0x0  }
0x7b: {  	s23 =	simm.s32 $0x5080;
	[sflag:s9] =	ssyncadd.s32 $0xFFFFE000  }
0x7c: {  	[spmem:s1] =	stream.indirect.scatter.add.f32 [tilespmem:s28], [sflag:$0x7], $0x40, s23, s25, $0xb8;
	[tilespmem:$0x1E000] =	vst v63  }
0x7d: {  	_ =	swait.ge [sflag:s17], $0x2000  }
0x7e: {  	[sflag:s17] =	ssyncset.done $0x0  }
0x7f: {  	s8 =	simm.s32 $0x280;
	[sflag:s17] =	ssyncadd.s32 $0xFFFFE000  }
0x80: {  	[tilespmem:s26], [sflag:$0x1] =	stream.indirect.gather [hbm4b:s6+s25], $0x40, s8, s25, $0xb8;
	[tilespmem:$0x1E000] =	vst v63  }
0x81: {  	_ =	swait.ge [sflag:s10], $0x2000  }
0x82: {  	[sflag:s10] =	ssyncset.done $0x0  }
0x83: {  	s23 =	simm.s32 $0x5100;
	[sflag:s10] =	ssyncadd.s32 $0xFFFFE000  }
0x84: {  	[spmem:s1] =	stream.indirect.scatter.add.f32 [tilespmem:s30], [sflag:$0x8], $0x40, s23, s25, $0xb8;
	[tilespmem:$0x1E000] =	vst v63  }
0x85: {  	_ =	swait.ge [sflag:s22], $0x2000  }
0x86: {  	[sflag:s22] =	ssyncset.done $0x0  }
0x87: {  	s8 =	simm.s32 $0x300;
	[sflag:s22] =	ssyncadd.s32 $0xFFFFE000  }
0x88: {  	[tilespmem:s28], [sflag:$0x2] =	stream.indirect.gather [hbm4b:s6+s25], $0x40, s8, s25, $0xb8;
	[tilespmem:$0x1E000] =	vst v63  }
0x89: {  	_ =	swait.ge [sflag:s12], $0x2000  }
0x8a: {  	[sflag:s12] =	ssyncset.done $0x0  }
0x8b: {  	s23 =	simm.s32 $0x5180;
	[sflag:s12] =	ssyncadd.s32 $0xFFFFE000  }
0x8c: {  	[spmem:s1] =	stream.indirect.scatter.add.f32 [tilespmem:s0], [sflag:$0x9], $0x40, s23, s25, $0xb8;
	[tilespmem:$0x1E000] =	vst v63  }
0x8d: {  	_ =	swait.ge [sflag:s14], $0x2000  }
0x8e: {  	[sflag:s14] =	ssyncset.done $0x0  }
0x8f: {  	s8 =	simm.s32 $0x380;
	[sflag:s14] =	ssyncadd.s32 $0xFFFFE000  }
0x90: {  	[tilespmem:s30], [sflag:$0x3] =	stream.indirect.gather [hbm4b:s6+s25], $0x40, s8, s25, $0xb8;
	[tilespmem:$0x1E000] =	vst v63  }
0x91: {  	_ =	swait.ge [sflag:s20], $0x2000  }
0x92: {  	[sflag:s20] =	ssyncset.done $0x0  }
0x93: {  	s23 =	simm.s32 $0x5200;
	[sflag:s20] =	ssyncadd.s32 $0xFFFFE000  }
0x94: {  	[spmem:s1] =	stream.indirect.scatter.add.f32 [tilespmem:s15], [sflag:$0xA], $0x40, s23, s25, $0xb8;
	[tilespmem:$0x1E000] =	vst v63  }
0x95: {  	_ =	swait.ge [sflag:s19], $0x2000  }
0x96: {  	[sflag:s19] =	ssyncset.done $0x0  }
0x97: {  	s8 =	simm.s32 $0x400;
	[sflag:s19] =	ssyncadd.s32 $0xFFFFE000  }
0x98: {  	[tilespmem:s0], [sflag:$0x4] =	stream.indirect.gather [hbm4b:s6+s25], $0x40, s8, s25, $0xb8;
	[tilespmem:$0x1E000] =	vst v63  }
0x99: {  	_ =	swait.ge [sflag:s2], $0x2000  }
0x9a: {  	[sflag:s2] =	ssyncset.done $0x0  }
0x9b: {  	s23 =	simm.s32 $0x5280;
	[sflag:s2] =	ssyncadd.s32 $0xFFFFE000  }
0x9c: {  	[spmem:s1] =	stream.indirect.scatter.add.f32 [tilespmem:s26], [sflag:$0x6], $0x40, s23, s25, $0xb8;
	[tilespmem:$0x1E000] =	vst v63  }
0x9d: {  	_ =	swait.ge [sflag:s13], $0x2000  }
0x9e: {  	[sflag:s13] =	ssyncset.done $0x0  }
0x9f: {  	s8 =	simm.s32 $0x480;
	[sflag:s13] =	ssyncadd.s32 $0xFFFFE000  }
0xa0: {  	[tilespmem:s15], [sflag:$0x5] =	stream.indirect.gather [hbm4b:s6+s25], $0x40, s8, s25, $0xb8;
	[tilespmem:$0x1E000] =	vst v63  }
0xa1: {  	_ =	swait.ge [sflag:s9], $0x2000  }
0xa2: {  	[sflag:s9] =	ssyncset.done $0x0  }
0xa3: {  	s23 =	simm.s32 $0x5300;
	[sflag:s9] =	ssyncadd.s32 $0xFFFFE000  }
0xa4: {  	[spmem:s1] =	stream.indirect.scatter.add.f32 [tilespmem:s28], [sflag:$0x7], $0x40, s23, s25, $0xb8;
	[tilespmem:$0x1E000] =	vst v63  }
0xa5: {  	_ =	swait.ge [sflag:s17], $0x2000  }
0xa6: {  	[sflag:s17] =	ssyncset.done $0x0  }
0xa7: {  	s8 =	simm.s32 $0x500;
	[sflag:s17] =	ssyncadd.s32 $0xFFFFE000  }
0xa8: {  	[tilespmem:s26], [sflag:$0x1] =	stream.indirect.gather [hbm4b:s6+s25], $0x40, s8, s25, $0xb8;
	[tilespmem:$0x1E000] =	vst v63  }
0xa9: {  	_ =	swait.ge [sflag:s10], $0x2000  }
0xaa: {  	[sflag:s10] =	ssyncset.done $0x0  }
0xab: {  	s23 =	simm.s32 $0x5380;
	[sflag:s10] =	ssyncadd.s32 $0xFFFFE000  }
0xac: {  	[spmem:s1] =	stream.indirect.scatter.add.f32 [tilespmem:s30], [sflag:$0x8], $0x40, s23, s25, $0xb8;
	[tilespmem:$0x1E000] =	vst v63  }
0xad: {  	_ =	swait.ge [sflag:s22], $0x2000  }
0xae: {  	[sflag:s22] =	ssyncset.done $0x0  }
0xaf: {  	s8 =	simm.s32 $0x580;
	[sflag:s22] =	ssyncadd.s32 $0xFFFFE000  }
0xb0: {  	[tilespmem:s28], [sflag:$0x2] =	stream.indirect.gather [hbm4b:s6+s25], $0x40, s8, s25, $0xb8;
	[tilespmem:$0x1E000] =	vst v63  }
0xb1: {  	_ =	swait.ge [sflag:s12], $0x2000  }
0xb2: {  	[sflag:s12] =	ssyncset.done $0x0  }
0xb3: {  	s23 =	simm.s32 $0x5400;
	[sflag:s12] =	ssyncadd.s32 $0xFFFFE000  }
0xb4: {  	[spmem:s1] =	stream.indirect.scatter.add.f32 [tilespmem:s0], [sflag:$0x9], $0x40, s23, s25, $0xb8;
	[tilespmem:$0x1E000] =	vst v63  }
0xb5: {  	_ =	swait.ge [sflag:s14], $0x2000  }
0xb6: {  	[sflag:s14] =	ssyncset.done $0x0  }
0xb7: {  	s8 =	simm.s32 $0x600;
	[sflag:s14] =	ssyncadd.s32 $0xFFFFE000  }
0xb8: {  	[tilespmem:s30], [sflag:$0x3] =	stream.indirect.gather [hbm4b:s6+s25], $0x40, s8, s25, $0xb8;
	[tilespmem:$0x1E000] =	vst v63  }
0xb9: {  	_ =	swait.ge [sflag:s20], $0x2000  }
0xba: {  	[sflag:s20] =	ssyncset.done $0x0  }
0xbb: {  	s23 =	simm.s32 $0x5480;
	[sflag:s20] =	ssyncadd.s32 $0xFFFFE000  }
0xbc: {  	[spmem:s1] =	stream.indirect.scatter.add.f32 [tilespmem:s15], [sflag:$0xA], $0x40, s23, s25, $0xb8;
	[tilespmem:$0x1E000] =	vst v63  }
0xbd: {  	_ =	swait.ge [sflag:s19], $0x2000  }
0xbe: {  	s3 =	simm.s32 $0x680;
	[sflag:s19] =	ssyncset.done $0x0  }
0xbf: {  	s24 =	simm.s32 $0x5000;
	s8 =	simm.s32 $0xA00;
	[sflag:s19] =	ssyncadd.s32 $0xFFFFE000  }
.LBB2_8:
0xc0: {  	[tilespmem:s0], [sflag:$0x4] =	stream.indirect.gather [hbm4b:s6+s25], $0x40, s3, s25, $0xb8;
	[tilespmem:$0x1E000] =	vst v63  }
0xc1: {  	s3 =	smov.u32 s8  }
0xc2: {  	p1 =	sne.s32 s8, $0x12200;
	s8 =	sadd.s32 $0xA00, s8;
	_ =	swait.ge [sflag:s2], $0x2000  }
0xc3: {  	s3 =	sshra.s32 s3, $0x2;
	[sflag:s2] =	ssyncset.done $0x0  }
0xc4: {  	s23 =	sadd.s32 $0x5280, s3;
	[sflag:s2] =	ssyncadd.s32 $0xFFFFE000  }
0xc5: {  	[spmem:s1] =	stream.indirect.scatter.add.f32 [tilespmem:s26], [sflag:$0x6], $0x40, s23, s25, $0xb8;
	[tilespmem:$0x1E000] =	vst v63  }
0xc6: {  	_ =	swait.ge [sflag:s13], $0x2000  }
0xc7: {  	[sflag:s13] =	ssyncset.done $0x0  }
0xc8: {  	s23 =	sadd.s32 $0x480, s3;
	[sflag:s13] =	ssyncadd.s32 $0xFFFFE000  }
0xc9: {  	[tilespmem:s15], [sflag:$0x5] =	stream.indirect.gather [hbm4b:s6+s25], $0x40, s23, s25, $0xb8;
	[tilespmem:$0x1E000] =	vst v63  }
0xca: {  	_ =	swait.ge [sflag:s9], $0x2000  }
0xcb: {  	[sflag:s9] =	ssyncset.done $0x0  }
0xcc: {  	s23 =	sadd.s32 $0x5300, s3;
	[sflag:s9] =	ssyncadd.s32 $0xFFFFE000  }
0xcd: {  	[spmem:s1] =	stream.indirect.scatter.add.f32 [tilespmem:s28], [sflag:$0x7], $0x40, s23, s25, $0xb8;
	[tilespmem:$0x1E000] =	vst v63  }
0xce: {  	_ =	swait.ge [sflag:s17], $0x2000  }
0xcf: {  	[sflag:s17] =	ssyncset.done $0x0  }
0xd0: {  	s23 =	sadd.s32 $0x500, s3;
	[sflag:s17] =	ssyncadd.s32 $0xFFFFE000  }
0xd1: {  	[tilespmem:s26], [sflag:$0x1] =	stream.indirect.gather [hbm4b:s6+s25], $0x40, s23, s25, $0xb8;
	[tilespmem:$0x1E000] =	vst v63  }
0xd2: {  	_ =	swait.ge [sflag:s10], $0x2000  }
0xd3: {  	[sflag:s10] =	ssyncset.done $0x0  }
0xd4: {  	s23 =	sadd.s32 $0x5380, s3;
	[sflag:s10] =	ssyncadd.s32 $0xFFFFE000  }
0xd5: {  	[spmem:s1] =	stream.indirect.scatter.add.f32 [tilespmem:s30], [sflag:$0x8], $0x40, s23, s25, $0xb8;
	[tilespmem:$0x1E000] =	vst v63  }
0xd6: {  	_ =	swait.ge [sflag:s22], $0x2000  }
0xd7: {  	[sflag:s22] =	ssyncset.done $0x0  }
0xd8: {  	s23 =	sadd.s32 $0x580, s3;
	[sflag:s22] =	ssyncadd.s32 $0xFFFFE000  }
0xd9: {  	[tilespmem:s28], [sflag:$0x2] =	stream.indirect.gather [hbm4b:s6+s25], $0x40, s23, s25, $0xb8;
	[tilespmem:$0x1E000] =	vst v63  }
0xda: {  	_ =	swait.ge [sflag:s12], $0x2000  }
0xdb: {  	[sflag:s12] =	ssyncset.done $0x0  }
0xdc: {  	s23 =	sadd.s32 $0x5400, s3;
	[sflag:s12] =	ssyncadd.s32 $0xFFFFE000  }
0xdd: {  	[spmem:s1] =	stream.indirect.scatter.add.f32 [tilespmem:s0], [sflag:$0x9], $0x40, s23, s25, $0xb8;
	[tilespmem:$0x1E000] =	vst v63  }
0xde: {  	_ =	swait.ge [sflag:s14], $0x2000  }
0xdf: {  	[sflag:s14] =	ssyncset.done $0x0  }
0xe0: {  	s23 =	sadd.s32 $0x600, s3;
	[sflag:s14] =	ssyncadd.s32 $0xFFFFE000  }
0xe1: {  	[tilespmem:s30], [sflag:$0x3] =	stream.indirect.gather [hbm4b:s6+s25], $0x40, s23, s25, $0xb8;
	[tilespmem:$0x1E000] =	vst v63  }
0xe2: {  	_ =	swait.ge [sflag:s20], $0x2000  }
0xe3: {  	[sflag:s20] =	ssyncset.done $0x0  }
.Ltmp3:
0xe4: {  	s23 =	sadd.s32 $0x5480, s3;
	[sflag:s20] =	ssyncadd.s32 $0xFFFFE000;
	(pc) =	sbr.rel @p1 .LBB2_8-.Ltmp3, $4  }
0xe5: {  	[spmem:s1] =	stream.indirect.scatter.add.f32 [tilespmem:s15], [sflag:$0xA], $0x40, s23, s25, $0xb8;
	[tilespmem:$0x1E000] =	vst v63  }
0xe6: {  	_ =	swait.ge [sflag:s19], $0x2000  }
0xe7: {  	[sflag:s19] =	ssyncset.done $0x0  }
0xe8: {  	s3 =	sadd.s32 $0x680, s3;
	[sflag:s19] =	ssyncadd.s32 $0xFFFFE000  }
0xe9: {  	[tilespmem:s0], [sflag:$0x4] =	stream.indirect.gather [hbm4b:s6+s25], $0x40, s3, s25, $0xb8;
	[tilespmem:$0x1E000] =	vst v63  }
0xea: {  	_ =	swait.ge [sflag:s2], $0x2000  }
0xeb: {  	[sflag:s2] =	ssyncset.done $0x0  }
0xec: {  	s8 =	simm.s32 $0x9D80;
	[sflag:s2] =	ssyncadd.s32 $0xFFFFE000  }
0xed: {  	[spmem:s1] =	stream.indirect.scatter.add.f32 [tilespmem:s26], [sflag:$0x6], $0x40, s8, s25, $0xb8;
	[tilespmem:$0x1E000] =	vst v63  }
0xee: {  	_ =	swait.ge [sflag:s13], $0x2000  }
0xef: {  	[sflag:s13] =	ssyncset.done $0x0  }
0xf0: {  	s23 =	simm.s32 $0x4F80;
	[sflag:s13] =	ssyncadd.s32 $0xFFFFE000  }
0xf1: {  	[tilespmem:s15], [sflag:$0x5] =	stream.indirect.gather [hbm4b:s6+s25], $0x40, s23, s25, $0xb8;
	[tilespmem:$0x1E000] =	vst v63  }
0xf2: {  	_ =	swait.ge [sflag:s9], $0x2000  }
0xf3: {  	[sflag:s9] =	ssyncset.done $0x0  }
0xf4: {  	s8 =	simm.s32 $0x9E00;
	[sflag:s9] =	ssyncadd.s32 $0xFFFFE000  }
0xf5: {  	[spmem:s1] =	stream.indirect.scatter.add.f32 [tilespmem:s28], [sflag:$0x7], $0x40, s8, s25, $0xb8;
	[tilespmem:$0x1E000] =	vst v63  }
0xf6: {  	_ =	swait.ge [sflag:s17], $0x2000  }
0xf7: {  	[sflag:s17] =	ssyncset.done $0x0  }
0xf8: {  	s3 =	simm.s32 $0x0;
	[sflag:s17] =	ssyncadd.s32 $0xFFFFE000  }
0xf9: {  	[tilespmem:s26], [sflag:$0x1] =	stream.indirect.gather [hbm4b:s6+s25], $0x40, s3, s25, $0xb8;
	[tilespmem:$0x1E000] =	vst v63  }
0xfa: {  	_ =	swait.ge [sflag:s10], $0x2000  }
0xfb: {  	[sflag:s10] =	ssyncset.done $0x0  }
0xfc: {  	s8 =	simm.s32 $0x9E80;
	[sflag:s10] =	ssyncadd.s32 $0xFFFFE000  }
0xfd: {  	[spmem:s1] =	stream.indirect.scatter.add.f32 [tilespmem:s30], [sflag:$0x8], $0x40, s8, s25, $0xb8;
	[tilespmem:$0x1E000] =	vst v63  }
0xfe: {  	_ =	swait.ge [sflag:s22], $0x2000  }
0xff: {  	[sflag:s22] =	ssyncset.done $0x0  }
0x100: {  	[sflag:s22] =	ssyncadd.s32 $0xFFFFE000  }
0x101: {  	[tilespmem:s28], [sflag:$0x2] =	stream.indirect.gather [hbm4b:s6+s25], $0x40, s25, s25, $0xb8;
	[tilespmem:$0x1E000] =	vst v63  }
0x102: {  	_ =	swait.ge [sflag:s12], $0x2000  }
0x103: {  	[sflag:s12] =	ssyncset.done $0x0  }
0x104: {  	s23 =	simm.s32 $0x9F00;
	[sflag:s12] =	ssyncadd.s32 $0xFFFFE000  }
0x105: {  	[spmem:s1] =	stream.indirect.scatter.add.f32 [tilespmem:s0], [sflag:$0x9], $0x40, s23, s25, $0xb8;
	[tilespmem:$0x1E000] =	vst v63  }
0x106: {  	_ =	swait.ge [sflag:s14], $0x2000  }
0x107: {  	[sflag:s14] =	ssyncset.done $0x0  }
0x108: {  	[sflag:s14] =	ssyncadd.s32 $0xFFFFE000  }
0x109: {  	[tilespmem:s30], [sflag:$0x3] =	stream.indirect.gather [hbm4b:s6+s25], $0x40, s29, s25, $0xb8;
	[tilespmem:$0x1E000] =	vst v63  }
0x10a: {  	_ =	swait.ge [sflag:s20], $0x2000  }
0x10b: {  	[sflag:s20] =	ssyncset.done $0x0  }
0x10c: {  	s23 =	simm.s32 $0x9F80;
	[sflag:s20] =	ssyncadd.s32 $0xFFFFE000  }
0x10d: {  	[spmem:s1] =	stream.indirect.scatter.add.f32 [tilespmem:s15], [sflag:$0xA], $0x40, s23, s25, $0xb8;
	[tilespmem:$0x1E000] =	vst v63  }
0x10e: {  	_ =	swait.ge [sflag:s19], $0x2000  }
0x10f: {  	[sflag:s19] =	ssyncset.done $0x0  }
0x110: {  	[sflag:s19] =	ssyncadd.s32 $0xFFFFE000  }
0x111: {  	[tilespmem:s0], [sflag:$0x4] =	stream.indirect.gather [hbm4b:s6+s25], $0x40, s31, s25, $0xb8;
	[tilespmem:$0x1E000] =	vst v63  }
0x112: {  	_ =	swait.ge [sflag:s13], $0x2000  }
0x113: {  	[sflag:s13] =	ssyncset.done $0x0  }
0x114: {  	[sflag:s13] =	ssyncadd.s32 $0xFFFFE000  }
0x115: {  	_ =	swait.ge [sflag:s2], $0x2000  }
0x116: {  	[sflag:s2] =	ssyncset.done $0x0  }
0x117: {  	[sflag:s2] =	ssyncadd.s32 $0xFFFFE000  }
0x118: {  	_ =	swait.ge [sflag:s9], $0x2000  }
0x119: {  	[sflag:s9] =	ssyncset.done $0x0  }
0x11a: {  	[sflag:s9] =	ssyncadd.s32 $0xFFFFE000  }
0x11b: {  	_ =	swait.ge [sflag:s10], $0x2000  }
0x11c: {  	[sflag:s10] =	ssyncset.done $0x0  }
0x11d: {  	[sflag:s10] =	ssyncadd.s32 $0xFFFFE000  }
0x11e: {  	_ =	swait.ge [sflag:s12], $0x2000  }
0x11f: {  	[sflag:s12] =	ssyncset.done $0x0  }
0x120: {  	[sflag:s12] =	ssyncadd.s32 $0xFFFFE000  }
0x121: {  	[bflag:$0x0] =	sbarrier.arrive $0xFFFF  }
0x122: {  	s23 =	rddreg [dreg:$0xe]  }
0x123: {  	[hbm:s23], [sflag:s11] =	dma.local [spmem:s18], $0x1400  }
0x124: {  	_ =	swait.ge [sflag:s21], $0x1400  }
0x125: {  	[sflag:s21] =	ssyncset.done $0x0  }
0x126: {  	s23 =	rddreg [dreg:$0xf];
	[sflag:s21] =	ssyncadd.s32 $0xFFFFEC00  }
0x127: {  	[spmem:s18], [sflag:s11] =	dma.local [hbm:s23], $0x1400  }
0x128: {  	_ =	swait.ge [sflag:s21], $0x1400  }
0x129: {  	[sflag:s21] =	ssyncset.done $0x0  }
0x12a: {  	[sflag:s21] =	ssyncadd.s32 $0xFFFFEC00  }
0x12b: {  	[bflag:$0x0] =	sbarrier.arrive $0xFFFF  }
0x12c: {  	[tilespmem:s26], [sflag:$0x1] =	stream.indirect.gather [hbm4b:s7+s25], $0x40, s3, s25, $0xb8;
	[tilespmem:$0x1E000] =	vst v63  }
0x12d: {  	_ = 	snop  }
0x12e: {  	[tilespmem:s28], [sflag:$0x2] =	stream.indirect.gather [hbm4b:s7+s25], $0x40, s25, s25, $0xb8;
	[tilespmem:$0x1E000] =	vst v63  }
0x12f: {  	_ = 	snop  }
0x130: {  	[tilespmem:s30], [sflag:$0x3] =	stream.indirect.gather [hbm4b:s7+s25], $0x40, s29, s25, $0xb8;
	[tilespmem:$0x1E000] =	vst v63  }
0x131: {  	_ = 	snop  }
0x132: {  	[tilespmem:s0], [sflag:$0x4] =	stream.indirect.gather [hbm4b:s7+s25], $0x40, s31, s25, $0xb8;
	[tilespmem:$0x1E000] =	vst v63  }
0x133: {  	_ =	swait.ge [sflag:s2], $0x2000  }
0x134: {  	[sflag:s2] =	ssyncset.done $0x0  }
0x135: {  	[sflag:s2] =	ssyncadd.s32 $0xFFFFE000  }
0x136: {  	[spmem:s1] =	stream.indirect.scatter.add.f32 [tilespmem:s26], [sflag:$0x6], $0x40, s24, s25, $0xb8;
	[tilespmem:$0x1E000] =	vst v63  }
0x137: {  	s24 =	simm.s32 $0x200  }
0x138: {  	[tilespmem:s15], [sflag:$0x5] =	stream.indirect.gather [hbm4b:s7+s25], $0x40, s24, s25, $0xb8;
	[tilespmem:$0x1E000] =	vst v63  }
0x139: {  	_ =	swait.ge [sflag:s9], $0x2000  }
0x13a: {  	[sflag:s9] =	ssyncset.done $0x0  }
0x13b: {  	s29 =	simm.s32 $0x5080;
	[sflag:s9] =	ssyncadd.s32 $0xFFFFE000  }
0x13c: {  	[spmem:s1] =	stream.indirect.scatter.add.f32 [tilespmem:s28], [sflag:$0x7], $0x40, s29, s25, $0xb8;
	[tilespmem:$0x1E000] =	vst v63  }
0x13d: {  	_ =	swait.ge [sflag:s17], $0x2000  }
0x13e: {  	[sflag:s17] =	ssyncset.done $0x0  }
0x13f: {  	s31 =	simm.s32 $0x280;
	[sflag:s17] =	ssyncadd.s32 $0xFFFFE000  }
0x140: {  	[tilespmem:s26], [sflag:$0x1] =	stream.indirect.gather [hbm4b:s7+s25], $0x40, s31, s25, $0xb8;
	[tilespmem:$0x1E000] =	vst v63  }
0x141: {  	_ =	swait.ge [sflag:s10], $0x2000  }
0x142: {  	[sflag:s10] =	ssyncset.done $0x0  }
0x143: {  	s8 =	simm.s32 $0x5100;
	[sflag:s10] =	ssyncadd.s32 $0xFFFFE000  }
0x144: {  	[spmem:s1] =	stream.indirect.scatter.add.f32 [tilespmem:s30], [sflag:$0x8], $0x40, s8, s25, $0xb8;
	[tilespmem:$0x1E000] =	vst v63  }
0x145: {  	_ =	swait.ge [sflag:s22], $0x2000  }
0x146: {  	[sflag:s22] =	ssyncset.done $0x0  }
0x147: {  	s23 =	simm.s32 $0x300;
	[sflag:s22] =	ssyncadd.s32 $0xFFFFE000  }
0x148: {  	[tilespmem:s28], [sflag:$0x2] =	stream.indirect.gather [hbm4b:s7+s25], $0x40, s23, s25, $0xb8;
	[tilespmem:$0x1E000] =	vst v63  }
0x149: {  	_ =	swait.ge [sflag:s12], $0x2000  }
0x14a: {  	[sflag:s12] =	ssyncset.done $0x0  }
0x14b: {  	s24 =	simm.s32 $0x5180;
	[sflag:s12] =	ssyncadd.s32 $0xFFFFE000  }
0x14c: {  	[spmem:s1] =	stream.indirect.scatter.add.f32 [tilespmem:s0], [sflag:$0x9], $0x40, s24, s25, $0xb8;
	[tilespmem:$0x1E000] =	vst v63  }
0x14d: {  	_ =	swait.ge [sflag:s14], $0x2000  }
0x14e: {  	[sflag:s14] =	ssyncset.done $0x0  }
0x14f: {  	s29 =	simm.s32 $0x380;
	[sflag:s14] =	ssyncadd.s32 $0xFFFFE000  }
0x150: {  	[tilespmem:s30], [sflag:$0x3] =	stream.indirect.gather [hbm4b:s7+s25], $0x40, s29, s25, $0xb8;
	[tilespmem:$0x1E000] =	vst v63  }
0x151: {  	_ =	swait.ge [sflag:s20], $0x2000  }
0x152: {  	[sflag:s20] =	ssyncset.done $0x0  }
0x153: {  	s31 =	simm.s32 $0x5200;
	[sflag:s20] =	ssyncadd.s32 $0xFFFFE000  }
0x154: {  	[spmem:s1] =	stream.indirect.scatter.add.f32 [tilespmem:s15], [sflag:$0xA], $0x40, s31, s25, $0xb8;
	[tilespmem:$0x1E000] =	vst v63  }
0x155: {  	_ =	swait.ge [sflag:s19], $0x2000  }
0x156: {  	[sflag:s19] =	ssyncset.done $0x0  }
0x157: {  	s8 =	simm.s32 $0x400;
	[sflag:s19] =	ssyncadd.s32 $0xFFFFE000  }
0x158: {  	[tilespmem:s0], [sflag:$0x4] =	stream.indirect.gather [hbm4b:s7+s25], $0x40, s8, s25, $0xb8;
	[tilespmem:$0x1E000] =	vst v63  }
0x159: {  	_ =	swait.ge [sflag:s2], $0x2000  }
0x15a: {  	[sflag:s2] =	ssyncset.done $0x0  }
0x15b: {  	s23 =	simm.s32 $0x5280;
	[sflag:s2] =	ssyncadd.s32 $0xFFFFE000  }
0x15c: {  	[spmem:s1] =	stream.indirect.scatter.add.f32 [tilespmem:s26], [sflag:$0x6], $0x40, s23, s25, $0xb8;
	[tilespmem:$0x1E000] =	vst v63  }
0x15d: {  	_ =	swait.ge [sflag:s13], $0x2000  }
0x15e: {  	[sflag:s13] =	ssyncset.done $0x0  }
0x15f: {  	s24 =	simm.s32 $0x480;
	[sflag:s13] =	ssyncadd.s32 $0xFFFFE000  }
0x160: {  	[tilespmem:s15], [sflag:$0x5] =	stream.indirect.gather [hbm4b:s7+s25], $0x40, s24, s25, $0xb8;
	[tilespmem:$0x1E000] =	vst v63  }
0x161: {  	_ =	swait.ge [sflag:s9], $0x2000  }
0x162: {  	[sflag:s9] =	ssyncset.done $0x0  }
0x163: {  	s29 =	simm.s32 $0x5300;
	[sflag:s9] =	ssyncadd.s32 $0xFFFFE000  }
0x164: {  	[spmem:s1] =	stream.indirect.scatter.add.f32 [tilespmem:s28], [sflag:$0x7], $0x40, s29, s25, $0xb8;
	[tilespmem:$0x1E000] =	vst v63  }
0x165: {  	_ =	swait.ge [sflag:s17], $0x2000  }
0x166: {  	[sflag:s17] =	ssyncset.done $0x0  }
0x167: {  	s31 =	simm.s32 $0x500;
	[sflag:s17] =	ssyncadd.s32 $0xFFFFE000  }
0x168: {  	[tilespmem:s26], [sflag:$0x1] =	stream.indirect.gather [hbm4b:s7+s25], $0x40, s31, s25, $0xb8;
	[tilespmem:$0x1E000] =	vst v63  }
0x169: {  	_ =	swait.ge [sflag:s10], $0x2000  }
0x16a: {  	[sflag:s10] =	ssyncset.done $0x0  }
0x16b: {  	s8 =	simm.s32 $0x5380;
	[sflag:s10] =	ssyncadd.s32 $0xFFFFE000  }
0x16c: {  	[spmem:s1] =	stream.indirect.scatter.add.f32 [tilespmem:s30], [sflag:$0x8], $0x40, s8, s25, $0xb8;
	[tilespmem:$0x1E000] =	vst v63  }
0x16d: {  	_ =	swait.ge [sflag:s22], $0x2000  }
0x16e: {  	[sflag:s22] =	ssyncset.done $0x0  }
0x16f: {  	s23 =	simm.s32 $0x580;
	[sflag:s22] =	ssyncadd.s32 $0xFFFFE000  }
0x170: {  	[tilespmem:s28], [sflag:$0x2] =	stream.indirect.gather [hbm4b:s7+s25], $0x40, s23, s25, $0xb8;
	[tilespmem:$0x1E000] =	vst v63  }
0x171: {  	_ =	swait.ge [sflag:s12], $0x2000  }
0x172: {  	[sflag:s12] =	ssyncset.done $0x0  }
0x173: {  	s24 =	simm.s32 $0x5400;
	[sflag:s12] =	ssyncadd.s32 $0xFFFFE000  }
0x174: {  	[spmem:s1] =	stream.indirect.scatter.add.f32 [tilespmem:s0], [sflag:$0x9], $0x40, s24, s25, $0xb8;
	[tilespmem:$0x1E000] =	vst v63  }
0x175: {  	_ =	swait.ge [sflag:s14], $0x2000  }
0x176: {  	[sflag:s14] =	ssyncset.done $0x0  }
0x177: {  	s29 =	simm.s32 $0x600;
	[sflag:s14] =	ssyncadd.s32 $0xFFFFE000  }
0x178: {  	[tilespmem:s30], [sflag:$0x3] =	stream.indirect.gather [hbm4b:s7+s25], $0x40, s29, s25, $0xb8;
	[tilespmem:$0x1E000] =	vst v63  }
0x179: {  	_ =	swait.ge [sflag:s20], $0x2000  }
0x17a: {  	[sflag:s20] =	ssyncset.done $0x0  }
0x17b: {  	s31 =	simm.s32 $0x5480;
	[sflag:s20] =	ssyncadd.s32 $0xFFFFE000  }
0x17c: {  	[spmem:s1] =	stream.indirect.scatter.add.f32 [tilespmem:s15], [sflag:$0xA], $0x40, s31, s25, $0xb8;
	[tilespmem:$0x1E000] =	vst v63  }
0x17d: {  	_ =	swait.ge [sflag:s19], $0x2000  }
0x17e: {  	[sflag:s19] =	ssyncset.done $0x0  }
0x17f: {  	s3 =	simm.s32 $0x680;
	s8 =	simm.s32 $0xA00;
	[sflag:s19] =	ssyncadd.s32 $0xFFFFE000  }
.LBB2_10:
0x180: {  	[tilespmem:s0], [sflag:$0x4] =	stream.indirect.gather [hbm4b:s7+s25], $0x40, s3, s25, $0xb8;
	[tilespmem:$0x1E000] =	vst v63  }
0x181: {  	s3 =	smov.u32 s8  }
0x182: {  	p1 =	sne.s32 s8, $0x12200;
	s8 =	sadd.s32 $0xA00, s8;
	_ =	swait.ge [sflag:s2], $0x2000  }
0x183: {  	s3 =	sshra.s32 s3, $0x2;
	[sflag:s2] =	ssyncset.done $0x0  }
0x184: {  	s23 =	sadd.s32 $0x5280, s3;
	[sflag:s2] =	ssyncadd.s32 $0xFFFFE000  }
0x185: {  	[spmem:s1] =	stream.indirect.scatter.add.f32 [tilespmem:s26], [sflag:$0x6], $0x40, s23, s25, $0xb8;
	[tilespmem:$0x1E000] =	vst v63  }
0x186: {  	_ =	swait.ge [sflag:s13], $0x2000  }
0x187: {  	[sflag:s13] =	ssyncset.done $0x0  }
0x188: {  	s23 =	sadd.s32 $0x480, s3;
	[sflag:s13] =	ssyncadd.s32 $0xFFFFE000  }
0x189: {  	[tilespmem:s15], [sflag:$0x5] =	stream.indirect.gather [hbm4b:s7+s25], $0x40, s23, s25, $0xb8;
	[tilespmem:$0x1E000] =	vst v63  }
0x18a: {  	_ =	swait.ge [sflag:s9], $0x2000  }
0x18b: {  	[sflag:s9] =	ssyncset.done $0x0  }
0x18c: {  	s23 =	sadd.s32 $0x5300, s3;
	[sflag:s9] =	ssyncadd.s32 $0xFFFFE000  }
0x18d: {  	[spmem:s1] =	stream.indirect.scatter.add.f32 [tilespmem:s28], [sflag:$0x7], $0x40, s23, s25, $0xb8;
	[tilespmem:$0x1E000] =	vst v63  }
0x18e: {  	_ =	swait.ge [sflag:s17], $0x2000  }
0x18f: {  	[sflag:s17] =	ssyncset.done $0x0  }
0x190: {  	s23 =	sadd.s32 $0x500, s3;
	[sflag:s17] =	ssyncadd.s32 $0xFFFFE000  }
0x191: {  	[tilespmem:s26], [sflag:$0x1] =	stream.indirect.gather [hbm4b:s7+s25], $0x40, s23, s25, $0xb8;
	[tilespmem:$0x1E000] =	vst v63  }
0x192: {  	_ =	swait.ge [sflag:s10], $0x2000  }
0x193: {  	[sflag:s10] =	ssyncset.done $0x0  }
0x194: {  	s23 =	sadd.s32 $0x5380, s3;
	[sflag:s10] =	ssyncadd.s32 $0xFFFFE000  }
0x195: {  	[spmem:s1] =	stream.indirect.scatter.add.f32 [tilespmem:s30], [sflag:$0x8], $0x40, s23, s25, $0xb8;
	[tilespmem:$0x1E000] =	vst v63  }
0x196: {  	_ =	swait.ge [sflag:s22], $0x2000  }
0x197: {  	[sflag:s22] =	ssyncset.done $0x0  }
0x198: {  	s23 =	sadd.s32 $0x580, s3;
	[sflag:s22] =	ssyncadd.s32 $0xFFFFE000  }
0x199: {  	[tilespmem:s28], [sflag:$0x2] =	stream.indirect.gather [hbm4b:s7+s25], $0x40, s23, s25, $0xb8;
	[tilespmem:$0x1E000] =	vst v63  }
0x19a: {  	_ =	swait.ge [sflag:s12], $0x2000  }
0x19b: {  	[sflag:s12] =	ssyncset.done $0x0  }
0x19c: {  	s23 =	sadd.s32 $0x5400, s3;
	[sflag:s12] =	ssyncadd.s32 $0xFFFFE000  }
0x19d: {  	[spmem:s1] =	stream.indirect.scatter.add.f32 [tilespmem:s0], [sflag:$0x9], $0x40, s23, s25, $0xb8;
	[tilespmem:$0x1E000] =	vst v63  }
0x19e: {  	_ =	swait.ge [sflag:s14], $0x2000  }
0x19f: {  	[sflag:s14] =	ssyncset.done $0x0  }
0x1a0: {  	s23 =	sadd.s32 $0x600, s3;
	[sflag:s14] =	ssyncadd.s32 $0xFFFFE000  }
0x1a1: {  	[tilespmem:s30], [sflag:$0x3] =	stream.indirect.gather [hbm4b:s7+s25], $0x40, s23, s25, $0xb8;
	[tilespmem:$0x1E000] =	vst v63  }
0x1a2: {  	_ =	swait.ge [sflag:s20], $0x2000  }
0x1a3: {  	[sflag:s20] =	ssyncset.done $0x0  }
.Ltmp4:
0x1a4: {  	s23 =	sadd.s32 $0x5480, s3;
	[sflag:s20] =	ssyncadd.s32 $0xFFFFE000;
	(pc) =	sbr.rel @p1 .LBB2_10-.Ltmp4, $4  }
0x1a5: {  	[spmem:s1] =	stream.indirect.scatter.add.f32 [tilespmem:s15], [sflag:$0xA], $0x40, s23, s25, $0xb8;
	[tilespmem:$0x1E000] =	vst v63  }
0x1a6: {  	_ =	swait.ge [sflag:s19], $0x2000  }
0x1a7: {  	[sflag:s19] =	ssyncset.done $0x0  }
0x1a8: {  	s3 =	sadd.s32 $0x680, s3;
	[sflag:s19] =	ssyncadd.s32 $0xFFFFE000  }
.Ltmp5:
0x1a9: {  	_ = 	snop;
	(pc) =	sbr.rel .LBB2_11-.Ltmp5, $1  }
0x1aa: {  	_ =	sdelay $0x3  }
.LBB2_2:
0x1ab: {  	s3 =	rddreg [dreg:$0x11]  }
0x1ac: {  	s23 =	rddreg [dreg:$0xa];
	s24 =	sor.u32 $0x1C0B, s3  }
0x1ad: {  	[spmem:s18], [sflag:s24] =	dma.local [hbm:s23], $0x1400  }
0x1ae: {  	_ =	swait.ge [sflag:s21], $0x1400  }
0x1af: {  	[sflag:s21] =	ssyncset.done $0x0  }
0x1b0: {  	[sflag:s21] =	ssyncadd.s32 $0xFFFFEC00  }
0x1b1: {  	s23 =	simm.s32 $0x0;
	[bflag:$0x0] =	sbarrier.arrive $0xFFFF  }
0x1b2: {  	[tilespmem:s26], [sflag:$0x1] =	stream.indirect.gather [hbm4b:s4+s25], $0x40, s23, s25, $0xb8;
	[tilespmem:$0x1E000] =	vst v63  }
0x1b3: {  	_ = 	snop  }
0x1b4: {  	[tilespmem:s28], [sflag:$0x2] =	stream.indirect.gather [hbm4b:s4+s25], $0x40, s25, s25, $0xb8;
	[tilespmem:$0x1E000] =	vst v63  }
0x1b5: {  	_ = 	snop  }
0x1b6: {  	[tilespmem:s30], [sflag:$0x3] =	stream.indirect.gather [hbm4b:s4+s25], $0x40, s29, s25, $0xb8;
	[tilespmem:$0x1E000] =	vst v63  }
0x1b7: {  	_ = 	snop  }
0x1b8: {  	[tilespmem:s0], [sflag:$0x4] =	stream.indirect.gather [hbm4b:s4+s25], $0x40, s31, s25, $0xb8;
	[tilespmem:$0x1E000] =	vst v63  }
0x1b9: {  	_ =	swait.ge [sflag:s2], $0x2000  }
0x1ba: {  	[sflag:s2] =	ssyncset.done $0x0  }
0x1bb: {  	[sflag:s2] =	ssyncadd.s32 $0xFFFFE000  }
0x1bc: {  	[spmem:s1] =	stream.indirect.scatter.add.f32 [tilespmem:s26], [sflag:$0x6], $0x40, s8, s25, $0xb8;
	[tilespmem:$0x1E000] =	vst v63  }
0x1bd: {  	s8 =	simm.s32 $0x200  }
0x1be: {  	[tilespmem:s15], [sflag:$0x5] =	stream.indirect.gather [hbm4b:s4+s25], $0x40, s8, s25, $0xb8;
	[tilespmem:$0x1E000] =	vst v63  }
0x1bf: {  	_ =	swait.ge [sflag:s9], $0x2000  }
0x1c0: {  	[sflag:s9] =	ssyncset.done $0x0  }
0x1c1: {  	s23 =	simm.s32 $0x5080;
	[sflag:s9] =	ssyncadd.s32 $0xFFFFE000  }
0x1c2: {  	[spmem:s1] =	stream.indirect.scatter.add.f32 [tilespmem:s28], [sflag:$0x7], $0x40, s23, s25, $0xb8;
	[tilespmem:$0x1E000] =	vst v63  }
0x1c3: {  	_ =	swait.ge [sflag:s17], $0x2000  }
0x1c4: {  	[sflag:s17] =	ssyncset.done $0x0  }
0x1c5: {  	s8 =	simm.s32 $0x280;
	[sflag:s17] =	ssyncadd.s32 $0xFFFFE000  }
0x1c6: {  	[tilespmem:s26], [sflag:$0x1] =	stream.indirect.gather [hbm4b:s4+s25], $0x40, s8, s25, $0xb8;
	[tilespmem:$0x1E000] =	vst v63  }
0x1c7: {  	_ =	swait.ge [sflag:s10], $0x2000  }
0x1c8: {  	[sflag:s10] =	ssyncset.done $0x0  }
0x1c9: {  	s23 =	simm.s32 $0x5100;
	[sflag:s10] =	ssyncadd.s32 $0xFFFFE000  }
0x1ca: {  	[spmem:s1] =	stream.indirect.scatter.add.f32 [tilespmem:s30], [sflag:$0x8], $0x40, s23, s25, $0xb8;
	[tilespmem:$0x1E000] =	vst v63  }
0x1cb: {  	_ =	swait.ge [sflag:s22], $0x2000  }
0x1cc: {  	[sflag:s22] =	ssyncset.done $0x0  }
0x1cd: {  	s8 =	simm.s32 $0x300;
	[sflag:s22] =	ssyncadd.s32 $0xFFFFE000  }
0x1ce: {  	[tilespmem:s28], [sflag:$0x2] =	stream.indirect.gather [hbm4b:s4+s25], $0x40, s8, s25, $0xb8;
	[tilespmem:$0x1E000] =	vst v63  }
0x1cf: {  	_ =	swait.ge [sflag:s12], $0x2000  }
0x1d0: {  	[sflag:s12] =	ssyncset.done $0x0  }
0x1d1: {  	s23 =	simm.s32 $0x5180;
	[sflag:s12] =	ssyncadd.s32 $0xFFFFE000  }
0x1d2: {  	[spmem:s1] =	stream.indirect.scatter.add.f32 [tilespmem:s0], [sflag:$0x9], $0x40, s23, s25, $0xb8;
	[tilespmem:$0x1E000] =	vst v63  }
0x1d3: {  	_ =	swait.ge [sflag:s14], $0x2000  }
0x1d4: {  	[sflag:s14] =	ssyncset.done $0x0  }
0x1d5: {  	s8 =	simm.s32 $0x380;
	[sflag:s14] =	ssyncadd.s32 $0xFFFFE000  }
0x1d6: {  	[tilespmem:s30], [sflag:$0x3] =	stream.indirect.gather [hbm4b:s4+s25], $0x40, s8, s25, $0xb8;
	[tilespmem:$0x1E000] =	vst v63  }
0x1d7: {  	_ =	swait.ge [sflag:s20], $0x2000  }
0x1d8: {  	[sflag:s20] =	ssyncset.done $0x0  }
0x1d9: {  	s23 =	simm.s32 $0x5200;
	[sflag:s20] =	ssyncadd.s32 $0xFFFFE000  }
0x1da: {  	[spmem:s1] =	stream.indirect.scatter.add.f32 [tilespmem:s15], [sflag:$0xA], $0x40, s23, s25, $0xb8;
	[tilespmem:$0x1E000] =	vst v63  }
0x1db: {  	_ =	swait.ge [sflag:s19], $0x2000  }
0x1dc: {  	[sflag:s19] =	ssyncset.done $0x0  }
0x1dd: {  	s8 =	simm.s32 $0x400;
	[sflag:s19] =	ssyncadd.s32 $0xFFFFE000  }
0x1de: {  	[tilespmem:s0], [sflag:$0x4] =	stream.indirect.gather [hbm4b:s4+s25], $0x40, s8, s25, $0xb8;
	[tilespmem:$0x1E000] =	vst v63  }
0x1df: {  	_ =	swait.ge [sflag:s2], $0x2000  }
0x1e0: {  	[sflag:s2] =	ssyncset.done $0x0  }
0x1e1: {  	s23 =	simm.s32 $0x5280;
	[sflag:s2] =	ssyncadd.s32 $0xFFFFE000  }
0x1e2: {  	[spmem:s1] =	stream.indirect.scatter.add.f32 [tilespmem:s26], [sflag:$0x6], $0x40, s23, s25, $0xb8;
	[tilespmem:$0x1E000] =	vst v63  }
0x1e3: {  	_ =	swait.ge [sflag:s13], $0x2000  }
0x1e4: {  	[sflag:s13] =	ssyncset.done $0x0  }
0x1e5: {  	s8 =	simm.s32 $0x480;
	[sflag:s13] =	ssyncadd.s32 $0xFFFFE000  }
0x1e6: {  	[tilespmem:s15], [sflag:$0x5] =	stream.indirect.gather [hbm4b:s4+s25], $0x40, s8, s25, $0xb8;
	[tilespmem:$0x1E000] =	vst v63  }
0x1e7: {  	_ =	swait.ge [sflag:s9], $0x2000  }
0x1e8: {  	[sflag:s9] =	ssyncset.done $0x0  }
0x1e9: {  	s23 =	simm.s32 $0x5300;
	[sflag:s9] =	ssyncadd.s32 $0xFFFFE000  }
0x1ea: {  	[spmem:s1] =	stream.indirect.scatter.add.f32 [tilespmem:s28], [sflag:$0x7], $0x40, s23, s25, $0xb8;
	[tilespmem:$0x1E000] =	vst v63  }
0x1eb: {  	_ =	swait.ge [sflag:s17], $0x2000  }
0x1ec: {  	[sflag:s17] =	ssyncset.done $0x0  }
0x1ed: {  	s8 =	simm.s32 $0x500;
	[sflag:s17] =	ssyncadd.s32 $0xFFFFE000  }
0x1ee: {  	[tilespmem:s26], [sflag:$0x1] =	stream.indirect.gather [hbm4b:s4+s25], $0x40, s8, s25, $0xb8;
	[tilespmem:$0x1E000] =	vst v63  }
0x1ef: {  	_ =	swait.ge [sflag:s10], $0x2000  }
0x1f0: {  	[sflag:s10] =	ssyncset.done $0x0  }
0x1f1: {  	s23 =	simm.s32 $0x5380;
	[sflag:s10] =	ssyncadd.s32 $0xFFFFE000  }
0x1f2: {  	[spmem:s1] =	stream.indirect.scatter.add.f32 [tilespmem:s30], [sflag:$0x8], $0x40, s23, s25, $0xb8;
	[tilespmem:$0x1E000] =	vst v63  }
0x1f3: {  	_ =	swait.ge [sflag:s22], $0x2000  }
0x1f4: {  	[sflag:s22] =	ssyncset.done $0x0  }
0x1f5: {  	s8 =	simm.s32 $0x580;
	[sflag:s22] =	ssyncadd.s32 $0xFFFFE000  }
0x1f6: {  	[tilespmem:s28], [sflag:$0x2] =	stream.indirect.gather [hbm4b:s4+s25], $0x40, s8, s25, $0xb8;
	[tilespmem:$0x1E000] =	vst v63  }
0x1f7: {  	_ =	swait.ge [sflag:s12], $0x2000  }
0x1f8: {  	[sflag:s12] =	ssyncset.done $0x0  }
0x1f9: {  	s23 =	simm.s32 $0x5400;
	[sflag:s12] =	ssyncadd.s32 $0xFFFFE000  }
0x1fa: {  	[spmem:s1] =	stream.indirect.scatter.add.f32 [tilespmem:s0], [sflag:$0x9], $0x40, s23, s25, $0xb8;
	[tilespmem:$0x1E000] =	vst v63  }
0x1fb: {  	_ =	swait.ge [sflag:s14], $0x2000  }
0x1fc: {  	[sflag:s14] =	ssyncset.done $0x0  }
0x1fd: {  	s8 =	simm.s32 $0x600;
	[sflag:s14] =	ssyncadd.s32 $0xFFFFE000  }
0x1fe: {  	[tilespmem:s30], [sflag:$0x3] =	stream.indirect.gather [hbm4b:s4+s25], $0x40, s8, s25, $0xb8;
	[tilespmem:$0x1E000] =	vst v63  }
0x1ff: {  	_ =	swait.ge [sflag:s20], $0x2000  }
0x200: {  	[sflag:s20] =	ssyncset.done $0x0  }
0x201: {  	s23 =	simm.s32 $0x5480;
	[sflag:s20] =	ssyncadd.s32 $0xFFFFE000  }
0x202: {  	[spmem:s1] =	stream.indirect.scatter.add.f32 [tilespmem:s15], [sflag:$0xA], $0x40, s23, s25, $0xb8;
	[tilespmem:$0x1E000] =	vst v63  }
0x203: {  	_ =	swait.ge [sflag:s19], $0x2000  }
0x204: {  	[sflag:s19] =	ssyncset.done $0x0  }
0x205: {  	s3 =	simm.s32 $0x680;
	s8 =	simm.s32 $0xA00;
	[sflag:s19] =	ssyncadd.s32 $0xFFFFE000  }
.LBB2_3:
0x206: {  	[tilespmem:s0], [sflag:$0x4] =	stream.indirect.gather [hbm4b:s4+s25], $0x40, s3, s25, $0xb8;
	[tilespmem:$0x1E000] =	vst v63  }
0x207: {  	s3 =	smov.u32 s8  }
0x208: {  	p1 =	sne.s32 s8, $0x12200;
	s8 =	sadd.s32 $0xA00, s8;
	_ =	swait.ge [sflag:s2], $0x2000  }
0x209: {  	s3 =	sshra.s32 s3, $0x2;
	[sflag:s2] =	ssyncset.done $0x0  }
0x20a: {  	s23 =	sadd.s32 $0x5280, s3;
	[sflag:s2] =	ssyncadd.s32 $0xFFFFE000  }
0x20b: {  	[spmem:s1] =	stream.indirect.scatter.add.f32 [tilespmem:s26], [sflag:$0x6], $0x40, s23, s25, $0xb8;
	[tilespmem:$0x1E000] =	vst v63  }
0x20c: {  	_ =	swait.ge [sflag:s13], $0x2000  }
0x20d: {  	[sflag:s13] =	ssyncset.done $0x0  }
0x20e: {  	s23 =	sadd.s32 $0x480, s3;
	[sflag:s13] =	ssyncadd.s32 $0xFFFFE000  }
0x20f: {  	[tilespmem:s15], [sflag:$0x5] =	stream.indirect.gather [hbm4b:s4+s25], $0x40, s23, s25, $0xb8;
	[tilespmem:$0x1E000] =	vst v63  }
0x210: {  	_ =	swait.ge [sflag:s9], $0x2000  }
0x211: {  	[sflag:s9] =	ssyncset.done $0x0  }
0x212: {  	s23 =	sadd.s32 $0x5300, s3;
	[sflag:s9] =	ssyncadd.s32 $0xFFFFE000  }
0x213: {  	[spmem:s1] =	stream.indirect.scatter.add.f32 [tilespmem:s28], [sflag:$0x7], $0x40, s23, s25, $0xb8;
	[tilespmem:$0x1E000] =	vst v63  }
0x214: {  	_ =	swait.ge [sflag:s17], $0x2000  }
0x215: {  	[sflag:s17] =	ssyncset.done $0x0  }
0x216: {  	s23 =	sadd.s32 $0x500, s3;
	[sflag:s17] =	ssyncadd.s32 $0xFFFFE000  }
0x217: {  	[tilespmem:s26], [sflag:$0x1] =	stream.indirect.gather [hbm4b:s4+s25], $0x40, s23, s25, $0xb8;
	[tilespmem:$0x1E000] =	vst v63  }
0x218: {  	_ =	swait.ge [sflag:s10], $0x2000  }
0x219: {  	[sflag:s10] =	ssyncset.done $0x0  }
0x21a: {  	s23 =	sadd.s32 $0x5380, s3;
	[sflag:s10] =	ssyncadd.s32 $0xFFFFE000  }
0x21b: {  	[spmem:s1] =	stream.indirect.scatter.add.f32 [tilespmem:s30], [sflag:$0x8], $0x40, s23, s25, $0xb8;
	[tilespmem:$0x1E000] =	vst v63  }
0x21c: {  	_ =	swait.ge [sflag:s22], $0x2000  }
0x21d: {  	[sflag:s22] =	ssyncset.done $0x0  }
0x21e: {  	s23 =	sadd.s32 $0x580, s3;
	[sflag:s22] =	ssyncadd.s32 $0xFFFFE000  }
0x21f: {  	[tilespmem:s28], [sflag:$0x2] =	stream.indirect.gather [hbm4b:s4+s25], $0x40, s23, s25, $0xb8;
	[tilespmem:$0x1E000] =	vst v63  }
0x220: {  	_ =	swait.ge [sflag:s12], $0x2000  }
0x221: {  	[sflag:s12] =	ssyncset.done $0x0  }
0x222: {  	s23 =	sadd.s32 $0x5400, s3;
	[sflag:s12] =	ssyncadd.s32 $0xFFFFE000  }
0x223: {  	[spmem:s1] =	stream.indirect.scatter.add.f32 [tilespmem:s0], [sflag:$0x9], $0x40, s23, s25, $0xb8;
	[tilespmem:$0x1E000] =	vst v63  }
0x224: {  	_ =	swait.ge [sflag:s14], $0x2000  }
0x225: {  	[sflag:s14] =	ssyncset.done $0x0  }
0x226: {  	s23 =	sadd.s32 $0x600, s3;
	[sflag:s14] =	ssyncadd.s32 $0xFFFFE000  }
0x227: {  	[tilespmem:s30], [sflag:$0x3] =	stream.indirect.gather [hbm4b:s4+s25], $0x40, s23, s25, $0xb8;
	[tilespmem:$0x1E000] =	vst v63  }
0x228: {  	_ =	swait.ge [sflag:s20], $0x2000  }
0x229: {  	[sflag:s20] =	ssyncset.done $0x0  }
.Ltmp6:
0x22a: {  	s23 =	sadd.s32 $0x5480, s3;
	[sflag:s20] =	ssyncadd.s32 $0xFFFFE000;
	(pc) =	sbr.rel @p1 .LBB2_3-.Ltmp6, $4  }
0x22b: {  	[spmem:s1] =	stream.indirect.scatter.add.f32 [tilespmem:s15], [sflag:$0xA], $0x40, s23, s25, $0xb8;
	[tilespmem:$0x1E000] =	vst v63  }
0x22c: {  	_ =	swait.ge [sflag:s19], $0x2000  }
0x22d: {  	[sflag:s19] =	ssyncset.done $0x0  }
0x22e: {  	s3 =	sadd.s32 $0x680, s3;
	[sflag:s19] =	ssyncadd.s32 $0xFFFFE000  }
0x22f: {  	[tilespmem:s0], [sflag:$0x4] =	stream.indirect.gather [hbm4b:s4+s25], $0x40, s3, s25, $0xb8;
	[tilespmem:$0x1E000] =	vst v63  }
0x230: {  	_ =	swait.ge [sflag:s2], $0x2000  }
0x231: {  	[sflag:s2] =	ssyncset.done $0x0  }
0x232: {  	s8 =	simm.s32 $0x9D80;
	[sflag:s2] =	ssyncadd.s32 $0xFFFFE000  }
0x233: {  	[spmem:s1] =	stream.indirect.scatter.add.f32 [tilespmem:s26], [sflag:$0x6], $0x40, s8, s25, $0xb8;
	[tilespmem:$0x1E000] =	vst v63  }
0x234: {  	_ =	swait.ge [sflag:s13], $0x2000  }
0x235: {  	[sflag:s13] =	ssyncset.done $0x0  }
0x236: {  	s23 =	simm.s32 $0x4F80;
	[sflag:s13] =	ssyncadd.s32 $0xFFFFE000  }
0x237: {  	[tilespmem:s15], [sflag:$0x5] =	stream.indirect.gather [hbm4b:s4+s25], $0x40, s23, s25, $0xb8;
	[tilespmem:$0x1E000] =	vst v63  }
0x238: {  	_ =	swait.ge [sflag:s9], $0x2000  }
0x239: {  	[sflag:s9] =	ssyncset.done $0x0  }
0x23a: {  	s8 =	simm.s32 $0x9E00;
	[sflag:s9] =	ssyncadd.s32 $0xFFFFE000  }
0x23b: {  	[spmem:s1] =	stream.indirect.scatter.add.f32 [tilespmem:s28], [sflag:$0x7], $0x40, s8, s25, $0xb8;
	[tilespmem:$0x1E000] =	vst v63  }
0x23c: {  	_ =	swait.ge [sflag:s17], $0x2000  }
0x23d: {  	[sflag:s17] =	ssyncset.done $0x0  }
0x23e: {  	s3 =	simm.s32 $0x0;
	[sflag:s17] =	ssyncadd.s32 $0xFFFFE000  }
0x23f: {  	[tilespmem:s26], [sflag:$0x1] =	stream.indirect.gather [hbm4b:s4+s25], $0x40, s3, s25, $0xb8;
	[tilespmem:$0x1E000] =	vst v63  }
0x240: {  	_ =	swait.ge [sflag:s10], $0x2000  }
0x241: {  	[sflag:s10] =	ssyncset.done $0x0  }
0x242: {  	s8 =	simm.s32 $0x9E80;
	[sflag:s10] =	ssyncadd.s32 $0xFFFFE000  }
0x243: {  	[spmem:s1] =	stream.indirect.scatter.add.f32 [tilespmem:s30], [sflag:$0x8], $0x40, s8, s25, $0xb8;
	[tilespmem:$0x1E000] =	vst v63  }
0x244: {  	_ =	swait.ge [sflag:s22], $0x2000  }
0x245: {  	[sflag:s22] =	ssyncset.done $0x0  }
0x246: {  	[sflag:s22] =	ssyncadd.s32 $0xFFFFE000  }
0x247: {  	[tilespmem:s28], [sflag:$0x2] =	stream.indirect.gather [hbm4b:s4+s25], $0x40, s25, s25, $0xb8;
	[tilespmem:$0x1E000] =	vst v63  }
0x248: {  	_ =	swait.ge [sflag:s12], $0x2000  }
0x249: {  	[sflag:s12] =	ssyncset.done $0x0  }
0x24a: {  	s23 =	simm.s32 $0x9F00;
	[sflag:s12] =	ssyncadd.s32 $0xFFFFE000  }
0x24b: {  	[spmem:s1] =	stream.indirect.scatter.add.f32 [tilespmem:s0], [sflag:$0x9], $0x40, s23, s25, $0xb8;
	[tilespmem:$0x1E000] =	vst v63  }
0x24c: {  	_ =	swait.ge [sflag:s14], $0x2000  }
0x24d: {  	[sflag:s14] =	ssyncset.done $0x0  }
0x24e: {  	[sflag:s14] =	ssyncadd.s32 $0xFFFFE000  }
0x24f: {  	[tilespmem:s30], [sflag:$0x3] =	stream.indirect.gather [hbm4b:s4+s25], $0x40, s29, s25, $0xb8;
	[tilespmem:$0x1E000] =	vst v63  }
0x250: {  	_ =	swait.ge [sflag:s20], $0x2000  }
0x251: {  	[sflag:s20] =	ssyncset.done $0x0  }
0x252: {  	s23 =	simm.s32 $0x9F80;
	[sflag:s20] =	ssyncadd.s32 $0xFFFFE000  }
0x253: {  	[spmem:s1] =	stream.indirect.scatter.add.f32 [tilespmem:s15], [sflag:$0xA], $0x40, s23, s25, $0xb8;
	[tilespmem:$0x1E000] =	vst v63  }
0x254: {  	_ =	swait.ge [sflag:s19], $0x2000  }
0x255: {  	[sflag:s19] =	ssyncset.done $0x0  }
0x256: {  	[sflag:s19] =	ssyncadd.s32 $0xFFFFE000  }
0x257: {  	[tilespmem:s0], [sflag:$0x4] =	stream.indirect.gather [hbm4b:s4+s25], $0x40, s31, s25, $0xb8;
	[tilespmem:$0x1E000] =	vst v63  }
0x258: {  	_ =	swait.ge [sflag:s13], $0x2000  }
0x259: {  	[sflag:s13] =	ssyncset.done $0x0  }
0x25a: {  	[sflag:s13] =	ssyncadd.s32 $0xFFFFE000  }
0x25b: {  	_ =	swait.ge [sflag:s2], $0x2000  }
0x25c: {  	[sflag:s2] =	ssyncset.done $0x0  }
0x25d: {  	[sflag:s2] =	ssyncadd.s32 $0xFFFFE000  }
0x25e: {  	_ =	swait.ge [sflag:s9], $0x2000  }
0x25f: {  	[sflag:s9] =	ssyncset.done $0x0  }
0x260: {  	[sflag:s9] =	ssyncadd.s32 $0xFFFFE000  }
0x261: {  	_ =	swait.ge [sflag:s10], $0x2000  }
0x262: {  	[sflag:s10] =	ssyncset.done $0x0  }
0x263: {  	[sflag:s10] =	ssyncadd.s32 $0xFFFFE000  }
0x264: {  	_ =	swait.ge [sflag:s12], $0x2000  }
0x265: {  	[sflag:s12] =	ssyncset.done $0x0  }
0x266: {  	[sflag:s12] =	ssyncadd.s32 $0xFFFFE000  }
0x267: {  	[bflag:$0x0] =	sbarrier.arrive $0xFFFF  }
0x268: {  	s23 =	rddreg [dreg:$0xb]  }
0x269: {  	[hbm:s23], [sflag:s24] =	dma.local [spmem:s18], $0x1400  }
0x26a: {  	_ =	swait.ge [sflag:s21], $0x1400  }
0x26b: {  	[sflag:s21] =	ssyncset.done $0x0  }
0x26c: {  	s23 =	rddreg [dreg:$0xc];
	[sflag:s21] =	ssyncadd.s32 $0xFFFFEC00  }
0x26d: {  	[spmem:s18], [sflag:s24] =	dma.local [hbm:s23], $0x1400  }
0x26e: {  	_ =	swait.ge [sflag:s21], $0x1400  }
0x26f: {  	[sflag:s21] =	ssyncset.done $0x0  }
0x270: {  	[sflag:s21] =	ssyncadd.s32 $0xFFFFEC00  }
0x271: {  	[bflag:$0x0] =	sbarrier.arrive $0xFFFF  }
0x272: {  	[tilespmem:s26], [sflag:$0x1] =	stream.indirect.gather [hbm4b:s5+s25], $0x40, s3, s25, $0xb8;
	[tilespmem:$0x1E000] =	vst v63  }
0x273: {  	_ = 	snop  }
0x274: {  	[tilespmem:s28], [sflag:$0x2] =	stream.indirect.gather [hbm4b:s5+s25], $0x40, s25, s25, $0xb8;
	[tilespmem:$0x1E000] =	vst v63  }
0x275: {  	_ = 	snop  }
0x276: {  	[tilespmem:s30], [sflag:$0x3] =	stream.indirect.gather [hbm4b:s5+s25], $0x40, s29, s25, $0xb8;
	[tilespmem:$0x1E000] =	vst v63  }
0x277: {  	_ = 	snop  }
0x278: {  	[tilespmem:s0], [sflag:$0x4] =	stream.indirect.gather [hbm4b:s5+s25], $0x40, s31, s25, $0xb8;
	[tilespmem:$0x1E000] =	vst v63  }
0x279: {  	_ =	swait.ge [sflag:s2], $0x2000  }
0x27a: {  	[sflag:s2] =	ssyncset.done $0x0  }
0x27b: {  	s23 =	simm.s32 $0x5000;
	[sflag:s2] =	ssyncadd.s32 $0xFFFFE000  }
0x27c: {  	[spmem:s1] =	stream.indirect.scatter.add.f32 [tilespmem:s26], [sflag:$0x6], $0x40, s23, s25, $0xb8;
	[tilespmem:$0x1E000] =	vst v63  }
0x27d: {  	s29 =	simm.s32 $0x200  }
0x27e: {  	[tilespmem:s15], [sflag:$0x5] =	stream.indirect.gather [hbm4b:s5+s25], $0x40, s29, s25, $0xb8;
	[tilespmem:$0x1E000] =	vst v63  }
0x27f: {  	_ =	swait.ge [sflag:s9], $0x2000  }
0x280: {  	[sflag:s9] =	ssyncset.done $0x0  }
0x281: {  	s31 =	simm.s32 $0x5080;
	[sflag:s9] =	ssyncadd.s32 $0xFFFFE000  }
0x282: {  	[spmem:s1] =	stream.indirect.scatter.add.f32 [tilespmem:s28], [sflag:$0x7], $0x40, s31, s25, $0xb8;
	[tilespmem:$0x1E000] =	vst v63  }
0x283: {  	_ =	swait.ge [sflag:s17], $0x2000  }
0x284: {  	[sflag:s17] =	ssyncset.done $0x0  }
0x285: {  	s8 =	simm.s32 $0x280;
	[sflag:s17] =	ssyncadd.s32 $0xFFFFE000  }
0x286: {  	[tilespmem:s26], [sflag:$0x1] =	stream.indirect.gather [hbm4b:s5+s25], $0x40, s8, s25, $0xb8;
	[tilespmem:$0x1E000] =	vst v63  }
0x287: {  	_ =	swait.ge [sflag:s10], $0x2000  }
0x288: {  	[sflag:s10] =	ssyncset.done $0x0  }
0x289: {  	s23 =	simm.s32 $0x5100;
	[sflag:s10] =	ssyncadd.s32 $0xFFFFE000  }
0x28a: {  	[spmem:s1] =	stream.indirect.scatter.add.f32 [tilespmem:s30], [sflag:$0x8], $0x40, s23, s25, $0xb8;
	[tilespmem:$0x1E000] =	vst v63  }
0x28b: {  	_ =	swait.ge [sflag:s22], $0x2000  }
0x28c: {  	[sflag:s22] =	ssyncset.done $0x0  }
0x28d: {  	s29 =	simm.s32 $0x300;
	[sflag:s22] =	ssyncadd.s32 $0xFFFFE000  }
0x28e: {  	[tilespmem:s28], [sflag:$0x2] =	stream.indirect.gather [hbm4b:s5+s25], $0x40, s29, s25, $0xb8;
	[tilespmem:$0x1E000] =	vst v63  }
0x28f: {  	_ =	swait.ge [sflag:s12], $0x2000  }
0x290: {  	[sflag:s12] =	ssyncset.done $0x0  }
0x291: {  	s31 =	simm.s32 $0x5180;
	[sflag:s12] =	ssyncadd.s32 $0xFFFFE000  }
0x292: {  	[spmem:s1] =	stream.indirect.scatter.add.f32 [tilespmem:s0], [sflag:$0x9], $0x40, s31, s25, $0xb8;
	[tilespmem:$0x1E000] =	vst v63  }
0x293: {  	_ =	swait.ge [sflag:s14], $0x2000  }
0x294: {  	[sflag:s14] =	ssyncset.done $0x0  }
0x295: {  	s8 =	simm.s32 $0x380;
	[sflag:s14] =	ssyncadd.s32 $0xFFFFE000  }
0x296: {  	[tilespmem:s30], [sflag:$0x3] =	stream.indirect.gather [hbm4b:s5+s25], $0x40, s8, s25, $0xb8;
	[tilespmem:$0x1E000] =	vst v63  }
0x297: {  	_ =	swait.ge [sflag:s20], $0x2000  }
0x298: {  	[sflag:s20] =	ssyncset.done $0x0  }
0x299: {  	s23 =	simm.s32 $0x5200;
	[sflag:s20] =	ssyncadd.s32 $0xFFFFE000  }
0x29a: {  	[spmem:s1] =	stream.indirect.scatter.add.f32 [tilespmem:s15], [sflag:$0xA], $0x40, s23, s25, $0xb8;
	[tilespmem:$0x1E000] =	vst v63  }
0x29b: {  	_ =	swait.ge [sflag:s19], $0x2000  }
0x29c: {  	[sflag:s19] =	ssyncset.done $0x0  }
0x29d: {  	s29 =	simm.s32 $0x400;
	[sflag:s19] =	ssyncadd.s32 $0xFFFFE000  }
0x29e: {  	[tilespmem:s0], [sflag:$0x4] =	stream.indirect.gather [hbm4b:s5+s25], $0x40, s29, s25, $0xb8;
	[tilespmem:$0x1E000] =	vst v63  }
0x29f: {  	_ =	swait.ge [sflag:s2], $0x2000  }
0x2a0: {  	[sflag:s2] =	ssyncset.done $0x0  }
0x2a1: {  	s31 =	simm.s32 $0x5280;
	[sflag:s2] =	ssyncadd.s32 $0xFFFFE000  }
0x2a2: {  	[spmem:s1] =	stream.indirect.scatter.add.f32 [tilespmem:s26], [sflag:$0x6], $0x40, s31, s25, $0xb8;
	[tilespmem:$0x1E000] =	vst v63  }
0x2a3: {  	_ =	swait.ge [sflag:s13], $0x2000  }
0x2a4: {  	[sflag:s13] =	ssyncset.done $0x0  }
0x2a5: {  	s8 =	simm.s32 $0x480;
	[sflag:s13] =	ssyncadd.s32 $0xFFFFE000  }
0x2a6: {  	[tilespmem:s15], [sflag:$0x5] =	stream.indirect.gather [hbm4b:s5+s25], $0x40, s8, s25, $0xb8;
	[tilespmem:$0x1E000] =	vst v63  }
0x2a7: {  	_ =	swait.ge [sflag:s9], $0x2000  }
0x2a8: {  	[sflag:s9] =	ssyncset.done $0x0  }
0x2a9: {  	s23 =	simm.s32 $0x5300;
	[sflag:s9] =	ssyncadd.s32 $0xFFFFE000  }
0x2aa: {  	[spmem:s1] =	stream.indirect.scatter.add.f32 [tilespmem:s28], [sflag:$0x7], $0x40, s23, s25, $0xb8;
	[tilespmem:$0x1E000] =	vst v63  }
0x2ab: {  	_ =	swait.ge [sflag:s17], $0x2000  }
0x2ac: {  	[sflag:s17] =	ssyncset.done $0x0  }
0x2ad: {  	s29 =	simm.s32 $0x500;
	[sflag:s17] =	ssyncadd.s32 $0xFFFFE000  }
0x2ae: {  	[tilespmem:s26], [sflag:$0x1] =	stream.indirect.gather [hbm4b:s5+s25], $0x40, s29, s25, $0xb8;
	[tilespmem:$0x1E000] =	vst v63  }
0x2af: {  	_ =	swait.ge [sflag:s10], $0x2000  }
0x2b0: {  	[sflag:s10] =	ssyncset.done $0x0  }
0x2b1: {  	s31 =	simm.s32 $0x5380;
	[sflag:s10] =	ssyncadd.s32 $0xFFFFE000  }
0x2b2: {  	[spmem:s1] =	stream.indirect.scatter.add.f32 [tilespmem:s30], [sflag:$0x8], $0x40, s31, s25, $0xb8;
	[tilespmem:$0x1E000] =	vst v63  }
0x2b3: {  	_ =	swait.ge [sflag:s22], $0x2000  }
0x2b4: {  	[sflag:s22] =	ssyncset.done $0x0  }
0x2b5: {  	s8 =	simm.s32 $0x580;
	[sflag:s22] =	ssyncadd.s32 $0xFFFFE000  }
0x2b6: {  	[tilespmem:s28], [sflag:$0x2] =	stream.indirect.gather [hbm4b:s5+s25], $0x40, s8, s25, $0xb8;
	[tilespmem:$0x1E000] =	vst v63  }
0x2b7: {  	_ =	swait.ge [sflag:s12], $0x2000  }
0x2b8: {  	[sflag:s12] =	ssyncset.done $0x0  }
0x2b9: {  	s23 =	simm.s32 $0x5400;
	[sflag:s12] =	ssyncadd.s32 $0xFFFFE000  }
0x2ba: {  	[spmem:s1] =	stream.indirect.scatter.add.f32 [tilespmem:s0], [sflag:$0x9], $0x40, s23, s25, $0xb8;
	[tilespmem:$0x1E000] =	vst v63  }
0x2bb: {  	_ =	swait.ge [sflag:s14], $0x2000  }
0x2bc: {  	[sflag:s14] =	ssyncset.done $0x0  }
0x2bd: {  	s29 =	simm.s32 $0x600;
	[sflag:s14] =	ssyncadd.s32 $0xFFFFE000  }
0x2be: {  	[tilespmem:s30], [sflag:$0x3] =	stream.indirect.gather [hbm4b:s5+s25], $0x40, s29, s25, $0xb8;
	[tilespmem:$0x1E000] =	vst v63  }
0x2bf: {  	_ =	swait.ge [sflag:s20], $0x2000  }
0x2c0: {  	[sflag:s20] =	ssyncset.done $0x0  }
0x2c1: {  	s31 =	simm.s32 $0x5480;
	[sflag:s20] =	ssyncadd.s32 $0xFFFFE000  }
0x2c2: {  	[spmem:s1] =	stream.indirect.scatter.add.f32 [tilespmem:s15], [sflag:$0xA], $0x40, s31, s25, $0xb8;
	[tilespmem:$0x1E000] =	vst v63  }
0x2c3: {  	_ =	swait.ge [sflag:s19], $0x2000  }
0x2c4: {  	[sflag:s19] =	ssyncset.done $0x0  }
0x2c5: {  	s3 =	simm.s32 $0x680;
	s8 =	simm.s32 $0xA00;
	[sflag:s19] =	ssyncadd.s32 $0xFFFFE000  }
.LBB2_5:
0x2c6: {  	[tilespmem:s0], [sflag:$0x4] =	stream.indirect.gather [hbm4b:s5+s25], $0x40, s3, s25, $0xb8;
	[tilespmem:$0x1E000] =	vst v63  }
0x2c7: {  	s3 =	smov.u32 s8  }
0x2c8: {  	p1 =	sne.s32 s8, $0x12200;
	s8 =	sadd.s32 $0xA00, s8;
	_ =	swait.ge [sflag:s2], $0x2000  }
0x2c9: {  	s3 =	sshra.s32 s3, $0x2;
	[sflag:s2] =	ssyncset.done $0x0  }
0x2ca: {  	s23 =	sadd.s32 $0x5280, s3;
	[sflag:s2] =	ssyncadd.s32 $0xFFFFE000  }
0x2cb: {  	[spmem:s1] =	stream.indirect.scatter.add.f32 [tilespmem:s26], [sflag:$0x6], $0x40, s23, s25, $0xb8;
	[tilespmem:$0x1E000] =	vst v63  }
0x2cc: {  	_ =	swait.ge [sflag:s13], $0x2000  }
0x2cd: {  	[sflag:s13] =	ssyncset.done $0x0  }
0x2ce: {  	s23 =	sadd.s32 $0x480, s3;
	[sflag:s13] =	ssyncadd.s32 $0xFFFFE000  }
0x2cf: {  	[tilespmem:s15], [sflag:$0x5] =	stream.indirect.gather [hbm4b:s5+s25], $0x40, s23, s25, $0xb8;
	[tilespmem:$0x1E000] =	vst v63  }
0x2d0: {  	_ =	swait.ge [sflag:s9], $0x2000  }
0x2d1: {  	[sflag:s9] =	ssyncset.done $0x0  }
0x2d2: {  	s23 =	sadd.s32 $0x5300, s3;
	[sflag:s9] =	ssyncadd.s32 $0xFFFFE000  }
0x2d3: {  	[spmem:s1] =	stream.indirect.scatter.add.f32 [tilespmem:s28], [sflag:$0x7], $0x40, s23, s25, $0xb8;
	[tilespmem:$0x1E000] =	vst v63  }
0x2d4: {  	_ =	swait.ge [sflag:s17], $0x2000  }
0x2d5: {  	[sflag:s17] =	ssyncset.done $0x0  }
0x2d6: {  	s23 =	sadd.s32 $0x500, s3;
	[sflag:s17] =	ssyncadd.s32 $0xFFFFE000  }
0x2d7: {  	[tilespmem:s26], [sflag:$0x1] =	stream.indirect.gather [hbm4b:s5+s25], $0x40, s23, s25, $0xb8;
	[tilespmem:$0x1E000] =	vst v63  }
0x2d8: {  	_ =	swait.ge [sflag:s10], $0x2000  }
0x2d9: {  	[sflag:s10] =	ssyncset.done $0x0  }
0x2da: {  	s23 =	sadd.s32 $0x5380, s3;
	[sflag:s10] =	ssyncadd.s32 $0xFFFFE000  }
0x2db: {  	[spmem:s1] =	stream.indirect.scatter.add.f32 [tilespmem:s30], [sflag:$0x8], $0x40, s23, s25, $0xb8;
	[tilespmem:$0x1E000] =	vst v63  }
0x2dc: {  	_ =	swait.ge [sflag:s22], $0x2000  }
0x2dd: {  	[sflag:s22] =	ssyncset.done $0x0  }
0x2de: {  	s23 =	sadd.s32 $0x580, s3;
	[sflag:s22] =	ssyncadd.s32 $0xFFFFE000  }
0x2df: {  	[tilespmem:s28], [sflag:$0x2] =	stream.indirect.gather [hbm4b:s5+s25], $0x40, s23, s25, $0xb8;
	[tilespmem:$0x1E000] =	vst v63  }
0x2e0: {  	_ =	swait.ge [sflag:s12], $0x2000  }
0x2e1: {  	[sflag:s12] =	ssyncset.done $0x0  }
0x2e2: {  	s23 =	sadd.s32 $0x5400, s3;
	[sflag:s12] =	ssyncadd.s32 $0xFFFFE000  }
0x2e3: {  	[spmem:s1] =	stream.indirect.scatter.add.f32 [tilespmem:s0], [sflag:$0x9], $0x40, s23, s25, $0xb8;
	[tilespmem:$0x1E000] =	vst v63  }
0x2e4: {  	_ =	swait.ge [sflag:s14], $0x2000  }
0x2e5: {  	[sflag:s14] =	ssyncset.done $0x0  }
0x2e6: {  	s23 =	sadd.s32 $0x600, s3;
	[sflag:s14] =	ssyncadd.s32 $0xFFFFE000  }
0x2e7: {  	[tilespmem:s30], [sflag:$0x3] =	stream.indirect.gather [hbm4b:s5+s25], $0x40, s23, s25, $0xb8;
	[tilespmem:$0x1E000] =	vst v63  }
0x2e8: {  	_ =	swait.ge [sflag:s20], $0x2000  }
0x2e9: {  	[sflag:s20] =	ssyncset.done $0x0  }
.Ltmp7:
0x2ea: {  	s23 =	sadd.s32 $0x5480, s3;
	[sflag:s20] =	ssyncadd.s32 $0xFFFFE000;
	(pc) =	sbr.rel @p1 .LBB2_5-.Ltmp7, $4  }
0x2eb: {  	[spmem:s1] =	stream.indirect.scatter.add.f32 [tilespmem:s15], [sflag:$0xA], $0x40, s23, s25, $0xb8;
	[tilespmem:$0x1E000] =	vst v63  }
0x2ec: {  	_ =	swait.ge [sflag:s19], $0x2000  }
0x2ed: {  	[sflag:s19] =	ssyncset.done $0x0  }
0x2ee: {  	s3 =	sadd.s32 $0x680, s3;
	[sflag:s19] =	ssyncadd.s32 $0xFFFFE000  }
0x2ef: {  	[tilespmem:s0], [sflag:$0x4] =	stream.indirect.gather [hbm4b:s5+s25], $0x40, s3, s25, $0xb8;
	[tilespmem:$0x1E000] =	vst v63  }
0x2f0: {  	_ =	swait.ge [sflag:s2], $0x2000  }
0x2f1: {  	[sflag:s2] =	ssyncset.done $0x0  }
0x2f2: {  	s29 =	simm.s32 $0x9D80;
	[sflag:s2] =	ssyncadd.s32 $0xFFFFE000  }
0x2f3: {  	[spmem:s1] =	stream.indirect.scatter.add.f32 [tilespmem:s26], [sflag:$0x6], $0x40, s29, s25, $0xb8;
	[tilespmem:$0x1E000] =	vst v63  }
.Ltmp8:
0x2f4: {  	_ = 	snop;
	(pc) =	sbr.rel .LBB2_12-.Ltmp8, $4  }
0x2f5: {  	_ =	swait.ge [sflag:s13], $0x2000  }
0x2f6: {  	s31 =	simm.s32 $0x4F80;
	[sflag:s13] =	ssyncset.done $0x0  }
0x2f7: {  	s8 =	smov.u32 s5;
	s3 =	rddreg [dreg:$0x5];
	[sflag:s13] =	ssyncadd.s32 $0xFFFFE000  }
0x2f8: {  	[tilespmem:s15], [sflag:$0x5] =	stream.indirect.gather [hbm4b:s5+s25], $0x40, s31, s25, $0xb8;
	[tilespmem:$0x1E000] =	vst v63  }
.LBB2_13:
0x2f9: {  	_ =	sfence.sel $0x180000  }
0x2fa: {  	[bflag:$0x0] =	sbarrier.arrive $0xFFFF  }
0x2fb: {  	_ =	strace $0x9000004A  }
0x2fc: {  	s0 =	stileid.u32;
	[bflag:$0x2] =	sbarrier.arrive $0xFFFF  }
0x2fd: {  	p0 =	sne.s32 s0, $0x0;
	s0 =	rddreg [dreg:$0x3]  }
0x2fe: {  	s0 =	sadd.s32 @!p0 $0x100000, s0  }
0x2ff: {  	[sflag:s0] =	ssyncadd.tile.s32 @!p0 $0x1;
	_ =	shalt  }
.Lfunc_end2:
_tile_overlayer_lowered:
.L_overlay_start_2:
0x300: {  	(tag) =	ssettag $0x2  }
0x301: {  	s0 =	rddreg [dreg:$0x0];
	s2 =	stileid.u32  }
0x302: {  	s1 =	rddreg [dreg:$0x1];
	p0 =	sne.s32 s2, $0x0  }
0x303: {  	s3 =	rddreg [dreg:$0x2];
	[bflag:$0x3] =	sbarrier.arrive $0xFFFF;
	s2 =	simm.s32 @!p0 $0x1C0B  }
0x304: {  	[timem:s3], [sflag:s2] =	dma.local @!p0 [hbm:s0], s1  }
0x305: {  	s0 =	simm.s32 @!p0 $0xB  }
0x306: {  	_ =	swait.ge @!p0 [sflag:s0], s1  }
0x307: {  	s1 =	ssub.s32 @!p0 $0x0, s1;
	[sflag:s0] =	ssyncset.done @!p0 $0x0  }
0x308: {  	[sflag:s0] =	ssyncadd.s32 @!p0 s1  }
0x309: {  	[bflag:$0x3] =	sbarrier.arrive $0xFFFF  }
0x30a: {  	_ =	shalt  }

</sc_bundles>
